<compile_context>
chip_gen: v7x
topology: tpu7x:2x2x1
jax: 0.10.2.dev20260603
libtpu: 0.0.44.dev20260713+nightly
codegen_flags: <defaults>
</compile_context>

<pallas_src>
import functools

import jax
import jax.numpy as jnp
from jax import lax
from jax.experimental import pallas as pl
from jax.experimental.pallas import tpu as pltpu
from jax.experimental.pallas import tpu_sc as plsc

N = 10000
E = 320000
DIN = 128
PRE = 256
G = 48
TCN = 64
KSZ = 3

NC, NS, L = 2, 16, 16
NW = NC * NS
FPP = 4
NPASS = PRE // (NW * FPP)
NP = 10240
EP = NW * 10240
ECH = 512
NCH = EP // ECH
EPO = 4
DCH = 512
EPT = EP // NW

_SC_CACHE = {}


def _sc_kernels():
    if _SC_CACHE:
        return _SC_CACHE
    mesh = plsc.VectorSubcoreMesh(core_axis_name="c", subcore_axis_name="s",
                                  num_cores=NC, num_subcores=NS)

    @functools.partial(
        pl.kernel, mesh=mesh,
        compiler_params=pltpu.CompilerParams(needs_layout_passes=False),
        out_type=jax.ShapeDtypeStruct((NW * NP, ), jnp.float32),
        scratch_types=[
            pltpu.VMEM((DCH,), jnp.int32),
            pltpu.VMEM((NP,), jnp.float32),
        ],
    )
    def _sc_degree(col_hbm, deg_out, colbuf, hist):
        cid = lax.axis_index("c")
        sid = lax.axis_index("s")
        t = cid * NS + sid
        zero = jnp.zeros((L,), jnp.float32)
        one = jnp.full((L,), 1.0, jnp.float32)

        def zbody(i, carry):
            hist[pl.ds(i * L, L)] = zero
            return carry

        lax.fori_loop(0, NP // L, zbody, 0)

        def cbody(g, carry):
            pltpu.sync_copy(col_hbm.at[pl.ds(t * EPT + g * DCH, DCH)], colbuf)
            for i in range(DCH // L):
                cv = colbuf[pl.ds(i * L, L)]
                plsc.addupdate_scatter(hist, [cv], one)
            return carry

        lax.fori_loop(0, EPT // DCH, cbody, 0)
        pltpu.sync_copy(hist, deg_out.at[pl.ds(t * NP, NP)])

    @functools.partial(
        pl.kernel, mesh=mesh,
        compiler_params=pltpu.CompilerParams(needs_layout_passes=False),
        out_type=jax.ShapeDtypeStruct((NW * NPASS * FPP * NP,), jnp.float32),
        scratch_types=[
            pltpu.VMEM((ECH,), jnp.int32),
            pltpu.VMEM((ECH,), jnp.int32),
            pltpu.VMEM((FPP * NPASS, N), jnp.float32),
            pltpu.VMEM((FPP * NP,), jnp.float32),
        ],
    )
    def _sc_edge(yt_hbm, row_hbm, col_hbm, zt_out, rowbuf, colbuf, ytl, acc):
        cid = lax.axis_index("c")
        sid = lax.axis_index("s")
        t = cid * NS + sid
        zero = jnp.zeros((L,), jnp.float32)
        lane = lax.iota(jnp.int32, L)
        iq = lane // FPP
        fq = lane % FPP
    
        nrows = FPP * NPASS
        pltpu.sync_copy(yt_hbm.at[pl.ds(t * nrows, nrows)], ytl)

        fqNP = fq * NP
        for p in range(NPASS):
            def zbody(i, carry):
                for k in range(8):
                    acc[pl.ds((i * 8 + k) * L, L)] = zero
                return carry

            lax.fori_loop(0, FPP * NP // L // 8, zbody, 0)
            frow = fq + p * FPP

            def cbody(g, carry):
                pltpu.sync_copy(row_hbm.at[pl.ds(g * ECH, ECH)], rowbuf)
                pltpu.sync_copy(col_hbm.at[pl.ds(g * ECH, ECH)], colbuf)

                def ebody(i, carry2):
                    for k in range(8):
                        sel = iq + (i * 8 + k) * EPO
                        pr = plsc.load_gather(rowbuf, [sel])
                        pc = plsc.load_gather(colbuf, [sel])
                        vals = plsc.load_gather(ytl, [frow, pr])
                        plsc.addupdate_scatter(acc, [fqNP + pc], vals)
                    return carry2

                lax.fori_loop(0, ECH // EPO // 8, ebody, 0)
                return carry

            lax.fori_loop(0, NCH, cbody, 0)
            pltpu.sync_copy(
                acc, zt_out.at[pl.ds((t * NPASS + p) * FPP * NP, FPP * NP)])

    _SC_CACHE.update(deg=_sc_degree, edge=_sc_edge)
    return _SC_CACHE



MB = 1000


def _tc_dis_body(d_ref, dis_ref):
    deg = 1.0 + jnp.sum(d_ref[...], axis=1, keepdims=True)
    dis_ref[...] = jnp.broadcast_to(lax.rsqrt(deg), (MB, PRE))


def _tc_dis(dmat):
    return pl.pallas_call(
        _tc_dis_body,
        grid=(N // MB,),
        in_specs=[pl.BlockSpec((MB, NW), lambda i: (i, 0))],
        out_specs=pl.BlockSpec((MB, PRE), lambda i: (i, 0)),
        out_shape=jax.ShapeDtypeStruct((N, PRE), jnp.float32),
    )(dmat)


def _tc_mm_body(h_ref, w_ref, dis_ref, yt_ref):
    y = jnp.dot(h_ref[...], w_ref[...], preferred_element_type=jnp.float32)
    yt_ref[...] = (y * dis_ref[...]).T


def _tc_mm(h, w, dis):
    return pl.pallas_call(
        _tc_mm_body,
        out_shape=jax.ShapeDtypeStruct((PRE, N), jnp.float32),
    )(h, w, dis)


def _tc_post_body(zt_ref, yt_ref, dis_ref, b_ref, h_ref):
    h_ref[...] = jnp.maximum(
        (zt_ref[...].T + yt_ref[...].T) * dis_ref[...] + b_ref[...], 0.0)


def _tc_post(zt, yt, dis, b):
    return pl.pallas_call(
        _tc_post_body,
        out_shape=jax.ShapeDtypeStruct((N, PRE), jnp.float32),
    )(zt, yt, dis, b)



def _tc_pool_body(h_ref, b_ref, sum_ref, max_ref, cnt_ref):
    i = pl.program_id(0)
    h = h_ref[...]
    bb = b_ref[...][:, 0:1]
    sums, maxs, cnts = [], [], []
    for g in range(G):
        m = bb == g
        mf = m.astype(jnp.float32)
        sums.append(jnp.sum(h * mf, axis=0, keepdims=True))
        maxs.append(jnp.max(jnp.where(m, h, 0.0), axis=0, keepdims=True))
        cnts.append(jnp.sum(mf, axis=0, keepdims=True))
    ps = jnp.concatenate(sums, axis=0)
    pm = jnp.concatenate(maxs, axis=0)
    pc = jnp.broadcast_to(jnp.concatenate(cnts, axis=0), (G, PRE))

    @pl.when(i == 0)
    def _():
        sum_ref[...] = ps
        max_ref[...] = pm
        cnt_ref[...] = pc

    @pl.when(i > 0)
    def _():
        sum_ref[...] = sum_ref[...] + ps
        max_ref[...] = jnp.maximum(max_ref[...], pm)
        cnt_ref[...] = cnt_ref[...] + pc


def _tc_pool(h, batchb):
    return pl.pallas_call(
        _tc_pool_body,
        grid=(N // MB,),
        in_specs=[
            pl.BlockSpec((MB, PRE), lambda i: (i, 0)),
            pl.BlockSpec((MB, 128), lambda i: (i, 0)),
        ],
        out_specs=[
            pl.BlockSpec((G, PRE), lambda i: (0, 0)),
            pl.BlockSpec((G, PRE), lambda i: (0, 0)),
            pl.BlockSpec((G, PRE), lambda i: (0, 0)),
        ],
        out_shape=[
            jax.ShapeDtypeStruct((G, PRE), jnp.float32),
            jax.ShapeDtypeStruct((G, PRE), jnp.float32),
            jax.ShapeDtypeStruct((G, PRE), jnp.float32),
        ],
    )(h, batchb)


def _shift(x, s):
    if s == 0:
        return x
    cin, t = x.shape
    return jnp.concatenate(
        [jnp.zeros((cin, s), jnp.float32), x[:, : t - s]], axis=1)


def _head_body(sums_ref, maxs_ref, cnts_ref, *refs):
    (t0c1k0, t0c1k1, t0c1k2, t0c1b, t0c2k0, t0c2k1, t0c2k2, t0c2b,
     t0d, t0db,
     t1c1k0, t1c1k1, t1c1k2, t1c1b, t1c2k0, t1c2k1, t1c2k2, t1c2b,
     t2c1k0, t2c1k1, t2c1k2, t2c1b, t2c2k0, t2c2k1, t2c2k2, t2c2b,
     t3c1k0, t3c1k1, t3c1k2, t3c1b, t3c2k0, t3c2k1, t3c2k2, t3c2b,
     f1w, f1b, f2w, f2b, f3w, f3b, out_ref) = refs

    s = sums_ref[...]
    mx = maxs_ref[...]
    cnt = cnts_ref[...][:, 0:1]
    mean = s / jnp.maximum(cnt, 1.0)
    g = jnp.concatenate([mean, mx, s], axis=1)

    def conv(x, taps, b_ref, dil):
        acc = None
        for k, tap in enumerate(taps):
            xs = _shift(x, (KSZ - 1 - k) * dil)
            c = jnp.dot(tap[...], xs, preferred_element_type=jnp.float32)
            acc = c if acc is None else acc + c
        return acc + b_ref[...].reshape(TCN, 1)

    def block(t, c1, c1b, c2, c2b, d, db, dil):
        o = jnp.maximum(conv(t, c1, c1b, dil), 0.0)
        o = jnp.maximum(conv(o, c2, c2b, dil), 0.0)
        if d is None:
            res = t
        else:
            res = jnp.dot(d[...], t, preferred_element_type=jnp.float32) \
                + db[...].reshape(TCN, 1)
        return jnp.maximum(o + res, 0.0)

    t = block(g, (t0c1k0, t0c1k1, t0c1k2), t0c1b,
              (t0c2k0, t0c2k1, t0c2k2), t0c2b, t0d, t0db, 1)
    t = block(t, (t1c1k0, t1c1k1, t1c1k2), t1c1b,
              (t1c2k0, t1c2k1, t1c2k2), t1c2b, None, None, 2)
    t = block(t, (t2c1k0, t2c1k1, t2c1k2), t2c1b,
              (t2c2k0, t2c2k1, t2c2k2), t2c2b, None, None, 4)
    t = block(t, (t3c1k0, t3c1k1, t3c1k2), t3c1b,
              (t3c2k0, t3c2k1, t3c2k2), t3c2b, None, None, 8)

    o = jnp.maximum(jnp.dot(t, f1w[...], preferred_element_type=jnp.float32)
                    + f1b[...].reshape(1, -1), 0.0)
    o = jnp.maximum(jnp.dot(o, f2w[...], preferred_element_type=jnp.float32)
                    + f2b[...].reshape(1, -1), 0.0)
    o = jnp.dot(o, f3w[...], preferred_element_type=jnp.float32) \
        + f3b[...].reshape(1, -1)
    out_ref[...] = o


def _tc_head(sums, maxs, cnts, wlist):
    return pl.pallas_call(
        _head_body,
        out_shape=jax.ShapeDtypeStruct((TCN, 1), jnp.float32),
    )(sums, maxs, cnts, *wlist)



def kernel(x, edge_index, batch, w1, b1, w2, b2, w3, b3,
           t0c1w, t0c1b, t0c2w, t0c2b, t0dw, t0db,
           t1c1w, t1c1b, t1c2w, t1c2b,
           t2c1w, t2c1b, t2c2w, t2c2b,
           t3c1w, t3c1b, t3c2w, t3c2b,
           f1w, f1b, f2w, f2b, f3w, f3b):
    row = edge_index[0].astype(jnp.int32)
    col = edge_index[1].astype(jnp.int32)
    batch = batch.astype(jnp.int32)
    npad = EP - E
    rowp = jnp.concatenate([row, jnp.zeros((npad,), jnp.int32)])
    colp = jnp.concatenate([col, jnp.full((npad,), NP - 1, jnp.int32)])

    sck = _sc_kernels()
    degf = sck["deg"](colp)
    dmat = degf.reshape(NW, NP)[:, :N].T
    dis = _tc_dis(dmat)

    h = x
    for w, b in ((w1, b1), (w2, b2), (w3, b3)):
        yt = _tc_mm(h, w, dis)
        ztf = sck["edge"](yt, rowp, colp)
        zt = ztf.reshape(PRE, NP)[:, :N]
        h = _tc_post(zt, yt, dis, b.reshape(1, PRE))

    batchb = jnp.broadcast_to(batch[:, None], (N, 128))
    sums, maxs, cnts = _tc_pool(h, batchb)

    wlist = []
    for cw, cb in ((t0c1w, t0c1b), (t0c2w, t0c2b)):
        wlist += [cw[:, :, 0], cw[:, :, 1], cw[:, :, 2], cb]
    wlist += [t0dw[:, :, 0], t0db]
    for cw, cb in ((t1c1w, t1c1b), (t1c2w, t1c2b),
                   (t2c1w, t2c1b), (t2c2w, t2c2b),
                   (t3c1w, t3c1b), (t3c2w, t3c2b)):
        wlist += [cw[:, :, 0], cw[:, :, 1], cw[:, :, 2], cb]
    wlist += [f1w, f1b, f2w, f2b, f3w, f3b]

    o = _tc_head(sums, maxs, cnts, wlist)
    return o[:, 0]

# --- scband reference (transcript-rebuilt; emitter-appended) ---
"""Pipeline reference for scband-traffic-prediction-model-70652212019795 (READ-ONLY COPY).

The authoritative reference and input builder live on the scoring server;
editing this copy changes nothing except your own understanding.
"""

import jax, jax.numpy as jnp
import numpy as np

N_NODES = 10000
N_EDGES = 320000
N_GRAPHS = 48
D_IN = 128
PRE = 256
TCN_CH = 64
KSZ = 3

def _p(k, shape, scale=0.05):
    return jax.random.normal(k, shape, dtype=jnp.float32) * scale

def setup_inputs(seed: int = 0):
    key = jax.random.key(seed)
    ks = iter(jax.random.split(key, 64))
    inp = {}
    inp["x"] = jax.random.normal(next(ks), (N_NODES, D_IN), dtype=jnp.float32)
    inp["edge_index"] = jax.random.randint(next(ks), (2, N_EDGES), 0, N_NODES)
    inp["batch"] = jnp.sort(jax.random.randint(next(ks), (N_NODES,), 0, N_GRAPHS))
    inp["w1"] = _p(next(ks), (D_IN, PRE)); inp["b1"] = jnp.zeros((PRE,), jnp.float32)
    inp["w2"] = _p(next(ks), (PRE, PRE)); inp["b2"] = jnp.zeros((PRE,), jnp.float32)
    inp["w3"] = _p(next(ks), (PRE, PRE)); inp["b3"] = jnp.zeros((PRE,), jnp.float32)
    inp["t0c1w"] = _p(next(ks), (TCN_CH, N_GRAPHS, KSZ)); inp["t0c1b"] = jnp.zeros((TCN_CH,), jnp.float32)
    inp["t0c2w"] = _p(next(ks), (TCN_CH, TCN_CH, KSZ)); inp["t0c2b"] = jnp.zeros((TCN_CH,), jnp.float32)
    inp["t0dw"] = _p(next(ks), (TCN_CH, N_GRAPHS, 1)); inp["t0db"] = jnp.zeros((TCN_CH,), jnp.float32)
    for i in (1, 2, 3):
        inp["t%dc1w" % i] = _p(next(ks), (TCN_CH, TCN_CH, KSZ)); inp["t%dc1b" % i] = jnp.zeros((TCN_CH,), jnp.float32)
        inp["t%dc2w" % i] = _p(next(ks), (TCN_CH, TCN_CH, KSZ)); inp["t%dc2b" % i] = jnp.zeros((TCN_CH,), jnp.float32)
    inp["f1w"] = _p(next(ks), (PRE * 3, 24)); inp["f1b"] = jnp.zeros((24,), jnp.float32)
    inp["f2w"] = _p(next(ks), (24, 12)); inp["f2b"] = jnp.zeros((12,), jnp.float32)
    inp["f3w"] = _p(next(ks), (12, 1)); inp["f3b"] = jnp.zeros((1,), jnp.float32)
    return inp

def _gcn(x, row, col, dis, W, b):
    norm = (dis[row] * dis[col])[:, None]
    xw = x @ W
    out = jax.ops.segment_sum(xw[row] * norm, col, num_segments=N_NODES)
    return out + b

def _cconv(t, w, b, dil, pad):
    y = jax.lax.conv_general_dilated(t, w, (1,), [(pad, 0)], rhs_dilation=(dil,), dimension_numbers=("NCH", "OIH", "NCH"))
    return y + b[None, :, None]

def _block(t, c1w, c1b, c2w, c2b, dw, db, dil):
    o = jax.nn.relu(_cconv(t, c1w, c1b, dil, (KSZ - 1) * dil))
    o = jax.nn.relu(_cconv(o, c2w, c2b, dil, (KSZ - 1) * dil))
    res = _cconv(t, dw, db, 1, 0) if dw is not None else t
    return jax.nn.relu(o + res)

def _forward(x, w1, b1, w2, b2, w3, b3, t0c1w, t0c1b, t0c2w, t0c2b, t0dw, t0db, t1c1w, t1c1b, t1c2w, t1c2b, t2c1w, t2c1b, t2c2w, t2c2b, t3c1w, t3c1b, t3c2w, t3c2b, f1w, f1b, f2w, f2b, f3w, f3b, edge_index, batch):
    loop = jnp.arange(N_NODES, dtype=edge_index.dtype)
    row = jnp.concatenate([edge_index[0], loop])
    col = jnp.concatenate([edge_index[1], loop])
    deg = jax.ops.segment_sum(jnp.ones(row.shape, jnp.float32), col, num_segments=N_NODES)
    dis = jnp.where(deg > 0, 1.0 / jnp.sqrt(deg), 0.0)
    h = jax.nn.relu(_gcn(x, row, col, dis, w1, b1))
    h = jax.nn.relu(_gcn(h, row, col, dis, w2, b2))
    h = jax.nn.relu(_gcn(h, row, col, dis, w3, b3))
    cnt = jax.ops.segment_sum(jnp.ones((N_NODES,), jnp.float32), batch, num_segments=N_GRAPHS)
    s = jax.ops.segment_sum(h, batch, num_segments=N_GRAPHS)
    mean = s / jnp.maximum(cnt, 1.0)[:, None]
    mx = jax.ops.segment_max(h, batch, num_segments=N_GRAPHS)
    g = jnp.concatenate([mean, mx, s], axis=1)
    z = g[None]
    z = _block(z, t0c1w, t0c1b, t0c2w, t0c2b, t0dw, t0db, 1)
    z = _block(z, t1c1w, t1c1b, t1c2w, t1c2b, None, None, 2)
    z = _block(z, t2c1w, t2c1b, t2c2w, t2c2b, None, None, 4)
    z = _block(z, t3c1w, t3c1b, t3c2w, t3c2b, None, None, 8)
    t = z[0]
    o = jax.nn.relu(t @ f1w + f1b)
    o = jax.nn.relu(o @ f2w + f2b)
    o = o @ f3w + f3b
    return o.T[0]

def reference(x, edge_index, batch, w1, b1, w2, b2, w3, b3, t0c1w, t0c1b, t0c2w, t0c2b, t0dw, t0db, t1c1w, t1c1b, t1c2w, t1c2b, t2c1w, t2c1b, t2c2w, t2c2b, t3c1w, t3c1b, t3c2w, t3c2b, f1w, f1b, f2w, f2b, f3w, f3b):
    return _forward(x, w1, b1, w2, b2, w3, b3, t0c1w, t0c1b, t0c2w, t0c2b, t0dw, t0db, t1c1w, t1c1b, t1c2w, t1c2b, t2c1w, t2c1b, t2c2w, t2c2b, t3c1w, t3c1b, t3c2w, t3c2b, f1w, f1b, f2w, f2b, f3w, f3b, edge_index, batch)

if __name__ == "__main__":
    import jax
    _d = setup_inputs()
    print(jax.jit(kernel)(*tuple(_d.values())))

</pallas_src>

<mosaic_0001>
#map = affine_map<(d0, d1) -> (0, 0)>
#map1 = affine_map<(d0, d1) -> (0)>
module attributes {stable_mosaic.version = 14 : i64} {
  func.func @_sc_edge(%arg0: i32, %arg1: i32, %arg2: memref<256x10000xf32, #tpu.memory_space<hbm>>, %arg3: memref<327680xi32, #tpu.memory_space<hbm>>, %arg4: memref<327680xi32, #tpu.memory_space<hbm>>, %arg5: memref<2621440xf32, #tpu.memory_space<hbm>>, %arg6: memref<512xi32, #tpu.memory_space<vmem>>, %arg7: memref<512xi32, #tpu.memory_space<vmem>>, %arg8: memref<8x10000xf32, #tpu.memory_space<vmem>>, %arg9: memref<40960xf32, #tpu.memory_space<vmem>>) attributes {dimension_semantics = [#tpu.dimension_semantics<core_parallel>, #tpu.dimension_semantics<subcore_parallel>], iteration_bounds = array<i64: 2, 16>, scalar_prefetch = 0 : i64, scratch_operands = 4 : i64, tpu.core_type = #tpu.core_type<sc_vector_subcore>, window_params = [{transform_indices = #map}, {transform_indices = #map1}, {transform_indices = #map1}, {transform_indices = #map1}]} {
    %mul3A = arith.constant 16 : i32
    %mul3A_0 = arith.muli %arg0, %mul3A : i32
    %add3A = arith.addi %mul3A_0, %arg1 : i32
    %broadcast_in_dim3A = arith.constant 0.000000e+00 : f32
    %broadcast_in_dim3A_1 = vector.broadcast %broadcast_in_dim3A : f32 to vector<16xf32>
    %iota3A = tpu.iota {dimensions = array<i32: 0>} : vector<16xi32>
    %jit3A = arith.constant 4 : i32
    %div3A = vector.broadcast %jit3A : i32 to vector<16xi32>
    %div3A_2 = arith.divsi %iota3A, %div3A : vector<16xi32>
    %sign3A = arith.constant 0 : i32
    %sign3A_3 = vector.broadcast %sign3A : i32 to vector<16xi32>
    %sign3A_4 = arith.cmpi sgt, %iota3A, %sign3A_3 : vector<16xi32>
    %sign3A_5 = arith.extui %sign3A_4 : vector<16xi1> to vector<16xi32>
    %sign3A_6 = arith.constant 0 : i32
    %sign3A_7 = vector.broadcast %sign3A_6 : i32 to vector<16xi32>
    %sign3A_8 = arith.cmpi slt, %iota3A, %sign3A_7 : vector<16xi32>
    %sign3A_9 = arith.extui %sign3A_8 : vector<16xi1> to vector<16xi32>
    %sign3A_10 = arith.subi %sign3A_5, %sign3A_9 : vector<16xi32>
    %sign3A_11 = arith.constant 0 : i32
    %sign3A_12 = arith.cmpi sgt, %jit3A, %sign3A_11 : i32
    %sign3A_13 = arith.extui %sign3A_12 : i1 to i32
    %sign3A_14 = arith.constant 0 : i32
    %sign3A_15 = arith.cmpi slt, %jit3A, %sign3A_14 : i32
    %sign3A_16 = arith.extui %sign3A_15 : i1 to i32
    %sign3A_17 = arith.subi %sign3A_13, %sign3A_16 : i32
    %ne3A = vector.broadcast %sign3A_17 : i32 to vector<16xi32>
    %ne3A_18 = arith.cmpi ne, %sign3A_10, %ne3A : vector<16xi32>
    %rem3A = vector.broadcast %jit3A : i32 to vector<16xi32>
    %rem3A_19 = arith.remsi %iota3A, %rem3A : vector<16xi32>
    %ne3A_20 = arith.constant 0 : i32
    %ne3A_21 = vector.broadcast %ne3A_20 : i32 to vector<16xi32>
    %ne3A_22 = arith.cmpi ne, %rem3A_19, %ne3A_21 : vector<16xi32>
    %and3A = arith.andi %ne3A_18, %ne3A_22 : vector<16xi1>
    %sub3A = arith.constant 1 : i32
    %sub3A_23 = vector.broadcast %sub3A : i32 to vector<16xi32>
    %sub3A_24 = arith.subi %div3A_2, %sub3A_23 : vector<16xi32>
    %select_n3A = arith.select %and3A, %sub3A_24, %div3A_2 : vector<16xi1>, vector<16xi32>
    %jit3A_25 = arith.constant 4 : i32
    %eq3A = arith.constant 0 : i32
    %eq3A_26 = arith.cmpi eq, %jit3A_25, %eq3A : i32
    %jit3A_27 = arith.constant 1 : i32
    %select_n3A_28 = arith.select %eq3A_26, %jit3A_27, %jit3A_25 : i32
    %rem3A_29 = vector.broadcast %select_n3A_28 : i32 to vector<16xi32>
    %rem3A_30 = arith.remsi %iota3A, %rem3A_29 : vector<16xi32>
    %ne3A_31 = arith.constant 0 : i32
    %ne3A_32 = vector.broadcast %ne3A_31 : i32 to vector<16xi32>
    %ne3A_33 = arith.cmpi ne, %rem3A_30, %ne3A_32 : vector<16xi32>
    %lt3A = arith.constant 0 : i32
    %lt3A_34 = vector.broadcast %lt3A : i32 to vector<16xi32>
    %lt3A_35 = arith.cmpi slt, %rem3A_30, %lt3A_34 : vector<16xi32>
    %lt3A_36 = arith.constant 0 : i32
    %lt3A_37 = arith.cmpi slt, %select_n3A_28, %lt3A_36 : i32
    %ne3A_38 = vector.broadcast %lt3A_37 : i1 to vector<16xi1>
    %ne3A_39 = vector.broadcast %ne3A_38 : vector<16xi1> to vector<16xi1>
    %ne3A_40 = arith.xori %lt3A_35, %ne3A_39 : vector<16xi1>
    %and3A_41 = arith.andi %ne3A_40, %ne3A_33 : vector<16xi1>
    %add3A_42 = vector.broadcast %select_n3A_28 : i32 to vector<16xi32>
    %add3A_43 = arith.addi %rem3A_30, %add3A_42 : vector<16xi32>
    %select_n3A_44 = arith.select %and3A_41, %add3A_43, %rem3A_30 : vector<16xi1>, vector<16xi32>
    %mul3A_45 = arith.constant 8 : i32
    %mul3A_46 = arith.muli %add3A, %mul3A_45 : i32
    "tpu.region"() ({
      %run_scoped3A = tpu.sem_alloc : memref<!tpu.dma_semaphore, #tpu.memory_space<semaphore_mem>>
      %dma_start3A = arith.constant 0 : i32
      %dma_start3A_95 = tpu.memref_slice %arg2[%mul3A_46, %dma_start3A] : memref<256x10000xf32, #tpu.memory_space<hbm>> -> memref<8x10000xf32, #tpu.memory_space<hbm>>
      %dma_start3A_96 = arith.constant 0 : i32
      %dma_start3A_97 = tpu.memref_slice %arg2[%mul3A_46, %dma_start3A_96] : memref<256x10000xf32, #tpu.memory_space<hbm>> -> memref<8x10000xf32, #tpu.memory_space<hbm>>
      tpu.enqueue_dma source(%dma_start3A_97 : memref<8x10000xf32, #tpu.memory_space<hbm>>) target(%arg8 : memref<8x10000xf32, #tpu.memory_space<vmem>>) target_semaphore(%run_scoped3A : memref<!tpu.dma_semaphore, #tpu.memory_space<semaphore_mem>>)
      %dma_wait3A = arith.constant 0 : i32
      %dma_wait3A_98 = tpu.memref_slice %arg2[%mul3A_46, %dma_wait3A] : memref<256x10000xf32, #tpu.memory_space<hbm>> -> memref<8x10000xf32, #tpu.memory_space<hbm>>
      %dma_wait3A_99 = arith.constant 0 : i32
      %dma_wait3A_100 = tpu.memref_slice %arg2[%mul3A_46, %dma_wait3A_99] : memref<256x10000xf32, #tpu.memory_space<hbm>> -> memref<8x10000xf32, #tpu.memory_space<hbm>>
      tpu.wait_dma2 semaphore(%run_scoped3A : memref<!tpu.dma_semaphore, #tpu.memory_space<semaphore_mem>>) src(%dma_wait3A_100 : memref<8x10000xf32, #tpu.memory_space<hbm>>) dst(%arg8 : memref<8x10000xf32, #tpu.memory_space<vmem>>)
      tpu.yield
    }) : () -> ()
    %mul3A_47 = arith.constant 10240 : i32
    %mul3A_48 = vector.broadcast %mul3A_47 : i32 to vector<16xi32>
    %mul3A_49 = arith.muli %select_n3A_44, %mul3A_48 : vector<16xi32>
    %scan3A = arith.constant 0 : i32
    %scan3A_50 = arith.constant 0 : i32
    %scan3A_51 = arith.constant 320 : i32
    %scan3A_52 = arith.addi %scan3A_50, %scan3A_51 : i32
    %scan3A_53 = arith.constant 1 : i32
    scf.for %scan3A_95 = %scan3A_50 to %scan3A_52 step %scan3A_53  : i32 {
      %mul3A_96 = arith.constant 8 : i32
      %mul3A_97 = arith.muli %scan3A_95, %mul3A_96 : i32
      %add3A_98 = arith.constant 0 : i32
      %add3A_99 = arith.addi %mul3A_97, %add3A_98 : i32
      %mul3A_100 = arith.constant 16 : i32
      %mul3A_101 = arith.muli %add3A_99, %mul3A_100 : i32
      %swap3A = arith.index_cast %mul3A_101 : i32 to index
      %swap3A_102 = tpu.vector_load %arg9[%swap3A] {strides = array<i32>} : memref<40960xf32, #tpu.memory_space<vmem>>, vector<16xf32>,
      tpu.vector_store %arg9[%swap3A], %broadcast_in_dim3A_1 {strides = array<i32>} : memref<40960xf32, #tpu.memory_space<vmem>>, vector<16xf32>,
      %mul3A_103 = arith.constant 8 : i32
      %mul3A_104 = arith.muli %scan3A_95, %mul3A_103 : i32
      %add3A_105 = arith.constant 1 : i32
      %add3A_106 = arith.addi %mul3A_104, %add3A_105 : i32
      %mul3A_107 = arith.constant 16 : i32
      %mul3A_108 = arith.muli %add3A_106, %mul3A_107 : i32
      %swap3A_109 = arith.index_cast %mul3A_108 : i32 to index
      %swap3A_110 = tpu.vector_load %arg9[%swap3A_109] {strides = array<i32>} : memref<40960xf32, #tpu.memory_space<vmem>>, vector<16xf32>,
      tpu.vector_store %arg9[%swap3A_109], %broadcast_in_dim3A_1 {strides = array<i32>} : memref<40960xf32, #tpu.memory_space<vmem>>, vector<16xf32>,
      %mul3A_111 = arith.constant 8 : i32
      %mul3A_112 = arith.muli %scan3A_95, %mul3A_111 : i32
      %add3A_113 = arith.constant 2 : i32
      %add3A_114 = arith.addi %mul3A_112, %add3A_113 : i32
      %mul3A_115 = arith.constant 16 : i32
      %mul3A_116 = arith.muli %add3A_114, %mul3A_115 : i32
      %swap3A_117 = arith.index_cast %mul3A_116 : i32 to index
      %swap3A_118 = tpu.vector_load %arg9[%swap3A_117] {strides = array<i32>} : memref<40960xf32, #tpu.memory_space<vmem>>, vector<16xf32>,
      tpu.vector_store %arg9[%swap3A_117], %broadcast_in_dim3A_1 {strides = array<i32>} : memref<40960xf32, #tpu.memory_space<vmem>>, vector<16xf32>,
      %mul3A_119 = arith.constant 8 : i32
      %mul3A_120 = arith.muli %scan3A_95, %mul3A_119 : i32
      %add3A_121 = arith.constant 3 : i32
      %add3A_122 = arith.addi %mul3A_120, %add3A_121 : i32
      %mul3A_123 = arith.constant 16 : i32
      %mul3A_124 = arith.muli %add3A_122, %mul3A_123 : i32
      %swap3A_125 = arith.index_cast %mul3A_124 : i32 to index
      %swap3A_126 = tpu.vector_load %arg9[%swap3A_125] {strides = array<i32>} : memref<40960xf32, #tpu.memory_space<vmem>>, vector<16xf32>,
      tpu.vector_store %arg9[%swap3A_125], %broadcast_in_dim3A_1 {strides = array<i32>} : memref<40960xf32, #tpu.memory_space<vmem>>, vector<16xf32>,
      %mul3A_127 = arith.constant 8 : i32
      %mul3A_128 = arith.muli %scan3A_95, %mul3A_127 : i32
      %add3A_129 = arith.constant 4 : i32
      %add3A_130 = arith.addi %mul3A_128, %add3A_129 : i32
      %mul3A_131 = arith.constant 16 : i32
      %mul3A_132 = arith.muli %add3A_130, %mul3A_131 : i32
      %swap3A_133 = arith.index_cast %mul3A_132 : i32 to index
      %swap3A_134 = tpu.vector_load %arg9[%swap3A_133] {strides = array<i32>} : memref<40960xf32, #tpu.memory_space<vmem>>, vector<16xf32>,
      tpu.vector_store %arg9[%swap3A_133], %broadcast_in_dim3A_1 {strides = array<i32>} : memref<40960xf32, #tpu.memory_space<vmem>>, vector<16xf32>,
      %mul3A_135 = arith.constant 8 : i32
      %mul3A_136 = arith.muli %scan3A_95, %mul3A_135 : i32
      %add3A_137 = arith.constant 5 : i32
      %add3A_138 = arith.addi %mul3A_136, %add3A_137 : i32
      %mul3A_139 = arith.constant 16 : i32
      %mul3A_140 = arith.muli %add3A_138, %mul3A_139 : i32
      %swap3A_141 = arith.index_cast %mul3A_140 : i32 to index
      %swap3A_142 = tpu.vector_load %arg9[%swap3A_141] {strides = array<i32>} : memref<40960xf32, #tpu.memory_space<vmem>>, vector<16xf32>,
      tpu.vector_store %arg9[%swap3A_141], %broadcast_in_dim3A_1 {strides = array<i32>} : memref<40960xf32, #tpu.memory_space<vmem>>, vector<16xf32>,
      %mul3A_143 = arith.constant 8 : i32
      %mul3A_144 = arith.muli %scan3A_95, %mul3A_143 : i32
      %add3A_145 = arith.constant 6 : i32
      %add3A_146 = arith.addi %mul3A_144, %add3A_145 : i32
      %mul3A_147 = arith.constant 16 : i32
      %mul3A_148 = arith.muli %add3A_146, %mul3A_147 : i32
      %swap3A_149 = arith.index_cast %mul3A_148 : i32 to index
      %swap3A_150 = tpu.vector_load %arg9[%swap3A_149] {strides = array<i32>} : memref<40960xf32, #tpu.memory_space<vmem>>, vector<16xf32>,
      tpu.vector_store %arg9[%swap3A_149], %broadcast_in_dim3A_1 {strides = array<i32>} : memref<40960xf32, #tpu.memory_space<vmem>>, vector<16xf32>,
      %mul3A_151 = arith.constant 8 : i32
      %mul3A_152 = arith.muli %scan3A_95, %mul3A_151 : i32
      %add3A_153 = arith.constant 7 : i32
      %add3A_154 = arith.addi %mul3A_152, %add3A_153 : i32
      %mul3A_155 = arith.constant 16 : i32
      %mul3A_156 = arith.muli %add3A_154, %mul3A_155 : i32
      %swap3A_157 = arith.index_cast %mul3A_156 : i32 to index
      %swap3A_158 = tpu.vector_load %arg9[%swap3A_157] {strides = array<i32>} : memref<40960xf32, #tpu.memory_space<vmem>>, vector<16xf32>,
      tpu.vector_store %arg9[%swap3A_157], %broadcast_in_dim3A_1 {strides = array<i32>} : memref<40960xf32, #tpu.memory_space<vmem>>, vector<16xf32>,
    }
    %scan3A_54 = arith.constant 320 : i32
    %add3A_55 = arith.constant 0 : i32
    %add3A_56 = vector.broadcast %add3A_55 : i32 to vector<16xi32>
    %add3A_57 = arith.addi %select_n3A_44, %add3A_56 : vector<16xi32>
    %scan3A_58 = arith.constant 0 : i32
    %scan3A_59 = arith.constant 0 : i32
    %scan3A_60 = arith.constant 640 : i32
    %scan3A_61 = arith.addi %scan3A_59, %scan3A_60 : i32
    %scan3A_62 = arith.constant 1 : i32
    scf.for %scan3A_95 = %scan3A_59 to %scan3A_61 step %scan3A_62  : i32 {
      %mul3A_96 = arith.constant 512 : i32
      %mul3A_97 = arith.muli %scan3A_95, %mul3A_96 : i32
      "tpu.region"() ({
        %run_scoped3A = tpu.sem_alloc : memref<!tpu.dma_semaphore, #tpu.memory_space<semaphore_mem>>
        %dma_start3A = tpu.memref_slice %arg3[%mul3A_97] : memref<327680xi32, #tpu.memory_space<hbm>> -> memref<512xi32, #tpu.memory_space<hbm>>
        %dma_start3A_106 = tpu.memref_slice %arg3[%mul3A_97] : memref<327680xi32, #tpu.memory_space<hbm>> -> memref<512xi32, #tpu.memory_space<hbm>>
        tpu.enqueue_dma source(%dma_start3A_106 : memref<512xi32, #tpu.memory_space<hbm>>) target(%arg6 : memref<512xi32, #tpu.memory_space<vmem>>) target_semaphore(%run_scoped3A : memref<!tpu.dma_semaphore, #tpu.memory_space<semaphore_mem>>)
        %dma_wait3A = tpu.memref_slice %arg3[%mul3A_97] : memref<327680xi32, #tpu.memory_space<hbm>> -> memref<512xi32, #tpu.memory_space<hbm>>
        %dma_wait3A_107 = tpu.memref_slice %arg3[%mul3A_97] : memref<327680xi32, #tpu.memory_space<hbm>> -> memref<512xi32, #tpu.memory_space<hbm>>
        tpu.wait_dma2 semaphore(%run_scoped3A : memref<!tpu.dma_semaphore, #tpu.memory_space<semaphore_mem>>) src(%dma_wait3A_107 : memref<512xi32, #tpu.memory_space<hbm>>) dst(%arg6 : memref<512xi32, #tpu.memory_space<vmem>>)
        tpu.yield
      }) : () -> ()
      %mul3A_98 = arith.constant 512 : i32
      %mul3A_99 = arith.muli %scan3A_95, %mul3A_98 : i32
      "tpu.region"() ({
        %run_scoped3A = tpu.sem_alloc : memref<!tpu.dma_semaphore, #tpu.memory_space<semaphore_mem>>
        %dma_start3A = tpu.memref_slice %arg4[%mul3A_99] : memref<327680xi32, #tpu.memory_space<hbm>> -> memref<512xi32, #tpu.memory_space<hbm>>
        %dma_start3A_106 = tpu.memref_slice %arg4[%mul3A_99] : memref<327680xi32, #tpu.memory_space<hbm>> -> memref<512xi32, #tpu.memory_space<hbm>>
        tpu.enqueue_dma source(%dma_start3A_106 : memref<512xi32, #tpu.memory_space<hbm>>) target(%arg7 : memref<512xi32, #tpu.memory_space<vmem>>) target_semaphore(%run_scoped3A : memref<!tpu.dma_semaphore, #tpu.memory_space<semaphore_mem>>)
        %dma_wait3A = tpu.memref_slice %arg4[%mul3A_99] : memref<327680xi32, #tpu.memory_space<hbm>> -> memref<512xi32, #tpu.memory_space<hbm>>
        %dma_wait3A_107 = tpu.memref_slice %arg4[%mul3A_99] : memref<327680xi32, #tpu.memory_space<hbm>> -> memref<512xi32, #tpu.memory_space<hbm>>
        tpu.wait_dma2 semaphore(%run_scoped3A : memref<!tpu.dma_semaphore, #tpu.memory_space<semaphore_mem>>) src(%dma_wait3A_107 : memref<512xi32, #tpu.memory_space<hbm>>) dst(%arg7 : memref<512xi32, #tpu.memory_space<vmem>>)
        tpu.yield
      }) : () -> ()
      %scan3A_100 = arith.constant 0 : i32
      %scan3A_101 = arith.constant 0 : i32
      %scan3A_102 = arith.constant 16 : i32
      %scan3A_103 = arith.addi %scan3A_101, %scan3A_102 : i32
      %scan3A_104 = arith.constant 1 : i32
      scf.for %scan3A_106 = %scan3A_101 to %scan3A_103 step %scan3A_104  : i32 {
        %mul3A_107 = arith.constant 8 : i32
        %mul3A_108 = arith.muli %scan3A_106, %mul3A_107 : i32
        %add3A_109 = arith.constant 0 : i32
        %add3A_110 = arith.addi %mul3A_108, %add3A_109 : i32
        %mul3A_111 = arith.constant 4 : i32
        %mul3A_112 = arith.muli %add3A_110, %mul3A_111 : i32
        %add3A_113 = vector.broadcast %mul3A_112 : i32 to vector<16xi32>
        %add3A_114 = arith.addi %select_n3A, %add3A_113 : vector<16xi32>
        %gather3A = tpu.vector_load_idx %arg6[%add3A_114] : memref<512xi32, #tpu.memory_space<vmem>>[vector<16xi32>], vector<16xi32>,
        %gather3A_115 = tpu.vector_load_idx %arg7[%add3A_114] : memref<512xi32, #tpu.memory_space<vmem>>[vector<16xi32>], vector<16xi32>,
        %gather3A_116 = tpu.vector_load_idx %arg8[%add3A_57, %gather3A] : memref<8x10000xf32, #tpu.memory_space<vmem>>[vector<16xi32>, vector<16xi32>], vector<16xf32>,
        %add3A_117 = arith.addi %mul3A_49, %gather3A_115 : vector<16xi32>
        tpu.vector_store_idx %arg9[%add3A_117], %gather3A_116 {add = true} : memref<40960xf32, #tpu.memory_space<vmem>>[vector<16xi32>], vector<16xf32>,
        %mul3A_118 = arith.constant 8 : i32
        %mul3A_119 = arith.muli %scan3A_106, %mul3A_118 : i32
        %add3A_120 = arith.constant 1 : i32
        %add3A_121 = arith.addi %mul3A_119, %add3A_120 : i32
        %mul3A_122 = arith.constant 4 : i32
        %mul3A_123 = arith.muli %add3A_121, %mul3A_122 : i32
        %add3A_124 = vector.broadcast %mul3A_123 : i32 to vector<16xi32>
        %add3A_125 = arith.addi %select_n3A, %add3A_124 : vector<16xi32>
        %gather3A_126 = tpu.vector_load_idx %arg6[%add3A_125] : memref<512xi32, #tpu.memory_space<vmem>>[vector<16xi32>], vector<16xi32>,
        %gather3A_127 = tpu.vector_load_idx %arg7[%add3A_125] : memref<512xi32, #tpu.memory_space<vmem>>[vector<16xi32>], vector<16xi32>,
        %gather3A_128 = tpu.vector_load_idx %arg8[%add3A_57, %gather3A_126] : memref<8x10000xf32, #tpu.memory_space<vmem>>[vector<16xi32>, vector<16xi32>], vector<16xf32>,
        %add3A_129 = arith.addi %mul3A_49, %gather3A_127 : vector<16xi32>
        tpu.vector_store_idx %arg9[%add3A_129], %gather3A_128 {add = true} : memref<40960xf32, #tpu.memory_space<vmem>>[vector<16xi32>], vector<16xf32>,
        %mul3A_130 = arith.constant 8 : i32
        %mul3A_131 = arith.muli %scan3A_106, %mul3A_130 : i32
        %add3A_132 = arith.constant 2 : i32
        %add3A_133 = arith.addi %mul3A_131, %add3A_132 : i32
        %mul3A_134 = arith.constant 4 : i32
        %mul3A_135 = arith.muli %add3A_133, %mul3A_134 : i32
        %add3A_136 = vector.broadcast %mul3A_135 : i32 to vector<16xi32>
        %add3A_137 = arith.addi %select_n3A, %add3A_136 : vector<16xi32>
        %gather3A_138 = tpu.vector_load_idx %arg6[%add3A_137] : memref<512xi32, #tpu.memory_space<vmem>>[vector<16xi32>], vector<16xi32>,
        %gather3A_139 = tpu.vector_load_idx %arg7[%add3A_137] : memref<512xi32, #tpu.memory_space<vmem>>[vector<16xi32>], vector<16xi32>,
        %gather3A_140 = tpu.vector_load_idx %arg8[%add3A_57, %gather3A_138] : memref<8x10000xf32, #tpu.memory_space<vmem>>[vector<16xi32>, vector<16xi32>], vector<16xf32>,
        %add3A_141 = arith.addi %mul3A_49, %gather3A_139 : vector<16xi32>
        tpu.vector_store_idx %arg9[%add3A_141], %gather3A_140 {add = true} : memref<40960xf32, #tpu.memory_space<vmem>>[vector<16xi32>], vector<16xf32>,
        %mul3A_142 = arith.constant 8 : i32
        %mul3A_143 = arith.muli %scan3A_106, %mul3A_142 : i32
        %add3A_144 = arith.constant 3 : i32
        %add3A_145 = arith.addi %mul3A_143, %add3A_144 : i32
        %mul3A_146 = arith.constant 4 : i32
        %mul3A_147 = arith.muli %add3A_145, %mul3A_146 : i32
        %add3A_148 = vector.broadcast %mul3A_147 : i32 to vector<16xi32>
        %add3A_149 = arith.addi %select_n3A, %add3A_148 : vector<16xi32>
        %gather3A_150 = tpu.vector_load_idx %arg6[%add3A_149] : memref<512xi32, #tpu.memory_space<vmem>>[vector<16xi32>], vector<16xi32>,
        %gather3A_151 = tpu.vector_load_idx %arg7[%add3A_149] : memref<512xi32, #tpu.memory_space<vmem>>[vector<16xi32>], vector<16xi32>,
        %gather3A_152 = tpu.vector_load_idx %arg8[%add3A_57, %gather3A_150] : memref<8x10000xf32, #tpu.memory_space<vmem>>[vector<16xi32>, vector<16xi32>], vector<16xf32>,
        %add3A_153 = arith.addi %mul3A_49, %gather3A_151 : vector<16xi32>
        tpu.vector_store_idx %arg9[%add3A_153], %gather3A_152 {add = true} : memref<40960xf32, #tpu.memory_space<vmem>>[vector<16xi32>], vector<16xf32>,
        %mul3A_154 = arith.constant 8 : i32
        %mul3A_155 = arith.muli %scan3A_106, %mul3A_154 : i32
        %add3A_156 = arith.constant 4 : i32
        %add3A_157 = arith.addi %mul3A_155, %add3A_156 : i32
        %mul3A_158 = arith.constant 4 : i32
        %mul3A_159 = arith.muli %add3A_157, %mul3A_158 : i32
        %add3A_160 = vector.broadcast %mul3A_159 : i32 to vector<16xi32>
        %add3A_161 = arith.addi %select_n3A, %add3A_160 : vector<16xi32>
        %gather3A_162 = tpu.vector_load_idx %arg6[%add3A_161] : memref<512xi32, #tpu.memory_space<vmem>>[vector<16xi32>], vector<16xi32>,
        %gather3A_163 = tpu.vector_load_idx %arg7[%add3A_161] : memref<512xi32, #tpu.memory_space<vmem>>[vector<16xi32>], vector<16xi32>,
        %gather3A_164 = tpu.vector_load_idx %arg8[%add3A_57, %gather3A_162] : memref<8x10000xf32, #tpu.memory_space<vmem>>[vector<16xi32>, vector<16xi32>], vector<16xf32>,
        %add3A_165 = arith.addi %mul3A_49, %gather3A_163 : vector<16xi32>
        tpu.vector_store_idx %arg9[%add3A_165], %gather3A_164 {add = true} : memref<40960xf32, #tpu.memory_space<vmem>>[vector<16xi32>], vector<16xf32>,
        %mul3A_166 = arith.constant 8 : i32
        %mul3A_167 = arith.muli %scan3A_106, %mul3A_166 : i32
        %add3A_168 = arith.constant 5 : i32
        %add3A_169 = arith.addi %mul3A_167, %add3A_168 : i32
        %mul3A_170 = arith.constant 4 : i32
        %mul3A_171 = arith.muli %add3A_169, %mul3A_170 : i32
        %add3A_172 = vector.broadcast %mul3A_171 : i32 to vector<16xi32>
        %add3A_173 = arith.addi %select_n3A, %add3A_172 : vector<16xi32>
        %gather3A_174 = tpu.vector_load_idx %arg6[%add3A_173] : memref<512xi32, #tpu.memory_space<vmem>>[vector<16xi32>], vector<16xi32>,
        %gather3A_175 = tpu.vector_load_idx %arg7[%add3A_173] : memref<512xi32, #tpu.memory_space<vmem>>[vector<16xi32>], vector<16xi32>,
        %gather3A_176 = tpu.vector_load_idx %arg8[%add3A_57, %gather3A_174] : memref<8x10000xf32, #tpu.memory_space<vmem>>[vector<16xi32>, vector<16xi32>], vector<16xf32>,
        %add3A_177 = arith.addi %mul3A_49, %gather3A_175 : vector<16xi32>
        tpu.vector_store_idx %arg9[%add3A_177], %gather3A_176 {add = true} : memref<40960xf32, #tpu.memory_space<vmem>>[vector<16xi32>], vector<16xf32>,
        %mul3A_178 = arith.constant 8 : i32
        %mul3A_179 = arith.muli %scan3A_106, %mul3A_178 : i32
        %add3A_180 = arith.constant 6 : i32
        %add3A_181 = arith.addi %mul3A_179, %add3A_180 : i32
        %mul3A_182 = arith.constant 4 : i32
        %mul3A_183 = arith.muli %add3A_181, %mul3A_182 : i32
        %add3A_184 = vector.broadcast %mul3A_183 : i32 to vector<16xi32>
        %add3A_185 = arith.addi %select_n3A, %add3A_184 : vector<16xi32>
        %gather3A_186 = tpu.vector_load_idx %arg6[%add3A_185] : memref<512xi32, #tpu.memory_space<vmem>>[vector<16xi32>], vector<16xi32>,
        %gather3A_187 = tpu.vector_load_idx %arg7[%add3A_185] : memref<512xi32, #tpu.memory_space<vmem>>[vector<16xi32>], vector<16xi32>,
        %gather3A_188 = tpu.vector_load_idx %arg8[%add3A_57, %gather3A_186] : memref<8x10000xf32, #tpu.memory_space<vmem>>[vector<16xi32>, vector<16xi32>], vector<16xf32>,
        %add3A_189 = arith.addi %mul3A_49, %gather3A_187 : vector<16xi32>
        tpu.vector_store_idx %arg9[%add3A_189], %gather3A_188 {add = true} : memref<40960xf32, #tpu.memory_space<vmem>>[vector<16xi32>], vector<16xf32>,
        %mul3A_190 = arith.constant 8 : i32
        %mul3A_191 = arith.muli %scan3A_106, %mul3A_190 : i32
        %add3A_192 = arith.constant 7 : i32
        %add3A_193 = arith.addi %mul3A_191, %add3A_192 : i32
        %mul3A_194 = arith.constant 4 : i32
        %mul3A_195 = arith.muli %add3A_193, %mul3A_194 : i32
        %add3A_196 = vector.broadcast %mul3A_195 : i32 to vector<16xi32>
        %add3A_197 = arith.addi %select_n3A, %add3A_196 : vector<16xi32>
        %gather3A_198 = tpu.vector_load_idx %arg6[%add3A_197] : memref<512xi32, #tpu.memory_space<vmem>>[vector<16xi32>], vector<16xi32>,
        %gather3A_199 = tpu.vector_load_idx %arg7[%add3A_197] : memref<512xi32, #tpu.memory_space<vmem>>[vector<16xi32>], vector<16xi32>,
        %gather3A_200 = tpu.vector_load_idx %arg8[%add3A_57, %gather3A_198] : memref<8x10000xf32, #tpu.memory_space<vmem>>[vector<16xi32>, vector<16xi32>], vector<16xf32>,
        %add3A_201 = arith.addi %mul3A_49, %gather3A_199 : vector<16xi32>
        tpu.vector_store_idx %arg9[%add3A_201], %gather3A_200 {add = true} : memref<40960xf32, #tpu.memory_space<vmem>>[vector<16xi32>], vector<16xf32>,
      }
      %scan3A_105 = arith.constant 16 : i32
    }
    %scan3A_63 = arith.constant 640 : i32
    %mul3A_64 = arith.constant 2 : i32
    %mul3A_65 = arith.muli %add3A, %mul3A_64 : i32
    %add3A_66 = arith.constant 0 : i32
    %add3A_67 = arith.addi %mul3A_65, %add3A_66 : i32
    %mul3A_68 = arith.constant 4 : i32
    %mul3A_69 = arith.muli %add3A_67, %mul3A_68 : i32
    %mul3A_70 = arith.constant 10240 : i32
    %mul3A_71 = arith.muli %mul3A_69, %mul3A_70 : i32
    "tpu.region"() ({
      %run_scoped3A = tpu.sem_alloc : memref<!tpu.dma_semaphore, #tpu.memory_space<semaphore_mem>>
      %dma_start3A = tpu.memref_slice %arg5[%mul3A_71] : memref<2621440xf32, #tpu.memory_space<hbm>> -> memref<40960xf32, #tpu.memory_space<hbm>>
      %dma_start3A_95 = tpu.memref_slice %arg5[%mul3A_71] : memref<2621440xf32, #tpu.memory_space<hbm>> -> memref<40960xf32, #tpu.memory_space<hbm>>
      tpu.enqueue_dma source(%arg9 : memref<40960xf32, #tpu.memory_space<vmem>>) target(%dma_start3A_95 : memref<40960xf32, #tpu.memory_space<hbm>>) target_semaphore(%run_scoped3A : memref<!tpu.dma_semaphore, #tpu.memory_space<semaphore_mem>>)
      %dma_wait3A = tpu.memref_slice %arg5[%mul3A_71] : memref<2621440xf32, #tpu.memory_space<hbm>> -> memref<40960xf32, #tpu.memory_space<hbm>>
      %dma_wait3A_96 = tpu.memref_slice %arg5[%mul3A_71] : memref<2621440xf32, #tpu.memory_space<hbm>> -> memref<40960xf32, #tpu.memory_space<hbm>>
      tpu.wait_dma2 semaphore(%run_scoped3A : memref<!tpu.dma_semaphore, #tpu.memory_space<semaphore_mem>>) src(%arg9 : memref<40960xf32, #tpu.memory_space<vmem>>) dst(%dma_wait3A_96 : memref<40960xf32, #tpu.memory_space<hbm>>)
      tpu.yield
    }) : () -> ()
    %scan3A_72 = arith.constant 0 : i32
    %scan3A_73 = arith.constant 0 : i32
    %scan3A_74 = arith.constant 320 : i32
    %scan3A_75 = arith.addi %scan3A_73, %scan3A_74 : i32
    %scan3A_76 = arith.constant 1 : i32
    scf.for %scan3A_95 = %scan3A_73 to %scan3A_75 step %scan3A_76  : i32 {
      %mul3A_96 = arith.constant 8 : i32
      %mul3A_97 = arith.muli %scan3A_95, %mul3A_96 : i32
      %add3A_98 = arith.constant 0 : i32
      %add3A_99 = arith.addi %mul3A_97, %add3A_98 : i32
      %mul3A_100 = arith.constant 16 : i32
      %mul3A_101 = arith.muli %add3A_99, %mul3A_100 : i32
      %swap3A = arith.index_cast %mul3A_101 : i32 to index
      %swap3A_102 = tpu.vector_load %arg9[%swap3A] {strides = array<i32>} : memref<40960xf32, #tpu.memory_space<vmem>>, vector<16xf32>,
      tpu.vector_store %arg9[%swap3A], %broadcast_in_dim3A_1 {strides = array<i32>} : memref<40960xf32, #tpu.memory_space<vmem>>, vector<16xf32>,
      %mul3A_103 = arith.constant 8 : i32
      %mul3A_104 = arith.muli %scan3A_95, %mul3A_103 : i32
      %add3A_105 = arith.constant 1 : i32
      %add3A_106 = arith.addi %mul3A_104, %add3A_105 : i32
      %mul3A_107 = arith.constant 16 : i32
      %mul3A_108 = arith.muli %add3A_106, %mul3A_107 : i32
      %swap3A_109 = arith.index_cast %mul3A_108 : i32 to index
      %swap3A_110 = tpu.vector_load %arg9[%swap3A_109] {strides = array<i32>} : memref<40960xf32, #tpu.memory_space<vmem>>, vector<16xf32>,
      tpu.vector_store %arg9[%swap3A_109], %broadcast_in_dim3A_1 {strides = array<i32>} : memref<40960xf32, #tpu.memory_space<vmem>>, vector<16xf32>,
      %mul3A_111 = arith.constant 8 : i32
      %mul3A_112 = arith.muli %scan3A_95, %mul3A_111 : i32
      %add3A_113 = arith.constant 2 : i32
      %add3A_114 = arith.addi %mul3A_112, %add3A_113 : i32
      %mul3A_115 = arith.constant 16 : i32
      %mul3A_116 = arith.muli %add3A_114, %mul3A_115 : i32
      %swap3A_117 = arith.index_cast %mul3A_116 : i32 to index
      %swap3A_118 = tpu.vector_load %arg9[%swap3A_117] {strides = array<i32>} : memref<40960xf32, #tpu.memory_space<vmem>>, vector<16xf32>,
      tpu.vector_store %arg9[%swap3A_117], %broadcast_in_dim3A_1 {strides = array<i32>} : memref<40960xf32, #tpu.memory_space<vmem>>, vector<16xf32>,
      %mul3A_119 = arith.constant 8 : i32
      %mul3A_120 = arith.muli %scan3A_95, %mul3A_119 : i32
      %add3A_121 = arith.constant 3 : i32
      %add3A_122 = arith.addi %mul3A_120, %add3A_121 : i32
      %mul3A_123 = arith.constant 16 : i32
      %mul3A_124 = arith.muli %add3A_122, %mul3A_123 : i32
      %swap3A_125 = arith.index_cast %mul3A_124 : i32 to index
      %swap3A_126 = tpu.vector_load %arg9[%swap3A_125] {strides = array<i32>} : memref<40960xf32, #tpu.memory_space<vmem>>, vector<16xf32>,
      tpu.vector_store %arg9[%swap3A_125], %broadcast_in_dim3A_1 {strides = array<i32>} : memref<40960xf32, #tpu.memory_space<vmem>>, vector<16xf32>,
      %mul3A_127 = arith.constant 8 : i32
      %mul3A_128 = arith.muli %scan3A_95, %mul3A_127 : i32
      %add3A_129 = arith.constant 4 : i32
      %add3A_130 = arith.addi %mul3A_128, %add3A_129 : i32
      %mul3A_131 = arith.constant 16 : i32
      %mul3A_132 = arith.muli %add3A_130, %mul3A_131 : i32
      %swap3A_133 = arith.index_cast %mul3A_132 : i32 to index
      %swap3A_134 = tpu.vector_load %arg9[%swap3A_133] {strides = array<i32>} : memref<40960xf32, #tpu.memory_space<vmem>>, vector<16xf32>,
      tpu.vector_store %arg9[%swap3A_133], %broadcast_in_dim3A_1 {strides = array<i32>} : memref<40960xf32, #tpu.memory_space<vmem>>, vector<16xf32>,
      %mul3A_135 = arith.constant 8 : i32
      %mul3A_136 = arith.muli %scan3A_95, %mul3A_135 : i32
      %add3A_137 = arith.constant 5 : i32
      %add3A_138 = arith.addi %mul3A_136, %add3A_137 : i32
      %mul3A_139 = arith.constant 16 : i32
      %mul3A_140 = arith.muli %add3A_138, %mul3A_139 : i32
      %swap3A_141 = arith.index_cast %mul3A_140 : i32 to index
      %swap3A_142 = tpu.vector_load %arg9[%swap3A_141] {strides = array<i32>} : memref<40960xf32, #tpu.memory_space<vmem>>, vector<16xf32>,
      tpu.vector_store %arg9[%swap3A_141], %broadcast_in_dim3A_1 {strides = array<i32>} : memref<40960xf32, #tpu.memory_space<vmem>>, vector<16xf32>,
      %mul3A_143 = arith.constant 8 : i32
      %mul3A_144 = arith.muli %scan3A_95, %mul3A_143 : i32
      %add3A_145 = arith.constant 6 : i32
      %add3A_146 = arith.addi %mul3A_144, %add3A_145 : i32
      %mul3A_147 = arith.constant 16 : i32
      %mul3A_148 = arith.muli %add3A_146, %mul3A_147 : i32
      %swap3A_149 = arith.index_cast %mul3A_148 : i32 to index
      %swap3A_150 = tpu.vector_load %arg9[%swap3A_149] {strides = array<i32>} : memref<40960xf32, #tpu.memory_space<vmem>>, vector<16xf32>,
      tpu.vector_store %arg9[%swap3A_149], %broadcast_in_dim3A_1 {strides = array<i32>} : memref<40960xf32, #tpu.memory_space<vmem>>, vector<16xf32>,
      %mul3A_151 = arith.constant 8 : i32
      %mul3A_152 = arith.muli %scan3A_95, %mul3A_151 : i32
      %add3A_153 = arith.constant 7 : i32
      %add3A_154 = arith.addi %mul3A_152, %add3A_153 : i32
      %mul3A_155 = arith.constant 16 : i32
      %mul3A_156 = arith.muli %add3A_154, %mul3A_155 : i32
      %swap3A_157 = arith.index_cast %mul3A_156 : i32 to index
      %swap3A_158 = tpu.vector_load %arg9[%swap3A_157] {strides = array<i32>} : memref<40960xf32, #tpu.memory_space<vmem>>, vector<16xf32>,
      tpu.vector_store %arg9[%swap3A_157], %broadcast_in_dim3A_1 {strides = array<i32>} : memref<40960xf32, #tpu.memory_space<vmem>>, vector<16xf32>,
    }
    %scan3A_77 = arith.constant 320 : i32
    %add3A_78 = arith.constant 4 : i32
    %add3A_79 = vector.broadcast %add3A_78 : i32 to vector<16xi32>
    %add3A_80 = arith.addi %select_n3A_44, %add3A_79 : vector<16xi32>
    %scan3A_81 = arith.constant 0 : i32
    %scan3A_82 = arith.constant 0 : i32
    %scan3A_83 = arith.constant 640 : i32
    %scan3A_84 = arith.addi %scan3A_82, %scan3A_83 : i32
    %scan3A_85 = arith.constant 1 : i32
    scf.for %scan3A_95 = %scan3A_82 to %scan3A_84 step %scan3A_85  : i32 {
      %mul3A_96 = arith.constant 512 : i32
      %mul3A_97 = arith.muli %scan3A_95, %mul3A_96 : i32
      "tpu.region"() ({
        %run_scoped3A = tpu.sem_alloc : memref<!tpu.dma_semaphore, #tpu.memory_space<semaphore_mem>>
        %dma_start3A = tpu.memref_slice %arg3[%mul3A_97] : memref<327680xi32, #tpu.memory_space<hbm>> -> memref<512xi32, #tpu.memory_space<hbm>>
        %dma_start3A_106 = tpu.memref_slice %arg3[%mul3A_97] : memref<327680xi32, #tpu.memory_space<hbm>> -> memref<512xi32, #tpu.memory_space<hbm>>
        tpu.enqueue_dma source(%dma_start3A_106 : memref<512xi32, #tpu.memory_space<hbm>>) target(%arg6 : memref<512xi32, #tpu.memory_space<vmem>>) target_semaphore(%run_scoped3A : memref<!tpu.dma_semaphore, #tpu.memory_space<semaphore_mem>>)
        %dma_wait3A = tpu.memref_slice %arg3[%mul3A_97] : memref<327680xi32, #tpu.memory_space<hbm>> -> memref<512xi32, #tpu.memory_space<hbm>>
        %dma_wait3A_107 = tpu.memref_slice %arg3[%mul3A_97] : memref<327680xi32, #tpu.memory_space<hbm>> -> memref<512xi32, #tpu.memory_space<hbm>>
        tpu.wait_dma2 semaphore(%run_scoped3A : memref<!tpu.dma_semaphore, #tpu.memory_space<semaphore_mem>>) src(%dma_wait3A_107 : memref<512xi32, #tpu.memory_space<hbm>>) dst(%arg6 : memref<512xi32, #tpu.memory_space<vmem>>)
        tpu.yield
      }) : () -> ()
      %mul3A_98 = arith.constant 512 : i32
      %mul3A_99 = arith.muli %scan3A_95, %mul3A_98 : i32
      "tpu.region"() ({
        %run_scoped3A = tpu.sem_alloc : memref<!tpu.dma_semaphore, #tpu.memory_space<semaphore_mem>>
        %dma_start3A = tpu.memref_slice %arg4[%mul3A_99] : memref<327680xi32, #tpu.memory_space<hbm>> -> memref<512xi32, #tpu.memory_space<hbm>>
        %dma_start3A_106 = tpu.memref_slice %arg4[%mul3A_99] : memref<327680xi32, #tpu.memory_space<hbm>> -> memref<512xi32, #tpu.memory_space<hbm>>
        tpu.enqueue_dma source(%dma_start3A_106 : memref<512xi32, #tpu.memory_space<hbm>>) target(%arg7 : memref<512xi32, #tpu.memory_space<vmem>>) target_semaphore(%run_scoped3A : memref<!tpu.dma_semaphore, #tpu.memory_space<semaphore_mem>>)
        %dma_wait3A = tpu.memref_slice %arg4[%mul3A_99] : memref<327680xi32, #tpu.memory_space<hbm>> -> memref<512xi32, #tpu.memory_space<hbm>>
        %dma_wait3A_107 = tpu.memref_slice %arg4[%mul3A_99] : memref<327680xi32, #tpu.memory_space<hbm>> -> memref<512xi32, #tpu.memory_space<hbm>>
        tpu.wait_dma2 semaphore(%run_scoped3A : memref<!tpu.dma_semaphore, #tpu.memory_space<semaphore_mem>>) src(%dma_wait3A_107 : memref<512xi32, #tpu.memory_space<hbm>>) dst(%arg7 : memref<512xi32, #tpu.memory_space<vmem>>)
        tpu.yield
      }) : () -> ()
      %scan3A_100 = arith.constant 0 : i32
      %scan3A_101 = arith.constant 0 : i32
      %scan3A_102 = arith.constant 16 : i32
      %scan3A_103 = arith.addi %scan3A_101, %scan3A_102 : i32
      %scan3A_104 = arith.constant 1 : i32
      scf.for %scan3A_106 = %scan3A_101 to %scan3A_103 step %scan3A_104  : i32 {
        %mul3A_107 = arith.constant 8 : i32
        %mul3A_108 = arith.muli %scan3A_106, %mul3A_107 : i32
        %add3A_109 = arith.constant 0 : i32
        %add3A_110 = arith.addi %mul3A_108, %add3A_109 : i32
        %mul3A_111 = arith.constant 4 : i32
        %mul3A_112 = arith.muli %add3A_110, %mul3A_111 : i32
        %add3A_113 = vector.broadcast %mul3A_112 : i32 to vector<16xi32>
        %add3A_114 = arith.addi %select_n3A, %add3A_113 : vector<16xi32>
        %gather3A = tpu.vector_load_idx %arg6[%add3A_114] : memref<512xi32, #tpu.memory_space<vmem>>[vector<16xi32>], vector<16xi32>,
        %gather3A_115 = tpu.vector_load_idx %arg7[%add3A_114] : memref<512xi32, #tpu.memory_space<vmem>>[vector<16xi32>], vector<16xi32>,
        %gather3A_116 = tpu.vector_load_idx %arg8[%add3A_80, %gather3A] : memref<8x10000xf32, #tpu.memory_space<vmem>>[vector<16xi32>, vector<16xi32>], vector<16xf32>,
        %add3A_117 = arith.addi %mul3A_49, %gather3A_115 : vector<16xi32>
        tpu.vector_store_idx %arg9[%add3A_117], %gather3A_116 {add = true} : memref<40960xf32, #tpu.memory_space<vmem>>[vector<16xi32>], vector<16xf32>,
        %mul3A_118 = arith.constant 8 : i32
        %mul3A_119 = arith.muli %scan3A_106, %mul3A_118 : i32
        %add3A_120 = arith.constant 1 : i32
        %add3A_121 = arith.addi %mul3A_119, %add3A_120 : i32
        %mul3A_122 = arith.constant 4 : i32
        %mul3A_123 = arith.muli %add3A_121, %mul3A_122 : i32
        %add3A_124 = vector.broadcast %mul3A_123 : i32 to vector<16xi32>
        %add3A_125 = arith.addi %select_n3A, %add3A_124 : vector<16xi32>
        %gather3A_126 = tpu.vector_load_idx %arg6[%add3A_125] : memref<512xi32, #tpu.memory_space<vmem>>[vector<16xi32>], vector<16xi32>,
        %gather3A_127 = tpu.vector_load_idx %arg7[%add3A_125] : memref<512xi32, #tpu.memory_space<vmem>>[vector<16xi32>], vector<16xi32>,
        %gather3A_128 = tpu.vector_load_idx %arg8[%add3A_80, %gather3A_126] : memref<8x10000xf32, #tpu.memory_space<vmem>>[vector<16xi32>, vector<16xi32>], vector<16xf32>,
        %add3A_129 = arith.addi %mul3A_49, %gather3A_127 : vector<16xi32>
        tpu.vector_store_idx %arg9[%add3A_129], %gather3A_128 {add = true} : memref<40960xf32, #tpu.memory_space<vmem>>[vector<16xi32>], vector<16xf32>,
        %mul3A_130 = arith.constant 8 : i32
        %mul3A_131 = arith.muli %scan3A_106, %mul3A_130 : i32
        %add3A_132 = arith.constant 2 : i32
        %add3A_133 = arith.addi %mul3A_131, %add3A_132 : i32
        %mul3A_134 = arith.constant 4 : i32
        %mul3A_135 = arith.muli %add3A_133, %mul3A_134 : i32
        %add3A_136 = vector.broadcast %mul3A_135 : i32 to vector<16xi32>
        %add3A_137 = arith.addi %select_n3A, %add3A_136 : vector<16xi32>
        %gather3A_138 = tpu.vector_load_idx %arg6[%add3A_137] : memref<512xi32, #tpu.memory_space<vmem>>[vector<16xi32>], vector<16xi32>,
        %gather3A_139 = tpu.vector_load_idx %arg7[%add3A_137] : memref<512xi32, #tpu.memory_space<vmem>>[vector<16xi32>], vector<16xi32>,
        %gather3A_140 = tpu.vector_load_idx %arg8[%add3A_80, %gather3A_138] : memref<8x10000xf32, #tpu.memory_space<vmem>>[vector<16xi32>, vector<16xi32>], vector<16xf32>,
        %add3A_141 = arith.addi %mul3A_49, %gather3A_139 : vector<16xi32>
        tpu.vector_store_idx %arg9[%add3A_141], %gather3A_140 {add = true} : memref<40960xf32, #tpu.memory_space<vmem>>[vector<16xi32>], vector<16xf32>,
        %mul3A_142 = arith.constant 8 : i32
        %mul3A_143 = arith.muli %scan3A_106, %mul3A_142 : i32
        %add3A_144 = arith.constant 3 : i32
        %add3A_145 = arith.addi %mul3A_143, %add3A_144 : i32
        %mul3A_146 = arith.constant 4 : i32
        %mul3A_147 = arith.muli %add3A_145, %mul3A_146 : i32
        %add3A_148 = vector.broadcast %mul3A_147 : i32 to vector<16xi32>
        %add3A_149 = arith.addi %select_n3A, %add3A_148 : vector<16xi32>
        %gather3A_150 = tpu.vector_load_idx %arg6[%add3A_149] : memref<512xi32, #tpu.memory_space<vmem>>[vector<16xi32>], vector<16xi32>,
        %gather3A_151 = tpu.vector_load_idx %arg7[%add3A_149] : memref<512xi32, #tpu.memory_space<vmem>>[vector<16xi32>], vector<16xi32>,
        %gather3A_152 = tpu.vector_load_idx %arg8[%add3A_80, %gather3A_150] : memref<8x10000xf32, #tpu.memory_space<vmem>>[vector<16xi32>, vector<16xi32>], vector<16xf32>,
        %add3A_153 = arith.addi %mul3A_49, %gather3A_151 : vector<16xi32>
        tpu.vector_store_idx %arg9[%add3A_153], %gather3A_152 {add = true} : memref<40960xf32, #tpu.memory_space<vmem>>[vector<16xi32>], vector<16xf32>,
        %mul3A_154 = arith.constant 8 : i32
        %mul3A_155 = arith.muli %scan3A_106, %mul3A_154 : i32
        %add3A_156 = arith.constant 4 : i32
        %add3A_157 = arith.addi %mul3A_155, %add3A_156 : i32
        %mul3A_158 = arith.constant 4 : i32
        %mul3A_159 = arith.muli %add3A_157, %mul3A_158 : i32
        %add3A_160 = vector.broadcast %mul3A_159 : i32 to vector<16xi32>
        %add3A_161 = arith.addi %select_n3A, %add3A_160 : vector<16xi32>
        %gather3A_162 = tpu.vector_load_idx %arg6[%add3A_161] : memref<512xi32, #tpu.memory_space<vmem>>[vector<16xi32>], vector<16xi32>,
        %gather3A_163 = tpu.vector_load_idx %arg7[%add3A_161] : memref<512xi32, #tpu.memory_space<vmem>>[vector<16xi32>], vector<16xi32>,
        %gather3A_164 = tpu.vector_load_idx %arg8[%add3A_80, %gather3A_162] : memref<8x10000xf32, #tpu.memory_space<vmem>>[vector<16xi32>, vector<16xi32>], vector<16xf32>,
        %add3A_165 = arith.addi %mul3A_49, %gather3A_163 : vector<16xi32>
        tpu.vector_store_idx %arg9[%add3A_165], %gather3A_164 {add = true} : memref<40960xf32, #tpu.memory_space<vmem>>[vector<16xi32>], vector<16xf32>,
        %mul3A_166 = arith.constant 8 : i32
        %mul3A_167 = arith.muli %scan3A_106, %mul3A_166 : i32
        %add3A_168 = arith.constant 5 : i32
        %add3A_169 = arith.addi %mul3A_167, %add3A_168 : i32
        %mul3A_170 = arith.constant 4 : i32
        %mul3A_171 = arith.muli %add3A_169, %mul3A_170 : i32
        %add3A_172 = vector.broadcast %mul3A_171 : i32 to vector<16xi32>
        %add3A_173 = arith.addi %select_n3A, %add3A_172 : vector<16xi32>
        %gather3A_174 = tpu.vector_load_idx %arg6[%add3A_173] : memref<512xi32, #tpu.memory_space<vmem>>[vector<16xi32>], vector<16xi32>,
        %gather3A_175 = tpu.vector_load_idx %arg7[%add3A_173] : memref<512xi32, #tpu.memory_space<vmem>>[vector<16xi32>], vector<16xi32>,
        %gather3A_176 = tpu.vector_load_idx %arg8[%add3A_80, %gather3A_174] : memref<8x10000xf32, #tpu.memory_space<vmem>>[vector<16xi32>, vector<16xi32>], vector<16xf32>,
        %add3A_177 = arith.addi %mul3A_49, %gather3A_175 : vector<16xi32>
        tpu.vector_store_idx %arg9[%add3A_177], %gather3A_176 {add = true} : memref<40960xf32, #tpu.memory_space<vmem>>[vector<16xi32>], vector<16xf32>,
        %mul3A_178 = arith.constant 8 : i32
        %mul3A_179 = arith.muli %scan3A_106, %mul3A_178 : i32
        %add3A_180 = arith.constant 6 : i32
        %add3A_181 = arith.addi %mul3A_179, %add3A_180 : i32
        %mul3A_182 = arith.constant 4 : i32
        %mul3A_183 = arith.muli %add3A_181, %mul3A_182 : i32
        %add3A_184 = vector.broadcast %mul3A_183 : i32 to vector<16xi32>
        %add3A_185 = arith.addi %select_n3A, %add3A_184 : vector<16xi32>
        %gather3A_186 = tpu.vector_load_idx %arg6[%add3A_185] : memref<512xi32, #tpu.memory_space<vmem>>[vector<16xi32>], vector<16xi32>,
        %gather3A_187 = tpu.vector_load_idx %arg7[%add3A_185] : memref<512xi32, #tpu.memory_space<vmem>>[vector<16xi32>], vector<16xi32>,
        %gather3A_188 = tpu.vector_load_idx %arg8[%add3A_80, %gather3A_186] : memref<8x10000xf32, #tpu.memory_space<vmem>>[vector<16xi32>, vector<16xi32>], vector<16xf32>,
        %add3A_189 = arith.addi %mul3A_49, %gather3A_187 : vector<16xi32>
        tpu.vector_store_idx %arg9[%add3A_189], %gather3A_188 {add = true} : memref<40960xf32, #tpu.memory_space<vmem>>[vector<16xi32>], vector<16xf32>,
        %mul3A_190 = arith.constant 8 : i32
        %mul3A_191 = arith.muli %scan3A_106, %mul3A_190 : i32
        %add3A_192 = arith.constant 7 : i32
        %add3A_193 = arith.addi %mul3A_191, %add3A_192 : i32
        %mul3A_194 = arith.constant 4 : i32
        %mul3A_195 = arith.muli %add3A_193, %mul3A_194 : i32
        %add3A_196 = vector.broadcast %mul3A_195 : i32 to vector<16xi32>
        %add3A_197 = arith.addi %select_n3A, %add3A_196 : vector<16xi32>
        %gather3A_198 = tpu.vector_load_idx %arg6[%add3A_197] : memref<512xi32, #tpu.memory_space<vmem>>[vector<16xi32>], vector<16xi32>,
        %gather3A_199 = tpu.vector_load_idx %arg7[%add3A_197] : memref<512xi32, #tpu.memory_space<vmem>>[vector<16xi32>], vector<16xi32>,
        %gather3A_200 = tpu.vector_load_idx %arg8[%add3A_80, %gather3A_198] : memref<8x10000xf32, #tpu.memory_space<vmem>>[vector<16xi32>, vector<16xi32>], vector<16xf32>,
        %add3A_201 = arith.addi %mul3A_49, %gather3A_199 : vector<16xi32>
        tpu.vector_store_idx %arg9[%add3A_201], %gather3A_200 {add = true} : memref<40960xf32, #tpu.memory_space<vmem>>[vector<16xi32>], vector<16xf32>,
      }
      %scan3A_105 = arith.constant 16 : i32
    }
    %scan3A_86 = arith.constant 640 : i32
    %mul3A_87 = arith.constant 2 : i32
    %mul3A_88 = arith.muli %add3A, %mul3A_87 : i32
    %add3A_89 = arith.constant 1 : i32
    %add3A_90 = arith.addi %mul3A_88, %add3A_89 : i32
    %mul3A_91 = arith.constant 4 : i32
    %mul3A_92 = arith.muli %add3A_90, %mul3A_91 : i32
    %mul3A_93 = arith.constant 10240 : i32
    %mul3A_94 = arith.muli %mul3A_92, %mul3A_93 : i32
    "tpu.region"() ({
      %run_scoped3A = tpu.sem_alloc : memref<!tpu.dma_semaphore, #tpu.memory_space<semaphore_mem>>
      %dma_start3A = tpu.memref_slice %arg5[%mul3A_94] : memref<2621440xf32, #tpu.memory_space<hbm>> -> memref<40960xf32, #tpu.memory_space<hbm>>
      %dma_start3A_95 = tpu.memref_slice %arg5[%mul3A_94] : memref<2621440xf32, #tpu.memory_space<hbm>> -> memref<40960xf32, #tpu.memory_space<hbm>>
      tpu.enqueue_dma source(%arg9 : memref<40960xf32, #tpu.memory_space<vmem>>) target(%dma_start3A_95 : memref<40960xf32, #tpu.memory_space<hbm>>) target_semaphore(%run_scoped3A : memref<!tpu.dma_semaphore, #tpu.memory_space<semaphore_mem>>)
      %dma_wait3A = tpu.memref_slice %arg5[%mul3A_94] : memref<2621440xf32, #tpu.memory_space<hbm>> -> memref<40960xf32, #tpu.memory_space<hbm>>
      %dma_wait3A_96 = tpu.memref_slice %arg5[%mul3A_94] : memref<2621440xf32, #tpu.memory_space<hbm>> -> memref<40960xf32, #tpu.memory_space<hbm>>
      tpu.wait_dma2 semaphore(%run_scoped3A : memref<!tpu.dma_semaphore, #tpu.memory_space<semaphore_mem>>) src(%arg9 : memref<40960xf32, #tpu.memory_space<vmem>>) dst(%dma_wait3A_96 : memref<40960xf32, #tpu.memory_space<hbm>>)
      tpu.yield
    }) : () -> ()
    return
  }
}

#map = affine_map<(d0, d1) -> (0, 0)>
#map1 = affine_map<(d0, d1) -> (0)>
module attributes {stable_mosaic.version = 14 : i64} {
  func.func @_sc_edge(%arg0: i32, %arg1: i32, %arg2: memref<256x10000xf32, #tpu.memory_space<hbm>>, %arg3: memref<327680xi32, #tpu.memory_space<hbm>>, %arg4: memref<327680xi32, #tpu.memory_space<hbm>>, %arg5: memref<2621440xf32, #tpu.memory_space<hbm>>, %arg6: memref<512xi32, #tpu.memory_space<vmem>>, %arg7: memref<512xi32, #tpu.memory_space<vmem>>, %arg8: memref<8x10000xf32, #tpu.memory_space<vmem>>, %arg9: memref<40960xf32, #tpu.memory_space<vmem>>) attributes {dimension_semantics = [#tpu.dimension_semantics<core_parallel>, #tpu.dimension_semantics<subcore_parallel>], iteration_bounds = array<i64: 2, 16>, scalar_prefetch = 0 : i64, scratch_operands = 4 : i64, tpu.core_type = #tpu.core_type<sc_vector_subcore>, window_params = [{transform_indices = #map}, {transform_indices = #map1}, {transform_indices = #map1}, {transform_indices = #map1}]} {
    %mul3A = arith.constant 16 : i32
    %mul3A_0 = arith.muli %arg0, %mul3A : i32
    %add3A = arith.addi %mul3A_0, %arg1 : i32
    %broadcast_in_dim3A = arith.constant 0.000000e+00 : f32
    %broadcast_in_dim3A_1 = vector.broadcast %broadcast_in_dim3A : f32 to vector<16xf32>
    %iota3A = tpu.iota {dimensions = array<i32: 0>} : vector<16xi32>
    %jit3A = arith.constant 4 : i32
    %div3A = vector.broadcast %jit3A : i32 to vector<16xi32>
    %div3A_2 = arith.divsi %iota3A, %div3A : vector<16xi32>
    %sign3A = arith.constant 0 : i32
    %sign3A_3 = vector.broadcast %sign3A : i32 to vector<16xi32>
    %sign3A_4 = arith.cmpi sgt, %iota3A, %sign3A_3 : vector<16xi32>
    %sign3A_5 = arith.extui %sign3A_4 : vector<16xi1> to vector<16xi32>
    %sign3A_6 = arith.constant 0 : i32
    %sign3A_7 = vector.broadcast %sign3A_6 : i32 to vector<16xi32>
    %sign3A_8 = arith.cmpi slt, %iota3A, %sign3A_7 : vector<16xi32>
    %sign3A_9 = arith.extui %sign3A_8 : vector<16xi1> to vector<16xi32>
    %sign3A_10 = arith.subi %sign3A_5, %sign3A_9 : vector<16xi32>
    %sign3A_11 = arith.constant 0 : i32
    %sign3A_12 = arith.cmpi sgt, %jit3A, %sign3A_11 : i32
    %sign3A_13 = arith.extui %sign3A_12 : i1 to i32
    %sign3A_14 = arith.constant 0 : i32
    %sign3A_15 = arith.cmpi slt, %jit3A, %sign3A_14 : i32
    %sign3A_16 = arith.extui %sign3A_15 : i1 to i32
    %sign3A_17 = arith.subi %sign3A_13, %sign3A_16 : i32
    %ne3A = vector.broadcast %sign3A_17 : i32 to vector<16xi32>
    %ne3A_18 = arith.cmpi ne, %sign3A_10, %ne3A : vector<16xi32>
    %rem3A = vector.broadcast %jit3A : i32 to vector<16xi32>
    %rem3A_19 = arith.remsi %iota3A, %rem3A : vector<16xi32>
    %ne3A_20 = arith.constant 0 : i32
    %ne3A_21 = vector.broadcast %ne3A_20 : i32 to vector<16xi32>
    %ne3A_22 = arith.cmpi ne, %rem3A_19, %ne3A_21 : vector<16xi32>
    %and3A = arith.andi %ne3A_18, %ne3A_22 : vector<16xi1>
    %sub3A = arith.constant 1 : i32
    %sub3A_23 = vector.broadcast %sub3A : i32 to vector<16xi32>
    %sub3A_24 = arith.subi %div3A_2, %sub3A_23 : vector<16xi32>
    %select_n3A = arith.select %and3A, %sub3A_24, %div3A_2 : vector<16xi1>, vector<16xi32>
    %jit3A_25 = arith.constant 4 : i32
    %eq3A = arith.constant 0 : i32
    %eq3A_26 = arith.cmpi eq, %jit3A_25, %eq3A : i32
    %jit3A_27 = arith.constant 1 : i32
    %select_n3A_28 = arith.select %eq3A_26, %jit3A_27, %jit3A_25 : i32
    %rem3A_29 = vector.broadcast %select_n3A_28 : i32 to vector<16xi32>
    %rem3A_30 = arith.remsi %iota3A, %rem3A_29 : vector<16xi32>
    %ne3A_31 = arith.constant 0 : i32
    %ne3A_32 = vector.broadcast %ne3A_31 : i32 to vector<16xi32>
    %ne3A_33 = arith.cmpi ne, %rem3A_30, %ne3A_32 : vector<16xi32>
    %lt3A = arith.constant 0 : i32
    %lt3A_34 = vector.broadcast %lt3A : i32 to vector<16xi32>
    %lt3A_35 = arith.cmpi slt, %rem3A_30, %lt3A_34 : vector<16xi32>
    %lt3A_36 = arith.constant 0 : i32
    %lt3A_37 = arith.cmpi slt, %select_n3A_28, %lt3A_36 : i32
    %ne3A_38 = vector.broadcast %lt3A_37 : i1 to vector<16xi1>
    %ne3A_39 = vector.broadcast %ne3A_38 : vector<16xi1> to vector<16xi1>
    %ne3A_40 = arith.xori %lt3A_35, %ne3A_39 : vector<16xi1>
    %and3A_41 = arith.andi %ne3A_40, %ne3A_33 : vector<16xi1>
    %add3A_42 = vector.broadcast %select_n3A_28 : i32 to vector<16xi32>
    %add3A_43 = arith.addi %rem3A_30, %add3A_42 : vector<16xi32>
    %select_n3A_44 = arith.select %and3A_41, %add3A_43, %rem3A_30 : vector<16xi1>, vector<16xi32>
    %mul3A_45 = arith.constant 8 : i32
    %mul3A_46 = arith.muli %add3A, %mul3A_45 : i32
    "tpu.region"() ({
      %run_scoped3A = tpu.sem_alloc : memref<!tpu.dma_semaphore, #tpu.memory_space<semaphore_mem>>
      %dma_start3A = arith.constant 0 : i32
      %dma_start3A_95 = tpu.memref_slice %arg2[%mul3A_46, %dma_start3A] : memref<256x10000xf32, #tpu.memory_space<hbm>> -> memref<8x10000xf32, #tpu.memory_space<hbm>>
      %dma_start3A_96 = arith.constant 0 : i32
      %dma_start3A_97 = tpu.memref_slice %arg2[%mul3A_46, %dma_start3A_96] : memref<256x10000xf32, #tpu.memory_space<hbm>> -> memref<8x10000xf32, #tpu.memory_space<hbm>>
      tpu.enqueue_dma source(%dma_start3A_97 : memref<8x10000xf32, #tpu.memory_space<hbm>>) target(%arg8 : memref<8x10000xf32, #tpu.memory_space<vmem>>) target_semaphore(%run_scoped3A : memref<!tpu.dma_semaphore, #tpu.memory_space<semaphore_mem>>)
      %dma_wait3A = arith.constant 0 : i32
      %dma_wait3A_98 = tpu.memref_slice %arg2[%mul3A_46, %dma_wait3A] : memref<256x10000xf32, #tpu.memory_space<hbm>> -> memref<8x10000xf32, #tpu.memory_space<hbm>>
      %dma_wait3A_99 = arith.constant 0 : i32
      %dma_wait3A_100 = tpu.memref_slice %arg2[%mul3A_46, %dma_wait3A_99] : memref<256x10000xf32, #tpu.memory_space<hbm>> -> memref<8x10000xf32, #tpu.memory_space<hbm>>
      tpu.wait_dma2 semaphore(%run_scoped3A : memref<!tpu.dma_semaphore, #tpu.memory_space<semaphore_mem>>) src(%dma_wait3A_100 : memref<8x10000xf32, #tpu.memory_space<hbm>>) dst(%arg8 : memref<8x10000xf32, #tpu.memory_space<vmem>>)
      tpu.yield
    }) : () -> ()
    %mul3A_47 = arith.constant 10240 : i32
    %mul3A_48 = vector.broadcast %mul3A_47 : i32 to vector<16xi32>
    %mul3A_49 = arith.muli %select_n3A_44, %mul3A_48 : vector<16xi32>
    %scan3A = arith.constant 0 : i32
    %scan3A_50 = arith.constant 0 : i32
    %scan3A_51 = arith.constant 320 : i32
    %scan3A_52 = arith.addi %scan3A_50, %scan3A_51 : i32
    %scan3A_53 = arith.constant 1 : i32
    scf.for %scan3A_95 = %scan3A_50 to %scan3A_52 step %scan3A_53  : i32 {
      %mul3A_96 = arith.constant 8 : i32
      %mul3A_97 = arith.muli %scan3A_95, %mul3A_96 : i32
      %add3A_98 = arith.constant 0 : i32
      %add3A_99 = arith.addi %mul3A_97, %add3A_98 : i32
      %mul3A_100 = arith.constant 16 : i32
      %mul3A_101 = arith.muli %add3A_99, %mul3A_100 : i32
      %swap3A = arith.index_cast %mul3A_101 : i32 to index
      %swap3A_102 = tpu.vector_load %arg9[%swap3A] {strides = array<i32>} : memref<40960xf32, #tpu.memory_space<vmem>>, vector<16xf32>,
      tpu.vector_store %arg9[%swap3A], %broadcast_in_dim3A_1 {strides = array<i32>} : memref<40960xf32, #tpu.memory_space<vmem>>, vector<16xf32>,
      %mul3A_103 = arith.constant 8 : i32
      %mul3A_104 = arith.muli %scan3A_95, %mul3A_103 : i32
      %add3A_105 = arith.constant 1 : i32
      %add3A_106 = arith.addi %mul3A_104, %add3A_105 : i32
      %mul3A_107 = arith.constant 16 : i32
      %mul3A_108 = arith.muli %add3A_106, %mul3A_107 : i32
      %swap3A_109 = arith.index_cast %mul3A_108 : i32 to index
      %swap3A_110 = tpu.vector_load %arg9[%swap3A_109] {strides = array<i32>} : memref<40960xf32, #tpu.memory_space<vmem>>, vector<16xf32>,
      tpu.vector_store %arg9[%swap3A_109], %broadcast_in_dim3A_1 {strides = array<i32>} : memref<40960xf32, #tpu.memory_space<vmem>>, vector<16xf32>,
      %mul3A_111 = arith.constant 8 : i32
      %mul3A_112 = arith.muli %scan3A_95, %mul3A_111 : i32
      %add3A_113 = arith.constant 2 : i32
      %add3A_114 = arith.addi %mul3A_112, %add3A_113 : i32
      %mul3A_115 = arith.constant 16 : i32
      %mul3A_116 = arith.muli %add3A_114, %mul3A_115 : i32
      %swap3A_117 = arith.index_cast %mul3A_116 : i32 to index
      %swap3A_118 = tpu.vector_load %arg9[%swap3A_117] {strides = array<i32>} : memref<40960xf32, #tpu.memory_space<vmem>>, vector<16xf32>,
      tpu.vector_store %arg9[%swap3A_117], %broadcast_in_dim3A_1 {strides = array<i32>} : memref<40960xf32, #tpu.memory_space<vmem>>, vector<16xf32>,
      %mul3A_119 = arith.constant 8 : i32
      %mul3A_120 = arith.muli %scan3A_95, %mul3A_119 : i32
      %add3A_121 = arith.constant 3 : i32
      %add3A_122 = arith.addi %mul3A_120, %add3A_121 : i32
      %mul3A_123 = arith.constant 16 : i32
      %mul3A_124 = arith.muli %add3A_122, %mul3A_123 : i32
      %swap3A_125 = arith.index_cast %mul3A_124 : i32 to index
      %swap3A_126 = tpu.vector_load %arg9[%swap3A_125] {strides = array<i32>} : memref<40960xf32, #tpu.memory_space<vmem>>, vector<16xf32>,
      tpu.vector_store %arg9[%swap3A_125], %broadcast_in_dim3A_1 {strides = array<i32>} : memref<40960xf32, #tpu.memory_space<vmem>>, vector<16xf32>,
      %mul3A_127 = arith.constant 8 : i32
      %mul3A_128 = arith.muli %scan3A_95, %mul3A_127 : i32
      %add3A_129 = arith.constant 4 : i32
      %add3A_130 = arith.addi %mul3A_128, %add3A_129 : i32
      %mul3A_131 = arith.constant 16 : i32
      %mul3A_132 = arith.muli %add3A_130, %mul3A_131 : i32
      %swap3A_133 = arith.index_cast %mul3A_132 : i32 to index
      %swap3A_134 = tpu.vector_load %arg9[%swap3A_133] {strides = array<i32>} : memref<40960xf32, #tpu.memory_space<vmem>>, vector<16xf32>,
      tpu.vector_store %arg9[%swap3A_133], %broadcast_in_dim3A_1 {strides = array<i32>} : memref<40960xf32, #tpu.memory_space<vmem>>, vector<16xf32>,
      %mul3A_135 = arith.constant 8 : i32
      %mul3A_136 = arith.muli %scan3A_95, %mul3A_135 : i32
      %add3A_137 = arith.constant 5 : i32
      %add3A_138 = arith.addi %mul3A_136, %add3A_137 : i32
      %mul3A_139 = arith.constant 16 : i32
      %mul3A_140 = arith.muli %add3A_138, %mul3A_139 : i32
      %swap3A_141 = arith.index_cast %mul3A_140 : i32 to index
      %swap3A_142 = tpu.vector_load %arg9[%swap3A_141] {strides = array<i32>} : memref<40960xf32, #tpu.memory_space<vmem>>, vector<16xf32>,
      tpu.vector_store %arg9[%swap3A_141], %broadcast_in_dim3A_1 {strides = array<i32>} : memref<40960xf32, #tpu.memory_space<vmem>>, vector<16xf32>,
      %mul3A_143 = arith.constant 8 : i32
      %mul3A_144 = arith.muli %scan3A_95, %mul3A_143 : i32
      %add3A_145 = arith.constant 6 : i32
      %add3A_146 = arith.addi %mul3A_144, %add3A_145 : i32
      %mul3A_147 = arith.constant 16 : i32
      %mul3A_148 = arith.muli %add3A_146, %mul3A_147 : i32
      %swap3A_149 = arith.index_cast %mul3A_148 : i32 to index
      %swap3A_150 = tpu.vector_load %arg9[%swap3A_149] {strides = array<i32>} : memref<40960xf32, #tpu.memory_space<vmem>>, vector<16xf32>,
      tpu.vector_store %arg9[%swap3A_149], %broadcast_in_dim3A_1 {strides = array<i32>} : memref<40960xf32, #tpu.memory_space<vmem>>, vector<16xf32>,
      %mul3A_151 = arith.constant 8 : i32
      %mul3A_152 = arith.muli %scan3A_95, %mul3A_151 : i32
      %add3A_153 = arith.constant 7 : i32
      %add3A_154 = arith.addi %mul3A_152, %add3A_153 : i32
      %mul3A_155 = arith.constant 16 : i32
      %mul3A_156 = arith.muli %add3A_154, %mul3A_155 : i32
      %swap3A_157 = arith.index_cast %mul3A_156 : i32 to index
      %swap3A_158 = tpu.vector_load %arg9[%swap3A_157] {strides = array<i32>} : memref<40960xf32, #tpu.memory_space<vmem>>, vector<16xf32>,
      tpu.vector_store %arg9[%swap3A_157], %broadcast_in_dim3A_1 {strides = array<i32>} : memref<40960xf32, #tpu.memory_space<vmem>>, vector<16xf32>,
    }
    %scan3A_54 = arith.constant 320 : i32
    %add3A_55 = arith.constant 0 : i32
    %add3A_56 = vector.broadcast %add3A_55 : i32 to vector<16xi32>
    %add3A_57 = arith.addi %select_n3A_44, %add3A_56 : vector<16xi32>
    %scan3A_58 = arith.constant 0 : i32
    %scan3A_59 = arith.constant 0 : i32
    %scan3A_60 = arith.constant 640 : i32
    %scan3A_61 = arith.addi %scan3A_59, %scan3A_60 : i32
    %scan3A_62 = arith.constant 1 : i32
    scf.for %scan3A_95 = %scan3A_59 to %scan3A_61 step %scan3A_62  : i32 {
      %mul3A_96 = arith.constant 512 : i32
      %mul3A_97 = arith.muli %scan3A_95, %mul3A_96 : i32
      "tpu.region"() ({
        %run_scoped3A = tpu.sem_alloc : memref<!tpu.dma_semaphore, #tpu.memory_space<semaphore_mem>>
        %dma_start3A = tpu.memref_slice %arg3[%mul3A_97] : memref<327680xi32, #tpu.memory_space<hbm>> -> memref<512xi32, #tpu.memory_space<hbm>>
        %dma_start3A_106 = tpu.memref_slice %arg3[%mul3A_97] : memref<327680xi32, #tpu.memory_space<hbm>> -> memref<512xi32, #tpu.memory_space<hbm>>
        tpu.enqueue_dma source(%dma_start3A_106 : memref<512xi32, #tpu.memory_space<hbm>>) target(%arg6 : memref<512xi32, #tpu.memory_space<vmem>>) target_semaphore(%run_scoped3A : memref<!tpu.dma_semaphore, #tpu.memory_space<semaphore_mem>>)
        %dma_wait3A = tpu.memref_slice %arg3[%mul3A_97] : memref<327680xi32, #tpu.memory_space<hbm>> -> memref<512xi32, #tpu.memory_space<hbm>>
        %dma_wait3A_107 = tpu.memref_slice %arg3[%mul3A_97] : memref<327680xi32, #tpu.memory_space<hbm>> -> memref<512xi32, #tpu.memory_space<hbm>>
        tpu.wait_dma2 semaphore(%run_scoped3A : memref<!tpu.dma_semaphore, #tpu.memory_space<semaphore_mem>>) src(%dma_wait3A_107 : memref<512xi32, #tpu.memory_space<hbm>>) dst(%arg6 : memref<512xi32, #tpu.memory_space<vmem>>)
        tpu.yield
      }) : () -> ()
      %mul3A_98 = arith.constant 512 : i32
      %mul3A_99 = arith.muli %scan3A_95, %mul3A_98 : i32
      "tpu.region"() ({
        %run_scoped3A = tpu.sem_alloc : memref<!tpu.dma_semaphore, #tpu.memory_space<semaphore_mem>>
        %dma_start3A = tpu.memref_slice %arg4[%mul3A_99] : memref<327680xi32, #tpu.memory_space<hbm>> -> memref<512xi32, #tpu.memory_space<hbm>>
        %dma_start3A_106 = tpu.memref_slice %arg4[%mul3A_99] : memref<327680xi32, #tpu.memory_space<hbm>> -> memref<512xi32, #tpu.memory_space<hbm>>
        tpu.enqueue_dma source(%dma_start3A_106 : memref<512xi32, #tpu.memory_space<hbm>>) target(%arg7 : memref<512xi32, #tpu.memory_space<vmem>>) target_semaphore(%run_scoped3A : memref<!tpu.dma_semaphore, #tpu.memory_space<semaphore_mem>>)
        %dma_wait3A = tpu.memref_slice %arg4[%mul3A_99] : memref<327680xi32, #tpu.memory_space<hbm>> -> memref<512xi32, #tpu.memory_space<hbm>>
        %dma_wait3A_107 = tpu.memref_slice %arg4[%mul3A_99] : memref<327680xi32, #tpu.memory_space<hbm>> -> memref<512xi32, #tpu.memory_space<hbm>>
        tpu.wait_dma2 semaphore(%run_scoped3A : memref<!tpu.dma_semaphore, #tpu.memory_space<semaphore_mem>>) src(%dma_wait3A_107 : memref<512xi32, #tpu.memory_space<hbm>>) dst(%arg7 : memref<512xi32, #tpu.memory_space<vmem>>)
        tpu.yield
      }) : () -> ()
      %scan3A_100 = arith.constant 0 : i32
      %scan3A_101 = arith.constant 0 : i32
      %scan3A_102 = arith.constant 16 : i32
      %scan3A_103 = arith.addi %scan3A_101, %scan3A_102 : i32
      %scan3A_104 = arith.constant 1 : i32
      scf.for %scan3A_106 = %scan3A_101 to %scan3A_103 step %scan3A_104  : i32 {
        %mul3A_107 = arith.constant 8 : i32
        %mul3A_108 = arith.muli %scan3A_106, %mul3A_107 : i32
        %add3A_109 = arith.constant 0 : i32
        %add3A_110 = arith.addi %mul3A_108, %add3A_109 : i32
        %mul3A_111 = arith.constant 4 : i32
        %mul3A_112 = arith.muli %add3A_110, %mul3A_111 : i32
        %add3A_113 = vector.broadcast %mul3A_112 : i32 to vector<16xi32>
        %add3A_114 = arith.addi %select_n3A, %add3A_113 : vector<16xi32>
        %gather3A = tpu.vector_load_idx %arg6[%add3A_114] : memref<512xi32, #tpu.memory_space<vmem>>[vector<16xi32>], vector<16xi32>,
        %gather3A_115 = tpu.vector_load_idx %arg7[%add3A_114] : memref<512xi32, #tpu.memory_space<vmem>>[vector<16xi32>], vector<16xi32>,
        %gather3A_116 = tpu.vector_load_idx %arg8[%add3A_57, %gather3A] : memref<8x10000xf32, #tpu.memory_space<vmem>>[vector<16xi32>, vector<16xi32>], vector<16xf32>,
        %add3A_117 = arith.addi %mul3A_49, %gather3A_115 : vector<16xi32>
        tpu.vector_store_idx %arg9[%add3A_117], %gather3A_116 {add = true} : memref<40960xf32, #tpu.memory_space<vmem>>[vector<16xi32>], vector<16xf32>,
        %mul3A_118 = arith.constant 8 : i32
        %mul3A_119 = arith.muli %scan3A_106, %mul3A_118 : i32
        %add3A_120 = arith.constant 1 : i32
        %add3A_121 = arith.addi %mul3A_119, %add3A_120 : i32
        %mul3A_122 = arith.constant 4 : i32
        %mul3A_123 = arith.muli %add3A_121, %mul3A_122 : i32
        %add3A_124 = vector.broadcast %mul3A_123 : i32 to vector<16xi32>
        %add3A_125 = arith.addi %select_n3A, %add3A_124 : vector<16xi32>
        %gather3A_126 = tpu.vector_load_idx %arg6[%add3A_125] : memref<512xi32, #tpu.memory_space<vmem>>[vector<16xi32>], vector<16xi32>,
        %gather3A_127 = tpu.vector_load_idx %arg7[%add3A_125] : memref<512xi32, #tpu.memory_space<vmem>>[vector<16xi32>], vector<16xi32>,
        %gather3A_128 = tpu.vector_load_idx %arg8[%add3A_57, %gather3A_126] : memref<8x10000xf32, #tpu.memory_space<vmem>>[vector<16xi32>, vector<16xi32>], vector<16xf32>,
        %add3A_129 = arith.addi %mul3A_49, %gather3A_127 : vector<16xi32>
        tpu.vector_store_idx %arg9[%add3A_129], %gather3A_128 {add = true} : memref<40960xf32, #tpu.memory_space<vmem>>[vector<16xi32>], vector<16xf32>,
        %mul3A_130 = arith.constant 8 : i32
        %mul3A_131 = arith.muli %scan3A_106, %mul3A_130 : i32
        %add3A_132 = arith.constant 2 : i32
        %add3A_133 = arith.addi %mul3A_131, %add3A_132 : i32
        %mul3A_134 = arith.constant 4 : i32
        %mul3A_135 = arith.muli %add3A_133, %mul3A_134 : i32
        %add3A_136 = vector.broadcast %mul3A_135 : i32 to vector<16xi32>
        %add3A_137 = arith.addi %select_n3A, %add3A_136 : vector<16xi32>
        %gather3A_138 = tpu.vector_load_idx %arg6[%add3A_137] : memref<512xi32, #tpu.memory_space<vmem>>[vector<16xi32>], vector<16xi32>,
        %gather3A_139 = tpu.vector_load_idx %arg7[%add3A_137] : memref<512xi32, #tpu.memory_space<vmem>>[vector<16xi32>], vector<16xi32>,
        %gather3A_140 = tpu.vector_load_idx %arg8[%add3A_57, %gather3A_138] : memref<8x10000xf32, #tpu.memory_space<vmem>>[vector<16xi32>, vector<16xi32>], vector<16xf32>,
        %add3A_141 = arith.addi %mul3A_49, %gather3A_139 : vector<16xi32>
        tpu.vector_store_idx %arg9[%add3A_141], %gather3A_140 {add = true} : memref<40960xf32, #tpu.memory_space<vmem>>[vector<16xi32>], vector<16xf32>,
        %mul3A_142 = arith.constant 8 : i32
        %mul3A_143 = arith.muli %scan3A_106, %mul3A_142 : i32
        %add3A_144 = arith.constant 3 : i32
        %add3A_145 = arith.addi %mul3A_143, %add3A_144 : i32
        %mul3A_146 = arith.constant 4 : i32
        %mul3A_147 = arith.muli %add3A_145, %mul3A_146 : i32
        %add3A_148 = vector.broadcast %mul3A_147 : i32 to vector<16xi32>
        %add3A_149 = arith.addi %select_n3A, %add3A_148 : vector<16xi32>
        %gather3A_150 = tpu.vector_load_idx %arg6[%add3A_149] : memref<512xi32, #tpu.memory_space<vmem>>[vector<16xi32>], vector<16xi32>,
        %gather3A_151 = tpu.vector_load_idx %arg7[%add3A_149] : memref<512xi32, #tpu.memory_space<vmem>>[vector<16xi32>], vector<16xi32>,
        %gather3A_152 = tpu.vector_load_idx %arg8[%add3A_57, %gather3A_150] : memref<8x10000xf32, #tpu.memory_space<vmem>>[vector<16xi32>, vector<16xi32>], vector<16xf32>,
        %add3A_153 = arith.addi %mul3A_49, %gather3A_151 : vector<16xi32>
        tpu.vector_store_idx %arg9[%add3A_153], %gather3A_152 {add = true} : memref<40960xf32, #tpu.memory_space<vmem>>[vector<16xi32>], vector<16xf32>,
        %mul3A_154 = arith.constant 8 : i32
        %mul3A_155 = arith.muli %scan3A_106, %mul3A_154 : i32
        %add3A_156 = arith.constant 4 : i32
        %add3A_157 = arith.addi %mul3A_155, %add3A_156 : i32
        %mul3A_158 = arith.constant 4 : i32
        %mul3A_159 = arith.muli %add3A_157, %mul3A_158 : i32
        %add3A_160 = vector.broadcast %mul3A_159 : i32 to vector<16xi32>
        %add3A_161 = arith.addi %select_n3A, %add3A_160 : vector<16xi32>
        %gather3A_162 = tpu.vector_load_idx %arg6[%add3A_161] : memref<512xi32, #tpu.memory_space<vmem>>[vector<16xi32>], vector<16xi32>,
        %gather3A_163 = tpu.vector_load_idx %arg7[%add3A_161] : memref<512xi32, #tpu.memory_space<vmem>>[vector<16xi32>], vector<16xi32>,
        %gather3A_164 = tpu.vector_load_idx %arg8[%add3A_57, %gather3A_162] : memref<8x10000xf32, #tpu.memory_space<vmem>>[vector<16xi32>, vector<16xi32>], vector<16xf32>,
        %add3A_165 = arith.addi %mul3A_49, %gather3A_163 : vector<16xi32>
        tpu.vector_store_idx %arg9[%add3A_165], %gather3A_164 {add = true} : memref<40960xf32, #tpu.memory_space<vmem>>[vector<16xi32>], vector<16xf32>,
        %mul3A_166 = arith.constant 8 : i32
        %mul3A_167 = arith.muli %scan3A_106, %mul3A_166 : i32
        %add3A_168 = arith.constant 5 : i32
        %add3A_169 = arith.addi %mul3A_167, %add3A_168 : i32
        %mul3A_170 = arith.constant 4 : i32
        %mul3A_171 = arith.muli %add3A_169, %mul3A_170 : i32
        %add3A_172 = vector.broadcast %mul3A_171 : i32 to vector<16xi32>
        %add3A_173 = arith.addi %select_n3A, %add3A_172 : vector<16xi32>
        %gather3A_174 = tpu.vector_load_idx %arg6[%add3A_173] : memref<512xi32, #tpu.memory_space<vmem>>[vector<16xi32>], vector<16xi32>,
        %gather3A_175 = tpu.vector_load_idx %arg7[%add3A_173] : memref<512xi32, #tpu.memory_space<vmem>>[vector<16xi32>], vector<16xi32>,
        %gather3A_176 = tpu.vector_load_idx %arg8[%add3A_57, %gather3A_174] : memref<8x10000xf32, #tpu.memory_space<vmem>>[vector<16xi32>, vector<16xi32>], vector<16xf32>,
        %add3A_177 = arith.addi %mul3A_49, %gather3A_175 : vector<16xi32>
        tpu.vector_store_idx %arg9[%add3A_177], %gather3A_176 {add = true} : memref<40960xf32, #tpu.memory_space<vmem>>[vector<16xi32>], vector<16xf32>,
        %mul3A_178 = arith.constant 8 : i32
        %mul3A_179 = arith.muli %scan3A_106, %mul3A_178 : i32
        %add3A_180 = arith.constant 6 : i32
        %add3A_181 = arith.addi %mul3A_179, %add3A_180 : i32
        %mul3A_182 = arith.constant 4 : i32
        %mul3A_183 = arith.muli %add3A_181, %mul3A_182 : i32
        %add3A_184 = vector.broadcast %mul3A_183 : i32 to vector<16xi32>
        %add3A_185 = arith.addi %select_n3A, %add3A_184 : vector<16xi32>
        %gather3A_186 = tpu.vector_load_idx %arg6[%add3A_185] : memref<512xi32, #tpu.memory_space<vmem>>[vector<16xi32>], vector<16xi32>,
        %gather3A_187 = tpu.vector_load_idx %arg7[%add3A_185] : memref<512xi32, #tpu.memory_space<vmem>>[vector<16xi32>], vector<16xi32>,
        %gather3A_188 = tpu.vector_load_idx %arg8[%add3A_57, %gather3A_186] : memref<8x10000xf32, #tpu.memory_space<vmem>>[vector<16xi32>, vector<16xi32>], vector<16xf32>,
        %add3A_189 = arith.addi %mul3A_49, %gather3A_187 : vector<16xi32>
        tpu.vector_store_idx %arg9[%add3A_189], %gather3A_188 {add = true} : memref<40960xf32, #tpu.memory_space<vmem>>[vector<16xi32>], vector<16xf32>,
        %mul3A_190 = arith.constant 8 : i32
        %mul3A_191 = arith.muli %scan3A_106, %mul3A_190 : i32
        %add3A_192 = arith.constant 7 : i32
        %add3A_193 = arith.addi %mul3A_191, %add3A_192 : i32
        %mul3A_194 = arith.constant 4 : i32
        %mul3A_195 = arith.muli %add3A_193, %mul3A_194 : i32
        %add3A_196 = vector.broadcast %mul3A_195 : i32 to vector<16xi32>
        %add3A_197 = arith.addi %select_n3A, %add3A_196 : vector<16xi32>
        %gather3A_198 = tpu.vector_load_idx %arg6[%add3A_197] : memref<512xi32, #tpu.memory_space<vmem>>[vector<16xi32>], vector<16xi32>,
        %gather3A_199 = tpu.vector_load_idx %arg7[%add3A_197] : memref<512xi32, #tpu.memory_space<vmem>>[vector<16xi32>], vector<16xi32>,
        %gather3A_200 = tpu.vector_load_idx %arg8[%add3A_57, %gather3A_198] : memref<8x10000xf32, #tpu.memory_space<vmem>>[vector<16xi32>, vector<16xi32>], vector<16xf32>,
        %add3A_201 = arith.addi %mul3A_49, %gather3A_199 : vector<16xi32>
        tpu.vector_store_idx %arg9[%add3A_201], %gather3A_200 {add = true} : memref<40960xf32, #tpu.memory_space<vmem>>[vector<16xi32>], vector<16xf32>,
      }
      %scan3A_105 = arith.constant 16 : i32
    }
    %scan3A_63 = arith.constant 640 : i32
    %mul3A_64 = arith.constant 2 : i32
    %mul3A_65 = arith.muli %add3A, %mul3A_64 : i32
    %add3A_66 = arith.constant 0 : i32
    %add3A_67 = arith.addi %mul3A_65, %add3A_66 : i32
    %mul3A_68 = arith.constant 4 : i32
    %mul3A_69 = arith.muli %add3A_67, %mul3A_68 : i32
    %mul3A_70 = arith.constant 10240 : i32
    %mul3A_71 = arith.muli %mul3A_69, %mul3A_70 : i32
    "tpu.region"() ({
      %run_scoped3A = tpu.sem_alloc : memref<!tpu.dma_semaphore, #tpu.memory_space<semaphore_mem>>
      %dma_start3A = tpu.memref_slice %arg5[%mul3A_71] : memref<2621440xf32, #tpu.memory_space<hbm>> -> memref<40960xf32, #tpu.memory_space<hbm>>
      %dma_start3A_95 = tpu.memref_slice %arg5[%mul3A_71] : memref<2621440xf32, #tpu.memory_space<hbm>> -> memref<40960xf32, #tpu.memory_space<hbm>>
      tpu.enqueue_dma source(%arg9 : memref<40960xf32, #tpu.memory_space<vmem>>) target(%dma_start3A_95 : memref<40960xf32, #tpu.memory_space<hbm>>) target_semaphore(%run_scoped3A : memref<!tpu.dma_semaphore, #tpu.memory_space<semaphore_mem>>)
      %dma_wait3A = tpu.memref_slice %arg5[%mul3A_71] : memref<2621440xf32, #tpu.memory_space<hbm>> -> memref<40960xf32, #tpu.memory_space<hbm>>
      %dma_wait3A_96 = tpu.memref_slice %arg5[%mul3A_71] : memref<2621440xf32, #tpu.memory_space<hbm>> -> memref<40960xf32, #tpu.memory_space<hbm>>
      tpu.wait_dma2 semaphore(%run_scoped3A : memref<!tpu.dma_semaphore, #tpu.memory_space<semaphore_mem>>) src(%arg9 : memref<40960xf32, #tpu.memory_space<vmem>>) dst(%dma_wait3A_96 : memref<40960xf32, #tpu.memory_space<hbm>>)
      tpu.yield
    }) : () -> ()
    %scan3A_72 = arith.constant 0 : i32
    %scan3A_73 = arith.constant 0 : i32
    %scan3A_74 = arith.constant 320 : i32
    %scan3A_75 = arith.addi %scan3A_73, %scan3A_74 : i32
    %scan3A_76 = arith.constant 1 : i32
    scf.for %scan3A_95 = %scan3A_73 to %scan3A_75 step %scan3A_76  : i32 {
      %mul3A_96 = arith.constant 8 : i32
      %mul3A_97 = arith.muli %scan3A_95, %mul3A_96 : i32
      %add3A_98 = arith.constant 0 : i32
      %add3A_99 = arith.addi %mul3A_97, %add3A_98 : i32
      %mul3A_100 = arith.constant 16 : i32
      %mul3A_101 = arith.muli %add3A_99, %mul3A_100 : i32
      %swap3A = arith.index_cast %mul3A_101 : i32 to index
      %swap3A_102 = tpu.vector_load %arg9[%swap3A] {strides = array<i32>} : memref<40960xf32, #tpu.memory_space<vmem>>, vector<16xf32>,
      tpu.vector_store %arg9[%swap3A], %broadcast_in_dim3A_1 {strides = array<i32>} : memref<40960xf32, #tpu.memory_space<vmem>>, vector<16xf32>,
      %mul3A_103 = arith.constant 8 : i32
      %mul3A_104 = arith.muli %scan3A_95, %mul3A_103 : i32
      %add3A_105 = arith.constant 1 : i32
      %add3A_106 = arith.addi %mul3A_104, %add3A_105 : i32
      %mul3A_107 = arith.constant 16 : i32
      %mul3A_108 = arith.muli %add3A_106, %mul3A_107 : i32
      %swap3A_109 = arith.index_cast %mul3A_108 : i32 to index
      %swap3A_110 = tpu.vector_load %arg9[%swap3A_109] {strides = array<i32>} : memref<40960xf32, #tpu.memory_space<vmem>>, vector<16xf32>,
      tpu.vector_store %arg9[%swap3A_109], %broadcast_in_dim3A_1 {strides = array<i32>} : memref<40960xf32, #tpu.memory_space<vmem>>, vector<16xf32>,
      %mul3A_111 = arith.constant 8 : i32
      %mul3A_112 = arith.muli %scan3A_95, %mul3A_111 : i32
      %add3A_113 = arith.constant 2 : i32
      %add3A_114 = arith.addi %mul3A_112, %add3A_113 : i32
      %mul3A_115 = arith.constant 16 : i32
      %mul3A_116 = arith.muli %add3A_114, %mul3A_115 : i32
      %swap3A_117 = arith.index_cast %mul3A_116 : i32 to index
      %swap3A_118 = tpu.vector_load %arg9[%swap3A_117] {strides = array<i32>} : memref<40960xf32, #tpu.memory_space<vmem>>, vector<16xf32>,
      tpu.vector_store %arg9[%swap3A_117], %broadcast_in_dim3A_1 {strides = array<i32>} : memref<40960xf32, #tpu.memory_space<vmem>>, vector<16xf32>,
      %mul3A_119 = arith.constant 8 : i32
      %mul3A_120 = arith.muli %scan3A_95, %mul3A_119 : i32
      %add3A_121 = arith.constant 3 : i32
      %add3A_122 = arith.addi %mul3A_120, %add3A_121 : i32
      %mul3A_123 = arith.constant 16 : i32
      %mul3A_124 = arith.muli %add3A_122, %mul3A_123 : i32
      %swap3A_125 = arith.index_cast %mul3A_124 : i32 to index
      %swap3A_126 = tpu.vector_load %arg9[%swap3A_125] {strides = array<i32>} : memref<40960xf32, #tpu.memory_space<vmem>>, vector<16xf32>,
      tpu.vector_store %arg9[%swap3A_125], %broadcast_in_dim3A_1 {strides = array<i32>} : memref<40960xf32, #tpu.memory_space<vmem>>, vector<16xf32>,
      %mul3A_127 = arith.constant 8 : i32
      %mul3A_128 = arith.muli %scan3A_95, %mul3A_127 : i32
      %add3A_129 = arith.constant 4 : i32
      %add3A_130 = arith.addi %mul3A_128, %add3A_129 : i32
      %mul3A_131 = arith.constant 16 : i32
      %mul3A_132 = arith.muli %add3A_130, %mul3A_131 : i32
      %swap3A_133 = arith.index_cast %mul3A_132 : i32 to index
      %swap3A_134 = tpu.vector_load %arg9[%swap3A_133] {strides = array<i32>} : memref<40960xf32, #tpu.memory_space<vmem>>, vector<16xf32>,
      tpu.vector_store %arg9[%swap3A_133], %broadcast_in_dim3A_1 {strides = array<i32>} : memref<40960xf32, #tpu.memory_space<vmem>>, vector<16xf32>,
      %mul3A_135 = arith.constant 8 : i32
      %mul3A_136 = arith.muli %scan3A_95, %mul3A_135 : i32
      %add3A_137 = arith.constant 5 : i32
      %add3A_138 = arith.addi %mul3A_136, %add3A_137 : i32
      %mul3A_139 = arith.constant 16 : i32
      %mul3A_140 = arith.muli %add3A_138, %mul3A_139 : i32
      %swap3A_141 = arith.index_cast %mul3A_140 : i32 to index
      %swap3A_142 = tpu.vector_load %arg9[%swap3A_141] {strides = array<i32>} : memref<40960xf32, #tpu.memory_space<vmem>>, vector<16xf32>,
      tpu.vector_store %arg9[%swap3A_141], %broadcast_in_dim3A_1 {strides = array<i32>} : memref<40960xf32, #tpu.memory_space<vmem>>, vector<16xf32>,
      %mul3A_143 = arith.constant 8 : i32
      %mul3A_144 = arith.muli %scan3A_95, %mul3A_143 : i32
      %add3A_145 = arith.constant 6 : i32
      %add3A_146 = arith.addi %mul3A_144, %add3A_145 : i32
      %mul3A_147 = arith.constant 16 : i32
      %mul3A_148 = arith.muli %add3A_146, %mul3A_147 : i32
      %swap3A_149 = arith.index_cast %mul3A_148 : i32 to index
      %swap3A_150 = tpu.vector_load %arg9[%swap3A_149] {strides = array<i32>} : memref<40960xf32, #tpu.memory_space<vmem>>, vector<16xf32>,
      tpu.vector_store %arg9[%swap3A_149], %broadcast_in_dim3A_1 {strides = array<i32>} : memref<40960xf32, #tpu.memory_space<vmem>>, vector<16xf32>,
      %mul3A_151 = arith.constant 8 : i32
      %mul3A_152 = arith.muli %scan3A_95, %mul3A_151 : i32
      %add3A_153 = arith.constant 7 : i32
      %add3A_154 = arith.addi %mul3A_152, %add3A_153 : i32
      %mul3A_155 = arith.constant 16 : i32
      %mul3A_156 = arith.muli %add3A_154, %mul3A_155 : i32
      %swap3A_157 = arith.index_cast %mul3A_156 : i32 to index
      %swap3A_158 = tpu.vector_load %arg9[%swap3A_157] {strides = array<i32>} : memref<40960xf32, #tpu.memory_space<vmem>>, vector<16xf32>,
      tpu.vector_store %arg9[%swap3A_157], %broadcast_in_dim3A_1 {strides = array<i32>} : memref<40960xf32, #tpu.memory_space<vmem>>, vector<16xf32>,
    }
    %scan3A_77 = arith.constant 320 : i32
    %add3A_78 = arith.constant 4 : i32
    %add3A_79 = vector.broadcast %add3A_78 : i32 to vector<16xi32>
    %add3A_80 = arith.addi %select_n3A_44, %add3A_79 : vector<16xi32>
    %scan3A_81 = arith.constant 0 : i32
    %scan3A_82 = arith.constant 0 : i32
    %scan3A_83 = arith.constant 640 : i32
    %scan3A_84 = arith.addi %scan3A_82, %scan3A_83 : i32
    %scan3A_85 = arith.constant 1 : i32
    scf.for %scan3A_95 = %scan3A_82 to %scan3A_84 step %scan3A_85  : i32 {
      %mul3A_96 = arith.constant 512 : i32
      %mul3A_97 = arith.muli %scan3A_95, %mul3A_96 : i32
      "tpu.region"() ({
        %run_scoped3A = tpu.sem_alloc : memref<!tpu.dma_semaphore, #tpu.memory_space<semaphore_mem>>
        %dma_start3A = tpu.memref_slice %arg3[%mul3A_97] : memref<327680xi32, #tpu.memory_space<hbm>> -> memref<512xi32, #tpu.memory_space<hbm>>
        %dma_start3A_106 = tpu.memref_slice %arg3[%mul3A_97] : memref<327680xi32, #tpu.memory_space<hbm>> -> memref<512xi32, #tpu.memory_space<hbm>>
        tpu.enqueue_dma source(%dma_start3A_106 : memref<512xi32, #tpu.memory_space<hbm>>) target(%arg6 : memref<512xi32, #tpu.memory_space<vmem>>) target_semaphore(%run_scoped3A : memref<!tpu.dma_semaphore, #tpu.memory_space<semaphore_mem>>)
        %dma_wait3A = tpu.memref_slice %arg3[%mul3A_97] : memref<327680xi32, #tpu.memory_space<hbm>> -> memref<512xi32, #tpu.memory_space<hbm>>
        %dma_wait3A_107 = tpu.memref_slice %arg3[%mul3A_97] : memref<327680xi32, #tpu.memory_space<hbm>> -> memref<512xi32, #tpu.memory_space<hbm>>
        tpu.wait_dma2 semaphore(%run_scoped3A : memref<!tpu.dma_semaphore, #tpu.memory_space<semaphore_mem>>) src(%dma_wait3A_107 : memref<512xi32, #tpu.memory_space<hbm>>) dst(%arg6 : memref<512xi32, #tpu.memory_space<vmem>>)
        tpu.yield
      }) : () -> ()
      %mul3A_98 = arith.constant 512 : i32
      %mul3A_99 = arith.muli %scan3A_95, %mul3A_98 : i32
      "tpu.region"() ({
        %run_scoped3A = tpu.sem_alloc : memref<!tpu.dma_semaphore, #tpu.memory_space<semaphore_mem>>
        %dma_start3A = tpu.memref_slice %arg4[%mul3A_99] : memref<327680xi32, #tpu.memory_space<hbm>> -> memref<512xi32, #tpu.memory_space<hbm>>
        %dma_start3A_106 = tpu.memref_slice %arg4[%mul3A_99] : memref<327680xi32, #tpu.memory_space<hbm>> -> memref<512xi32, #tpu.memory_space<hbm>>
        tpu.enqueue_dma source(%dma_start3A_106 : memref<512xi32, #tpu.memory_space<hbm>>) target(%arg7 : memref<512xi32, #tpu.memory_space<vmem>>) target_semaphore(%run_scoped3A : memref<!tpu.dma_semaphore, #tpu.memory_space<semaphore_mem>>)
        %dma_wait3A = tpu.memref_slice %arg4[%mul3A_99] : memref<327680xi32, #tpu.memory_space<hbm>> -> memref<512xi32, #tpu.memory_space<hbm>>
        %dma_wait3A_107 = tpu.memref_slice %arg4[%mul3A_99] : memref<327680xi32, #tpu.memory_space<hbm>> -> memref<512xi32, #tpu.memory_space<hbm>>
        tpu.wait_dma2 semaphore(%run_scoped3A : memref<!tpu.dma_semaphore, #tpu.memory_space<semaphore_mem>>) src(%dma_wait3A_107 : memref<512xi32, #tpu.memory_space<hbm>>) dst(%arg7 : memref<512xi32, #tpu.memory_space<vmem>>)
        tpu.yield
      }) : () -> ()
      %scan3A_100 = arith.constant 0 : i32
      %scan3A_101 = arith.constant 0 : i32
      %scan3A_102 = arith.constant 16 : i32
      %scan3A_103 = arith.addi %scan3A_101, %scan3A_102 : i32
      %scan3A_104 = arith.constant 1 : i32
      scf.for %scan3A_106 = %scan3A_101 to %scan3A_103 step %scan3A_104  : i32 {
        %mul3A_107 = arith.constant 8 : i32
        %mul3A_108 = arith.muli %scan3A_106, %mul3A_107 : i32
        %add3A_109 = arith.constant 0 : i32
        %add3A_110 = arith.addi %mul3A_108, %add3A_109 : i32
        %mul3A_111 = arith.constant 4 : i32
        %mul3A_112 = arith.muli %add3A_110, %mul3A_111 : i32
        %add3A_113 = vector.broadcast %mul3A_112 : i32 to vector<16xi32>
        %add3A_114 = arith.addi %select_n3A, %add3A_113 : vector<16xi32>
        %gather3A = tpu.vector_load_idx %arg6[%add3A_114] : memref<512xi32, #tpu.memory_space<vmem>>[vector<16xi32>], vector<16xi32>,
        %gather3A_115 = tpu.vector_load_idx %arg7[%add3A_114] : memref<512xi32, #tpu.memory_space<vmem>>[vector<16xi32>], vector<16xi32>,
        %gather3A_116 = tpu.vector_load_idx %arg8[%add3A_80, %gather3A] : memref<8x10000xf32, #tpu.memory_space<vmem>>[vector<16xi32>, vector<16xi32>], vector<16xf32>,
        %add3A_117 = arith.addi %mul3A_49, %gather3A_115 : vector<16xi32>
        tpu.vector_store_idx %arg9[%add3A_117], %gather3A_116 {add = true} : memref<40960xf32, #tpu.memory_space<vmem>>[vector<16xi32>], vector<16xf32>,
        %mul3A_118 = arith.constant 8 : i32
        %mul3A_119 = arith.muli %scan3A_106, %mul3A_118 : i32
        %add3A_120 = arith.constant 1 : i32
        %add3A_121 = arith.addi %mul3A_119, %add3A_120 : i32
        %mul3A_122 = arith.constant 4 : i32
        %mul3A_123 = arith.muli %add3A_121, %mul3A_122 : i32
        %add3A_124 = vector.broadcast %mul3A_123 : i32 to vector<16xi32>
        %add3A_125 = arith.addi %select_n3A, %add3A_124 : vector<16xi32>
        %gather3A_126 = tpu.vector_load_idx %arg6[%add3A_125] : memref<512xi32, #tpu.memory_space<vmem>>[vector<16xi32>], vector<16xi32>,
        %gather3A_127 = tpu.vector_load_idx %arg7[%add3A_125] : memref<512xi32, #tpu.memory_space<vmem>>[vector<16xi32>], vector<16xi32>,
        %gather3A_128 = tpu.vector_load_idx %arg8[%add3A_80, %gather3A_126] : memref<8x10000xf32, #tpu.memory_space<vmem>>[vector<16xi32>, vector<16xi32>], vector<16xf32>,
        %add3A_129 = arith.addi %mul3A_49, %gather3A_127 : vector<16xi32>
        tpu.vector_store_idx %arg9[%add3A_129], %gather3A_128 {add = true} : memref<40960xf32, #tpu.memory_space<vmem>>[vector<16xi32>], vector<16xf32>,
        %mul3A_130 = arith.constant 8 : i32
        %mul3A_131 = arith.muli %scan3A_106, %mul3A_130 : i32
        %add3A_132 = arith.constant 2 : i32
        %add3A_133 = arith.addi %mul3A_131, %add3A_132 : i32
        %mul3A_134 = arith.constant 4 : i32
        %mul3A_135 = arith.muli %add3A_133, %mul3A_134 : i32
        %add3A_136 = vector.broadcast %mul3A_135 : i32 to vector<16xi32>
        %add3A_137 = arith.addi %select_n3A, %add3A_136 : vector<16xi32>
        %gather3A_138 = tpu.vector_load_idx %arg6[%add3A_137] : memref<512xi32, #tpu.memory_space<vmem>>[vector<16xi32>], vector<16xi32>,
        %gather3A_139 = tpu.vector_load_idx %arg7[%add3A_137] : memref<512xi32, #tpu.memory_space<vmem>>[vector<16xi32>], vector<16xi32>,
        %gather3A_140 = tpu.vector_load_idx %arg8[%add3A_80, %gather3A_138] : memref<8x10000xf32, #tpu.memory_space<vmem>>[vector<16xi32>, vector<16xi32>], vector<16xf32>,
        %add3A_141 = arith.addi %mul3A_49, %gather3A_139 : vector<16xi32>
        tpu.vector_store_idx %arg9[%add3A_141], %gather3A_140 {add = true} : memref<40960xf32, #tpu.memory_space<vmem>>[vector<16xi32>], vector<16xf32>,
        %mul3A_142 = arith.constant 8 : i32
        %mul3A_143 = arith.muli %scan3A_106, %mul3A_142 : i32
        %add3A_144 = arith.constant 3 : i32
        %add3A_145 = arith.addi %mul3A_143, %add3A_144 : i32
        %mul3A_146 = arith.constant 4 : i32
        %mul3A_147 = arith.muli %add3A_145, %mul3A_146 : i32
        %add3A_148 = vector.broadcast %mul3A_147 : i32 to vector<16xi32>
        %add3A_149 = arith.addi %select_n3A, %add3A_148 : vector<16xi32>
        %gather3A_150 = tpu.vector_load_idx %arg6[%add3A_149] : memref<512xi32, #tpu.memory_space<vmem>>[vector<16xi32>], vector<16xi32>,
        %gather3A_151 = tpu.vector_load_idx %arg7[%add3A_149] : memref<512xi32, #tpu.memory_space<vmem>>[vector<16xi32>], vector<16xi32>,
        %gather3A_152 = tpu.vector_load_idx %arg8[%add3A_80, %gather3A_150] : memref<8x10000xf32, #tpu.memory_space<vmem>>[vector<16xi32>, vector<16xi32>], vector<16xf32>,
        %add3A_153 = arith.addi %mul3A_49, %gather3A_151 : vector<16xi32>
        tpu.vector_store_idx %arg9[%add3A_153], %gather3A_152 {add = true} : memref<40960xf32, #tpu.memory_space<vmem>>[vector<16xi32>], vector<16xf32>,
        %mul3A_154 = arith.constant 8 : i32
        %mul3A_155 = arith.muli %scan3A_106, %mul3A_154 : i32
        %add3A_156 = arith.constant 4 : i32
        %add3A_157 = arith.addi %mul3A_155, %add3A_156 : i32
        %mul3A_158 = arith.constant 4 : i32
        %mul3A_159 = arith.muli %add3A_157, %mul3A_158 : i32
        %add3A_160 = vector.broadcast %mul3A_159 : i32 to vector<16xi32>
        %add3A_161 = arith.addi %select_n3A, %add3A_160 : vector<16xi32>
        %gather3A_162 = tpu.vector_load_idx %arg6[%add3A_161] : memref<512xi32, #tpu.memory_space<vmem>>[vector<16xi32>], vector<16xi32>,
        %gather3A_163 = tpu.vector_load_idx %arg7[%add3A_161] : memref<512xi32, #tpu.memory_space<vmem>>[vector<16xi32>], vector<16xi32>,
        %gather3A_164 = tpu.vector_load_idx %arg8[%add3A_80, %gather3A_162] : memref<8x10000xf32, #tpu.memory_space<vmem>>[vector<16xi32>, vector<16xi32>], vector<16xf32>,
        %add3A_165 = arith.addi %mul3A_49, %gather3A_163 : vector<16xi32>
        tpu.vector_store_idx %arg9[%add3A_165], %gather3A_164 {add = true} : memref<40960xf32, #tpu.memory_space<vmem>>[vector<16xi32>], vector<16xf32>,
        %mul3A_166 = arith.constant 8 : i32
        %mul3A_167 = arith.muli %scan3A_106, %mul3A_166 : i32
        %add3A_168 = arith.constant 5 : i32
        %add3A_169 = arith.addi %mul3A_167, %add3A_168 : i32
        %mul3A_170 = arith.constant 4 : i32
        %mul3A_171 = arith.muli %add3A_169, %mul3A_170 : i32
        %add3A_172 = vector.broadcast %mul3A_171 : i32 to vector<16xi32>
        %add3A_173 = arith.addi %select_n3A, %add3A_172 : vector<16xi32>
        %gather3A_174 = tpu.vector_load_idx %arg6[%add3A_173] : memref<512xi32, #tpu.memory_space<vmem>>[vector<16xi32>], vector<16xi32>,
        %gather3A_175 = tpu.vector_load_idx %arg7[%add3A_173] : memref<512xi32, #tpu.memory_space<vmem>>[vector<16xi32>], vector<16xi32>,
        %gather3A_176 = tpu.vector_load_idx %arg8[%add3A_80, %gather3A_174] : memref<8x10000xf32, #tpu.memory_space<vmem>>[vector<16xi32>, vector<16xi32>], vector<16xf32>,
        %add3A_177 = arith.addi %mul3A_49, %gather3A_175 : vector<16xi32>
        tpu.vector_store_idx %arg9[%add3A_177], %gather3A_176 {add = true} : memref<40960xf32, #tpu.memory_space<vmem>>[vector<16xi32>], vector<16xf32>,
        %mul3A_178 = arith.constant 8 : i32
        %mul3A_179 = arith.muli %scan3A_106, %mul3A_178 : i32
        %add3A_180 = arith.constant 6 : i32
        %add3A_181 = arith.addi %mul3A_179, %add3A_180 : i32
        %mul3A_182 = arith.constant 4 : i32
        %mul3A_183 = arith.muli %add3A_181, %mul3A_182 : i32
        %add3A_184 = vector.broadcast %mul3A_183 : i32 to vector<16xi32>
        %add3A_185 = arith.addi %select_n3A, %add3A_184 : vector<16xi32>
        %gather3A_186 = tpu.vector_load_idx %arg6[%add3A_185] : memref<512xi32, #tpu.memory_space<vmem>>[vector<16xi32>], vector<16xi32>,
        %gather3A_187 = tpu.vector_load_idx %arg7[%add3A_185] : memref<512xi32, #tpu.memory_space<vmem>>[vector<16xi32>], vector<16xi32>,
        %gather3A_188 = tpu.vector_load_idx %arg8[%add3A_80, %gather3A_186] : memref<8x10000xf32, #tpu.memory_space<vmem>>[vector<16xi32>, vector<16xi32>], vector<16xf32>,
        %add3A_189 = arith.addi %mul3A_49, %gather3A_187 : vector<16xi32>
        tpu.vector_store_idx %arg9[%add3A_189], %gather3A_188 {add = true} : memref<40960xf32, #tpu.memory_space<vmem>>[vector<16xi32>], vector<16xf32>,
        %mul3A_190 = arith.constant 8 : i32
        %mul3A_191 = arith.muli %scan3A_106, %mul3A_190 : i32
        %add3A_192 = arith.constant 7 : i32
        %add3A_193 = arith.addi %mul3A_191, %add3A_192 : i32
        %mul3A_194 = arith.constant 4 : i32
        %mul3A_195 = arith.muli %add3A_193, %mul3A_194 : i32
        %add3A_196 = vector.broadcast %mul3A_195 : i32 to vector<16xi32>
        %add3A_197 = arith.addi %select_n3A, %add3A_196 : vector<16xi32>
        %gather3A_198 = tpu.vector_load_idx %arg6[%add3A_197] : memref<512xi32, #tpu.memory_space<vmem>>[vector<16xi32>], vector<16xi32>,
        %gather3A_199 = tpu.vector_load_idx %arg7[%add3A_197] : memref<512xi32, #tpu.memory_space<vmem>>[vector<16xi32>], vector<16xi32>,
        %gather3A_200 = tpu.vector_load_idx %arg8[%add3A_80, %gather3A_198] : memref<8x10000xf32, #tpu.memory_space<vmem>>[vector<16xi32>, vector<16xi32>], vector<16xf32>,
        %add3A_201 = arith.addi %mul3A_49, %gather3A_199 : vector<16xi32>
        tpu.vector_store_idx %arg9[%add3A_201], %gather3A_200 {add = true} : memref<40960xf32, #tpu.memory_space<vmem>>[vector<16xi32>], vector<16xf32>,
      }
      %scan3A_105 = arith.constant 16 : i32
    }
    %scan3A_86 = arith.constant 640 : i32
    %mul3A_87 = arith.constant 2 : i32
    %mul3A_88 = arith.muli %add3A, %mul3A_87 : i32
    %add3A_89 = arith.constant 1 : i32
    %add3A_90 = arith.addi %mul3A_88, %add3A_89 : i32
    %mul3A_91 = arith.constant 4 : i32
    %mul3A_92 = arith.muli %add3A_90, %mul3A_91 : i32
    %mul3A_93 = arith.constant 10240 : i32
    %mul3A_94 = arith.muli %mul3A_92, %mul3A_93 : i32
    "tpu.region"() ({
      %run_scoped3A = tpu.sem_alloc : memref<!tpu.dma_semaphore, #tpu.memory_space<semaphore_mem>>
      %dma_start3A = tpu.memref_slice %arg5[%mul3A_94] : memref<2621440xf32, #tpu.memory_space<hbm>> -> memref<40960xf32, #tpu.memory_space<hbm>>
      %dma_start3A_95 = tpu.memref_slice %arg5[%mul3A_94] : memref<2621440xf32, #tpu.memory_space<hbm>> -> memref<40960xf32, #tpu.memory_space<hbm>>
      tpu.enqueue_dma source(%arg9 : memref<40960xf32, #tpu.memory_space<vmem>>) target(%dma_start3A_95 : memref<40960xf32, #tpu.memory_space<hbm>>) target_semaphore(%run_scoped3A : memref<!tpu.dma_semaphore, #tpu.memory_space<semaphore_mem>>)
      %dma_wait3A = tpu.memref_slice %arg5[%mul3A_94] : memref<2621440xf32, #tpu.memory_space<hbm>> -> memref<40960xf32, #tpu.memory_space<hbm>>
      %dma_wait3A_96 = tpu.memref_slice %arg5[%mul3A_94] : memref<2621440xf32, #tpu.memory_space<hbm>> -> memref<40960xf32, #tpu.memory_space<hbm>>
      tpu.wait_dma2 semaphore(%run_scoped3A : memref<!tpu.dma_semaphore, #tpu.memory_space<semaphore_mem>>) src(%arg9 : memref<40960xf32, #tpu.memory_space<vmem>>) dst(%dma_wait3A_96 : memref<40960xf32, #tpu.memory_space<hbm>>)
      tpu.yield
    }) : () -> ()
    return
  }
}

#map = affine_map<(d0, d1) -> (0)>
module attributes {stable_mosaic.version = 14 : i64} {
  func.func @_sc_degree(%arg0: i32, %arg1: i32, %arg2: memref<327680xi32, #tpu.memory_space<hbm>>, %arg3: memref<327680xf32, #tpu.memory_space<hbm>>, %arg4: memref<512xi32, #tpu.memory_space<vmem>>, %arg5: memref<10240xf32, #tpu.memory_space<vmem>>) attributes {dimension_semantics = [#tpu.dimension_semantics<core_parallel>, #tpu.dimension_semantics<subcore_parallel>], iteration_bounds = array<i64: 2, 16>, scalar_prefetch = 0 : i64, scratch_operands = 2 : i64, tpu.core_type = #tpu.core_type<sc_vector_subcore>, window_params = [{transform_indices = #map}, {transform_indices = #map}]} {
    %mul3A = arith.constant 16 : i32
    %mul3A_0 = arith.muli %arg0, %mul3A : i32
    %add3A = arith.addi %mul3A_0, %arg1 : i32
    %broadcast_in_dim3A = arith.constant 0.000000e+00 : f32
    %broadcast_in_dim3A_1 = vector.broadcast %broadcast_in_dim3A : f32 to vector<16xf32>
    %broadcast_in_dim3A_2 = arith.constant 1.000000e+00 : f32
    %broadcast_in_dim3A_3 = vector.broadcast %broadcast_in_dim3A_2 : f32 to vector<16xf32>
    %scan3A = arith.constant 0 : i32
    %scan3A_4 = arith.constant 0 : i32
    %scan3A_5 = arith.constant 640 : i32
    %scan3A_6 = arith.addi %scan3A_4, %scan3A_5 : i32
    %scan3A_7 = arith.constant 1 : i32
    scf.for %scan3A_17 = %scan3A_4 to %scan3A_6 step %scan3A_7  : i32 {
      %mul3A_18 = arith.constant 16 : i32
      %mul3A_19 = arith.muli %scan3A_17, %mul3A_18 : i32
      %swap3A = arith.index_cast %mul3A_19 : i32 to index
      %swap3A_20 = tpu.vector_load %arg5[%swap3A] {strides = array<i32>} : memref<10240xf32, #tpu.memory_space<vmem>>, vector<16xf32>,
      tpu.vector_store %arg5[%swap3A], %broadcast_in_dim3A_1 {strides = array<i32>} : memref<10240xf32, #tpu.memory_space<vmem>>, vector<16xf32>,
    }
    %scan3A_8 = arith.constant 640 : i32
    %scan3A_9 = arith.constant 0 : i32
    %scan3A_10 = arith.constant 0 : i32
    %scan3A_11 = arith.constant 20 : i32
    %scan3A_12 = arith.addi %scan3A_10, %scan3A_11 : i32
    %scan3A_13 = arith.constant 1 : i32
    scf.for %scan3A_17 = %scan3A_10 to %scan3A_12 step %scan3A_13  : i32 {
      %mul3A_18 = arith.constant 10240 : i32
      %mul3A_19 = arith.muli %add3A, %mul3A_18 : i32
      %mul3A_20 = arith.constant 512 : i32
      %mul3A_21 = arith.muli %scan3A_17, %mul3A_20 : i32
      %add3A_22 = arith.addi %mul3A_19, %mul3A_21 : i32
      "tpu.region"() ({
        %run_scoped3A = tpu.sem_alloc : memref<!tpu.dma_semaphore, #tpu.memory_space<semaphore_mem>>
        %dma_start3A = tpu.memref_slice %arg2[%add3A_22] : memref<327680xi32, #tpu.memory_space<hbm>> -> memref<512xi32, #tpu.memory_space<hbm>>
        %dma_start3A_86 = tpu.memref_slice %arg2[%add3A_22] : memref<327680xi32, #tpu.memory_space<hbm>> -> memref<512xi32, #tpu.memory_space<hbm>>
        tpu.enqueue_dma source(%dma_start3A_86 : memref<512xi32, #tpu.memory_space<hbm>>) target(%arg4 : memref<512xi32, #tpu.memory_space<vmem>>) target_semaphore(%run_scoped3A : memref<!tpu.dma_semaphore, #tpu.memory_space<semaphore_mem>>)
        %dma_wait3A = tpu.memref_slice %arg2[%add3A_22] : memref<327680xi32, #tpu.memory_space<hbm>> -> memref<512xi32, #tpu.memory_space<hbm>>
        %dma_wait3A_87 = tpu.memref_slice %arg2[%add3A_22] : memref<327680xi32, #tpu.memory_space<hbm>> -> memref<512xi32, #tpu.memory_space<hbm>>
        tpu.wait_dma2 semaphore(%run_scoped3A : memref<!tpu.dma_semaphore, #tpu.memory_space<semaphore_mem>>) src(%dma_wait3A_87 : memref<512xi32, #tpu.memory_space<hbm>>) dst(%arg4 : memref<512xi32, #tpu.memory_space<vmem>>)
        tpu.yield
      }) : () -> ()
      %get3A = arith.constant 0 : index
      %get3A_23 = tpu.vector_load %arg4[%get3A] {strides = array<i32>} : memref<512xi32, #tpu.memory_space<vmem>>, vector<16xi32>,
      tpu.vector_store_idx %arg5[%get3A_23], %broadcast_in_dim3A_3 {add = true} : memref<10240xf32, #tpu.memory_space<vmem>>[vector<16xi32>], vector<16xf32>,
      %get3A_24 = arith.constant 16 : index
      %get3A_25 = tpu.vector_load %arg4[%get3A_24] {strides = array<i32>} : memref<512xi32, #tpu.memory_space<vmem>>, vector<16xi32>,
      tpu.vector_store_idx %arg5[%get3A_25], %broadcast_in_dim3A_3 {add = true} : memref<10240xf32, #tpu.memory_space<vmem>>[vector<16xi32>], vector<16xf32>,
      %get3A_26 = arith.constant 32 : index
      %get3A_27 = tpu.vector_load %arg4[%get3A_26] {strides = array<i32>} : memref<512xi32, #tpu.memory_space<vmem>>, vector<16xi32>,
      tpu.vector_store_idx %arg5[%get3A_27], %broadcast_in_dim3A_3 {add = true} : memref<10240xf32, #tpu.memory_space<vmem>>[vector<16xi32>], vector<16xf32>,
      %get3A_28 = arith.constant 48 : index
      %get3A_29 = tpu.vector_load %arg4[%get3A_28] {strides = array<i32>} : memref<512xi32, #tpu.memory_space<vmem>>, vector<16xi32>,
      tpu.vector_store_idx %arg5[%get3A_29], %broadcast_in_dim3A_3 {add = true} : memref<10240xf32, #tpu.memory_space<vmem>>[vector<16xi32>], vector<16xf32>,
      %get3A_30 = arith.constant 64 : index
      %get3A_31 = tpu.vector_load %arg4[%get3A_30] {strides = array<i32>} : memref<512xi32, #tpu.memory_space<vmem>>, vector<16xi32>,
      tpu.vector_store_idx %arg5[%get3A_31], %broadcast_in_dim3A_3 {add = true} : memref<10240xf32, #tpu.memory_space<vmem>>[vector<16xi32>], vector<16xf32>,
      %get3A_32 = arith.constant 80 : index
      %get3A_33 = tpu.vector_load %arg4[%get3A_32] {strides = array<i32>} : memref<512xi32, #tpu.memory_space<vmem>>, vector<16xi32>,
      tpu.vector_store_idx %arg5[%get3A_33], %broadcast_in_dim3A_3 {add = true} : memref<10240xf32, #tpu.memory_space<vmem>>[vector<16xi32>], vector<16xf32>,
      %get3A_34 = arith.constant 96 : index
      %get3A_35 = tpu.vector_load %arg4[%get3A_34] {strides = array<i32>} : memref<512xi32, #tpu.memory_space<vmem>>, vector<16xi32>,
      tpu.vector_store_idx %arg5[%get3A_35], %broadcast_in_dim3A_3 {add = true} : memref<10240xf32, #tpu.memory_space<vmem>>[vector<16xi32>], vector<16xf32>,
      %get3A_36 = arith.constant 112 : index
      %get3A_37 = tpu.vector_load %arg4[%get3A_36] {strides = array<i32>} : memref<512xi32, #tpu.memory_space<vmem>>, vector<16xi32>,
      tpu.vector_store_idx %arg5[%get3A_37], %broadcast_in_dim3A_3 {add = true} : memref<10240xf32, #tpu.memory_space<vmem>>[vector<16xi32>], vector<16xf32>,
      %get3A_38 = arith.constant 128 : index
      %get3A_39 = tpu.vector_load %arg4[%get3A_38] {strides = array<i32>} : memref<512xi32, #tpu.memory_space<vmem>>, vector<16xi32>,
      tpu.vector_store_idx %arg5[%get3A_39], %broadcast_in_dim3A_3 {add = true} : memref<10240xf32, #tpu.memory_space<vmem>>[vector<16xi32>], vector<16xf32>,
      %get3A_40 = arith.constant 144 : index
      %get3A_41 = tpu.vector_load %arg4[%get3A_40] {strides = array<i32>} : memref<512xi32, #tpu.memory_space<vmem>>, vector<16xi32>,
      tpu.vector_store_idx %arg5[%get3A_41], %broadcast_in_dim3A_3 {add = true} : memref<10240xf32, #tpu.memory_space<vmem>>[vector<16xi32>], vector<16xf32>,
      %get3A_42 = arith.constant 160 : index
      %get3A_43 = tpu.vector_load %arg4[%get3A_42] {strides = array<i32>} : memref<512xi32, #tpu.memory_space<vmem>>, vector<16xi32>,
      tpu.vector_store_idx %arg5[%get3A_43], %broadcast_in_dim3A_3 {add = true} : memref<10240xf32, #tpu.memory_space<vmem>>[vector<16xi32>], vector<16xf32>,
      %get3A_44 = arith.constant 176 : index
      %get3A_45 = tpu.vector_load %arg4[%get3A_44] {strides = array<i32>} : memref<512xi32, #tpu.memory_space<vmem>>, vector<16xi32>,
      tpu.vector_store_idx %arg5[%get3A_45], %broadcast_in_dim3A_3 {add = true} : memref<10240xf32, #tpu.memory_space<vmem>>[vector<16xi32>], vector<16xf32>,
      %get3A_46 = arith.constant 192 : index
      %get3A_47 = tpu.vector_load %arg4[%get3A_46] {strides = array<i32>} : memref<512xi32, #tpu.memory_space<vmem>>, vector<16xi32>,
      tpu.vector_store_idx %arg5[%get3A_47], %broadcast_in_dim3A_3 {add = true} : memref<10240xf32, #tpu.memory_space<vmem>>[vector<16xi32>], vector<16xf32>,
      %get3A_48 = arith.constant 208 : index
      %get3A_49 = tpu.vector_load %arg4[%get3A_48] {strides = array<i32>} : memref<512xi32, #tpu.memory_space<vmem>>, vector<16xi32>,
      tpu.vector_store_idx %arg5[%get3A_49], %broadcast_in_dim3A_3 {add = true} : memref<10240xf32, #tpu.memory_space<vmem>>[vector<16xi32>], vector<16xf32>,
      %get3A_50 = arith.constant 224 : index
      %get3A_51 = tpu.vector_load %arg4[%get3A_50] {strides = array<i32>} : memref<512xi32, #tpu.memory_space<vmem>>, vector<16xi32>,
      tpu.vector_store_idx %arg5[%get3A_51], %broadcast_in_dim3A_3 {add = true} : memref<10240xf32, #tpu.memory_space<vmem>>[vector<16xi32>], vector<16xf32>,
      %get3A_52 = arith.constant 240 : index
      %get3A_53 = tpu.vector_load %arg4[%get3A_52] {strides = array<i32>} : memref<512xi32, #tpu.memory_space<vmem>>, vector<16xi32>,
      tpu.vector_store_idx %arg5[%get3A_53], %broadcast_in_dim3A_3 {add = true} : memref<10240xf32, #tpu.memory_space<vmem>>[vector<16xi32>], vector<16xf32>,
      %get3A_54 = arith.constant 256 : index
      %get3A_55 = tpu.vector_load %arg4[%get3A_54] {strides = array<i32>} : memref<512xi32, #tpu.memory_space<vmem>>, vector<16xi32>,
      tpu.vector_store_idx %arg5[%get3A_55], %broadcast_in_dim3A_3 {add = true} : memref<10240xf32, #tpu.memory_space<vmem>>[vector<16xi32>], vector<16xf32>,
      %get3A_56 = arith.constant 272 : index
      %get3A_57 = tpu.vector_load %arg4[%get3A_56] {strides = array<i32>} : memref<512xi32, #tpu.memory_space<vmem>>, vector<16xi32>,
      tpu.vector_store_idx %arg5[%get3A_57], %broadcast_in_dim3A_3 {add = true} : memref<10240xf32, #tpu.memory_space<vmem>>[vector<16xi32>], vector<16xf32>,
      %get3A_58 = arith.constant 288 : index
      %get3A_59 = tpu.vector_load %arg4[%get3A_58] {strides = array<i32>} : memref<512xi32, #tpu.memory_space<vmem>>, vector<16xi32>,
      tpu.vector_store_idx %arg5[%get3A_59], %broadcast_in_dim3A_3 {add = true} : memref<10240xf32, #tpu.memory_space<vmem>>[vector<16xi32>], vector<16xf32>,
      %get3A_60 = arith.constant 304 : index
      %get3A_61 = tpu.vector_load %arg4[%get3A_60] {strides = array<i32>} : memref<512xi32, #tpu.memory_space<vmem>>, vector<16xi32>,
      tpu.vector_store_idx %arg5[%get3A_61], %broadcast_in_dim3A_3 {add = true} : memref<10240xf32, #tpu.memory_space<vmem>>[vector<16xi32>], vector<16xf32>,
      %get3A_62 = arith.constant 320 : index
      %get3A_63 = tpu.vector_load %arg4[%get3A_62] {strides = array<i32>} : memref<512xi32, #tpu.memory_space<vmem>>, vector<16xi32>,
      tpu.vector_store_idx %arg5[%get3A_63], %broadcast_in_dim3A_3 {add = true} : memref<10240xf32, #tpu.memory_space<vmem>>[vector<16xi32>], vector<16xf32>,
      %get3A_64 = arith.constant 336 : index
      %get3A_65 = tpu.vector_load %arg4[%get3A_64] {strides = array<i32>} : memref<512xi32, #tpu.memory_space<vmem>>, vector<16xi32>,
      tpu.vector_store_idx %arg5[%get3A_65], %broadcast_in_dim3A_3 {add = true} : memref<10240xf32, #tpu.memory_space<vmem>>[vector<16xi32>], vector<16xf32>,
      %get3A_66 = arith.constant 352 : index
      %get3A_67 = tpu.vector_load %arg4[%get3A_66] {strides = array<i32>} : memref<512xi32, #tpu.memory_space<vmem>>, vector<16xi32>,
      tpu.vector_store_idx %arg5[%get3A_67], %broadcast_in_dim3A_3 {add = true} : memref<10240xf32, #tpu.memory_space<vmem>>[vector<16xi32>], vector<16xf32>,
      %get3A_68 = arith.constant 368 : index
      %get3A_69 = tpu.vector_load %arg4[%get3A_68] {strides = array<i32>} : memref<512xi32, #tpu.memory_space<vmem>>, vector<16xi32>,
      tpu.vector_store_idx %arg5[%get3A_69], %broadcast_in_dim3A_3 {add = true} : memref<10240xf32, #tpu.memory_space<vmem>>[vector<16xi32>], vector<16xf32>,
      %get3A_70 = arith.constant 384 : index
      %get3A_71 = tpu.vector_load %arg4[%get3A_70] {strides = array<i32>} : memref<512xi32, #tpu.memory_space<vmem>>, vector<16xi32>,
      tpu.vector_store_idx %arg5[%get3A_71], %broadcast_in_dim3A_3 {add = true} : memref<10240xf32, #tpu.memory_space<vmem>>[vector<16xi32>], vector<16xf32>,
      %get3A_72 = arith.constant 400 : index
      %get3A_73 = tpu.vector_load %arg4[%get3A_72] {strides = array<i32>} : memref<512xi32, #tpu.memory_space<vmem>>, vector<16xi32>,
      tpu.vector_store_idx %arg5[%get3A_73], %broadcast_in_dim3A_3 {add = true} : memref<10240xf32, #tpu.memory_space<vmem>>[vector<16xi32>], vector<16xf32>,
      %get3A_74 = arith.constant 416 : index
      %get3A_75 = tpu.vector_load %arg4[%get3A_74] {strides = array<i32>} : memref<512xi32, #tpu.memory_space<vmem>>, vector<16xi32>,
      tpu.vector_store_idx %arg5[%get3A_75], %broadcast_in_dim3A_3 {add = true} : memref<10240xf32, #tpu.memory_space<vmem>>[vector<16xi32>], vector<16xf32>,
      %get3A_76 = arith.constant 432 : index
      %get3A_77 = tpu.vector_load %arg4[%get3A_76] {strides = array<i32>} : memref<512xi32, #tpu.memory_space<vmem>>, vector<16xi32>,
      tpu.vector_store_idx %arg5[%get3A_77], %broadcast_in_dim3A_3 {add = true} : memref<10240xf32, #tpu.memory_space<vmem>>[vector<16xi32>], vector<16xf32>,
      %get3A_78 = arith.constant 448 : index
      %get3A_79 = tpu.vector_load %arg4[%get3A_78] {strides = array<i32>} : memref<512xi32, #tpu.memory_space<vmem>>, vector<16xi32>,
      tpu.vector_store_idx %arg5[%get3A_79], %broadcast_in_dim3A_3 {add = true} : memref<10240xf32, #tpu.memory_space<vmem>>[vector<16xi32>], vector<16xf32>,
      %get3A_80 = arith.constant 464 : index
      %get3A_81 = tpu.vector_load %arg4[%get3A_80] {strides = array<i32>} : memref<512xi32, #tpu.memory_space<vmem>>, vector<16xi32>,
      tpu.vector_store_idx %arg5[%get3A_81], %broadcast_in_dim3A_3 {add = true} : memref<10240xf32, #tpu.memory_space<vmem>>[vector<16xi32>], vector<16xf32>,
      %get3A_82 = arith.constant 480 : index
      %get3A_83 = tpu.vector_load %arg4[%get3A_82] {strides = array<i32>} : memref<512xi32, #tpu.memory_space<vmem>>, vector<16xi32>,
      tpu.vector_store_idx %arg5[%get3A_83], %broadcast_in_dim3A_3 {add = true} : memref<10240xf32, #tpu.memory_space<vmem>>[vector<16xi32>], vector<16xf32>,
      %get3A_84 = arith.constant 496 : index
      %get3A_85 = tpu.vector_load %arg4[%get3A_84] {strides = array<i32>} : memref<512xi32, #tpu.memory_space<vmem>>, vector<16xi32>,
      tpu.vector_store_idx %arg5[%get3A_85], %broadcast_in_dim3A_3 {add = true} : memref<10240xf32, #tpu.memory_space<vmem>>[vector<16xi32>], vector<16xf32>,
    }
    %scan3A_14 = arith.constant 20 : i32
    %mul3A_15 = arith.constant 10240 : i32
    %mul3A_16 = arith.muli %add3A, %mul3A_15 : i32
    "tpu.region"() ({
      %run_scoped3A = tpu.sem_alloc : memref<!tpu.dma_semaphore, #tpu.memory_space<semaphore_mem>>
      %dma_start3A = tpu.memref_slice %arg3[%mul3A_16] : memref<327680xf32, #tpu.memory_space<hbm>> -> memref<10240xf32, #tpu.memory_space<hbm>>
      %dma_start3A_17 = tpu.memref_slice %arg3[%mul3A_16] : memref<327680xf32, #tpu.memory_space<hbm>> -> memref<10240xf32, #tpu.memory_space<hbm>>
      tpu.enqueue_dma source(%arg5 : memref<10240xf32, #tpu.memory_space<vmem>>) target(%dma_start3A_17 : memref<10240xf32, #tpu.memory_space<hbm>>) target_semaphore(%run_scoped3A : memref<!tpu.dma_semaphore, #tpu.memory_space<semaphore_mem>>)
      %dma_wait3A = tpu.memref_slice %arg3[%mul3A_16] : memref<327680xf32, #tpu.memory_space<hbm>> -> memref<10240xf32, #tpu.memory_space<hbm>>
      %dma_wait3A_18 = tpu.memref_slice %arg3[%mul3A_16] : memref<327680xf32, #tpu.memory_space<hbm>> -> memref<10240xf32, #tpu.memory_space<hbm>>
      tpu.wait_dma2 semaphore(%run_scoped3A : memref<!tpu.dma_semaphore, #tpu.memory_space<semaphore_mem>>) src(%arg5 : memref<10240xf32, #tpu.memory_space<vmem>>) dst(%dma_wait3A_18 : memref<10240xf32, #tpu.memory_space<hbm>>)
      tpu.yield
    }) : () -> ()
    return
  }
}

#map = affine_map<(d0, d1) -> (0, 0)>
#map1 = affine_map<(d0, d1) -> (0)>
module attributes {stable_mosaic.version = 14 : i64} {
  func.func @_sc_edge(%arg0: i32, %arg1: i32, %arg2: memref<256x10000xf32, #tpu.memory_space<hbm>>, %arg3: memref<327680xi32, #tpu.memory_space<hbm>>, %arg4: memref<327680xi32, #tpu.memory_space<hbm>>, %arg5: memref<2621440xf32, #tpu.memory_space<hbm>>, %arg6: memref<512xi32, #tpu.memory_space<vmem>>, %arg7: memref<512xi32, #tpu.memory_space<vmem>>, %arg8: memref<8x10000xf32, #tpu.memory_space<vmem>>, %arg9: memref<40960xf32, #tpu.memory_space<vmem>>) attributes {dimension_semantics = [#tpu.dimension_semantics<core_parallel>, #tpu.dimension_semantics<subcore_parallel>], iteration_bounds = array<i64: 2, 16>, scalar_prefetch = 0 : i64, scratch_operands = 4 : i64, tpu.core_type = #tpu.core_type<sc_vector_subcore>, window_params = [{transform_indices = #map}, {transform_indices = #map1}, {transform_indices = #map1}, {transform_indices = #map1}]} {
    %mul3A = arith.constant 16 : i32
    %mul3A_0 = arith.muli %arg0, %mul3A : i32
    %add3A = arith.addi %mul3A_0, %arg1 : i32
    %broadcast_in_dim3A = arith.constant 0.000000e+00 : f32
    %broadcast_in_dim3A_1 = vector.broadcast %broadcast_in_dim3A : f32 to vector<16xf32>
    %iota3A = tpu.iota {dimensions = array<i32: 0>} : vector<16xi32>
    %jit3A = arith.constant 4 : i32
    %div3A = vector.broadcast %jit3A : i32 to vector<16xi32>
    %div3A_2 = arith.divsi %iota3A, %div3A : vector<16xi32>
    %sign3A = arith.constant 0 : i32
    %sign3A_3 = vector.broadcast %sign3A : i32 to vector<16xi32>
    %sign3A_4 = arith.cmpi sgt, %iota3A, %sign3A_3 : vector<16xi32>
    %sign3A_5 = arith.extui %sign3A_4 : vector<16xi1> to vector<16xi32>
    %sign3A_6 = arith.constant 0 : i32
    %sign3A_7 = vector.broadcast %sign3A_6 : i32 to vector<16xi32>
    %sign3A_8 = arith.cmpi slt, %iota3A, %sign3A_7 : vector<16xi32>
    %sign3A_9 = arith.extui %sign3A_8 : vector<16xi1> to vector<16xi32>
    %sign3A_10 = arith.subi %sign3A_5, %sign3A_9 : vector<16xi32>
    %sign3A_11 = arith.constant 0 : i32
    %sign3A_12 = arith.cmpi sgt, %jit3A, %sign3A_11 : i32
    %sign3A_13 = arith.extui %sign3A_12 : i1 to i32
    %sign3A_14 = arith.constant 0 : i32
    %sign3A_15 = arith.cmpi slt, %jit3A, %sign3A_14 : i32
    %sign3A_16 = arith.extui %sign3A_15 : i1 to i32
    %sign3A_17 = arith.subi %sign3A_13, %sign3A_16 : i32
    %ne3A = vector.broadcast %sign3A_17 : i32 to vector<16xi32>
    %ne3A_18 = arith.cmpi ne, %sign3A_10, %ne3A : vector<16xi32>
    %rem3A = vector.broadcast %jit3A : i32 to vector<16xi32>
    %rem3A_19 = arith.remsi %iota3A, %rem3A : vector<16xi32>
    %ne3A_20 = arith.constant 0 : i32
    %ne3A_21 = vector.broadcast %ne3A_20 : i32 to vector<16xi32>
    %ne3A_22 = arith.cmpi ne, %rem3A_19, %ne3A_21 : vector<16xi32>
    %and3A = arith.andi %ne3A_18, %ne3A_22 : vector<16xi1>
    %sub3A = arith.constant 1 : i32
    %sub3A_23 = vector.broadcast %sub3A : i32 to vector<16xi32>
    %sub3A_24 = arith.subi %div3A_2, %sub3A_23 : vector<16xi32>
    %select_n3A = arith.select %and3A, %sub3A_24, %div3A_2 : vector<16xi1>, vector<16xi32>
    %jit3A_25 = arith.constant 4 : i32
    %eq3A = arith.constant 0 : i32
    %eq3A_26 = arith.cmpi eq, %jit3A_25, %eq3A : i32
    %jit3A_27 = arith.constant 1 : i32
    %select_n3A_28 = arith.select %eq3A_26, %jit3A_27, %jit3A_25 : i32
    %rem3A_29 = vector.broadcast %select_n3A_28 : i32 to vector<16xi32>
    %rem3A_30 = arith.remsi %iota3A, %rem3A_29 : vector<16xi32>
    %ne3A_31 = arith.constant 0 : i32
    %ne3A_32 = vector.broadcast %ne3A_31 : i32 to vector<16xi32>
    %ne3A_33 = arith.cmpi ne, %rem3A_30, %ne3A_32 : vector<16xi32>
    %lt3A = arith.constant 0 : i32
    %lt3A_34 = vector.broadcast %lt3A : i32 to vector<16xi32>
    %lt3A_35 = arith.cmpi slt, %rem3A_30, %lt3A_34 : vector<16xi32>
    %lt3A_36 = arith.constant 0 : i32
    %lt3A_37 = arith.cmpi slt, %select_n3A_28, %lt3A_36 : i32
    %ne3A_38 = vector.broadcast %lt3A_37 : i1 to vector<16xi1>
    %ne3A_39 = vector.broadcast %ne3A_38 : vector<16xi1> to vector<16xi1>
    %ne3A_40 = arith.xori %lt3A_35, %ne3A_39 : vector<16xi1>
    %and3A_41 = arith.andi %ne3A_40, %ne3A_33 : vector<16xi1>
    %add3A_42 = vector.broadcast %select_n3A_28 : i32 to vector<16xi32>
    %add3A_43 = arith.addi %rem3A_30, %add3A_42 : vector<16xi32>
    %select_n3A_44 = arith.select %and3A_41, %add3A_43, %rem3A_30 : vector<16xi1>, vector<16xi32>
    %mul3A_45 = arith.constant 8 : i32
    %mul3A_46 = arith.muli %add3A, %mul3A_45 : i32
    "tpu.region"() ({
      %run_scoped3A = tpu.sem_alloc : memref<!tpu.dma_semaphore, #tpu.memory_space<semaphore_mem>>
      %dma_start3A = arith.constant 0 : i32
      %dma_start3A_95 = tpu.memref_slice %arg2[%mul3A_46, %dma_start3A] : memref<256x10000xf32, #tpu.memory_space<hbm>> -> memref<8x10000xf32, #tpu.memory_space<hbm>>
      %dma_start3A_96 = arith.constant 0 : i32
      %dma_start3A_97 = tpu.memref_slice %arg2[%mul3A_46, %dma_start3A_96] : memref<256x10000xf32, #tpu.memory_space<hbm>> -> memref<8x10000xf32, #tpu.memory_space<hbm>>
      tpu.enqueue_dma source(%dma_start3A_97 : memref<8x10000xf32, #tpu.memory_space<hbm>>) target(%arg8 : memref<8x10000xf32, #tpu.memory_space<vmem>>) target_semaphore(%run_scoped3A : memref<!tpu.dma_semaphore, #tpu.memory_space<semaphore_mem>>)
      %dma_wait3A = arith.constant 0 : i32
      %dma_wait3A_98 = tpu.memref_slice %arg2[%mul3A_46, %dma_wait3A] : memref<256x10000xf32, #tpu.memory_space<hbm>> -> memref<8x10000xf32, #tpu.memory_space<hbm>>
      %dma_wait3A_99 = arith.constant 0 : i32
      %dma_wait3A_100 = tpu.memref_slice %arg2[%mul3A_46, %dma_wait3A_99] : memref<256x10000xf32, #tpu.memory_space<hbm>> -> memref<8x10000xf32, #tpu.memory_space<hbm>>
      tpu.wait_dma2 semaphore(%run_scoped3A : memref<!tpu.dma_semaphore, #tpu.memory_space<semaphore_mem>>) src(%dma_wait3A_100 : memref<8x10000xf32, #tpu.memory_space<hbm>>) dst(%arg8 : memref<8x10000xf32, #tpu.memory_space<vmem>>)
      tpu.yield
    }) : () -> ()
    %mul3A_47 = arith.constant 10240 : i32
    %mul3A_48 = vector.broadcast %mul3A_47 : i32 to vector<16xi32>
    %mul3A_49 = arith.muli %select_n3A_44, %mul3A_48 : vector<16xi32>
    %scan3A = arith.constant 0 : i32
    %scan3A_50 = arith.constant 0 : i32
    %scan3A_51 = arith.constant 320 : i32
    %scan3A_52 = arith.addi %scan3A_50, %scan3A_51 : i32
    %scan3A_53 = arith.constant 1 : i32
    scf.for %scan3A_95 = %scan3A_50 to %scan3A_52 step %scan3A_53  : i32 {
      %mul3A_96 = arith.constant 8 : i32
      %mul3A_97 = arith.muli %scan3A_95, %mul3A_96 : i32
      %add3A_98 = arith.constant 0 : i32
      %add3A_99 = arith.addi %mul3A_97, %add3A_98 : i32
      %mul3A_100 = arith.constant 16 : i32
      %mul3A_101 = arith.muli %add3A_99, %mul3A_100 : i32
      %swap3A = arith.index_cast %mul3A_101 : i32 to index
      %swap3A_102 = tpu.vector_load %arg9[%swap3A] {strides = array<i32>} : memref<40960xf32, #tpu.memory_space<vmem>>, vector<16xf32>,
      tpu.vector_store %arg9[%swap3A], %broadcast_in_dim3A_1 {strides = array<i32>} : memref<40960xf32, #tpu.memory_space<vmem>>, vector<16xf32>,
      %mul3A_103 = arith.constant 8 : i32
      %mul3A_104 = arith.muli %scan3A_95, %mul3A_103 : i32
      %add3A_105 = arith.constant 1 : i32
      %add3A_106 = arith.addi %mul3A_104, %add3A_105 : i32
      %mul3A_107 = arith.constant 16 : i32
      %mul3A_108 = arith.muli %add3A_106, %mul3A_107 : i32
      %swap3A_109 = arith.index_cast %mul3A_108 : i32 to index
      %swap3A_110 = tpu.vector_load %arg9[%swap3A_109] {strides = array<i32>} : memref<40960xf32, #tpu.memory_space<vmem>>, vector<16xf32>,
      tpu.vector_store %arg9[%swap3A_109], %broadcast_in_dim3A_1 {strides = array<i32>} : memref<40960xf32, #tpu.memory_space<vmem>>, vector<16xf32>,
      %mul3A_111 = arith.constant 8 : i32
      %mul3A_112 = arith.muli %scan3A_95, %mul3A_111 : i32
      %add3A_113 = arith.constant 2 : i32
      %add3A_114 = arith.addi %mul3A_112, %add3A_113 : i32
      %mul3A_115 = arith.constant 16 : i32
      %mul3A_116 = arith.muli %add3A_114, %mul3A_115 : i32
      %swap3A_117 = arith.index_cast %mul3A_116 : i32 to index
      %swap3A_118 = tpu.vector_load %arg9[%swap3A_117] {strides = array<i32>} : memref<40960xf32, #tpu.memory_space<vmem>>, vector<16xf32>,
      tpu.vector_store %arg9[%swap3A_117], %broadcast_in_dim3A_1 {strides = array<i32>} : memref<40960xf32, #tpu.memory_space<vmem>>, vector<16xf32>,
      %mul3A_119 = arith.constant 8 : i32
      %mul3A_120 = arith.muli %scan3A_95, %mul3A_119 : i32
      %add3A_121 = arith.constant 3 : i32
      %add3A_122 = arith.addi %mul3A_120, %add3A_121 : i32
      %mul3A_123 = arith.constant 16 : i32
      %mul3A_124 = arith.muli %add3A_122, %mul3A_123 : i32
      %swap3A_125 = arith.index_cast %mul3A_124 : i32 to index
      %swap3A_126 = tpu.vector_load %arg9[%swap3A_125] {strides = array<i32>} : memref<40960xf32, #tpu.memory_space<vmem>>, vector<16xf32>,
      tpu.vector_store %arg9[%swap3A_125], %broadcast_in_dim3A_1 {strides = array<i32>} : memref<40960xf32, #tpu.memory_space<vmem>>, vector<16xf32>,
      %mul3A_127 = arith.constant 8 : i32
      %mul3A_128 = arith.muli %scan3A_95, %mul3A_127 : i32
      %add3A_129 = arith.constant 4 : i32
      %add3A_130 = arith.addi %mul3A_128, %add3A_129 : i32
      %mul3A_131 = arith.constant 16 : i32
      %mul3A_132 = arith.muli %add3A_130, %mul3A_131 : i32
      %swap3A_133 = arith.index_cast %mul3A_132 : i32 to index
      %swap3A_134 = tpu.vector_load %arg9[%swap3A_133] {strides = array<i32>} : memref<40960xf32, #tpu.memory_space<vmem>>, vector<16xf32>,
      tpu.vector_store %arg9[%swap3A_133], %broadcast_in_dim3A_1 {strides = array<i32>} : memref<40960xf32, #tpu.memory_space<vmem>>, vector<16xf32>,
      %mul3A_135 = arith.constant 8 : i32
      %mul3A_136 = arith.muli %scan3A_95, %mul3A_135 : i32
      %add3A_137 = arith.constant 5 : i32
      %add3A_138 = arith.addi %mul3A_136, %add3A_137 : i32
      %mul3A_139 = arith.constant 16 : i32
      %mul3A_140 = arith.muli %add3A_138, %mul3A_139 : i32
      %swap3A_141 = arith.index_cast %mul3A_140 : i32 to index
      %swap3A_142 = tpu.vector_load %arg9[%swap3A_141] {strides = array<i32>} : memref<40960xf32, #tpu.memory_space<vmem>>, vector<16xf32>,
      tpu.vector_store %arg9[%swap3A_141], %broadcast_in_dim3A_1 {strides = array<i32>} : memref<40960xf32, #tpu.memory_space<vmem>>, vector<16xf32>,
      %mul3A_143 = arith.constant 8 : i32
      %mul3A_144 = arith.muli %scan3A_95, %mul3A_143 : i32
      %add3A_145 = arith.constant 6 : i32
      %add3A_146 = arith.addi %mul3A_144, %add3A_145 : i32
      %mul3A_147 = arith.constant 16 : i32
      %mul3A_148 = arith.muli %add3A_146, %mul3A_147 : i32
      %swap3A_149 = arith.index_cast %mul3A_148 : i32 to index
      %swap3A_150 = tpu.vector_load %arg9[%swap3A_149] {strides = array<i32>} : memref<40960xf32, #tpu.memory_space<vmem>>, vector<16xf32>,
      tpu.vector_store %arg9[%swap3A_149], %broadcast_in_dim3A_1 {strides = array<i32>} : memref<40960xf32, #tpu.memory_space<vmem>>, vector<16xf32>,
      %mul3A_151 = arith.constant 8 : i32
      %mul3A_152 = arith.muli %scan3A_95, %mul3A_151 : i32
      %add3A_153 = arith.constant 7 : i32
      %add3A_154 = arith.addi %mul3A_152, %add3A_153 : i32
      %mul3A_155 = arith.constant 16 : i32
      %mul3A_156 = arith.muli %add3A_154, %mul3A_155 : i32
      %swap3A_157 = arith.index_cast %mul3A_156 : i32 to index
      %swap3A_158 = tpu.vector_load %arg9[%swap3A_157] {strides = array<i32>} : memref<40960xf32, #tpu.memory_space<vmem>>, vector<16xf32>,
      tpu.vector_store %arg9[%swap3A_157], %broadcast_in_dim3A_1 {strides = array<i32>} : memref<40960xf32, #tpu.memory_space<vmem>>, vector<16xf32>,
    }
    %scan3A_54 = arith.constant 320 : i32
    %add3A_55 = arith.constant 0 : i32
    %add3A_56 = vector.broadcast %add3A_55 : i32 to vector<16xi32>
    %add3A_57 = arith.addi %select_n3A_44, %add3A_56 : vector<16xi32>
    %scan3A_58 = arith.constant 0 : i32
    %scan3A_59 = arith.constant 0 : i32
    %scan3A_60 = arith.constant 640 : i32
    %scan3A_61 = arith.addi %scan3A_59, %scan3A_60 : i32
    %scan3A_62 = arith.constant 1 : i32
    scf.for %scan3A_95 = %scan3A_59 to %scan3A_61 step %scan3A_62  : i32 {
      %mul3A_96 = arith.constant 512 : i32
      %mul3A_97 = arith.muli %scan3A_95, %mul3A_96 : i32
      "tpu.region"() ({
        %run_scoped3A = tpu.sem_alloc : memref<!tpu.dma_semaphore, #tpu.memory_space<semaphore_mem>>
        %dma_start3A = tpu.memref_slice %arg3[%mul3A_97] : memref<327680xi32, #tpu.memory_space<hbm>> -> memref<512xi32, #tpu.memory_space<hbm>>
        %dma_start3A_106 = tpu.memref_slice %arg3[%mul3A_97] : memref<327680xi32, #tpu.memory_space<hbm>> -> memref<512xi32, #tpu.memory_space<hbm>>
        tpu.enqueue_dma source(%dma_start3A_106 : memref<512xi32, #tpu.memory_space<hbm>>) target(%arg6 : memref<512xi32, #tpu.memory_space<vmem>>) target_semaphore(%run_scoped3A : memref<!tpu.dma_semaphore, #tpu.memory_space<semaphore_mem>>)
        %dma_wait3A = tpu.memref_slice %arg3[%mul3A_97] : memref<327680xi32, #tpu.memory_space<hbm>> -> memref<512xi32, #tpu.memory_space<hbm>>
        %dma_wait3A_107 = tpu.memref_slice %arg3[%mul3A_97] : memref<327680xi32, #tpu.memory_space<hbm>> -> memref<512xi32, #tpu.memory_space<hbm>>
        tpu.wait_dma2 semaphore(%run_scoped3A : memref<!tpu.dma_semaphore, #tpu.memory_space<semaphore_mem>>) src(%dma_wait3A_107 : memref<512xi32, #tpu.memory_space<hbm>>) dst(%arg6 : memref<512xi32, #tpu.memory_space<vmem>>)
        tpu.yield
      }) : () -> ()
      %mul3A_98 = arith.constant 512 : i32
      %mul3A_99 = arith.muli %scan3A_95, %mul3A_98 : i32
      "tpu.region"() ({
        %run_scoped3A = tpu.sem_alloc : memref<!tpu.dma_semaphore, #tpu.memory_space<semaphore_mem>>
        %dma_start3A = tpu.memref_slice %arg4[%mul3A_99] : memref<327680xi32, #tpu.memory_space<hbm>> -> memref<512xi32, #tpu.memory_space<hbm>>
        %dma_start3A_106 = tpu.memref_slice %arg4[%mul3A_99] : memref<327680xi32, #tpu.memory_space<hbm>> -> memref<512xi32, #tpu.memory_space<hbm>>
        tpu.enqueue_dma source(%dma_start3A_106 : memref<512xi32, #tpu.memory_space<hbm>>) target(%arg7 : memref<512xi32, #tpu.memory_space<vmem>>) target_semaphore(%run_scoped3A : memref<!tpu.dma_semaphore, #tpu.memory_space<semaphore_mem>>)
        %dma_wait3A = tpu.memref_slice %arg4[%mul3A_99] : memref<327680xi32, #tpu.memory_space<hbm>> -> memref<512xi32, #tpu.memory_space<hbm>>
        %dma_wait3A_107 = tpu.memref_slice %arg4[%mul3A_99] : memref<327680xi32, #tpu.memory_space<hbm>> -> memref<512xi32, #tpu.memory_space<hbm>>
        tpu.wait_dma2 semaphore(%run_scoped3A : memref<!tpu.dma_semaphore, #tpu.memory_space<semaphore_mem>>) src(%dma_wait3A_107 : memref<512xi32, #tpu.memory_space<hbm>>) dst(%arg7 : memref<512xi32, #tpu.memory_space<vmem>>)
        tpu.yield
      }) : () -> ()
      %scan3A_100 = arith.constant 0 : i32
      %scan3A_101 = arith.constant 0 : i32
      %scan3A_102 = arith.constant 16 : i32
      %scan3A_103 = arith.addi %scan3A_101, %scan3A_102 : i32
      %scan3A_104 = arith.constant 1 : i32
      scf.for %scan3A_106 = %scan3A_101 to %scan3A_103 step %scan3A_104  : i32 {
        %mul3A_107 = arith.constant 8 : i32
        %mul3A_108 = arith.muli %scan3A_106, %mul3A_107 : i32
        %add3A_109 = arith.constant 0 : i32
        %add3A_110 = arith.addi %mul3A_108, %add3A_109 : i32
        %mul3A_111 = arith.constant 4 : i32
        %mul3A_112 = arith.muli %add3A_110, %mul3A_111 : i32
        %add3A_113 = vector.broadcast %mul3A_112 : i32 to vector<16xi32>
        %add3A_114 = arith.addi %select_n3A, %add3A_113 : vector<16xi32>
        %gather3A = tpu.vector_load_idx %arg6[%add3A_114] : memref<512xi32, #tpu.memory_space<vmem>>[vector<16xi32>], vector<16xi32>,
        %gather3A_115 = tpu.vector_load_idx %arg7[%add3A_114] : memref<512xi32, #tpu.memory_space<vmem>>[vector<16xi32>], vector<16xi32>,
        %gather3A_116 = tpu.vector_load_idx %arg8[%add3A_57, %gather3A] : memref<8x10000xf32, #tpu.memory_space<vmem>>[vector<16xi32>, vector<16xi32>], vector<16xf32>,
        %add3A_117 = arith.addi %mul3A_49, %gather3A_115 : vector<16xi32>
        tpu.vector_store_idx %arg9[%add3A_117], %gather3A_116 {add = true} : memref<40960xf32, #tpu.memory_space<vmem>>[vector<16xi32>], vector<16xf32>,
        %mul3A_118 = arith.constant 8 : i32
        %mul3A_119 = arith.muli %scan3A_106, %mul3A_118 : i32
        %add3A_120 = arith.constant 1 : i32
        %add3A_121 = arith.addi %mul3A_119, %add3A_120 : i32
        %mul3A_122 = arith.constant 4 : i32
        %mul3A_123 = arith.muli %add3A_121, %mul3A_122 : i32
        %add3A_124 = vector.broadcast %mul3A_123 : i32 to vector<16xi32>
        %add3A_125 = arith.addi %select_n3A, %add3A_124 : vector<16xi32>
        %gather3A_126 = tpu.vector_load_idx %arg6[%add3A_125] : memref<512xi32, #tpu.memory_space<vmem>>[vector<16xi32>], vector<16xi32>,
        %gather3A_127 = tpu.vector_load_idx %arg7[%add3A_125] : memref<512xi32, #tpu.memory_space<vmem>>[vector<16xi32>], vector<16xi32>,
        %gather3A_128 = tpu.vector_load_idx %arg8[%add3A_57, %gather3A_126] : memref<8x10000xf32, #tpu.memory_space<vmem>>[vector<16xi32>, vector<16xi32>], vector<16xf32>,
        %add3A_129 = arith.addi %mul3A_49, %gather3A_127 : vector<16xi32>
        tpu.vector_store_idx %arg9[%add3A_129], %gather3A_128 {add = true} : memref<40960xf32, #tpu.memory_space<vmem>>[vector<16xi32>], vector<16xf32>,
        %mul3A_130 = arith.constant 8 : i32
        %mul3A_131 = arith.muli %scan3A_106, %mul3A_130 : i32
        %add3A_132 = arith.constant 2 : i32
        %add3A_133 = arith.addi %mul3A_131, %add3A_132 : i32
        %mul3A_134 = arith.constant 4 : i32
        %mul3A_135 = arith.muli %add3A_133, %mul3A_134 : i32
        %add3A_136 = vector.broadcast %mul3A_135 : i32 to vector<16xi32>
        %add3A_137 = arith.addi %select_n3A, %add3A_136 : vector<16xi32>
        %gather3A_138 = tpu.vector_load_idx %arg6[%add3A_137] : memref<512xi32, #tpu.memory_space<vmem>>[vector<16xi32>], vector<16xi32>,
        %gather3A_139 = tpu.vector_load_idx %arg7[%add3A_137] : memref<512xi32, #tpu.memory_space<vmem>>[vector<16xi32>], vector<16xi32>,
        %gather3A_140 = tpu.vector_load_idx %arg8[%add3A_57, %gather3A_138] : memref<8x10000xf32, #tpu.memory_space<vmem>>[vector<16xi32>, vector<16xi32>], vector<16xf32>,
        %add3A_141 = arith.addi %mul3A_49, %gather3A_139 : vector<16xi32>
        tpu.vector_store_idx %arg9[%add3A_141], %gather3A_140 {add = true} : memref<40960xf32, #tpu.memory_space<vmem>>[vector<16xi32>], vector<16xf32>,
        %mul3A_142 = arith.constant 8 : i32
        %mul3A_143 = arith.muli %scan3A_106, %mul3A_142 : i32
        %add3A_144 = arith.constant 3 : i32
        %add3A_145 = arith.addi %mul3A_143, %add3A_144 : i32
        %mul3A_146 = arith.constant 4 : i32
        %mul3A_147 = arith.muli %add3A_145, %mul3A_146 : i32
        %add3A_148 = vector.broadcast %mul3A_147 : i32 to vector<16xi32>
        %add3A_149 = arith.addi %select_n3A, %add3A_148 : vector<16xi32>
        %gather3A_150 = tpu.vector_load_idx %arg6[%add3A_149] : memref<512xi32, #tpu.memory_space<vmem>>[vector<16xi32>], vector<16xi32>,
        %gather3A_151 = tpu.vector_load_idx %arg7[%add3A_149] : memref<512xi32, #tpu.memory_space<vmem>>[vector<16xi32>], vector<16xi32>,
        %gather3A_152 = tpu.vector_load_idx %arg8[%add3A_57, %gather3A_150] : memref<8x10000xf32, #tpu.memory_space<vmem>>[vector<16xi32>, vector<16xi32>], vector<16xf32>,
        %add3A_153 = arith.addi %mul3A_49, %gather3A_151 : vector<16xi32>
        tpu.vector_store_idx %arg9[%add3A_153], %gather3A_152 {add = true} : memref<40960xf32, #tpu.memory_space<vmem>>[vector<16xi32>], vector<16xf32>,
        %mul3A_154 = arith.constant 8 : i32
        %mul3A_155 = arith.muli %scan3A_106, %mul3A_154 : i32
        %add3A_156 = arith.constant 4 : i32
        %add3A_157 = arith.addi %mul3A_155, %add3A_156 : i32
        %mul3A_158 = arith.constant 4 : i32
        %mul3A_159 = arith.muli %add3A_157, %mul3A_158 : i32
        %add3A_160 = vector.broadcast %mul3A_159 : i32 to vector<16xi32>
        %add3A_161 = arith.addi %select_n3A, %add3A_160 : vector<16xi32>
        %gather3A_162 = tpu.vector_load_idx %arg6[%add3A_161] : memref<512xi32, #tpu.memory_space<vmem>>[vector<16xi32>], vector<16xi32>,
        %gather3A_163 = tpu.vector_load_idx %arg7[%add3A_161] : memref<512xi32, #tpu.memory_space<vmem>>[vector<16xi32>], vector<16xi32>,
        %gather3A_164 = tpu.vector_load_idx %arg8[%add3A_57, %gather3A_162] : memref<8x10000xf32, #tpu.memory_space<vmem>>[vector<16xi32>, vector<16xi32>], vector<16xf32>,
        %add3A_165 = arith.addi %mul3A_49, %gather3A_163 : vector<16xi32>
        tpu.vector_store_idx %arg9[%add3A_165], %gather3A_164 {add = true} : memref<40960xf32, #tpu.memory_space<vmem>>[vector<16xi32>], vector<16xf32>,
        %mul3A_166 = arith.constant 8 : i32
        %mul3A_167 = arith.muli %scan3A_106, %mul3A_166 : i32
        %add3A_168 = arith.constant 5 : i32
        %add3A_169 = arith.addi %mul3A_167, %add3A_168 : i32
        %mul3A_170 = arith.constant 4 : i32
        %mul3A_171 = arith.muli %add3A_169, %mul3A_170 : i32
        %add3A_172 = vector.broadcast %mul3A_171 : i32 to vector<16xi32>
        %add3A_173 = arith.addi %select_n3A, %add3A_172 : vector<16xi32>
        %gather3A_174 = tpu.vector_load_idx %arg6[%add3A_173] : memref<512xi32, #tpu.memory_space<vmem>>[vector<16xi32>], vector<16xi32>,
        %gather3A_175 = tpu.vector_load_idx %arg7[%add3A_173] : memref<512xi32, #tpu.memory_space<vmem>>[vector<16xi32>], vector<16xi32>,
        %gather3A_176 = tpu.vector_load_idx %arg8[%add3A_57, %gather3A_174] : memref<8x10000xf32, #tpu.memory_space<vmem>>[vector<16xi32>, vector<16xi32>], vector<16xf32>,
        %add3A_177 = arith.addi %mul3A_49, %gather3A_175 : vector<16xi32>
        tpu.vector_store_idx %arg9[%add3A_177], %gather3A_176 {add = true} : memref<40960xf32, #tpu.memory_space<vmem>>[vector<16xi32>], vector<16xf32>,
        %mul3A_178 = arith.constant 8 : i32
        %mul3A_179 = arith.muli %scan3A_106, %mul3A_178 : i32
        %add3A_180 = arith.constant 6 : i32
        %add3A_181 = arith.addi %mul3A_179, %add3A_180 : i32
        %mul3A_182 = arith.constant 4 : i32
        %mul3A_183 = arith.muli %add3A_181, %mul3A_182 : i32
        %add3A_184 = vector.broadcast %mul3A_183 : i32 to vector<16xi32>
        %add3A_185 = arith.addi %select_n3A, %add3A_184 : vector<16xi32>
        %gather3A_186 = tpu.vector_load_idx %arg6[%add3A_185] : memref<512xi32, #tpu.memory_space<vmem>>[vector<16xi32>], vector<16xi32>,
        %gather3A_187 = tpu.vector_load_idx %arg7[%add3A_185] : memref<512xi32, #tpu.memory_space<vmem>>[vector<16xi32>], vector<16xi32>,
        %gather3A_188 = tpu.vector_load_idx %arg8[%add3A_57, %gather3A_186] : memref<8x10000xf32, #tpu.memory_space<vmem>>[vector<16xi32>, vector<16xi32>], vector<16xf32>,
        %add3A_189 = arith.addi %mul3A_49, %gather3A_187 : vector<16xi32>
        tpu.vector_store_idx %arg9[%add3A_189], %gather3A_188 {add = true} : memref<40960xf32, #tpu.memory_space<vmem>>[vector<16xi32>], vector<16xf32>,
        %mul3A_190 = arith.constant 8 : i32
        %mul3A_191 = arith.muli %scan3A_106, %mul3A_190 : i32
        %add3A_192 = arith.constant 7 : i32
        %add3A_193 = arith.addi %mul3A_191, %add3A_192 : i32
        %mul3A_194 = arith.constant 4 : i32
        %mul3A_195 = arith.muli %add3A_193, %mul3A_194 : i32
        %add3A_196 = vector.broadcast %mul3A_195 : i32 to vector<16xi32>
        %add3A_197 = arith.addi %select_n3A, %add3A_196 : vector<16xi32>
        %gather3A_198 = tpu.vector_load_idx %arg6[%add3A_197] : memref<512xi32, #tpu.memory_space<vmem>>[vector<16xi32>], vector<16xi32>,
        %gather3A_199 = tpu.vector_load_idx %arg7[%add3A_197] : memref<512xi32, #tpu.memory_space<vmem>>[vector<16xi32>], vector<16xi32>,
        %gather3A_200 = tpu.vector_load_idx %arg8[%add3A_57, %gather3A_198] : memref<8x10000xf32, #tpu.memory_space<vmem>>[vector<16xi32>, vector<16xi32>], vector<16xf32>,
        %add3A_201 = arith.addi %mul3A_49, %gather3A_199 : vector<16xi32>
        tpu.vector_store_idx %arg9[%add3A_201], %gather3A_200 {add = true} : memref<40960xf32, #tpu.memory_space<vmem>>[vector<16xi32>], vector<16xf32>,
      }
      %scan3A_105 = arith.constant 16 : i32
    }
    %scan3A_63 = arith.constant 640 : i32
    %mul3A_64 = arith.constant 2 : i32
    %mul3A_65 = arith.muli %add3A, %mul3A_64 : i32
    %add3A_66 = arith.constant 0 : i32
    %add3A_67 = arith.addi %mul3A_65, %add3A_66 : i32
    %mul3A_68 = arith.constant 4 : i32
    %mul3A_69 = arith.muli %add3A_67, %mul3A_68 : i32
    %mul3A_70 = arith.constant 10240 : i32
    %mul3A_71 = arith.muli %mul3A_69, %mul3A_70 : i32
    "tpu.region"() ({
      %run_scoped3A = tpu.sem_alloc : memref<!tpu.dma_semaphore, #tpu.memory_space<semaphore_mem>>
      %dma_start3A = tpu.memref_slice %arg5[%mul3A_71] : memref<2621440xf32, #tpu.memory_space<hbm>> -> memref<40960xf32, #tpu.memory_space<hbm>>
      %dma_start3A_95 = tpu.memref_slice %arg5[%mul3A_71] : memref<2621440xf32, #tpu.memory_space<hbm>> -> memref<40960xf32, #tpu.memory_space<hbm>>
      tpu.enqueue_dma source(%arg9 : memref<40960xf32, #tpu.memory_space<vmem>>) target(%dma_start3A_95 : memref<40960xf32, #tpu.memory_space<hbm>>) target_semaphore(%run_scoped3A : memref<!tpu.dma_semaphore, #tpu.memory_space<semaphore_mem>>)
      %dma_wait3A = tpu.memref_slice %arg5[%mul3A_71] : memref<2621440xf32, #tpu.memory_space<hbm>> -> memref<40960xf32, #tpu.memory_space<hbm>>
      %dma_wait3A_96 = tpu.memref_slice %arg5[%mul3A_71] : memref<2621440xf32, #tpu.memory_space<hbm>> -> memref<40960xf32, #tpu.memory_space<hbm>>
      tpu.wait_dma2 semaphore(%run_scoped3A : memref<!tpu.dma_semaphore, #tpu.memory_space<semaphore_mem>>) src(%arg9 : memref<40960xf32, #tpu.memory_space<vmem>>) dst(%dma_wait3A_96 : memref<40960xf32, #tpu.memory_space<hbm>>)
      tpu.yield
    }) : () -> ()
    %scan3A_72 = arith.constant 0 : i32
    %scan3A_73 = arith.constant 0 : i32
    %scan3A_74 = arith.constant 320 : i32
    %scan3A_75 = arith.addi %scan3A_73, %scan3A_74 : i32
    %scan3A_76 = arith.constant 1 : i32
    scf.for %scan3A_95 = %scan3A_73 to %scan3A_75 step %scan3A_76  : i32 {
      %mul3A_96 = arith.constant 8 : i32
      %mul3A_97 = arith.muli %scan3A_95, %mul3A_96 : i32
      %add3A_98 = arith.constant 0 : i32
      %add3A_99 = arith.addi %mul3A_97, %add3A_98 : i32
      %mul3A_100 = arith.constant 16 : i32
      %mul3A_101 = arith.muli %add3A_99, %mul3A_100 : i32
      %swap3A = arith.index_cast %mul3A_101 : i32 to index
      %swap3A_102 = tpu.vector_load %arg9[%swap3A] {strides = array<i32>} : memref<40960xf32, #tpu.memory_space<vmem>>, vector<16xf32>,
      tpu.vector_store %arg9[%swap3A], %broadcast_in_dim3A_1 {strides = array<i32>} : memref<40960xf32, #tpu.memory_space<vmem>>, vector<16xf32>,
      %mul3A_103 = arith.constant 8 : i32
      %mul3A_104 = arith.muli %scan3A_95, %mul3A_103 : i32
      %add3A_105 = arith.constant 1 : i32
      %add3A_106 = arith.addi %mul3A_104, %add3A_105 : i32
      %mul3A_107 = arith.constant 16 : i32
      %mul3A_108 = arith.muli %add3A_106, %mul3A_107 : i32
      %swap3A_109 = arith.index_cast %mul3A_108 : i32 to index
      %swap3A_110 = tpu.vector_load %arg9[%swap3A_109] {strides = array<i32>} : memref<40960xf32, #tpu.memory_space<vmem>>, vector<16xf32>,
      tpu.vector_store %arg9[%swap3A_109], %broadcast_in_dim3A_1 {strides = array<i32>} : memref<40960xf32, #tpu.memory_space<vmem>>, vector<16xf32>,
      %mul3A_111 = arith.constant 8 : i32
      %mul3A_112 = arith.muli %scan3A_95, %mul3A_111 : i32
      %add3A_113 = arith.constant 2 : i32
      %add3A_114 = arith.addi %mul3A_112, %add3A_113 : i32
      %mul3A_115 = arith.constant 16 : i32
      %mul3A_116 = arith.muli %add3A_114, %mul3A_115 : i32
      %swap3A_117 = arith.index_cast %mul3A_116 : i32 to index
      %swap3A_118 = tpu.vector_load %arg9[%swap3A_117] {strides = array<i32>} : memref<40960xf32, #tpu.memory_space<vmem>>, vector<16xf32>,
      tpu.vector_store %arg9[%swap3A_117], %broadcast_in_dim3A_1 {strides = array<i32>} : memref<40960xf32, #tpu.memory_space<vmem>>, vector<16xf32>,
      %mul3A_119 = arith.constant 8 : i32
      %mul3A_120 = arith.muli %scan3A_95, %mul3A_119 : i32
      %add3A_121 = arith.constant 3 : i32
      %add3A_122 = arith.addi %mul3A_120, %add3A_121 : i32
      %mul3A_123 = arith.constant 16 : i32
      %mul3A_124 = arith.muli %add3A_122, %mul3A_123 : i32
      %swap3A_125 = arith.index_cast %mul3A_124 : i32 to index
      %swap3A_126 = tpu.vector_load %arg9[%swap3A_125] {strides = array<i32>} : memref<40960xf32, #tpu.memory_space<vmem>>, vector<16xf32>,
      tpu.vector_store %arg9[%swap3A_125], %broadcast_in_dim3A_1 {strides = array<i32>} : memref<40960xf32, #tpu.memory_space<vmem>>, vector<16xf32>,
      %mul3A_127 = arith.constant 8 : i32
      %mul3A_128 = arith.muli %scan3A_95, %mul3A_127 : i32
      %add3A_129 = arith.constant 4 : i32
      %add3A_130 = arith.addi %mul3A_128, %add3A_129 : i32
      %mul3A_131 = arith.constant 16 : i32
      %mul3A_132 = arith.muli %add3A_130, %mul3A_131 : i32
      %swap3A_133 = arith.index_cast %mul3A_132 : i32 to index
      %swap3A_134 = tpu.vector_load %arg9[%swap3A_133] {strides = array<i32>} : memref<40960xf32, #tpu.memory_space<vmem>>, vector<16xf32>,
      tpu.vector_store %arg9[%swap3A_133], %broadcast_in_dim3A_1 {strides = array<i32>} : memref<40960xf32, #tpu.memory_space<vmem>>, vector<16xf32>,
      %mul3A_135 = arith.constant 8 : i32
      %mul3A_136 = arith.muli %scan3A_95, %mul3A_135 : i32
      %add3A_137 = arith.constant 5 : i32
      %add3A_138 = arith.addi %mul3A_136, %add3A_137 : i32
      %mul3A_139 = arith.constant 16 : i32
      %mul3A_140 = arith.muli %add3A_138, %mul3A_139 : i32
      %swap3A_141 = arith.index_cast %mul3A_140 : i32 to index
      %swap3A_142 = tpu.vector_load %arg9[%swap3A_141] {strides = array<i32>} : memref<40960xf32, #tpu.memory_space<vmem>>, vector<16xf32>,
      tpu.vector_store %arg9[%swap3A_141], %broadcast_in_dim3A_1 {strides = array<i32>} : memref<40960xf32, #tpu.memory_space<vmem>>, vector<16xf32>,
      %mul3A_143 = arith.constant 8 : i32
      %mul3A_144 = arith.muli %scan3A_95, %mul3A_143 : i32
      %add3A_145 = arith.constant 6 : i32
      %add3A_146 = arith.addi %mul3A_144, %add3A_145 : i32
      %mul3A_147 = arith.constant 16 : i32
      %mul3A_148 = arith.muli %add3A_146, %mul3A_147 : i32
      %swap3A_149 = arith.index_cast %mul3A_148 : i32 to index
      %swap3A_150 = tpu.vector_load %arg9[%swap3A_149] {strides = array<i32>} : memref<40960xf32, #tpu.memory_space<vmem>>, vector<16xf32>,
      tpu.vector_store %arg9[%swap3A_149], %broadcast_in_dim3A_1 {strides = array<i32>} : memref<40960xf32, #tpu.memory_space<vmem>>, vector<16xf32>,
      %mul3A_151 = arith.constant 8 : i32
      %mul3A_152 = arith.muli %scan3A_95, %mul3A_151 : i32
      %add3A_153 = arith.constant 7 : i32
      %add3A_154 = arith.addi %mul3A_152, %add3A_153 : i32
      %mul3A_155 = arith.constant 16 : i32
      %mul3A_156 = arith.muli %add3A_154, %mul3A_155 : i32
      %swap3A_157 = arith.index_cast %mul3A_156 : i32 to index
      %swap3A_158 = tpu.vector_load %arg9[%swap3A_157] {strides = array<i32>} : memref<40960xf32, #tpu.memory_space<vmem>>, vector<16xf32>,
      tpu.vector_store %arg9[%swap3A_157], %broadcast_in_dim3A_1 {strides = array<i32>} : memref<40960xf32, #tpu.memory_space<vmem>>, vector<16xf32>,
    }
    %scan3A_77 = arith.constant 320 : i32
    %add3A_78 = arith.constant 4 : i32
    %add3A_79 = vector.broadcast %add3A_78 : i32 to vector<16xi32>
    %add3A_80 = arith.addi %select_n3A_44, %add3A_79 : vector<16xi32>
    %scan3A_81 = arith.constant 0 : i32
    %scan3A_82 = arith.constant 0 : i32
    %scan3A_83 = arith.constant 640 : i32
    %scan3A_84 = arith.addi %scan3A_82, %scan3A_83 : i32
    %scan3A_85 = arith.constant 1 : i32
    scf.for %scan3A_95 = %scan3A_82 to %scan3A_84 step %scan3A_85  : i32 {
      %mul3A_96 = arith.constant 512 : i32
      %mul3A_97 = arith.muli %scan3A_95, %mul3A_96 : i32
      "tpu.region"() ({
        %run_scoped3A = tpu.sem_alloc : memref<!tpu.dma_semaphore, #tpu.memory_space<semaphore_mem>>
        %dma_start3A = tpu.memref_slice %arg3[%mul3A_97] : memref<327680xi32, #tpu.memory_space<hbm>> -> memref<512xi32, #tpu.memory_space<hbm>>
        %dma_start3A_106 = tpu.memref_slice %arg3[%mul3A_97] : memref<327680xi32, #tpu.memory_space<hbm>> -> memref<512xi32, #tpu.memory_space<hbm>>
        tpu.enqueue_dma source(%dma_start3A_106 : memref<512xi32, #tpu.memory_space<hbm>>) target(%arg6 : memref<512xi32, #tpu.memory_space<vmem>>) target_semaphore(%run_scoped3A : memref<!tpu.dma_semaphore, #tpu.memory_space<semaphore_mem>>)
        %dma_wait3A = tpu.memref_slice %arg3[%mul3A_97] : memref<327680xi32, #tpu.memory_space<hbm>> -> memref<512xi32, #tpu.memory_space<hbm>>
        %dma_wait3A_107 = tpu.memref_slice %arg3[%mul3A_97] : memref<327680xi32, #tpu.memory_space<hbm>> -> memref<512xi32, #tpu.memory_space<hbm>>
        tpu.wait_dma2 semaphore(%run_scoped3A : memref<!tpu.dma_semaphore, #tpu.memory_space<semaphore_mem>>) src(%dma_wait3A_107 : memref<512xi32, #tpu.memory_space<hbm>>) dst(%arg6 : memref<512xi32, #tpu.memory_space<vmem>>)
        tpu.yield
      }) : () -> ()
      %mul3A_98 = arith.constant 512 : i32
      %mul3A_99 = arith.muli %scan3A_95, %mul3A_98 : i32
      "tpu.region"() ({
        %run_scoped3A = tpu.sem_alloc : memref<!tpu.dma_semaphore, #tpu.memory_space<semaphore_mem>>
        %dma_start3A = tpu.memref_slice %arg4[%mul3A_99] : memref<327680xi32, #tpu.memory_space<hbm>> -> memref<512xi32, #tpu.memory_space<hbm>>
        %dma_start3A_106 = tpu.memref_slice %arg4[%mul3A_99] : memref<327680xi32, #tpu.memory_space<hbm>> -> memref<512xi32, #tpu.memory_space<hbm>>
        tpu.enqueue_dma source(%dma_start3A_106 : memref<512xi32, #tpu.memory_space<hbm>>) target(%arg7 : memref<512xi32, #tpu.memory_space<vmem>>) target_semaphore(%run_scoped3A : memref<!tpu.dma_semaphore, #tpu.memory_space<semaphore_mem>>)
        %dma_wait3A = tpu.memref_slice %arg4[%mul3A_99] : memref<327680xi32, #tpu.memory_space<hbm>> -> memref<512xi32, #tpu.memory_space<hbm>>
        %dma_wait3A_107 = tpu.memref_slice %arg4[%mul3A_99] : memref<327680xi32, #tpu.memory_space<hbm>> -> memref<512xi32, #tpu.memory_space<hbm>>
        tpu.wait_dma2 semaphore(%run_scoped3A : memref<!tpu.dma_semaphore, #tpu.memory_space<semaphore_mem>>) src(%dma_wait3A_107 : memref<512xi32, #tpu.memory_space<hbm>>) dst(%arg7 : memref<512xi32, #tpu.memory_space<vmem>>)
        tpu.yield
      }) : () -> ()
      %scan3A_100 = arith.constant 0 : i32
      %scan3A_101 = arith.constant 0 : i32
      %scan3A_102 = arith.constant 16 : i32
      %scan3A_103 = arith.addi %scan3A_101, %scan3A_102 : i32
      %scan3A_104 = arith.constant 1 : i32
      scf.for %scan3A_106 = %scan3A_101 to %scan3A_103 step %scan3A_104  : i32 {
        %mul3A_107 = arith.constant 8 : i32
        %mul3A_108 = arith.muli %scan3A_106, %mul3A_107 : i32
        %add3A_109 = arith.constant 0 : i32
        %add3A_110 = arith.addi %mul3A_108, %add3A_109 : i32
        %mul3A_111 = arith.constant 4 : i32
        %mul3A_112 = arith.muli %add3A_110, %mul3A_111 : i32
        %add3A_113 = vector.broadcast %mul3A_112 : i32 to vector<16xi32>
        %add3A_114 = arith.addi %select_n3A, %add3A_113 : vector<16xi32>
        %gather3A = tpu.vector_load_idx %arg6[%add3A_114] : memref<512xi32, #tpu.memory_space<vmem>>[vector<16xi32>], vector<16xi32>,
        %gather3A_115 = tpu.vector_load_idx %arg7[%add3A_114] : memref<512xi32, #tpu.memory_space<vmem>>[vector<16xi32>], vector<16xi32>,
        %gather3A_116 = tpu.vector_load_idx %arg8[%add3A_80, %gather3A] : memref<8x10000xf32, #tpu.memory_space<vmem>>[vector<16xi32>, vector<16xi32>], vector<16xf32>,
        %add3A_117 = arith.addi %mul3A_49, %gather3A_115 : vector<16xi32>
        tpu.vector_store_idx %arg9[%add3A_117], %gather3A_116 {add = true} : memref<40960xf32, #tpu.memory_space<vmem>>[vector<16xi32>], vector<16xf32>,
        %mul3A_118 = arith.constant 8 : i32
        %mul3A_119 = arith.muli %scan3A_106, %mul3A_118 : i32
        %add3A_120 = arith.constant 1 : i32
        %add3A_121 = arith.addi %mul3A_119, %add3A_120 : i32
        %mul3A_122 = arith.constant 4 : i32
        %mul3A_123 = arith.muli %add3A_121, %mul3A_122 : i32
        %add3A_124 = vector.broadcast %mul3A_123 : i32 to vector<16xi32>
        %add3A_125 = arith.addi %select_n3A, %add3A_124 : vector<16xi32>
        %gather3A_126 = tpu.vector_load_idx %arg6[%add3A_125] : memref<512xi32, #tpu.memory_space<vmem>>[vector<16xi32>], vector<16xi32>,
        %gather3A_127 = tpu.vector_load_idx %arg7[%add3A_125] : memref<512xi32, #tpu.memory_space<vmem>>[vector<16xi32>], vector<16xi32>,
        %gather3A_128 = tpu.vector_load_idx %arg8[%add3A_80, %gather3A_126] : memref<8x10000xf32, #tpu.memory_space<vmem>>[vector<16xi32>, vector<16xi32>], vector<16xf32>,
        %add3A_129 = arith.addi %mul3A_49, %gather3A_127 : vector<16xi32>
        tpu.vector_store_idx %arg9[%add3A_129], %gather3A_128 {add = true} : memref<40960xf32, #tpu.memory_space<vmem>>[vector<16xi32>], vector<16xf32>,
        %mul3A_130 = arith.constant 8 : i32
        %mul3A_131 = arith.muli %scan3A_106, %mul3A_130 : i32
        %add3A_132 = arith.constant 2 : i32
        %add3A_133 = arith.addi %mul3A_131, %add3A_132 : i32
        %mul3A_134 = arith.constant 4 : i32
        %mul3A_135 = arith.muli %add3A_133, %mul3A_134 : i32
        %add3A_136 = vector.broadcast %mul3A_135 : i32 to vector<16xi32>
        %add3A_137 = arith.addi %select_n3A, %add3A_136 : vector<16xi32>
        %gather3A_138 = tpu.vector_load_idx %arg6[%add3A_137] : memref<512xi32, #tpu.memory_space<vmem>>[vector<16xi32>], vector<16xi32>,
        %gather3A_139 = tpu.vector_load_idx %arg7[%add3A_137] : memref<512xi32, #tpu.memory_space<vmem>>[vector<16xi32>], vector<16xi32>,
        %gather3A_140 = tpu.vector_load_idx %arg8[%add3A_80, %gather3A_138] : memref<8x10000xf32, #tpu.memory_space<vmem>>[vector<16xi32>, vector<16xi32>], vector<16xf32>,
        %add3A_141 = arith.addi %mul3A_49, %gather3A_139 : vector<16xi32>
        tpu.vector_store_idx %arg9[%add3A_141], %gather3A_140 {add = true} : memref<40960xf32, #tpu.memory_space<vmem>>[vector<16xi32>], vector<16xf32>,
        %mul3A_142 = arith.constant 8 : i32
        %mul3A_143 = arith.muli %scan3A_106, %mul3A_142 : i32
        %add3A_144 = arith.constant 3 : i32
        %add3A_145 = arith.addi %mul3A_143, %add3A_144 : i32
        %mul3A_146 = arith.constant 4 : i32
        %mul3A_147 = arith.muli %add3A_145, %mul3A_146 : i32
        %add3A_148 = vector.broadcast %mul3A_147 : i32 to vector<16xi32>
        %add3A_149 = arith.addi %select_n3A, %add3A_148 : vector<16xi32>
        %gather3A_150 = tpu.vector_load_idx %arg6[%add3A_149] : memref<512xi32, #tpu.memory_space<vmem>>[vector<16xi32>], vector<16xi32>,
        %gather3A_151 = tpu.vector_load_idx %arg7[%add3A_149] : memref<512xi32, #tpu.memory_space<vmem>>[vector<16xi32>], vector<16xi32>,
        %gather3A_152 = tpu.vector_load_idx %arg8[%add3A_80, %gather3A_150] : memref<8x10000xf32, #tpu.memory_space<vmem>>[vector<16xi32>, vector<16xi32>], vector<16xf32>,
        %add3A_153 = arith.addi %mul3A_49, %gather3A_151 : vector<16xi32>
        tpu.vector_store_idx %arg9[%add3A_153], %gather3A_152 {add = true} : memref<40960xf32, #tpu.memory_space<vmem>>[vector<16xi32>], vector<16xf32>,
        %mul3A_154 = arith.constant 8 : i32
        %mul3A_155 = arith.muli %scan3A_106, %mul3A_154 : i32
        %add3A_156 = arith.constant 4 : i32
        %add3A_157 = arith.addi %mul3A_155, %add3A_156 : i32
        %mul3A_158 = arith.constant 4 : i32
        %mul3A_159 = arith.muli %add3A_157, %mul3A_158 : i32
        %add3A_160 = vector.broadcast %mul3A_159 : i32 to vector<16xi32>
        %add3A_161 = arith.addi %select_n3A, %add3A_160 : vector<16xi32>
        %gather3A_162 = tpu.vector_load_idx %arg6[%add3A_161] : memref<512xi32, #tpu.memory_space<vmem>>[vector<16xi32>], vector<16xi32>,
        %gather3A_163 = tpu.vector_load_idx %arg7[%add3A_161] : memref<512xi32, #tpu.memory_space<vmem>>[vector<16xi32>], vector<16xi32>,
        %gather3A_164 = tpu.vector_load_idx %arg8[%add3A_80, %gather3A_162] : memref<8x10000xf32, #tpu.memory_space<vmem>>[vector<16xi32>, vector<16xi32>], vector<16xf32>,
        %add3A_165 = arith.addi %mul3A_49, %gather3A_163 : vector<16xi32>
        tpu.vector_store_idx %arg9[%add3A_165], %gather3A_164 {add = true} : memref<40960xf32, #tpu.memory_space<vmem>>[vector<16xi32>], vector<16xf32>,
        %mul3A_166 = arith.constant 8 : i32
        %mul3A_167 = arith.muli %scan3A_106, %mul3A_166 : i32
        %add3A_168 = arith.constant 5 : i32
        %add3A_169 = arith.addi %mul3A_167, %add3A_168 : i32
        %mul3A_170 = arith.constant 4 : i32
        %mul3A_171 = arith.muli %add3A_169, %mul3A_170 : i32
        %add3A_172 = vector.broadcast %mul3A_171 : i32 to vector<16xi32>
        %add3A_173 = arith.addi %select_n3A, %add3A_172 : vector<16xi32>
        %gather3A_174 = tpu.vector_load_idx %arg6[%add3A_173] : memref<512xi32, #tpu.memory_space<vmem>>[vector<16xi32>], vector<16xi32>,
        %gather3A_175 = tpu.vector_load_idx %arg7[%add3A_173] : memref<512xi32, #tpu.memory_space<vmem>>[vector<16xi32>], vector<16xi32>,
        %gather3A_176 = tpu.vector_load_idx %arg8[%add3A_80, %gather3A_174] : memref<8x10000xf32, #tpu.memory_space<vmem>>[vector<16xi32>, vector<16xi32>], vector<16xf32>,
        %add3A_177 = arith.addi %mul3A_49, %gather3A_175 : vector<16xi32>
        tpu.vector_store_idx %arg9[%add3A_177], %gather3A_176 {add = true} : memref<40960xf32, #tpu.memory_space<vmem>>[vector<16xi32>], vector<16xf32>,
        %mul3A_178 = arith.constant 8 : i32
        %mul3A_179 = arith.muli %scan3A_106, %mul3A_178 : i32
        %add3A_180 = arith.constant 6 : i32
        %add3A_181 = arith.addi %mul3A_179, %add3A_180 : i32
        %mul3A_182 = arith.constant 4 : i32
        %mul3A_183 = arith.muli %add3A_181, %mul3A_182 : i32
        %add3A_184 = vector.broadcast %mul3A_183 : i32 to vector<16xi32>
        %add3A_185 = arith.addi %select_n3A, %add3A_184 : vector<16xi32>
        %gather3A_186 = tpu.vector_load_idx %arg6[%add3A_185] : memref<512xi32, #tpu.memory_space<vmem>>[vector<16xi32>], vector<16xi32>,
        %gather3A_187 = tpu.vector_load_idx %arg7[%add3A_185] : memref<512xi32, #tpu.memory_space<vmem>>[vector<16xi32>], vector<16xi32>,
        %gather3A_188 = tpu.vector_load_idx %arg8[%add3A_80, %gather3A_186] : memref<8x10000xf32, #tpu.memory_space<vmem>>[vector<16xi32>, vector<16xi32>], vector<16xf32>,
        %add3A_189 = arith.addi %mul3A_49, %gather3A_187 : vector<16xi32>
        tpu.vector_store_idx %arg9[%add3A_189], %gather3A_188 {add = true} : memref<40960xf32, #tpu.memory_space<vmem>>[vector<16xi32>], vector<16xf32>,
        %mul3A_190 = arith.constant 8 : i32
        %mul3A_191 = arith.muli %scan3A_106, %mul3A_190 : i32
        %add3A_192 = arith.constant 7 : i32
        %add3A_193 = arith.addi %mul3A_191, %add3A_192 : i32
        %mul3A_194 = arith.constant 4 : i32
        %mul3A_195 = arith.muli %add3A_193, %mul3A_194 : i32
        %add3A_196 = vector.broadcast %mul3A_195 : i32 to vector<16xi32>
        %add3A_197 = arith.addi %select_n3A, %add3A_196 : vector<16xi32>
        %gather3A_198 = tpu.vector_load_idx %arg6[%add3A_197] : memref<512xi32, #tpu.memory_space<vmem>>[vector<16xi32>], vector<16xi32>,
        %gather3A_199 = tpu.vector_load_idx %arg7[%add3A_197] : memref<512xi32, #tpu.memory_space<vmem>>[vector<16xi32>], vector<16xi32>,
        %gather3A_200 = tpu.vector_load_idx %arg8[%add3A_80, %gather3A_198] : memref<8x10000xf32, #tpu.memory_space<vmem>>[vector<16xi32>, vector<16xi32>], vector<16xf32>,
        %add3A_201 = arith.addi %mul3A_49, %gather3A_199 : vector<16xi32>
        tpu.vector_store_idx %arg9[%add3A_201], %gather3A_200 {add = true} : memref<40960xf32, #tpu.memory_space<vmem>>[vector<16xi32>], vector<16xf32>,
      }
      %scan3A_105 = arith.constant 16 : i32
    }
    %scan3A_86 = arith.constant 640 : i32
    %mul3A_87 = arith.constant 2 : i32
    %mul3A_88 = arith.muli %add3A, %mul3A_87 : i32
    %add3A_89 = arith.constant 1 : i32
    %add3A_90 = arith.addi %mul3A_88, %add3A_89 : i32
    %mul3A_91 = arith.constant 4 : i32
    %mul3A_92 = arith.muli %add3A_90, %mul3A_91 : i32
    %mul3A_93 = arith.constant 10240 : i32
    %mul3A_94 = arith.muli %mul3A_92, %mul3A_93 : i32
    "tpu.region"() ({
      %run_scoped3A = tpu.sem_alloc : memref<!tpu.dma_semaphore, #tpu.memory_space<semaphore_mem>>
      %dma_start3A = tpu.memref_slice %arg5[%mul3A_94] : memref<2621440xf32, #tpu.memory_space<hbm>> -> memref<40960xf32, #tpu.memory_space<hbm>>
      %dma_start3A_95 = tpu.memref_slice %arg5[%mul3A_94] : memref<2621440xf32, #tpu.memory_space<hbm>> -> memref<40960xf32, #tpu.memory_space<hbm>>
      tpu.enqueue_dma source(%arg9 : memref<40960xf32, #tpu.memory_space<vmem>>) target(%dma_start3A_95 : memref<40960xf32, #tpu.memory_space<hbm>>) target_semaphore(%run_scoped3A : memref<!tpu.dma_semaphore, #tpu.memory_space<semaphore_mem>>)
      %dma_wait3A = tpu.memref_slice %arg5[%mul3A_94] : memref<2621440xf32, #tpu.memory_space<hbm>> -> memref<40960xf32, #tpu.memory_space<hbm>>
      %dma_wait3A_96 = tpu.memref_slice %arg5[%mul3A_94] : memref<2621440xf32, #tpu.memory_space<hbm>> -> memref<40960xf32, #tpu.memory_space<hbm>>
      tpu.wait_dma2 semaphore(%run_scoped3A : memref<!tpu.dma_semaphore, #tpu.memory_space<semaphore_mem>>) src(%arg9 : memref<40960xf32, #tpu.memory_space<vmem>>) dst(%dma_wait3A_96 : memref<40960xf32, #tpu.memory_space<hbm>>)
      tpu.yield
    }) : () -> ()
    return
  }
}

module attributes {stable_mosaic.version = 14 : i64} {
  func.func @_tc_dis_body(%arg0: i32, %arg1: memref<1000x32xf32, #tpu.memory_space<vmem>>, %arg2: memref<1000x256xf32, #tpu.memory_space<vmem>>) attributes {dimension_semantics = [#tpu.dimension_semantics<arbitrary>], iteration_bounds = array<i64: 10>, scalar_prefetch = 0 : i64, scratch_operands = 0 : i64, tpu.core_type = #tpu.core_type<tc>, window_params = [{transform_indices = @transform_0, window_bounds = array<i64: 1000, 32>}, {transform_indices = @transform_1, window_bounds = array<i64: 1000, 256>}]} {
    %get3A = arith.constant 0 : index
    %get3A_0 = arith.constant 0 : index
    %get3A_1 = vector.load %arg1[%get3A, %get3A_0] : memref<1000x32xf32, #tpu.memory_space<vmem>>, vector<1000x32xf32>
    %reduce_sum3A = arith.constant dense<0.000000e+00> : vector<1000xf32>
    %reduce_sum3A_2 = vector.multi_reduction <add>, %get3A_1, %reduce_sum3A [1] : vector<1000x32xf32> to vector<1000xf32>
    %broadcast_in_dim3A = vector.shape_cast %reduce_sum3A_2 : vector<1000xf32> to vector<1000x1xf32>
    %add3A = arith.constant 1.000000e+00 : f32
    %add3A_3 = vector.broadcast %add3A : f32 to vector<1000x1xf32>
    %add3A_4 = arith.addf %add3A_3, %broadcast_in_dim3A : vector<1000x1xf32>
    %rsqrt3A = math.rsqrt %add3A_4 : vector<1000x1xf32>
    %broadcast_in_dim3A_5 = vector.shape_cast %rsqrt3A : vector<1000x1xf32> to vector<1000x1xf32>
    %broadcast_in_dim3A_6 = vector.broadcast %broadcast_in_dim3A_5 : vector<1000x1xf32> to vector<1000x256xf32>
    %swap3A = arith.constant 0 : index
    %swap3A_7 = arith.constant 0 : index
    %swap3A_8 = vector.load %arg2[%swap3A, %swap3A_7] : memref<1000x256xf32, #tpu.memory_space<vmem>>, vector<1000x256xf32>
    tpu.vector_store %arg2[%swap3A, %swap3A_7], %broadcast_in_dim3A_6 {strides = array<i32>} : memref<1000x256xf32, #tpu.memory_space<vmem>>, vector<1000x256xf32>,
    return
  }
  func.func @transform_0(%arg0: i32) -> (i32, i32) {
    %c0_i32 = arith.constant 0 : i32
    %c0_i32_0 = arith.constant 0 : i32
    return %arg0, %c0_i32 : i32, i32
  }
  func.func @transform_1(%arg0: i32) -> (i32, i32) {
    %c0_i32 = arith.constant 0 : i32
    %c0_i32_0 = arith.constant 0 : i32
    return %arg0, %c0_i32 : i32, i32
  }
}

module attributes {stable_mosaic.version = 14 : i64} {
  func.func @_tc_mm_body(%arg0: memref<10000x128xf32, #tpu.memory_space<vmem>>, %arg1: memref<128x256xf32, #tpu.memory_space<vmem>>, %arg2: memref<10000x256xf32, #tpu.memory_space<vmem>>, %arg3: memref<256x10000xf32, #tpu.memory_space<vmem>>) attributes {dimension_semantics = [], scalar_prefetch = 0 : i64, scratch_operands = 0 : i64, tpu.core_type = #tpu.core_type<tc>} {
    %get3A = arith.constant 0 : index
    %get3A_0 = arith.constant 0 : index
    %get3A_1 = vector.load %arg0[%get3A, %get3A_0] : memref<10000x128xf32, #tpu.memory_space<vmem>>, vector<10000x128xf32>
    %get3A_2 = arith.constant 0 : index
    %get3A_3 = arith.constant 0 : index
    %get3A_4 = vector.load %arg1[%get3A_2, %get3A_3] : memref<128x256xf32, #tpu.memory_space<vmem>>, vector<128x256xf32>
    %dot_general3A = arith.constant dense<0.000000e+00> : vector<10000x256xf32>
    %dot_general3A_5 = tpu.matmul %get3A_1, %get3A_4, %dot_general3A {dimension_numbers = #tpu.dot_dimension_numbers<[1], [0], [0], [1], [0, 0, 1, 1], [], []>, transpose_lhs_hint = false} : vector<10000x128xf32>, vector<128x256xf32>, vector<10000x256xf32> -> vector<10000x256xf32>
    %get3A_6 = arith.constant 0 : index
    %get3A_7 = arith.constant 0 : index
    %get3A_8 = vector.load %arg2[%get3A_6, %get3A_7] : memref<10000x256xf32, #tpu.memory_space<vmem>>, vector<10000x256xf32>
    %mul3A = arith.mulf %dot_general3A_5, %get3A_8 : vector<10000x256xf32>
    %transpose3A = tpu.transpose %mul3A, [1, 0] : vector<10000x256xf32> -> vector<256x10000xf32>
    %swap3A = arith.constant 0 : index
    %swap3A_9 = arith.constant 0 : index
    %swap3A_10 = vector.load %arg3[%swap3A, %swap3A_9] : memref<256x10000xf32, #tpu.memory_space<vmem>>, vector<256x10000xf32>
    tpu.vector_store %arg3[%swap3A, %swap3A_9], %transpose3A {strides = array<i32>} : memref<256x10000xf32, #tpu.memory_space<vmem>>, vector<256x10000xf32>,
    return
  }
}

module attributes {stable_mosaic.version = 14 : i64} {
  func.func @_tc_post_body(%arg0: memref<256x10000xf32, #tpu.memory_space<vmem>>, %arg1: memref<256x10000xf32, #tpu.memory_space<vmem>>, %arg2: memref<10000x256xf32, #tpu.memory_space<vmem>>, %arg3: memref<1x256xf32, #tpu.memory_space<vmem>>, %arg4: memref<10000x256xf32, #tpu.memory_space<vmem>>) attributes {dimension_semantics = [], scalar_prefetch = 0 : i64, scratch_operands = 0 : i64, tpu.core_type = #tpu.core_type<tc>} {
    %get3A = arith.constant 0 : index
    %get3A_0 = arith.constant 0 : index
    %get3A_1 = vector.load %arg0[%get3A, %get3A_0] : memref<256x10000xf32, #tpu.memory_space<vmem>>, vector<256x10000xf32>
    %transpose3A = tpu.transpose %get3A_1, [1, 0] : vector<256x10000xf32> -> vector<10000x256xf32>
    %get3A_2 = arith.constant 0 : index
    %get3A_3 = arith.constant 0 : index
    %get3A_4 = vector.load %arg1[%get3A_2, %get3A_3] : memref<256x10000xf32, #tpu.memory_space<vmem>>, vector<256x10000xf32>
    %transpose3A_5 = tpu.transpose %get3A_4, [1, 0] : vector<256x10000xf32> -> vector<10000x256xf32>
    %add3A = arith.addf %transpose3A, %transpose3A_5 : vector<10000x256xf32>
    %get3A_6 = arith.constant 0 : index
    %get3A_7 = arith.constant 0 : index
    %get3A_8 = vector.load %arg2[%get3A_6, %get3A_7] : memref<10000x256xf32, #tpu.memory_space<vmem>>, vector<10000x256xf32>
    %mul3A = arith.mulf %add3A, %get3A_8 : vector<10000x256xf32>
    %get3A_9 = arith.constant 0 : index
    %get3A_10 = arith.constant 0 : index
    %get3A_11 = vector.load %arg3[%get3A_9, %get3A_10] : memref<1x256xf32, #tpu.memory_space<vmem>>, vector<1x256xf32>
    %add3A_12 = vector.broadcast %get3A_11 : vector<1x256xf32> to vector<10000x256xf32>
    %add3A_13 = arith.addf %mul3A, %add3A_12 : vector<10000x256xf32>
    %max3A = arith.constant 0.000000e+00 : f32
    %max3A_14 = vector.broadcast %max3A : f32 to vector<10000x256xf32>
    %max3A_15 = arith.maximumf %add3A_13, %max3A_14 : vector<10000x256xf32>
    %swap3A = arith.constant 0 : index
    %swap3A_16 = arith.constant 0 : index
    %swap3A_17 = vector.load %arg4[%swap3A, %swap3A_16] : memref<10000x256xf32, #tpu.memory_space<vmem>>, vector<10000x256xf32>
    tpu.vector_store %arg4[%swap3A, %swap3A_16], %max3A_15 {strides = array<i32>} : memref<10000x256xf32, #tpu.memory_space<vmem>>, vector<10000x256xf32>,
    return
  }
}

module attributes {stable_mosaic.version = 14 : i64} {
  func.func @_tc_mm_body(%arg0: memref<10000x256xf32, #tpu.memory_space<vmem>>, %arg1: memref<256x256xf32, #tpu.memory_space<vmem>>, %arg2: memref<10000x256xf32, #tpu.memory_space<vmem>>, %arg3: memref<256x10000xf32, #tpu.memory_space<vmem>>) attributes {dimension_semantics = [], scalar_prefetch = 0 : i64, scratch_operands = 0 : i64, tpu.core_type = #tpu.core_type<tc>} {
    %get3A = arith.constant 0 : index
    %get3A_0 = arith.constant 0 : index
    %get3A_1 = vector.load %arg0[%get3A, %get3A_0] : memref<10000x256xf32, #tpu.memory_space<vmem>>, vector<10000x256xf32>
    %get3A_2 = arith.constant 0 : index
    %get3A_3 = arith.constant 0 : index
    %get3A_4 = vector.load %arg1[%get3A_2, %get3A_3] : memref<256x256xf32, #tpu.memory_space<vmem>>, vector<256x256xf32>
    %dot_general3A = arith.constant dense<0.000000e+00> : vector<10000x256xf32>
    %dot_general3A_5 = tpu.matmul %get3A_1, %get3A_4, %dot_general3A {dimension_numbers = #tpu.dot_dimension_numbers<[1], [0], [0], [1], [0, 0, 1, 1], [], []>, transpose_lhs_hint = false} : vector<10000x256xf32>, vector<256x256xf32>, vector<10000x256xf32> -> vector<10000x256xf32>
    %get3A_6 = arith.constant 0 : index
    %get3A_7 = arith.constant 0 : index
    %get3A_8 = vector.load %arg2[%get3A_6, %get3A_7] : memref<10000x256xf32, #tpu.memory_space<vmem>>, vector<10000x256xf32>
    %mul3A = arith.mulf %dot_general3A_5, %get3A_8 : vector<10000x256xf32>
    %transpose3A = tpu.transpose %mul3A, [1, 0] : vector<10000x256xf32> -> vector<256x10000xf32>
    %swap3A = arith.constant 0 : index
    %swap3A_9 = arith.constant 0 : index
    %swap3A_10 = vector.load %arg3[%swap3A, %swap3A_9] : memref<256x10000xf32, #tpu.memory_space<vmem>>, vector<256x10000xf32>
    tpu.vector_store %arg3[%swap3A, %swap3A_9], %transpose3A {strides = array<i32>} : memref<256x10000xf32, #tpu.memory_space<vmem>>, vector<256x10000xf32>,
    return
  }
}

module attributes {stable_mosaic.version = 14 : i64} {
  func.func @_tc_pool_body(%arg0: i32, %arg1: memref<1000x256xf32, #tpu.memory_space<vmem>>, %arg2: memref<1000x128xi32, #tpu.memory_space<vmem>>, %arg3: memref<48x256xf32, #tpu.memory_space<vmem>>, %arg4: memref<48x256xf32, #tpu.memory_space<vmem>>, %arg5: memref<48x256xf32, #tpu.memory_space<vmem>>) attributes {dimension_semantics = [#tpu.dimension_semantics<arbitrary>], iteration_bounds = array<i64: 10>, scalar_prefetch = 0 : i64, scratch_operands = 0 : i64, tpu.core_type = #tpu.core_type<tc>, window_params = [{transform_indices = @transform_0, window_bounds = array<i64: 1000, 256>}, {transform_indices = @transform_1, window_bounds = array<i64: 1000, 128>}, {pipeline_mode = #tpu.pipeline_mode<synchronous>, transform_indices = @transform_2, window_bounds = array<i64: 48, 256>}, {pipeline_mode = #tpu.pipeline_mode<synchronous>, transform_indices = @transform_3, window_bounds = array<i64: 48, 256>}, {pipeline_mode = #tpu.pipeline_mode<synchronous>, transform_indices = @transform_4, window_bounds = array<i64: 48, 256>}]} {
    %get3A = arith.constant 0 : index
    %get3A_0 = arith.constant 0 : index
    %get3A_1 = vector.load %arg1[%get3A, %get3A_0] : memref<1000x256xf32, #tpu.memory_space<vmem>>, vector<1000x256xf32>
    %get3A_2 = arith.constant 0 : index
    %get3A_3 = arith.constant 0 : index
    %get3A_4 = vector.load %arg2[%get3A_2, %get3A_3] : memref<1000x128xi32, #tpu.memory_space<vmem>>, vector<1000x128xi32>
    %slice3A = vector.extract_strided_slice %get3A_4 {offsets = [0, 0], sizes = [1000, 1], strides = [1, 1]} : vector<1000x128xi32> to vector<1000x1xi32>
    %eq3A = arith.constant 0 : i32
    %eq3A_5 = vector.broadcast %eq3A : i32 to vector<1000x1xi32>
    %eq3A_6 = arith.cmpi eq, %slice3A, %eq3A_5 : vector<1000x1xi32>
    %convert_element_type3A = arith.extui %eq3A_6 : vector<1000x1xi1> to vector<1000x1xi32>
    %convert_element_type3A_7 = arith.sitofp %convert_element_type3A : vector<1000x1xi32> to vector<1000x1xf32>
    %mul3A = vector.broadcast %convert_element_type3A_7 : vector<1000x1xf32> to vector<1000x256xf32>
    %mul3A_8 = arith.mulf %get3A_1, %mul3A : vector<1000x256xf32>
    %reduce_sum3A = arith.constant dense<0.000000e+00> : vector<256xf32>
    %reduce_sum3A_9 = vector.multi_reduction <add>, %mul3A_8, %reduce_sum3A [0] : vector<1000x256xf32> to vector<256xf32>
    %broadcast_in_dim3A = vector.shape_cast %reduce_sum3A_9 : vector<256xf32> to vector<1x256xf32>
    %jit3A = arith.constant 0.000000e+00 : f32
    %broadcast_in_dim3A_10 = vector.shape_cast %eq3A_6 : vector<1000x1xi1> to vector<1000x1xi1>
    %broadcast_in_dim3A_11 = vector.broadcast %broadcast_in_dim3A_10 : vector<1000x1xi1> to vector<1000x256xi1>
    %broadcast_in_dim3A_12 = vector.broadcast %jit3A : f32 to vector<1000x256xf32>
    %select_n3A = arith.select %broadcast_in_dim3A_11, %get3A_1, %broadcast_in_dim3A_12 : vector<1000x256xi1>, vector<1000x256xf32>
    %reduce_max3A = arith.constant dense<0xFF800000> : vector<256xf32>
    %reduce_max3A_13 = vector.multi_reduction <maximumf>, %select_n3A, %reduce_max3A [0] : vector<1000x256xf32> to vector<256xf32>
    %broadcast_in_dim3A_14 = vector.shape_cast %reduce_max3A_13 : vector<256xf32> to vector<1x256xf32>
    %reduce_sum3A_15 = arith.constant dense<0.000000e+00> : vector<1xf32>
    %reduce_sum3A_16 = vector.multi_reduction <add>, %convert_element_type3A_7, %reduce_sum3A_15 [0] : vector<1000x1xf32> to vector<1xf32>
    %broadcast_in_dim3A_17 = vector.shape_cast %reduce_sum3A_16 : vector<1xf32> to vector<1x1xf32>
    %eq3A_18 = arith.constant 1 : i32
    %eq3A_19 = vector.broadcast %eq3A_18 : i32 to vector<1000x1xi32>
    %eq3A_20 = arith.cmpi eq, %slice3A, %eq3A_19 : vector<1000x1xi32>
    %convert_element_type3A_21 = arith.extui %eq3A_20 : vector<1000x1xi1> to vector<1000x1xi32>
    %convert_element_type3A_22 = arith.sitofp %convert_element_type3A_21 : vector<1000x1xi32> to vector<1000x1xf32>
    %mul3A_23 = vector.broadcast %convert_element_type3A_22 : vector<1000x1xf32> to vector<1000x256xf32>
    %mul3A_24 = arith.mulf %get3A_1, %mul3A_23 : vector<1000x256xf32>
    %reduce_sum3A_25 = arith.constant dense<0.000000e+00> : vector<256xf32>
    %reduce_sum3A_26 = vector.multi_reduction <add>, %mul3A_24, %reduce_sum3A_25 [0] : vector<1000x256xf32> to vector<256xf32>
    %broadcast_in_dim3A_27 = vector.shape_cast %reduce_sum3A_26 : vector<256xf32> to vector<1x256xf32>
    %jit3A_28 = arith.constant 0.000000e+00 : f32
    %broadcast_in_dim3A_29 = vector.shape_cast %eq3A_20 : vector<1000x1xi1> to vector<1000x1xi1>
    %broadcast_in_dim3A_30 = vector.broadcast %broadcast_in_dim3A_29 : vector<1000x1xi1> to vector<1000x256xi1>
    %broadcast_in_dim3A_31 = vector.broadcast %jit3A_28 : f32 to vector<1000x256xf32>
    %select_n3A_32 = arith.select %broadcast_in_dim3A_30, %get3A_1, %broadcast_in_dim3A_31 : vector<1000x256xi1>, vector<1000x256xf32>
    %reduce_max3A_33 = arith.constant dense<0xFF800000> : vector<256xf32>
    %reduce_max3A_34 = vector.multi_reduction <maximumf>, %select_n3A_32, %reduce_max3A_33 [0] : vector<1000x256xf32> to vector<256xf32>
    %broadcast_in_dim3A_35 = vector.shape_cast %reduce_max3A_34 : vector<256xf32> to vector<1x256xf32>
    %reduce_sum3A_36 = arith.constant dense<0.000000e+00> : vector<1xf32>
    %reduce_sum3A_37 = vector.multi_reduction <add>, %convert_element_type3A_22, %reduce_sum3A_36 [0] : vector<1000x1xf32> to vector<1xf32>
    %broadcast_in_dim3A_38 = vector.shape_cast %reduce_sum3A_37 : vector<1xf32> to vector<1x1xf32>
    %eq3A_39 = arith.constant 2 : i32
    %eq3A_40 = vector.broadcast %eq3A_39 : i32 to vector<1000x1xi32>
    %eq3A_41 = arith.cmpi eq, %slice3A, %eq3A_40 : vector<1000x1xi32>
    %convert_element_type3A_42 = arith.extui %eq3A_41 : vector<1000x1xi1> to vector<1000x1xi32>
    %convert_element_type3A_43 = arith.sitofp %convert_element_type3A_42 : vector<1000x1xi32> to vector<1000x1xf32>
    %mul3A_44 = vector.broadcast %convert_element_type3A_43 : vector<1000x1xf32> to vector<1000x256xf32>
    %mul3A_45 = arith.mulf %get3A_1, %mul3A_44 : vector<1000x256xf32>
    %reduce_sum3A_46 = arith.constant dense<0.000000e+00> : vector<256xf32>
    %reduce_sum3A_47 = vector.multi_reduction <add>, %mul3A_45, %reduce_sum3A_46 [0] : vector<1000x256xf32> to vector<256xf32>
    %broadcast_in_dim3A_48 = vector.shape_cast %reduce_sum3A_47 : vector<256xf32> to vector<1x256xf32>
    %jit3A_49 = arith.constant 0.000000e+00 : f32
    %broadcast_in_dim3A_50 = vector.shape_cast %eq3A_41 : vector<1000x1xi1> to vector<1000x1xi1>
    %broadcast_in_dim3A_51 = vector.broadcast %broadcast_in_dim3A_50 : vector<1000x1xi1> to vector<1000x256xi1>
    %broadcast_in_dim3A_52 = vector.broadcast %jit3A_49 : f32 to vector<1000x256xf32>
    %select_n3A_53 = arith.select %broadcast_in_dim3A_51, %get3A_1, %broadcast_in_dim3A_52 : vector<1000x256xi1>, vector<1000x256xf32>
    %reduce_max3A_54 = arith.constant dense<0xFF800000> : vector<256xf32>
    %reduce_max3A_55 = vector.multi_reduction <maximumf>, %select_n3A_53, %reduce_max3A_54 [0] : vector<1000x256xf32> to vector<256xf32>
    %broadcast_in_dim3A_56 = vector.shape_cast %reduce_max3A_55 : vector<256xf32> to vector<1x256xf32>
    %reduce_sum3A_57 = arith.constant dense<0.000000e+00> : vector<1xf32>
    %reduce_sum3A_58 = vector.multi_reduction <add>, %convert_element_type3A_43, %reduce_sum3A_57 [0] : vector<1000x1xf32> to vector<1xf32>
    %broadcast_in_dim3A_59 = vector.shape_cast %reduce_sum3A_58 : vector<1xf32> to vector<1x1xf32>
    %eq3A_60 = arith.constant 3 : i32
    %eq3A_61 = vector.broadcast %eq3A_60 : i32 to vector<1000x1xi32>
    %eq3A_62 = arith.cmpi eq, %slice3A, %eq3A_61 : vector<1000x1xi32>
    %convert_element_type3A_63 = arith.extui %eq3A_62 : vector<1000x1xi1> to vector<1000x1xi32>
    %convert_element_type3A_64 = arith.sitofp %convert_element_type3A_63 : vector<1000x1xi32> to vector<1000x1xf32>
    %mul3A_65 = vector.broadcast %convert_element_type3A_64 : vector<1000x1xf32> to vector<1000x256xf32>
    %mul3A_66 = arith.mulf %get3A_1, %mul3A_65 : vector<1000x256xf32>
    %reduce_sum3A_67 = arith.constant dense<0.000000e+00> : vector<256xf32>
    %reduce_sum3A_68 = vector.multi_reduction <add>, %mul3A_66, %reduce_sum3A_67 [0] : vector<1000x256xf32> to vector<256xf32>
    %broadcast_in_dim3A_69 = vector.shape_cast %reduce_sum3A_68 : vector<256xf32> to vector<1x256xf32>
    %jit3A_70 = arith.constant 0.000000e+00 : f32
    %broadcast_in_dim3A_71 = vector.shape_cast %eq3A_62 : vector<1000x1xi1> to vector<1000x1xi1>
    %broadcast_in_dim3A_72 = vector.broadcast %broadcast_in_dim3A_71 : vector<1000x1xi1> to vector<1000x256xi1>
    %broadcast_in_dim3A_73 = vector.broadcast %jit3A_70 : f32 to vector<1000x256xf32>
    %select_n3A_74 = arith.select %broadcast_in_dim3A_72, %get3A_1, %broadcast_in_dim3A_73 : vector<1000x256xi1>, vector<1000x256xf32>
    %reduce_max3A_75 = arith.constant dense<0xFF800000> : vector<256xf32>
    %reduce_max3A_76 = vector.multi_reduction <maximumf>, %select_n3A_74, %reduce_max3A_75 [0] : vector<1000x256xf32> to vector<256xf32>
    %broadcast_in_dim3A_77 = vector.shape_cast %reduce_max3A_76 : vector<256xf32> to vector<1x256xf32>
    %reduce_sum3A_78 = arith.constant dense<0.000000e+00> : vector<1xf32>
    %reduce_sum3A_79 = vector.multi_reduction <add>, %convert_element_type3A_64, %reduce_sum3A_78 [0] : vector<1000x1xf32> to vector<1xf32>
    %broadcast_in_dim3A_80 = vector.shape_cast %reduce_sum3A_79 : vector<1xf32> to vector<1x1xf32>
    %eq3A_81 = arith.constant 4 : i32
    %eq3A_82 = vector.broadcast %eq3A_81 : i32 to vector<1000x1xi32>
    %eq3A_83 = arith.cmpi eq, %slice3A, %eq3A_82 : vector<1000x1xi32>
    %convert_element_type3A_84 = arith.extui %eq3A_83 : vector<1000x1xi1> to vector<1000x1xi32>
    %convert_element_type3A_85 = arith.sitofp %convert_element_type3A_84 : vector<1000x1xi32> to vector<1000x1xf32>
    %mul3A_86 = vector.broadcast %convert_element_type3A_85 : vector<1000x1xf32> to vector<1000x256xf32>
    %mul3A_87 = arith.mulf %get3A_1, %mul3A_86 : vector<1000x256xf32>
    %reduce_sum3A_88 = arith.constant dense<0.000000e+00> : vector<256xf32>
    %reduce_sum3A_89 = vector.multi_reduction <add>, %mul3A_87, %reduce_sum3A_88 [0] : vector<1000x256xf32> to vector<256xf32>
    %broadcast_in_dim3A_90 = vector.shape_cast %reduce_sum3A_89 : vector<256xf32> to vector<1x256xf32>
    %jit3A_91 = arith.constant 0.000000e+00 : f32
    %broadcast_in_dim3A_92 = vector.shape_cast %eq3A_83 : vector<1000x1xi1> to vector<1000x1xi1>
    %broadcast_in_dim3A_93 = vector.broadcast %broadcast_in_dim3A_92 : vector<1000x1xi1> to vector<1000x256xi1>
    %broadcast_in_dim3A_94 = vector.broadcast %jit3A_91 : f32 to vector<1000x256xf32>
    %select_n3A_95 = arith.select %broadcast_in_dim3A_93, %get3A_1, %broadcast_in_dim3A_94 : vector<1000x256xi1>, vector<1000x256xf32>
    %reduce_max3A_96 = arith.constant dense<0xFF800000> : vector<256xf32>
    %reduce_max3A_97 = vector.multi_reduction <maximumf>, %select_n3A_95, %reduce_max3A_96 [0] : vector<1000x256xf32> to vector<256xf32>
    %broadcast_in_dim3A_98 = vector.shape_cast %reduce_max3A_97 : vector<256xf32> to vector<1x256xf32>
    %reduce_sum3A_99 = arith.constant dense<0.000000e+00> : vector<1xf32>
    %reduce_sum3A_100 = vector.multi_reduction <add>, %convert_element_type3A_85, %reduce_sum3A_99 [0] : vector<1000x1xf32> to vector<1xf32>
    %broadcast_in_dim3A_101 = vector.shape_cast %reduce_sum3A_100 : vector<1xf32> to vector<1x1xf32>
    %eq3A_102 = arith.constant 5 : i32
    %eq3A_103 = vector.broadcast %eq3A_102 : i32 to vector<1000x1xi32>
    %eq3A_104 = arith.cmpi eq, %slice3A, %eq3A_103 : vector<1000x1xi32>
    %convert_element_type3A_105 = arith.extui %eq3A_104 : vector<1000x1xi1> to vector<1000x1xi32>
    %convert_element_type3A_106 = arith.sitofp %convert_element_type3A_105 : vector<1000x1xi32> to vector<1000x1xf32>
    %mul3A_107 = vector.broadcast %convert_element_type3A_106 : vector<1000x1xf32> to vector<1000x256xf32>
    %mul3A_108 = arith.mulf %get3A_1, %mul3A_107 : vector<1000x256xf32>
    %reduce_sum3A_109 = arith.constant dense<0.000000e+00> : vector<256xf32>
    %reduce_sum3A_110 = vector.multi_reduction <add>, %mul3A_108, %reduce_sum3A_109 [0] : vector<1000x256xf32> to vector<256xf32>
    %broadcast_in_dim3A_111 = vector.shape_cast %reduce_sum3A_110 : vector<256xf32> to vector<1x256xf32>
    %jit3A_112 = arith.constant 0.000000e+00 : f32
    %broadcast_in_dim3A_113 = vector.shape_cast %eq3A_104 : vector<1000x1xi1> to vector<1000x1xi1>
    %broadcast_in_dim3A_114 = vector.broadcast %broadcast_in_dim3A_113 : vector<1000x1xi1> to vector<1000x256xi1>
    %broadcast_in_dim3A_115 = vector.broadcast %jit3A_112 : f32 to vector<1000x256xf32>
    %select_n3A_116 = arith.select %broadcast_in_dim3A_114, %get3A_1, %broadcast_in_dim3A_115 : vector<1000x256xi1>, vector<1000x256xf32>
    %reduce_max3A_117 = arith.constant dense<0xFF800000> : vector<256xf32>
    %reduce_max3A_118 = vector.multi_reduction <maximumf>, %select_n3A_116, %reduce_max3A_117 [0] : vector<1000x256xf32> to vector<256xf32>
    %broadcast_in_dim3A_119 = vector.shape_cast %reduce_max3A_118 : vector<256xf32> to vector<1x256xf32>
    %reduce_sum3A_120 = arith.constant dense<0.000000e+00> : vector<1xf32>
    %reduce_sum3A_121 = vector.multi_reduction <add>, %convert_element_type3A_106, %reduce_sum3A_120 [0] : vector<1000x1xf32> to vector<1xf32>
    %broadcast_in_dim3A_122 = vector.shape_cast %reduce_sum3A_121 : vector<1xf32> to vector<1x1xf32>
    %eq3A_123 = arith.constant 6 : i32
    %eq3A_124 = vector.broadcast %eq3A_123 : i32 to vector<1000x1xi32>
    %eq3A_125 = arith.cmpi eq, %slice3A, %eq3A_124 : vector<1000x1xi32>
    %convert_element_type3A_126 = arith.extui %eq3A_125 : vector<1000x1xi1> to vector<1000x1xi32>
    %convert_element_type3A_127 = arith.sitofp %convert_element_type3A_126 : vector<1000x1xi32> to vector<1000x1xf32>
    %mul3A_128 = vector.broadcast %convert_element_type3A_127 : vector<1000x1xf32> to vector<1000x256xf32>
    %mul3A_129 = arith.mulf %get3A_1, %mul3A_128 : vector<1000x256xf32>
    %reduce_sum3A_130 = arith.constant dense<0.000000e+00> : vector<256xf32>
    %reduce_sum3A_131 = vector.multi_reduction <add>, %mul3A_129, %reduce_sum3A_130 [0] : vector<1000x256xf32> to vector<256xf32>
    %broadcast_in_dim3A_132 = vector.shape_cast %reduce_sum3A_131 : vector<256xf32> to vector<1x256xf32>
    %jit3A_133 = arith.constant 0.000000e+00 : f32
    %broadcast_in_dim3A_134 = vector.shape_cast %eq3A_125 : vector<1000x1xi1> to vector<1000x1xi1>
    %broadcast_in_dim3A_135 = vector.broadcast %broadcast_in_dim3A_134 : vector<1000x1xi1> to vector<1000x256xi1>
    %broadcast_in_dim3A_136 = vector.broadcast %jit3A_133 : f32 to vector<1000x256xf32>
    %select_n3A_137 = arith.select %broadcast_in_dim3A_135, %get3A_1, %broadcast_in_dim3A_136 : vector<1000x256xi1>, vector<1000x256xf32>
    %reduce_max3A_138 = arith.constant dense<0xFF800000> : vector<256xf32>
    %reduce_max3A_139 = vector.multi_reduction <maximumf>, %select_n3A_137, %reduce_max3A_138 [0] : vector<1000x256xf32> to vector<256xf32>
    %broadcast_in_dim3A_140 = vector.shape_cast %reduce_max3A_139 : vector<256xf32> to vector<1x256xf32>
    %reduce_sum3A_141 = arith.constant dense<0.000000e+00> : vector<1xf32>
    %reduce_sum3A_142 = vector.multi_reduction <add>, %convert_element_type3A_127, %reduce_sum3A_141 [0] : vector<1000x1xf32> to vector<1xf32>
    %broadcast_in_dim3A_143 = vector.shape_cast %reduce_sum3A_142 : vector<1xf32> to vector<1x1xf32>
    %eq3A_144 = arith.constant 7 : i32
    %eq3A_145 = vector.broadcast %eq3A_144 : i32 to vector<1000x1xi32>
    %eq3A_146 = arith.cmpi eq, %slice3A, %eq3A_145 : vector<1000x1xi32>
    %convert_element_type3A_147 = arith.extui %eq3A_146 : vector<1000x1xi1> to vector<1000x1xi32>
    %convert_element_type3A_148 = arith.sitofp %convert_element_type3A_147 : vector<1000x1xi32> to vector<1000x1xf32>
    %mul3A_149 = vector.broadcast %convert_element_type3A_148 : vector<1000x1xf32> to vector<1000x256xf32>
    %mul3A_150 = arith.mulf %get3A_1, %mul3A_149 : vector<1000x256xf32>
    %reduce_sum3A_151 = arith.constant dense<0.000000e+00> : vector<256xf32>
    %reduce_sum3A_152 = vector.multi_reduction <add>, %mul3A_150, %reduce_sum3A_151 [0] : vector<1000x256xf32> to vector<256xf32>
    %broadcast_in_dim3A_153 = vector.shape_cast %reduce_sum3A_152 : vector<256xf32> to vector<1x256xf32>
    %jit3A_154 = arith.constant 0.000000e+00 : f32
    %broadcast_in_dim3A_155 = vector.shape_cast %eq3A_146 : vector<1000x1xi1> to vector<1000x1xi1>
    %broadcast_in_dim3A_156 = vector.broadcast %broadcast_in_dim3A_155 : vector<1000x1xi1> to vector<1000x256xi1>
    %broadcast_in_dim3A_157 = vector.broadcast %jit3A_154 : f32 to vector<1000x256xf32>
    %select_n3A_158 = arith.select %broadcast_in_dim3A_156, %get3A_1, %broadcast_in_dim3A_157 : vector<1000x256xi1>, vector<1000x256xf32>
    %reduce_max3A_159 = arith.constant dense<0xFF800000> : vector<256xf32>
    %reduce_max3A_160 = vector.multi_reduction <maximumf>, %select_n3A_158, %reduce_max3A_159 [0] : vector<1000x256xf32> to vector<256xf32>
    %broadcast_in_dim3A_161 = vector.shape_cast %reduce_max3A_160 : vector<256xf32> to vector<1x256xf32>
    %reduce_sum3A_162 = arith.constant dense<0.000000e+00> : vector<1xf32>
    %reduce_sum3A_163 = vector.multi_reduction <add>, %convert_element_type3A_148, %reduce_sum3A_162 [0] : vector<1000x1xf32> to vector<1xf32>
    %broadcast_in_dim3A_164 = vector.shape_cast %reduce_sum3A_163 : vector<1xf32> to vector<1x1xf32>
    %eq3A_165 = arith.constant 8 : i32
    %eq3A_166 = vector.broadcast %eq3A_165 : i32 to vector<1000x1xi32>
    %eq3A_167 = arith.cmpi eq, %slice3A, %eq3A_166 : vector<1000x1xi32>
    %convert_element_type3A_168 = arith.extui %eq3A_167 : vector<1000x1xi1> to vector<1000x1xi32>
    %convert_element_type3A_169 = arith.sitofp %convert_element_type3A_168 : vector<1000x1xi32> to vector<1000x1xf32>
    %mul3A_170 = vector.broadcast %convert_element_type3A_169 : vector<1000x1xf32> to vector<1000x256xf32>
    %mul3A_171 = arith.mulf %get3A_1, %mul3A_170 : vector<1000x256xf32>
    %reduce_sum3A_172 = arith.constant dense<0.000000e+00> : vector<256xf32>
    %reduce_sum3A_173 = vector.multi_reduction <add>, %mul3A_171, %reduce_sum3A_172 [0] : vector<1000x256xf32> to vector<256xf32>
    %broadcast_in_dim3A_174 = vector.shape_cast %reduce_sum3A_173 : vector<256xf32> to vector<1x256xf32>
    %jit3A_175 = arith.constant 0.000000e+00 : f32
    %broadcast_in_dim3A_176 = vector.shape_cast %eq3A_167 : vector<1000x1xi1> to vector<1000x1xi1>
    %broadcast_in_dim3A_177 = vector.broadcast %broadcast_in_dim3A_176 : vector<1000x1xi1> to vector<1000x256xi1>
    %broadcast_in_dim3A_178 = vector.broadcast %jit3A_175 : f32 to vector<1000x256xf32>
    %select_n3A_179 = arith.select %broadcast_in_dim3A_177, %get3A_1, %broadcast_in_dim3A_178 : vector<1000x256xi1>, vector<1000x256xf32>
    %reduce_max3A_180 = arith.constant dense<0xFF800000> : vector<256xf32>
    %reduce_max3A_181 = vector.multi_reduction <maximumf>, %select_n3A_179, %reduce_max3A_180 [0] : vector<1000x256xf32> to vector<256xf32>
    %broadcast_in_dim3A_182 = vector.shape_cast %reduce_max3A_181 : vector<256xf32> to vector<1x256xf32>
    %reduce_sum3A_183 = arith.constant dense<0.000000e+00> : vector<1xf32>
    %reduce_sum3A_184 = vector.multi_reduction <add>, %convert_element_type3A_169, %reduce_sum3A_183 [0] : vector<1000x1xf32> to vector<1xf32>
    %broadcast_in_dim3A_185 = vector.shape_cast %reduce_sum3A_184 : vector<1xf32> to vector<1x1xf32>
    %eq3A_186 = arith.constant 9 : i32
    %eq3A_187 = vector.broadcast %eq3A_186 : i32 to vector<1000x1xi32>
    %eq3A_188 = arith.cmpi eq, %slice3A, %eq3A_187 : vector<1000x1xi32>
    %convert_element_type3A_189 = arith.extui %eq3A_188 : vector<1000x1xi1> to vector<1000x1xi32>
    %convert_element_type3A_190 = arith.sitofp %convert_element_type3A_189 : vector<1000x1xi32> to vector<1000x1xf32>
    %mul3A_191 = vector.broadcast %convert_element_type3A_190 : vector<1000x1xf32> to vector<1000x256xf32>
    %mul3A_192 = arith.mulf %get3A_1, %mul3A_191 : vector<1000x256xf32>
    %reduce_sum3A_193 = arith.constant dense<0.000000e+00> : vector<256xf32>
    %reduce_sum3A_194 = vector.multi_reduction <add>, %mul3A_192, %reduce_sum3A_193 [0] : vector<1000x256xf32> to vector<256xf32>
    %broadcast_in_dim3A_195 = vector.shape_cast %reduce_sum3A_194 : vector<256xf32> to vector<1x256xf32>
    %jit3A_196 = arith.constant 0.000000e+00 : f32
    %broadcast_in_dim3A_197 = vector.shape_cast %eq3A_188 : vector<1000x1xi1> to vector<1000x1xi1>
    %broadcast_in_dim3A_198 = vector.broadcast %broadcast_in_dim3A_197 : vector<1000x1xi1> to vector<1000x256xi1>
    %broadcast_in_dim3A_199 = vector.broadcast %jit3A_196 : f32 to vector<1000x256xf32>
    %select_n3A_200 = arith.select %broadcast_in_dim3A_198, %get3A_1, %broadcast_in_dim3A_199 : vector<1000x256xi1>, vector<1000x256xf32>
    %reduce_max3A_201 = arith.constant dense<0xFF800000> : vector<256xf32>
    %reduce_max3A_202 = vector.multi_reduction <maximumf>, %select_n3A_200, %reduce_max3A_201 [0] : vector<1000x256xf32> to vector<256xf32>
    %broadcast_in_dim3A_203 = vector.shape_cast %reduce_max3A_202 : vector<256xf32> to vector<1x256xf32>
    %reduce_sum3A_204 = arith.constant dense<0.000000e+00> : vector<1xf32>
    %reduce_sum3A_205 = vector.multi_reduction <add>, %convert_element_type3A_190, %reduce_sum3A_204 [0] : vector<1000x1xf32> to vector<1xf32>
    %broadcast_in_dim3A_206 = vector.shape_cast %reduce_sum3A_205 : vector<1xf32> to vector<1x1xf32>
    %eq3A_207 = arith.constant 10 : i32
    %eq3A_208 = vector.broadcast %eq3A_207 : i32 to vector<1000x1xi32>
    %eq3A_209 = arith.cmpi eq, %slice3A, %eq3A_208 : vector<1000x1xi32>
    %convert_element_type3A_210 = arith.extui %eq3A_209 : vector<1000x1xi1> to vector<1000x1xi32>
    %convert_element_type3A_211 = arith.sitofp %convert_element_type3A_210 : vector<1000x1xi32> to vector<1000x1xf32>
    %mul3A_212 = vector.broadcast %convert_element_type3A_211 : vector<1000x1xf32> to vector<1000x256xf32>
    %mul3A_213 = arith.mulf %get3A_1, %mul3A_212 : vector<1000x256xf32>
    %reduce_sum3A_214 = arith.constant dense<0.000000e+00> : vector<256xf32>
    %reduce_sum3A_215 = vector.multi_reduction <add>, %mul3A_213, %reduce_sum3A_214 [0] : vector<1000x256xf32> to vector<256xf32>
    %broadcast_in_dim3A_216 = vector.shape_cast %reduce_sum3A_215 : vector<256xf32> to vector<1x256xf32>
    %jit3A_217 = arith.constant 0.000000e+00 : f32
    %broadcast_in_dim3A_218 = vector.shape_cast %eq3A_209 : vector<1000x1xi1> to vector<1000x1xi1>
    %broadcast_in_dim3A_219 = vector.broadcast %broadcast_in_dim3A_218 : vector<1000x1xi1> to vector<1000x256xi1>
    %broadcast_in_dim3A_220 = vector.broadcast %jit3A_217 : f32 to vector<1000x256xf32>
    %select_n3A_221 = arith.select %broadcast_in_dim3A_219, %get3A_1, %broadcast_in_dim3A_220 : vector<1000x256xi1>, vector<1000x256xf32>
    %reduce_max3A_222 = arith.constant dense<0xFF800000> : vector<256xf32>
    %reduce_max3A_223 = vector.multi_reduction <maximumf>, %select_n3A_221, %reduce_max3A_222 [0] : vector<1000x256xf32> to vector<256xf32>
    %broadcast_in_dim3A_224 = vector.shape_cast %reduce_max3A_223 : vector<256xf32> to vector<1x256xf32>
    %reduce_sum3A_225 = arith.constant dense<0.000000e+00> : vector<1xf32>
    %reduce_sum3A_226 = vector.multi_reduction <add>, %convert_element_type3A_211, %reduce_sum3A_225 [0] : vector<1000x1xf32> to vector<1xf32>
    %broadcast_in_dim3A_227 = vector.shape_cast %reduce_sum3A_226 : vector<1xf32> to vector<1x1xf32>
    %eq3A_228 = arith.constant 11 : i32
    %eq3A_229 = vector.broadcast %eq3A_228 : i32 to vector<1000x1xi32>
    %eq3A_230 = arith.cmpi eq, %slice3A, %eq3A_229 : vector<1000x1xi32>
    %convert_element_type3A_231 = arith.extui %eq3A_230 : vector<1000x1xi1> to vector<1000x1xi32>
    %convert_element_type3A_232 = arith.sitofp %convert_element_type3A_231 : vector<1000x1xi32> to vector<1000x1xf32>
    %mul3A_233 = vector.broadcast %convert_element_type3A_232 : vector<1000x1xf32> to vector<1000x256xf32>
    %mul3A_234 = arith.mulf %get3A_1, %mul3A_233 : vector<1000x256xf32>
    %reduce_sum3A_235 = arith.constant dense<0.000000e+00> : vector<256xf32>
    %reduce_sum3A_236 = vector.multi_reduction <add>, %mul3A_234, %reduce_sum3A_235 [0] : vector<1000x256xf32> to vector<256xf32>
    %broadcast_in_dim3A_237 = vector.shape_cast %reduce_sum3A_236 : vector<256xf32> to vector<1x256xf32>
    %jit3A_238 = arith.constant 0.000000e+00 : f32
    %broadcast_in_dim3A_239 = vector.shape_cast %eq3A_230 : vector<1000x1xi1> to vector<1000x1xi1>
    %broadcast_in_dim3A_240 = vector.broadcast %broadcast_in_dim3A_239 : vector<1000x1xi1> to vector<1000x256xi1>
    %broadcast_in_dim3A_241 = vector.broadcast %jit3A_238 : f32 to vector<1000x256xf32>
    %select_n3A_242 = arith.select %broadcast_in_dim3A_240, %get3A_1, %broadcast_in_dim3A_241 : vector<1000x256xi1>, vector<1000x256xf32>
    %reduce_max3A_243 = arith.constant dense<0xFF800000> : vector<256xf32>
    %reduce_max3A_244 = vector.multi_reduction <maximumf>, %select_n3A_242, %reduce_max3A_243 [0] : vector<1000x256xf32> to vector<256xf32>
    %broadcast_in_dim3A_245 = vector.shape_cast %reduce_max3A_244 : vector<256xf32> to vector<1x256xf32>
    %reduce_sum3A_246 = arith.constant dense<0.000000e+00> : vector<1xf32>
    %reduce_sum3A_247 = vector.multi_reduction <add>, %convert_element_type3A_232, %reduce_sum3A_246 [0] : vector<1000x1xf32> to vector<1xf32>
    %broadcast_in_dim3A_248 = vector.shape_cast %reduce_sum3A_247 : vector<1xf32> to vector<1x1xf32>
    %eq3A_249 = arith.constant 12 : i32
    %eq3A_250 = vector.broadcast %eq3A_249 : i32 to vector<1000x1xi32>
    %eq3A_251 = arith.cmpi eq, %slice3A, %eq3A_250 : vector<1000x1xi32>
    %convert_element_type3A_252 = arith.extui %eq3A_251 : vector<1000x1xi1> to vector<1000x1xi32>
    %convert_element_type3A_253 = arith.sitofp %convert_element_type3A_252 : vector<1000x1xi32> to vector<1000x1xf32>
    %mul3A_254 = vector.broadcast %convert_element_type3A_253 : vector<1000x1xf32> to vector<1000x256xf32>
    %mul3A_255 = arith.mulf %get3A_1, %mul3A_254 : vector<1000x256xf32>
    %reduce_sum3A_256 = arith.constant dense<0.000000e+00> : vector<256xf32>
    %reduce_sum3A_257 = vector.multi_reduction <add>, %mul3A_255, %reduce_sum3A_256 [0] : vector<1000x256xf32> to vector<256xf32>
    %broadcast_in_dim3A_258 = vector.shape_cast %reduce_sum3A_257 : vector<256xf32> to vector<1x256xf32>
    %jit3A_259 = arith.constant 0.000000e+00 : f32
    %broadcast_in_dim3A_260 = vector.shape_cast %eq3A_251 : vector<1000x1xi1> to vector<1000x1xi1>
    %broadcast_in_dim3A_261 = vector.broadcast %broadcast_in_dim3A_260 : vector<1000x1xi1> to vector<1000x256xi1>
    %broadcast_in_dim3A_262 = vector.broadcast %jit3A_259 : f32 to vector<1000x256xf32>
    %select_n3A_263 = arith.select %broadcast_in_dim3A_261, %get3A_1, %broadcast_in_dim3A_262 : vector<1000x256xi1>, vector<1000x256xf32>
    %reduce_max3A_264 = arith.constant dense<0xFF800000> : vector<256xf32>
    %reduce_max3A_265 = vector.multi_reduction <maximumf>, %select_n3A_263, %reduce_max3A_264 [0] : vector<1000x256xf32> to vector<256xf32>
    %broadcast_in_dim3A_266 = vector.shape_cast %reduce_max3A_265 : vector<256xf32> to vector<1x256xf32>
    %reduce_sum3A_267 = arith.constant dense<0.000000e+00> : vector<1xf32>
    %reduce_sum3A_268 = vector.multi_reduction <add>, %convert_element_type3A_253, %reduce_sum3A_267 [0] : vector<1000x1xf32> to vector<1xf32>
    %broadcast_in_dim3A_269 = vector.shape_cast %reduce_sum3A_268 : vector<1xf32> to vector<1x1xf32>
    %eq3A_270 = arith.constant 13 : i32
    %eq3A_271 = vector.broadcast %eq3A_270 : i32 to vector<1000x1xi32>
    %eq3A_272 = arith.cmpi eq, %slice3A, %eq3A_271 : vector<1000x1xi32>
    %convert_element_type3A_273 = arith.extui %eq3A_272 : vector<1000x1xi1> to vector<1000x1xi32>
    %convert_element_type3A_274 = arith.sitofp %convert_element_type3A_273 : vector<1000x1xi32> to vector<1000x1xf32>
    %mul3A_275 = vector.broadcast %convert_element_type3A_274 : vector<1000x1xf32> to vector<1000x256xf32>
    %mul3A_276 = arith.mulf %get3A_1, %mul3A_275 : vector<1000x256xf32>
    %reduce_sum3A_277 = arith.constant dense<0.000000e+00> : vector<256xf32>
    %reduce_sum3A_278 = vector.multi_reduction <add>, %mul3A_276, %reduce_sum3A_277 [0] : vector<1000x256xf32> to vector<256xf32>
    %broadcast_in_dim3A_279 = vector.shape_cast %reduce_sum3A_278 : vector<256xf32> to vector<1x256xf32>
    %jit3A_280 = arith.constant 0.000000e+00 : f32
    %broadcast_in_dim3A_281 = vector.shape_cast %eq3A_272 : vector<1000x1xi1> to vector<1000x1xi1>
    %broadcast_in_dim3A_282 = vector.broadcast %broadcast_in_dim3A_281 : vector<1000x1xi1> to vector<1000x256xi1>
    %broadcast_in_dim3A_283 = vector.broadcast %jit3A_280 : f32 to vector<1000x256xf32>
    %select_n3A_284 = arith.select %broadcast_in_dim3A_282, %get3A_1, %broadcast_in_dim3A_283 : vector<1000x256xi1>, vector<1000x256xf32>
    %reduce_max3A_285 = arith.constant dense<0xFF800000> : vector<256xf32>
    %reduce_max3A_286 = vector.multi_reduction <maximumf>, %select_n3A_284, %reduce_max3A_285 [0] : vector<1000x256xf32> to vector<256xf32>
    %broadcast_in_dim3A_287 = vector.shape_cast %reduce_max3A_286 : vector<256xf32> to vector<1x256xf32>
    %reduce_sum3A_288 = arith.constant dense<0.000000e+00> : vector<1xf32>
    %reduce_sum3A_289 = vector.multi_reduction <add>, %convert_element_type3A_274, %reduce_sum3A_288 [0] : vector<1000x1xf32> to vector<1xf32>
    %broadcast_in_dim3A_290 = vector.shape_cast %reduce_sum3A_289 : vector<1xf32> to vector<1x1xf32>
    %eq3A_291 = arith.constant 14 : i32
    %eq3A_292 = vector.broadcast %eq3A_291 : i32 to vector<1000x1xi32>
    %eq3A_293 = arith.cmpi eq, %slice3A, %eq3A_292 : vector<1000x1xi32>
    %convert_element_type3A_294 = arith.extui %eq3A_293 : vector<1000x1xi1> to vector<1000x1xi32>
    %convert_element_type3A_295 = arith.sitofp %convert_element_type3A_294 : vector<1000x1xi32> to vector<1000x1xf32>
    %mul3A_296 = vector.broadcast %convert_element_type3A_295 : vector<1000x1xf32> to vector<1000x256xf32>
    %mul3A_297 = arith.mulf %get3A_1, %mul3A_296 : vector<1000x256xf32>
    %reduce_sum3A_298 = arith.constant dense<0.000000e+00> : vector<256xf32>
    %reduce_sum3A_299 = vector.multi_reduction <add>, %mul3A_297, %reduce_sum3A_298 [0] : vector<1000x256xf32> to vector<256xf32>
    %broadcast_in_dim3A_300 = vector.shape_cast %reduce_sum3A_299 : vector<256xf32> to vector<1x256xf32>
    %jit3A_301 = arith.constant 0.000000e+00 : f32
    %broadcast_in_dim3A_302 = vector.shape_cast %eq3A_293 : vector<1000x1xi1> to vector<1000x1xi1>
    %broadcast_in_dim3A_303 = vector.broadcast %broadcast_in_dim3A_302 : vector<1000x1xi1> to vector<1000x256xi1>
    %broadcast_in_dim3A_304 = vector.broadcast %jit3A_301 : f32 to vector<1000x256xf32>
    %select_n3A_305 = arith.select %broadcast_in_dim3A_303, %get3A_1, %broadcast_in_dim3A_304 : vector<1000x256xi1>, vector<1000x256xf32>
    %reduce_max3A_306 = arith.constant dense<0xFF800000> : vector<256xf32>
    %reduce_max3A_307 = vector.multi_reduction <maximumf>, %select_n3A_305, %reduce_max3A_306 [0] : vector<1000x256xf32> to vector<256xf32>
    %broadcast_in_dim3A_308 = vector.shape_cast %reduce_max3A_307 : vector<256xf32> to vector<1x256xf32>
    %reduce_sum3A_309 = arith.constant dense<0.000000e+00> : vector<1xf32>
    %reduce_sum3A_310 = vector.multi_reduction <add>, %convert_element_type3A_295, %reduce_sum3A_309 [0] : vector<1000x1xf32> to vector<1xf32>
    %broadcast_in_dim3A_311 = vector.shape_cast %reduce_sum3A_310 : vector<1xf32> to vector<1x1xf32>
    %eq3A_312 = arith.constant 15 : i32
    %eq3A_313 = vector.broadcast %eq3A_312 : i32 to vector<1000x1xi32>
    %eq3A_314 = arith.cmpi eq, %slice3A, %eq3A_313 : vector<1000x1xi32>
    %convert_element_type3A_315 = arith.extui %eq3A_314 : vector<1000x1xi1> to vector<1000x1xi32>
    %convert_element_type3A_316 = arith.sitofp %convert_element_type3A_315 : vector<1000x1xi32> to vector<1000x1xf32>
    %mul3A_317 = vector.broadcast %convert_element_type3A_316 : vector<1000x1xf32> to vector<1000x256xf32>
    %mul3A_318 = arith.mulf %get3A_1, %mul3A_317 : vector<1000x256xf32>
    %reduce_sum3A_319 = arith.constant dense<0.000000e+00> : vector<256xf32>
    %reduce_sum3A_320 = vector.multi_reduction <add>, %mul3A_318, %reduce_sum3A_319 [0] : vector<1000x256xf32> to vector<256xf32>
    %broadcast_in_dim3A_321 = vector.shape_cast %reduce_sum3A_320 : vector<256xf32> to vector<1x256xf32>
    %jit3A_322 = arith.constant 0.000000e+00 : f32
    %broadcast_in_dim3A_323 = vector.shape_cast %eq3A_314 : vector<1000x1xi1> to vector<1000x1xi1>
    %broadcast_in_dim3A_324 = vector.broadcast %broadcast_in_dim3A_323 : vector<1000x1xi1> to vector<1000x256xi1>
    %broadcast_in_dim3A_325 = vector.broadcast %jit3A_322 : f32 to vector<1000x256xf32>
    %select_n3A_326 = arith.select %broadcast_in_dim3A_324, %get3A_1, %broadcast_in_dim3A_325 : vector<1000x256xi1>, vector<1000x256xf32>
    %reduce_max3A_327 = arith.constant dense<0xFF800000> : vector<256xf32>
    %reduce_max3A_328 = vector.multi_reduction <maximumf>, %select_n3A_326, %reduce_max3A_327 [0] : vector<1000x256xf32> to vector<256xf32>
    %broadcast_in_dim3A_329 = vector.shape_cast %reduce_max3A_328 : vector<256xf32> to vector<1x256xf32>
    %reduce_sum3A_330 = arith.constant dense<0.000000e+00> : vector<1xf32>
    %reduce_sum3A_331 = vector.multi_reduction <add>, %convert_element_type3A_316, %reduce_sum3A_330 [0] : vector<1000x1xf32> to vector<1xf32>
    %broadcast_in_dim3A_332 = vector.shape_cast %reduce_sum3A_331 : vector<1xf32> to vector<1x1xf32>
    %eq3A_333 = arith.constant 16 : i32
    %eq3A_334 = vector.broadcast %eq3A_333 : i32 to vector<1000x1xi32>
    %eq3A_335 = arith.cmpi eq, %slice3A, %eq3A_334 : vector<1000x1xi32>
    %convert_element_type3A_336 = arith.extui %eq3A_335 : vector<1000x1xi1> to vector<1000x1xi32>
    %convert_element_type3A_337 = arith.sitofp %convert_element_type3A_336 : vector<1000x1xi32> to vector<1000x1xf32>
    %mul3A_338 = vector.broadcast %convert_element_type3A_337 : vector<1000x1xf32> to vector<1000x256xf32>
    %mul3A_339 = arith.mulf %get3A_1, %mul3A_338 : vector<1000x256xf32>
    %reduce_sum3A_340 = arith.constant dense<0.000000e+00> : vector<256xf32>
    %reduce_sum3A_341 = vector.multi_reduction <add>, %mul3A_339, %reduce_sum3A_340 [0] : vector<1000x256xf32> to vector<256xf32>
    %broadcast_in_dim3A_342 = vector.shape_cast %reduce_sum3A_341 : vector<256xf32> to vector<1x256xf32>
    %jit3A_343 = arith.constant 0.000000e+00 : f32
    %broadcast_in_dim3A_344 = vector.shape_cast %eq3A_335 : vector<1000x1xi1> to vector<1000x1xi1>
    %broadcast_in_dim3A_345 = vector.broadcast %broadcast_in_dim3A_344 : vector<1000x1xi1> to vector<1000x256xi1>
    %broadcast_in_dim3A_346 = vector.broadcast %jit3A_343 : f32 to vector<1000x256xf32>
    %select_n3A_347 = arith.select %broadcast_in_dim3A_345, %get3A_1, %broadcast_in_dim3A_346 : vector<1000x256xi1>, vector<1000x256xf32>
    %reduce_max3A_348 = arith.constant dense<0xFF800000> : vector<256xf32>
    %reduce_max3A_349 = vector.multi_reduction <maximumf>, %select_n3A_347, %reduce_max3A_348 [0] : vector<1000x256xf32> to vector<256xf32>
    %broadcast_in_dim3A_350 = vector.shape_cast %reduce_max3A_349 : vector<256xf32> to vector<1x256xf32>
    %reduce_sum3A_351 = arith.constant dense<0.000000e+00> : vector<1xf32>
    %reduce_sum3A_352 = vector.multi_reduction <add>, %convert_element_type3A_337, %reduce_sum3A_351 [0] : vector<1000x1xf32> to vector<1xf32>
    %broadcast_in_dim3A_353 = vector.shape_cast %reduce_sum3A_352 : vector<1xf32> to vector<1x1xf32>
    %eq3A_354 = arith.constant 17 : i32
    %eq3A_355 = vector.broadcast %eq3A_354 : i32 to vector<1000x1xi32>
    %eq3A_356 = arith.cmpi eq, %slice3A, %eq3A_355 : vector<1000x1xi32>
    %convert_element_type3A_357 = arith.extui %eq3A_356 : vector<1000x1xi1> to vector<1000x1xi32>
    %convert_element_type3A_358 = arith.sitofp %convert_element_type3A_357 : vector<1000x1xi32> to vector<1000x1xf32>
    %mul3A_359 = vector.broadcast %convert_element_type3A_358 : vector<1000x1xf32> to vector<1000x256xf32>
    %mul3A_360 = arith.mulf %get3A_1, %mul3A_359 : vector<1000x256xf32>
    %reduce_sum3A_361 = arith.constant dense<0.000000e+00> : vector<256xf32>
    %reduce_sum3A_362 = vector.multi_reduction <add>, %mul3A_360, %reduce_sum3A_361 [0] : vector<1000x256xf32> to vector<256xf32>
    %broadcast_in_dim3A_363 = vector.shape_cast %reduce_sum3A_362 : vector<256xf32> to vector<1x256xf32>
    %jit3A_364 = arith.constant 0.000000e+00 : f32
    %broadcast_in_dim3A_365 = vector.shape_cast %eq3A_356 : vector<1000x1xi1> to vector<1000x1xi1>
    %broadcast_in_dim3A_366 = vector.broadcast %broadcast_in_dim3A_365 : vector<1000x1xi1> to vector<1000x256xi1>
    %broadcast_in_dim3A_367 = vector.broadcast %jit3A_364 : f32 to vector<1000x256xf32>
    %select_n3A_368 = arith.select %broadcast_in_dim3A_366, %get3A_1, %broadcast_in_dim3A_367 : vector<1000x256xi1>, vector<1000x256xf32>
    %reduce_max3A_369 = arith.constant dense<0xFF800000> : vector<256xf32>
    %reduce_max3A_370 = vector.multi_reduction <maximumf>, %select_n3A_368, %reduce_max3A_369 [0] : vector<1000x256xf32> to vector<256xf32>
    %broadcast_in_dim3A_371 = vector.shape_cast %reduce_max3A_370 : vector<256xf32> to vector<1x256xf32>
    %reduce_sum3A_372 = arith.constant dense<0.000000e+00> : vector<1xf32>
    %reduce_sum3A_373 = vector.multi_reduction <add>, %convert_element_type3A_358, %reduce_sum3A_372 [0] : vector<1000x1xf32> to vector<1xf32>
    %broadcast_in_dim3A_374 = vector.shape_cast %reduce_sum3A_373 : vector<1xf32> to vector<1x1xf32>
    %eq3A_375 = arith.constant 18 : i32
    %eq3A_376 = vector.broadcast %eq3A_375 : i32 to vector<1000x1xi32>
    %eq3A_377 = arith.cmpi eq, %slice3A, %eq3A_376 : vector<1000x1xi32>
    %convert_element_type3A_378 = arith.extui %eq3A_377 : vector<1000x1xi1> to vector<1000x1xi32>
    %convert_element_type3A_379 = arith.sitofp %convert_element_type3A_378 : vector<1000x1xi32> to vector<1000x1xf32>
    %mul3A_380 = vector.broadcast %convert_element_type3A_379 : vector<1000x1xf32> to vector<1000x256xf32>
    %mul3A_381 = arith.mulf %get3A_1, %mul3A_380 : vector<1000x256xf32>
    %reduce_sum3A_382 = arith.constant dense<0.000000e+00> : vector<256xf32>
    %reduce_sum3A_383 = vector.multi_reduction <add>, %mul3A_381, %reduce_sum3A_382 [0] : vector<1000x256xf32> to vector<256xf32>
    %broadcast_in_dim3A_384 = vector.shape_cast %reduce_sum3A_383 : vector<256xf32> to vector<1x256xf32>
    %jit3A_385 = arith.constant 0.000000e+00 : f32
    %broadcast_in_dim3A_386 = vector.shape_cast %eq3A_377 : vector<1000x1xi1> to vector<1000x1xi1>
    %broadcast_in_dim3A_387 = vector.broadcast %broadcast_in_dim3A_386 : vector<1000x1xi1> to vector<1000x256xi1>
    %broadcast_in_dim3A_388 = vector.broadcast %jit3A_385 : f32 to vector<1000x256xf32>
    %select_n3A_389 = arith.select %broadcast_in_dim3A_387, %get3A_1, %broadcast_in_dim3A_388 : vector<1000x256xi1>, vector<1000x256xf32>
    %reduce_max3A_390 = arith.constant dense<0xFF800000> : vector<256xf32>
    %reduce_max3A_391 = vector.multi_reduction <maximumf>, %select_n3A_389, %reduce_max3A_390 [0] : vector<1000x256xf32> to vector<256xf32>
    %broadcast_in_dim3A_392 = vector.shape_cast %reduce_max3A_391 : vector<256xf32> to vector<1x256xf32>
    %reduce_sum3A_393 = arith.constant dense<0.000000e+00> : vector<1xf32>
    %reduce_sum3A_394 = vector.multi_reduction <add>, %convert_element_type3A_379, %reduce_sum3A_393 [0] : vector<1000x1xf32> to vector<1xf32>
    %broadcast_in_dim3A_395 = vector.shape_cast %reduce_sum3A_394 : vector<1xf32> to vector<1x1xf32>
    %eq3A_396 = arith.constant 19 : i32
    %eq3A_397 = vector.broadcast %eq3A_396 : i32 to vector<1000x1xi32>
    %eq3A_398 = arith.cmpi eq, %slice3A, %eq3A_397 : vector<1000x1xi32>
    %convert_element_type3A_399 = arith.extui %eq3A_398 : vector<1000x1xi1> to vector<1000x1xi32>
    %convert_element_type3A_400 = arith.sitofp %convert_element_type3A_399 : vector<1000x1xi32> to vector<1000x1xf32>
    %mul3A_401 = vector.broadcast %convert_element_type3A_400 : vector<1000x1xf32> to vector<1000x256xf32>
    %mul3A_402 = arith.mulf %get3A_1, %mul3A_401 : vector<1000x256xf32>
    %reduce_sum3A_403 = arith.constant dense<0.000000e+00> : vector<256xf32>
    %reduce_sum3A_404 = vector.multi_reduction <add>, %mul3A_402, %reduce_sum3A_403 [0] : vector<1000x256xf32> to vector<256xf32>
    %broadcast_in_dim3A_405 = vector.shape_cast %reduce_sum3A_404 : vector<256xf32> to vector<1x256xf32>
    %jit3A_406 = arith.constant 0.000000e+00 : f32
    %broadcast_in_dim3A_407 = vector.shape_cast %eq3A_398 : vector<1000x1xi1> to vector<1000x1xi1>
    %broadcast_in_dim3A_408 = vector.broadcast %broadcast_in_dim3A_407 : vector<1000x1xi1> to vector<1000x256xi1>
    %broadcast_in_dim3A_409 = vector.broadcast %jit3A_406 : f32 to vector<1000x256xf32>
    %select_n3A_410 = arith.select %broadcast_in_dim3A_408, %get3A_1, %broadcast_in_dim3A_409 : vector<1000x256xi1>, vector<1000x256xf32>
    %reduce_max3A_411 = arith.constant dense<0xFF800000> : vector<256xf32>
    %reduce_max3A_412 = vector.multi_reduction <maximumf>, %select_n3A_410, %reduce_max3A_411 [0] : vector<1000x256xf32> to vector<256xf32>
    %broadcast_in_dim3A_413 = vector.shape_cast %reduce_max3A_412 : vector<256xf32> to vector<1x256xf32>
    %reduce_sum3A_414 = arith.constant dense<0.000000e+00> : vector<1xf32>
    %reduce_sum3A_415 = vector.multi_reduction <add>, %convert_element_type3A_400, %reduce_sum3A_414 [0] : vector<1000x1xf32> to vector<1xf32>
    %broadcast_in_dim3A_416 = vector.shape_cast %reduce_sum3A_415 : vector<1xf32> to vector<1x1xf32>
    %eq3A_417 = arith.constant 20 : i32
    %eq3A_418 = vector.broadcast %eq3A_417 : i32 to vector<1000x1xi32>
    %eq3A_419 = arith.cmpi eq, %slice3A, %eq3A_418 : vector<1000x1xi32>
    %convert_element_type3A_420 = arith.extui %eq3A_419 : vector<1000x1xi1> to vector<1000x1xi32>
    %convert_element_type3A_421 = arith.sitofp %convert_element_type3A_420 : vector<1000x1xi32> to vector<1000x1xf32>
    %mul3A_422 = vector.broadcast %convert_element_type3A_421 : vector<1000x1xf32> to vector<1000x256xf32>
    %mul3A_423 = arith.mulf %get3A_1, %mul3A_422 : vector<1000x256xf32>
    %reduce_sum3A_424 = arith.constant dense<0.000000e+00> : vector<256xf32>
    %reduce_sum3A_425 = vector.multi_reduction <add>, %mul3A_423, %reduce_sum3A_424 [0] : vector<1000x256xf32> to vector<256xf32>
    %broadcast_in_dim3A_426 = vector.shape_cast %reduce_sum3A_425 : vector<256xf32> to vector<1x256xf32>
    %jit3A_427 = arith.constant 0.000000e+00 : f32
    %broadcast_in_dim3A_428 = vector.shape_cast %eq3A_419 : vector<1000x1xi1> to vector<1000x1xi1>
    %broadcast_in_dim3A_429 = vector.broadcast %broadcast_in_dim3A_428 : vector<1000x1xi1> to vector<1000x256xi1>
    %broadcast_in_dim3A_430 = vector.broadcast %jit3A_427 : f32 to vector<1000x256xf32>
    %select_n3A_431 = arith.select %broadcast_in_dim3A_429, %get3A_1, %broadcast_in_dim3A_430 : vector<1000x256xi1>, vector<1000x256xf32>
    %reduce_max3A_432 = arith.constant dense<0xFF800000> : vector<256xf32>
    %reduce_max3A_433 = vector.multi_reduction <maximumf>, %select_n3A_431, %reduce_max3A_432 [0] : vector<1000x256xf32> to vector<256xf32>
    %broadcast_in_dim3A_434 = vector.shape_cast %reduce_max3A_433 : vector<256xf32> to vector<1x256xf32>
    %reduce_sum3A_435 = arith.constant dense<0.000000e+00> : vector<1xf32>
    %reduce_sum3A_436 = vector.multi_reduction <add>, %convert_element_type3A_421, %reduce_sum3A_435 [0] : vector<1000x1xf32> to vector<1xf32>
    %broadcast_in_dim3A_437 = vector.shape_cast %reduce_sum3A_436 : vector<1xf32> to vector<1x1xf32>
    %eq3A_438 = arith.constant 21 : i32
    %eq3A_439 = vector.broadcast %eq3A_438 : i32 to vector<1000x1xi32>
    %eq3A_440 = arith.cmpi eq, %slice3A, %eq3A_439 : vector<1000x1xi32>
    %convert_element_type3A_441 = arith.extui %eq3A_440 : vector<1000x1xi1> to vector<1000x1xi32>
    %convert_element_type3A_442 = arith.sitofp %convert_element_type3A_441 : vector<1000x1xi32> to vector<1000x1xf32>
    %mul3A_443 = vector.broadcast %convert_element_type3A_442 : vector<1000x1xf32> to vector<1000x256xf32>
    %mul3A_444 = arith.mulf %get3A_1, %mul3A_443 : vector<1000x256xf32>
    %reduce_sum3A_445 = arith.constant dense<0.000000e+00> : vector<256xf32>
    %reduce_sum3A_446 = vector.multi_reduction <add>, %mul3A_444, %reduce_sum3A_445 [0] : vector<1000x256xf32> to vector<256xf32>
    %broadcast_in_dim3A_447 = vector.shape_cast %reduce_sum3A_446 : vector<256xf32> to vector<1x256xf32>
    %jit3A_448 = arith.constant 0.000000e+00 : f32
    %broadcast_in_dim3A_449 = vector.shape_cast %eq3A_440 : vector<1000x1xi1> to vector<1000x1xi1>
    %broadcast_in_dim3A_450 = vector.broadcast %broadcast_in_dim3A_449 : vector<1000x1xi1> to vector<1000x256xi1>
    %broadcast_in_dim3A_451 = vector.broadcast %jit3A_448 : f32 to vector<1000x256xf32>
    %select_n3A_452 = arith.select %broadcast_in_dim3A_450, %get3A_1, %broadcast_in_dim3A_451 : vector<1000x256xi1>, vector<1000x256xf32>
    %reduce_max3A_453 = arith.constant dense<0xFF800000> : vector<256xf32>
    %reduce_max3A_454 = vector.multi_reduction <maximumf>, %select_n3A_452, %reduce_max3A_453 [0] : vector<1000x256xf32> to vector<256xf32>
    %broadcast_in_dim3A_455 = vector.shape_cast %reduce_max3A_454 : vector<256xf32> to vector<1x256xf32>
    %reduce_sum3A_456 = arith.constant dense<0.000000e+00> : vector<1xf32>
    %reduce_sum3A_457 = vector.multi_reduction <add>, %convert_element_type3A_442, %reduce_sum3A_456 [0] : vector<1000x1xf32> to vector<1xf32>
    %broadcast_in_dim3A_458 = vector.shape_cast %reduce_sum3A_457 : vector<1xf32> to vector<1x1xf32>
    %eq3A_459 = arith.constant 22 : i32
    %eq3A_460 = vector.broadcast %eq3A_459 : i32 to vector<1000x1xi32>
    %eq3A_461 = arith.cmpi eq, %slice3A, %eq3A_460 : vector<1000x1xi32>
    %convert_element_type3A_462 = arith.extui %eq3A_461 : vector<1000x1xi1> to vector<1000x1xi32>
    %convert_element_type3A_463 = arith.sitofp %convert_element_type3A_462 : vector<1000x1xi32> to vector<1000x1xf32>
    %mul3A_464 = vector.broadcast %convert_element_type3A_463 : vector<1000x1xf32> to vector<1000x256xf32>
    %mul3A_465 = arith.mulf %get3A_1, %mul3A_464 : vector<1000x256xf32>
    %reduce_sum3A_466 = arith.constant dense<0.000000e+00> : vector<256xf32>
    %reduce_sum3A_467 = vector.multi_reduction <add>, %mul3A_465, %reduce_sum3A_466 [0] : vector<1000x256xf32> to vector<256xf32>
    %broadcast_in_dim3A_468 = vector.shape_cast %reduce_sum3A_467 : vector<256xf32> to vector<1x256xf32>
    %jit3A_469 = arith.constant 0.000000e+00 : f32
    %broadcast_in_dim3A_470 = vector.shape_cast %eq3A_461 : vector<1000x1xi1> to vector<1000x1xi1>
    %broadcast_in_dim3A_471 = vector.broadcast %broadcast_in_dim3A_470 : vector<1000x1xi1> to vector<1000x256xi1>
    %broadcast_in_dim3A_472 = vector.broadcast %jit3A_469 : f32 to vector<1000x256xf32>
    %select_n3A_473 = arith.select %broadcast_in_dim3A_471, %get3A_1, %broadcast_in_dim3A_472 : vector<1000x256xi1>, vector<1000x256xf32>
    %reduce_max3A_474 = arith.constant dense<0xFF800000> : vector<256xf32>
    %reduce_max3A_475 = vector.multi_reduction <maximumf>, %select_n3A_473, %reduce_max3A_474 [0] : vector<1000x256xf32> to vector<256xf32>
    %broadcast_in_dim3A_476 = vector.shape_cast %reduce_max3A_475 : vector<256xf32> to vector<1x256xf32>
    %reduce_sum3A_477 = arith.constant dense<0.000000e+00> : vector<1xf32>
    %reduce_sum3A_478 = vector.multi_reduction <add>, %convert_element_type3A_463, %reduce_sum3A_477 [0] : vector<1000x1xf32> to vector<1xf32>
    %broadcast_in_dim3A_479 = vector.shape_cast %reduce_sum3A_478 : vector<1xf32> to vector<1x1xf32>
    %eq3A_480 = arith.constant 23 : i32
    %eq3A_481 = vector.broadcast %eq3A_480 : i32 to vector<1000x1xi32>
    %eq3A_482 = arith.cmpi eq, %slice3A, %eq3A_481 : vector<1000x1xi32>
    %convert_element_type3A_483 = arith.extui %eq3A_482 : vector<1000x1xi1> to vector<1000x1xi32>
    %convert_element_type3A_484 = arith.sitofp %convert_element_type3A_483 : vector<1000x1xi32> to vector<1000x1xf32>
    %mul3A_485 = vector.broadcast %convert_element_type3A_484 : vector<1000x1xf32> to vector<1000x256xf32>
    %mul3A_486 = arith.mulf %get3A_1, %mul3A_485 : vector<1000x256xf32>
    %reduce_sum3A_487 = arith.constant dense<0.000000e+00> : vector<256xf32>
    %reduce_sum3A_488 = vector.multi_reduction <add>, %mul3A_486, %reduce_sum3A_487 [0] : vector<1000x256xf32> to vector<256xf32>
    %broadcast_in_dim3A_489 = vector.shape_cast %reduce_sum3A_488 : vector<256xf32> to vector<1x256xf32>
    %jit3A_490 = arith.constant 0.000000e+00 : f32
    %broadcast_in_dim3A_491 = vector.shape_cast %eq3A_482 : vector<1000x1xi1> to vector<1000x1xi1>
    %broadcast_in_dim3A_492 = vector.broadcast %broadcast_in_dim3A_491 : vector<1000x1xi1> to vector<1000x256xi1>
    %broadcast_in_dim3A_493 = vector.broadcast %jit3A_490 : f32 to vector<1000x256xf32>
    %select_n3A_494 = arith.select %broadcast_in_dim3A_492, %get3A_1, %broadcast_in_dim3A_493 : vector<1000x256xi1>, vector<1000x256xf32>
    %reduce_max3A_495 = arith.constant dense<0xFF800000> : vector<256xf32>
    %reduce_max3A_496 = vector.multi_reduction <maximumf>, %select_n3A_494, %reduce_max3A_495 [0] : vector<1000x256xf32> to vector<256xf32>
    %broadcast_in_dim3A_497 = vector.shape_cast %reduce_max3A_496 : vector<256xf32> to vector<1x256xf32>
    %reduce_sum3A_498 = arith.constant dense<0.000000e+00> : vector<1xf32>
    %reduce_sum3A_499 = vector.multi_reduction <add>, %convert_element_type3A_484, %reduce_sum3A_498 [0] : vector<1000x1xf32> to vector<1xf32>
    %broadcast_in_dim3A_500 = vector.shape_cast %reduce_sum3A_499 : vector<1xf32> to vector<1x1xf32>
    %eq3A_501 = arith.constant 24 : i32
    %eq3A_502 = vector.broadcast %eq3A_501 : i32 to vector<1000x1xi32>
    %eq3A_503 = arith.cmpi eq, %slice3A, %eq3A_502 : vector<1000x1xi32>
    %convert_element_type3A_504 = arith.extui %eq3A_503 : vector<1000x1xi1> to vector<1000x1xi32>
    %convert_element_type3A_505 = arith.sitofp %convert_element_type3A_504 : vector<1000x1xi32> to vector<1000x1xf32>
    %mul3A_506 = vector.broadcast %convert_element_type3A_505 : vector<1000x1xf32> to vector<1000x256xf32>
    %mul3A_507 = arith.mulf %get3A_1, %mul3A_506 : vector<1000x256xf32>
    %reduce_sum3A_508 = arith.constant dense<0.000000e+00> : vector<256xf32>
    %reduce_sum3A_509 = vector.multi_reduction <add>, %mul3A_507, %reduce_sum3A_508 [0] : vector<1000x256xf32> to vector<256xf32>
    %broadcast_in_dim3A_510 = vector.shape_cast %reduce_sum3A_509 : vector<256xf32> to vector<1x256xf32>
    %jit3A_511 = arith.constant 0.000000e+00 : f32
    %broadcast_in_dim3A_512 = vector.shape_cast %eq3A_503 : vector<1000x1xi1> to vector<1000x1xi1>
    %broadcast_in_dim3A_513 = vector.broadcast %broadcast_in_dim3A_512 : vector<1000x1xi1> to vector<1000x256xi1>
    %broadcast_in_dim3A_514 = vector.broadcast %jit3A_511 : f32 to vector<1000x256xf32>
    %select_n3A_515 = arith.select %broadcast_in_dim3A_513, %get3A_1, %broadcast_in_dim3A_514 : vector<1000x256xi1>, vector<1000x256xf32>
    %reduce_max3A_516 = arith.constant dense<0xFF800000> : vector<256xf32>
    %reduce_max3A_517 = vector.multi_reduction <maximumf>, %select_n3A_515, %reduce_max3A_516 [0] : vector<1000x256xf32> to vector<256xf32>
    %broadcast_in_dim3A_518 = vector.shape_cast %reduce_max3A_517 : vector<256xf32> to vector<1x256xf32>
    %reduce_sum3A_519 = arith.constant dense<0.000000e+00> : vector<1xf32>
    %reduce_sum3A_520 = vector.multi_reduction <add>, %convert_element_type3A_505, %reduce_sum3A_519 [0] : vector<1000x1xf32> to vector<1xf32>
    %broadcast_in_dim3A_521 = vector.shape_cast %reduce_sum3A_520 : vector<1xf32> to vector<1x1xf32>
    %eq3A_522 = arith.constant 25 : i32
    %eq3A_523 = vector.broadcast %eq3A_522 : i32 to vector<1000x1xi32>
    %eq3A_524 = arith.cmpi eq, %slice3A, %eq3A_523 : vector<1000x1xi32>
    %convert_element_type3A_525 = arith.extui %eq3A_524 : vector<1000x1xi1> to vector<1000x1xi32>
    %convert_element_type3A_526 = arith.sitofp %convert_element_type3A_525 : vector<1000x1xi32> to vector<1000x1xf32>
    %mul3A_527 = vector.broadcast %convert_element_type3A_526 : vector<1000x1xf32> to vector<1000x256xf32>
    %mul3A_528 = arith.mulf %get3A_1, %mul3A_527 : vector<1000x256xf32>
    %reduce_sum3A_529 = arith.constant dense<0.000000e+00> : vector<256xf32>
    %reduce_sum3A_530 = vector.multi_reduction <add>, %mul3A_528, %reduce_sum3A_529 [0] : vector<1000x256xf32> to vector<256xf32>
    %broadcast_in_dim3A_531 = vector.shape_cast %reduce_sum3A_530 : vector<256xf32> to vector<1x256xf32>
    %jit3A_532 = arith.constant 0.000000e+00 : f32
    %broadcast_in_dim3A_533 = vector.shape_cast %eq3A_524 : vector<1000x1xi1> to vector<1000x1xi1>
    %broadcast_in_dim3A_534 = vector.broadcast %broadcast_in_dim3A_533 : vector<1000x1xi1> to vector<1000x256xi1>
    %broadcast_in_dim3A_535 = vector.broadcast %jit3A_532 : f32 to vector<1000x256xf32>
    %select_n3A_536 = arith.select %broadcast_in_dim3A_534, %get3A_1, %broadcast_in_dim3A_535 : vector<1000x256xi1>, vector<1000x256xf32>
    %reduce_max3A_537 = arith.constant dense<0xFF800000> : vector<256xf32>
    %reduce_max3A_538 = vector.multi_reduction <maximumf>, %select_n3A_536, %reduce_max3A_537 [0] : vector<1000x256xf32> to vector<256xf32>
    %broadcast_in_dim3A_539 = vector.shape_cast %reduce_max3A_538 : vector<256xf32> to vector<1x256xf32>
    %reduce_sum3A_540 = arith.constant dense<0.000000e+00> : vector<1xf32>
    %reduce_sum3A_541 = vector.multi_reduction <add>, %convert_element_type3A_526, %reduce_sum3A_540 [0] : vector<1000x1xf32> to vector<1xf32>
    %broadcast_in_dim3A_542 = vector.shape_cast %reduce_sum3A_541 : vector<1xf32> to vector<1x1xf32>
    %eq3A_543 = arith.constant 26 : i32
    %eq3A_544 = vector.broadcast %eq3A_543 : i32 to vector<1000x1xi32>
    %eq3A_545 = arith.cmpi eq, %slice3A, %eq3A_544 : vector<1000x1xi32>
    %convert_element_type3A_546 = arith.extui %eq3A_545 : vector<1000x1xi1> to vector<1000x1xi32>
    %convert_element_type3A_547 = arith.sitofp %convert_element_type3A_546 : vector<1000x1xi32> to vector<1000x1xf32>
    %mul3A_548 = vector.broadcast %convert_element_type3A_547 : vector<1000x1xf32> to vector<1000x256xf32>
    %mul3A_549 = arith.mulf %get3A_1, %mul3A_548 : vector<1000x256xf32>
    %reduce_sum3A_550 = arith.constant dense<0.000000e+00> : vector<256xf32>
    %reduce_sum3A_551 = vector.multi_reduction <add>, %mul3A_549, %reduce_sum3A_550 [0] : vector<1000x256xf32> to vector<256xf32>
    %broadcast_in_dim3A_552 = vector.shape_cast %reduce_sum3A_551 : vector<256xf32> to vector<1x256xf32>
    %jit3A_553 = arith.constant 0.000000e+00 : f32
    %broadcast_in_dim3A_554 = vector.shape_cast %eq3A_545 : vector<1000x1xi1> to vector<1000x1xi1>
    %broadcast_in_dim3A_555 = vector.broadcast %broadcast_in_dim3A_554 : vector<1000x1xi1> to vector<1000x256xi1>
    %broadcast_in_dim3A_556 = vector.broadcast %jit3A_553 : f32 to vector<1000x256xf32>
    %select_n3A_557 = arith.select %broadcast_in_dim3A_555, %get3A_1, %broadcast_in_dim3A_556 : vector<1000x256xi1>, vector<1000x256xf32>
    %reduce_max3A_558 = arith.constant dense<0xFF800000> : vector<256xf32>
    %reduce_max3A_559 = vector.multi_reduction <maximumf>, %select_n3A_557, %reduce_max3A_558 [0] : vector<1000x256xf32> to vector<256xf32>
    %broadcast_in_dim3A_560 = vector.shape_cast %reduce_max3A_559 : vector<256xf32> to vector<1x256xf32>
    %reduce_sum3A_561 = arith.constant dense<0.000000e+00> : vector<1xf32>
    %reduce_sum3A_562 = vector.multi_reduction <add>, %convert_element_type3A_547, %reduce_sum3A_561 [0] : vector<1000x1xf32> to vector<1xf32>
    %broadcast_in_dim3A_563 = vector.shape_cast %reduce_sum3A_562 : vector<1xf32> to vector<1x1xf32>
    %eq3A_564 = arith.constant 27 : i32
    %eq3A_565 = vector.broadcast %eq3A_564 : i32 to vector<1000x1xi32>
    %eq3A_566 = arith.cmpi eq, %slice3A, %eq3A_565 : vector<1000x1xi32>
    %convert_element_type3A_567 = arith.extui %eq3A_566 : vector<1000x1xi1> to vector<1000x1xi32>
    %convert_element_type3A_568 = arith.sitofp %convert_element_type3A_567 : vector<1000x1xi32> to vector<1000x1xf32>
    %mul3A_569 = vector.broadcast %convert_element_type3A_568 : vector<1000x1xf32> to vector<1000x256xf32>
    %mul3A_570 = arith.mulf %get3A_1, %mul3A_569 : vector<1000x256xf32>
    %reduce_sum3A_571 = arith.constant dense<0.000000e+00> : vector<256xf32>
    %reduce_sum3A_572 = vector.multi_reduction <add>, %mul3A_570, %reduce_sum3A_571 [0] : vector<1000x256xf32> to vector<256xf32>
    %broadcast_in_dim3A_573 = vector.shape_cast %reduce_sum3A_572 : vector<256xf32> to vector<1x256xf32>
    %jit3A_574 = arith.constant 0.000000e+00 : f32
    %broadcast_in_dim3A_575 = vector.shape_cast %eq3A_566 : vector<1000x1xi1> to vector<1000x1xi1>
    %broadcast_in_dim3A_576 = vector.broadcast %broadcast_in_dim3A_575 : vector<1000x1xi1> to vector<1000x256xi1>
    %broadcast_in_dim3A_577 = vector.broadcast %jit3A_574 : f32 to vector<1000x256xf32>
    %select_n3A_578 = arith.select %broadcast_in_dim3A_576, %get3A_1, %broadcast_in_dim3A_577 : vector<1000x256xi1>, vector<1000x256xf32>
    %reduce_max3A_579 = arith.constant dense<0xFF800000> : vector<256xf32>
    %reduce_max3A_580 = vector.multi_reduction <maximumf>, %select_n3A_578, %reduce_max3A_579 [0] : vector<1000x256xf32> to vector<256xf32>
    %broadcast_in_dim3A_581 = vector.shape_cast %reduce_max3A_580 : vector<256xf32> to vector<1x256xf32>
    %reduce_sum3A_582 = arith.constant dense<0.000000e+00> : vector<1xf32>
    %reduce_sum3A_583 = vector.multi_reduction <add>, %convert_element_type3A_568, %reduce_sum3A_582 [0] : vector<1000x1xf32> to vector<1xf32>
    %broadcast_in_dim3A_584 = vector.shape_cast %reduce_sum3A_583 : vector<1xf32> to vector<1x1xf32>
    %eq3A_585 = arith.constant 28 : i32
    %eq3A_586 = vector.broadcast %eq3A_585 : i32 to vector<1000x1xi32>
    %eq3A_587 = arith.cmpi eq, %slice3A, %eq3A_586 : vector<1000x1xi32>
    %convert_element_type3A_588 = arith.extui %eq3A_587 : vector<1000x1xi1> to vector<1000x1xi32>
    %convert_element_type3A_589 = arith.sitofp %convert_element_type3A_588 : vector<1000x1xi32> to vector<1000x1xf32>
    %mul3A_590 = vector.broadcast %convert_element_type3A_589 : vector<1000x1xf32> to vector<1000x256xf32>
    %mul3A_591 = arith.mulf %get3A_1, %mul3A_590 : vector<1000x256xf32>
    %reduce_sum3A_592 = arith.constant dense<0.000000e+00> : vector<256xf32>
    %reduce_sum3A_593 = vector.multi_reduction <add>, %mul3A_591, %reduce_sum3A_592 [0] : vector<1000x256xf32> to vector<256xf32>
    %broadcast_in_dim3A_594 = vector.shape_cast %reduce_sum3A_593 : vector<256xf32> to vector<1x256xf32>
    %jit3A_595 = arith.constant 0.000000e+00 : f32
    %broadcast_in_dim3A_596 = vector.shape_cast %eq3A_587 : vector<1000x1xi1> to vector<1000x1xi1>
    %broadcast_in_dim3A_597 = vector.broadcast %broadcast_in_dim3A_596 : vector<1000x1xi1> to vector<1000x256xi1>
    %broadcast_in_dim3A_598 = vector.broadcast %jit3A_595 : f32 to vector<1000x256xf32>
    %select_n3A_599 = arith.select %broadcast_in_dim3A_597, %get3A_1, %broadcast_in_dim3A_598 : vector<1000x256xi1>, vector<1000x256xf32>
    %reduce_max3A_600 = arith.constant dense<0xFF800000> : vector<256xf32>
    %reduce_max3A_601 = vector.multi_reduction <maximumf>, %select_n3A_599, %reduce_max3A_600 [0] : vector<1000x256xf32> to vector<256xf32>
    %broadcast_in_dim3A_602 = vector.shape_cast %reduce_max3A_601 : vector<256xf32> to vector<1x256xf32>
    %reduce_sum3A_603 = arith.constant dense<0.000000e+00> : vector<1xf32>
    %reduce_sum3A_604 = vector.multi_reduction <add>, %convert_element_type3A_589, %reduce_sum3A_603 [0] : vector<1000x1xf32> to vector<1xf32>
    %broadcast_in_dim3A_605 = vector.shape_cast %reduce_sum3A_604 : vector<1xf32> to vector<1x1xf32>
    %eq3A_606 = arith.constant 29 : i32
    %eq3A_607 = vector.broadcast %eq3A_606 : i32 to vector<1000x1xi32>
    %eq3A_608 = arith.cmpi eq, %slice3A, %eq3A_607 : vector<1000x1xi32>
    %convert_element_type3A_609 = arith.extui %eq3A_608 : vector<1000x1xi1> to vector<1000x1xi32>
    %convert_element_type3A_610 = arith.sitofp %convert_element_type3A_609 : vector<1000x1xi32> to vector<1000x1xf32>
    %mul3A_611 = vector.broadcast %convert_element_type3A_610 : vector<1000x1xf32> to vector<1000x256xf32>
    %mul3A_612 = arith.mulf %get3A_1, %mul3A_611 : vector<1000x256xf32>
    %reduce_sum3A_613 = arith.constant dense<0.000000e+00> : vector<256xf32>
    %reduce_sum3A_614 = vector.multi_reduction <add>, %mul3A_612, %reduce_sum3A_613 [0] : vector<1000x256xf32> to vector<256xf32>
    %broadcast_in_dim3A_615 = vector.shape_cast %reduce_sum3A_614 : vector<256xf32> to vector<1x256xf32>
    %jit3A_616 = arith.constant 0.000000e+00 : f32
    %broadcast_in_dim3A_617 = vector.shape_cast %eq3A_608 : vector<1000x1xi1> to vector<1000x1xi1>
    %broadcast_in_dim3A_618 = vector.broadcast %broadcast_in_dim3A_617 : vector<1000x1xi1> to vector<1000x256xi1>
    %broadcast_in_dim3A_619 = vector.broadcast %jit3A_616 : f32 to vector<1000x256xf32>
    %select_n3A_620 = arith.select %broadcast_in_dim3A_618, %get3A_1, %broadcast_in_dim3A_619 : vector<1000x256xi1>, vector<1000x256xf32>
    %reduce_max3A_621 = arith.constant dense<0xFF800000> : vector<256xf32>
    %reduce_max3A_622 = vector.multi_reduction <maximumf>, %select_n3A_620, %reduce_max3A_621 [0] : vector<1000x256xf32> to vector<256xf32>
    %broadcast_in_dim3A_623 = vector.shape_cast %reduce_max3A_622 : vector<256xf32> to vector<1x256xf32>
    %reduce_sum3A_624 = arith.constant dense<0.000000e+00> : vector<1xf32>
    %reduce_sum3A_625 = vector.multi_reduction <add>, %convert_element_type3A_610, %reduce_sum3A_624 [0] : vector<1000x1xf32> to vector<1xf32>
    %broadcast_in_dim3A_626 = vector.shape_cast %reduce_sum3A_625 : vector<1xf32> to vector<1x1xf32>
    %eq3A_627 = arith.constant 30 : i32
    %eq3A_628 = vector.broadcast %eq3A_627 : i32 to vector<1000x1xi32>
    %eq3A_629 = arith.cmpi eq, %slice3A, %eq3A_628 : vector<1000x1xi32>
    %convert_element_type3A_630 = arith.extui %eq3A_629 : vector<1000x1xi1> to vector<1000x1xi32>
    %convert_element_type3A_631 = arith.sitofp %convert_element_type3A_630 : vector<1000x1xi32> to vector<1000x1xf32>
    %mul3A_632 = vector.broadcast %convert_element_type3A_631 : vector<1000x1xf32> to vector<1000x256xf32>
    %mul3A_633 = arith.mulf %get3A_1, %mul3A_632 : vector<1000x256xf32>
    %reduce_sum3A_634 = arith.constant dense<0.000000e+00> : vector<256xf32>
    %reduce_sum3A_635 = vector.multi_reduction <add>, %mul3A_633, %reduce_sum3A_634 [0] : vector<1000x256xf32> to vector<256xf32>
    %broadcast_in_dim3A_636 = vector.shape_cast %reduce_sum3A_635 : vector<256xf32> to vector<1x256xf32>
    %jit3A_637 = arith.constant 0.000000e+00 : f32
    %broadcast_in_dim3A_638 = vector.shape_cast %eq3A_629 : vector<1000x1xi1> to vector<1000x1xi1>
    %broadcast_in_dim3A_639 = vector.broadcast %broadcast_in_dim3A_638 : vector<1000x1xi1> to vector<1000x256xi1>
    %broadcast_in_dim3A_640 = vector.broadcast %jit3A_637 : f32 to vector<1000x256xf32>
    %select_n3A_641 = arith.select %broadcast_in_dim3A_639, %get3A_1, %broadcast_in_dim3A_640 : vector<1000x256xi1>, vector<1000x256xf32>
    %reduce_max3A_642 = arith.constant dense<0xFF800000> : vector<256xf32>
    %reduce_max3A_643 = vector.multi_reduction <maximumf>, %select_n3A_641, %reduce_max3A_642 [0] : vector<1000x256xf32> to vector<256xf32>
    %broadcast_in_dim3A_644 = vector.shape_cast %reduce_max3A_643 : vector<256xf32> to vector<1x256xf32>
    %reduce_sum3A_645 = arith.constant dense<0.000000e+00> : vector<1xf32>
    %reduce_sum3A_646 = vector.multi_reduction <add>, %convert_element_type3A_631, %reduce_sum3A_645 [0] : vector<1000x1xf32> to vector<1xf32>
    %broadcast_in_dim3A_647 = vector.shape_cast %reduce_sum3A_646 : vector<1xf32> to vector<1x1xf32>
    %eq3A_648 = arith.constant 31 : i32
    %eq3A_649 = vector.broadcast %eq3A_648 : i32 to vector<1000x1xi32>
    %eq3A_650 = arith.cmpi eq, %slice3A, %eq3A_649 : vector<1000x1xi32>
    %convert_element_type3A_651 = arith.extui %eq3A_650 : vector<1000x1xi1> to vector<1000x1xi32>
    %convert_element_type3A_652 = arith.sitofp %convert_element_type3A_651 : vector<1000x1xi32> to vector<1000x1xf32>
    %mul3A_653 = vector.broadcast %convert_element_type3A_652 : vector<1000x1xf32> to vector<1000x256xf32>
    %mul3A_654 = arith.mulf %get3A_1, %mul3A_653 : vector<1000x256xf32>
    %reduce_sum3A_655 = arith.constant dense<0.000000e+00> : vector<256xf32>
    %reduce_sum3A_656 = vector.multi_reduction <add>, %mul3A_654, %reduce_sum3A_655 [0] : vector<1000x256xf32> to vector<256xf32>
    %broadcast_in_dim3A_657 = vector.shape_cast %reduce_sum3A_656 : vector<256xf32> to vector<1x256xf32>
    %jit3A_658 = arith.constant 0.000000e+00 : f32
    %broadcast_in_dim3A_659 = vector.shape_cast %eq3A_650 : vector<1000x1xi1> to vector<1000x1xi1>
    %broadcast_in_dim3A_660 = vector.broadcast %broadcast_in_dim3A_659 : vector<1000x1xi1> to vector<1000x256xi1>
    %broadcast_in_dim3A_661 = vector.broadcast %jit3A_658 : f32 to vector<1000x256xf32>
    %select_n3A_662 = arith.select %broadcast_in_dim3A_660, %get3A_1, %broadcast_in_dim3A_661 : vector<1000x256xi1>, vector<1000x256xf32>
    %reduce_max3A_663 = arith.constant dense<0xFF800000> : vector<256xf32>
    %reduce_max3A_664 = vector.multi_reduction <maximumf>, %select_n3A_662, %reduce_max3A_663 [0] : vector<1000x256xf32> to vector<256xf32>
    %broadcast_in_dim3A_665 = vector.shape_cast %reduce_max3A_664 : vector<256xf32> to vector<1x256xf32>
    %reduce_sum3A_666 = arith.constant dense<0.000000e+00> : vector<1xf32>
    %reduce_sum3A_667 = vector.multi_reduction <add>, %convert_element_type3A_652, %reduce_sum3A_666 [0] : vector<1000x1xf32> to vector<1xf32>
    %broadcast_in_dim3A_668 = vector.shape_cast %reduce_sum3A_667 : vector<1xf32> to vector<1x1xf32>
    %eq3A_669 = arith.constant 32 : i32
    %eq3A_670 = vector.broadcast %eq3A_669 : i32 to vector<1000x1xi32>
    %eq3A_671 = arith.cmpi eq, %slice3A, %eq3A_670 : vector<1000x1xi32>
    %convert_element_type3A_672 = arith.extui %eq3A_671 : vector<1000x1xi1> to vector<1000x1xi32>
    %convert_element_type3A_673 = arith.sitofp %convert_element_type3A_672 : vector<1000x1xi32> to vector<1000x1xf32>
    %mul3A_674 = vector.broadcast %convert_element_type3A_673 : vector<1000x1xf32> to vector<1000x256xf32>
    %mul3A_675 = arith.mulf %get3A_1, %mul3A_674 : vector<1000x256xf32>
    %reduce_sum3A_676 = arith.constant dense<0.000000e+00> : vector<256xf32>
    %reduce_sum3A_677 = vector.multi_reduction <add>, %mul3A_675, %reduce_sum3A_676 [0] : vector<1000x256xf32> to vector<256xf32>
    %broadcast_in_dim3A_678 = vector.shape_cast %reduce_sum3A_677 : vector<256xf32> to vector<1x256xf32>
    %jit3A_679 = arith.constant 0.000000e+00 : f32
    %broadcast_in_dim3A_680 = vector.shape_cast %eq3A_671 : vector<1000x1xi1> to vector<1000x1xi1>
    %broadcast_in_dim3A_681 = vector.broadcast %broadcast_in_dim3A_680 : vector<1000x1xi1> to vector<1000x256xi1>
    %broadcast_in_dim3A_682 = vector.broadcast %jit3A_679 : f32 to vector<1000x256xf32>
    %select_n3A_683 = arith.select %broadcast_in_dim3A_681, %get3A_1, %broadcast_in_dim3A_682 : vector<1000x256xi1>, vector<1000x256xf32>
    %reduce_max3A_684 = arith.constant dense<0xFF800000> : vector<256xf32>
    %reduce_max3A_685 = vector.multi_reduction <maximumf>, %select_n3A_683, %reduce_max3A_684 [0] : vector<1000x256xf32> to vector<256xf32>
    %broadcast_in_dim3A_686 = vector.shape_cast %reduce_max3A_685 : vector<256xf32> to vector<1x256xf32>
    %reduce_sum3A_687 = arith.constant dense<0.000000e+00> : vector<1xf32>
    %reduce_sum3A_688 = vector.multi_reduction <add>, %convert_element_type3A_673, %reduce_sum3A_687 [0] : vector<1000x1xf32> to vector<1xf32>
    %broadcast_in_dim3A_689 = vector.shape_cast %reduce_sum3A_688 : vector<1xf32> to vector<1x1xf32>
    %eq3A_690 = arith.constant 33 : i32
    %eq3A_691 = vector.broadcast %eq3A_690 : i32 to vector<1000x1xi32>
    %eq3A_692 = arith.cmpi eq, %slice3A, %eq3A_691 : vector<1000x1xi32>
    %convert_element_type3A_693 = arith.extui %eq3A_692 : vector<1000x1xi1> to vector<1000x1xi32>
    %convert_element_type3A_694 = arith.sitofp %convert_element_type3A_693 : vector<1000x1xi32> to vector<1000x1xf32>
    %mul3A_695 = vector.broadcast %convert_element_type3A_694 : vector<1000x1xf32> to vector<1000x256xf32>
    %mul3A_696 = arith.mulf %get3A_1, %mul3A_695 : vector<1000x256xf32>
    %reduce_sum3A_697 = arith.constant dense<0.000000e+00> : vector<256xf32>
    %reduce_sum3A_698 = vector.multi_reduction <add>, %mul3A_696, %reduce_sum3A_697 [0] : vector<1000x256xf32> to vector<256xf32>
    %broadcast_in_dim3A_699 = vector.shape_cast %reduce_sum3A_698 : vector<256xf32> to vector<1x256xf32>
    %jit3A_700 = arith.constant 0.000000e+00 : f32
    %broadcast_in_dim3A_701 = vector.shape_cast %eq3A_692 : vector<1000x1xi1> to vector<1000x1xi1>
    %broadcast_in_dim3A_702 = vector.broadcast %broadcast_in_dim3A_701 : vector<1000x1xi1> to vector<1000x256xi1>
    %broadcast_in_dim3A_703 = vector.broadcast %jit3A_700 : f32 to vector<1000x256xf32>
    %select_n3A_704 = arith.select %broadcast_in_dim3A_702, %get3A_1, %broadcast_in_dim3A_703 : vector<1000x256xi1>, vector<1000x256xf32>
    %reduce_max3A_705 = arith.constant dense<0xFF800000> : vector<256xf32>
    %reduce_max3A_706 = vector.multi_reduction <maximumf>, %select_n3A_704, %reduce_max3A_705 [0] : vector<1000x256xf32> to vector<256xf32>
    %broadcast_in_dim3A_707 = vector.shape_cast %reduce_max3A_706 : vector<256xf32> to vector<1x256xf32>
    %reduce_sum3A_708 = arith.constant dense<0.000000e+00> : vector<1xf32>
    %reduce_sum3A_709 = vector.multi_reduction <add>, %convert_element_type3A_694, %reduce_sum3A_708 [0] : vector<1000x1xf32> to vector<1xf32>
    %broadcast_in_dim3A_710 = vector.shape_cast %reduce_sum3A_709 : vector<1xf32> to vector<1x1xf32>
    %eq3A_711 = arith.constant 34 : i32
    %eq3A_712 = vector.broadcast %eq3A_711 : i32 to vector<1000x1xi32>
    %eq3A_713 = arith.cmpi eq, %slice3A, %eq3A_712 : vector<1000x1xi32>
    %convert_element_type3A_714 = arith.extui %eq3A_713 : vector<1000x1xi1> to vector<1000x1xi32>
    %convert_element_type3A_715 = arith.sitofp %convert_element_type3A_714 : vector<1000x1xi32> to vector<1000x1xf32>
    %mul3A_716 = vector.broadcast %convert_element_type3A_715 : vector<1000x1xf32> to vector<1000x256xf32>
    %mul3A_717 = arith.mulf %get3A_1, %mul3A_716 : vector<1000x256xf32>
    %reduce_sum3A_718 = arith.constant dense<0.000000e+00> : vector<256xf32>
    %reduce_sum3A_719 = vector.multi_reduction <add>, %mul3A_717, %reduce_sum3A_718 [0] : vector<1000x256xf32> to vector<256xf32>
    %broadcast_in_dim3A_720 = vector.shape_cast %reduce_sum3A_719 : vector<256xf32> to vector<1x256xf32>
    %jit3A_721 = arith.constant 0.000000e+00 : f32
    %broadcast_in_dim3A_722 = vector.shape_cast %eq3A_713 : vector<1000x1xi1> to vector<1000x1xi1>
    %broadcast_in_dim3A_723 = vector.broadcast %broadcast_in_dim3A_722 : vector<1000x1xi1> to vector<1000x256xi1>
    %broadcast_in_dim3A_724 = vector.broadcast %jit3A_721 : f32 to vector<1000x256xf32>
    %select_n3A_725 = arith.select %broadcast_in_dim3A_723, %get3A_1, %broadcast_in_dim3A_724 : vector<1000x256xi1>, vector<1000x256xf32>
    %reduce_max3A_726 = arith.constant dense<0xFF800000> : vector<256xf32>
    %reduce_max3A_727 = vector.multi_reduction <maximumf>, %select_n3A_725, %reduce_max3A_726 [0] : vector<1000x256xf32> to vector<256xf32>
    %broadcast_in_dim3A_728 = vector.shape_cast %reduce_max3A_727 : vector<256xf32> to vector<1x256xf32>
    %reduce_sum3A_729 = arith.constant dense<0.000000e+00> : vector<1xf32>
    %reduce_sum3A_730 = vector.multi_reduction <add>, %convert_element_type3A_715, %reduce_sum3A_729 [0] : vector<1000x1xf32> to vector<1xf32>
    %broadcast_in_dim3A_731 = vector.shape_cast %reduce_sum3A_730 : vector<1xf32> to vector<1x1xf32>
    %eq3A_732 = arith.constant 35 : i32
    %eq3A_733 = vector.broadcast %eq3A_732 : i32 to vector<1000x1xi32>
    %eq3A_734 = arith.cmpi eq, %slice3A, %eq3A_733 : vector<1000x1xi32>
    %convert_element_type3A_735 = arith.extui %eq3A_734 : vector<1000x1xi1> to vector<1000x1xi32>
    %convert_element_type3A_736 = arith.sitofp %convert_element_type3A_735 : vector<1000x1xi32> to vector<1000x1xf32>
    %mul3A_737 = vector.broadcast %convert_element_type3A_736 : vector<1000x1xf32> to vector<1000x256xf32>
    %mul3A_738 = arith.mulf %get3A_1, %mul3A_737 : vector<1000x256xf32>
    %reduce_sum3A_739 = arith.constant dense<0.000000e+00> : vector<256xf32>
    %reduce_sum3A_740 = vector.multi_reduction <add>, %mul3A_738, %reduce_sum3A_739 [0] : vector<1000x256xf32> to vector<256xf32>
    %broadcast_in_dim3A_741 = vector.shape_cast %reduce_sum3A_740 : vector<256xf32> to vector<1x256xf32>
    %jit3A_742 = arith.constant 0.000000e+00 : f32
    %broadcast_in_dim3A_743 = vector.shape_cast %eq3A_734 : vector<1000x1xi1> to vector<1000x1xi1>
    %broadcast_in_dim3A_744 = vector.broadcast %broadcast_in_dim3A_743 : vector<1000x1xi1> to vector<1000x256xi1>
    %broadcast_in_dim3A_745 = vector.broadcast %jit3A_742 : f32 to vector<1000x256xf32>
    %select_n3A_746 = arith.select %broadcast_in_dim3A_744, %get3A_1, %broadcast_in_dim3A_745 : vector<1000x256xi1>, vector<1000x256xf32>
    %reduce_max3A_747 = arith.constant dense<0xFF800000> : vector<256xf32>
    %reduce_max3A_748 = vector.multi_reduction <maximumf>, %select_n3A_746, %reduce_max3A_747 [0] : vector<1000x256xf32> to vector<256xf32>
    %broadcast_in_dim3A_749 = vector.shape_cast %reduce_max3A_748 : vector<256xf32> to vector<1x256xf32>
    %reduce_sum3A_750 = arith.constant dense<0.000000e+00> : vector<1xf32>
    %reduce_sum3A_751 = vector.multi_reduction <add>, %convert_element_type3A_736, %reduce_sum3A_750 [0] : vector<1000x1xf32> to vector<1xf32>
    %broadcast_in_dim3A_752 = vector.shape_cast %reduce_sum3A_751 : vector<1xf32> to vector<1x1xf32>
    %eq3A_753 = arith.constant 36 : i32
    %eq3A_754 = vector.broadcast %eq3A_753 : i32 to vector<1000x1xi32>
    %eq3A_755 = arith.cmpi eq, %slice3A, %eq3A_754 : vector<1000x1xi32>
    %convert_element_type3A_756 = arith.extui %eq3A_755 : vector<1000x1xi1> to vector<1000x1xi32>
    %convert_element_type3A_757 = arith.sitofp %convert_element_type3A_756 : vector<1000x1xi32> to vector<1000x1xf32>
    %mul3A_758 = vector.broadcast %convert_element_type3A_757 : vector<1000x1xf32> to vector<1000x256xf32>
    %mul3A_759 = arith.mulf %get3A_1, %mul3A_758 : vector<1000x256xf32>
    %reduce_sum3A_760 = arith.constant dense<0.000000e+00> : vector<256xf32>
    %reduce_sum3A_761 = vector.multi_reduction <add>, %mul3A_759, %reduce_sum3A_760 [0] : vector<1000x256xf32> to vector<256xf32>
    %broadcast_in_dim3A_762 = vector.shape_cast %reduce_sum3A_761 : vector<256xf32> to vector<1x256xf32>
    %jit3A_763 = arith.constant 0.000000e+00 : f32
    %broadcast_in_dim3A_764 = vector.shape_cast %eq3A_755 : vector<1000x1xi1> to vector<1000x1xi1>
    %broadcast_in_dim3A_765 = vector.broadcast %broadcast_in_dim3A_764 : vector<1000x1xi1> to vector<1000x256xi1>
    %broadcast_in_dim3A_766 = vector.broadcast %jit3A_763 : f32 to vector<1000x256xf32>
    %select_n3A_767 = arith.select %broadcast_in_dim3A_765, %get3A_1, %broadcast_in_dim3A_766 : vector<1000x256xi1>, vector<1000x256xf32>
    %reduce_max3A_768 = arith.constant dense<0xFF800000> : vector<256xf32>
    %reduce_max3A_769 = vector.multi_reduction <maximumf>, %select_n3A_767, %reduce_max3A_768 [0] : vector<1000x256xf32> to vector<256xf32>
    %broadcast_in_dim3A_770 = vector.shape_cast %reduce_max3A_769 : vector<256xf32> to vector<1x256xf32>
    %reduce_sum3A_771 = arith.constant dense<0.000000e+00> : vector<1xf32>
    %reduce_sum3A_772 = vector.multi_reduction <add>, %convert_element_type3A_757, %reduce_sum3A_771 [0] : vector<1000x1xf32> to vector<1xf32>
    %broadcast_in_dim3A_773 = vector.shape_cast %reduce_sum3A_772 : vector<1xf32> to vector<1x1xf32>
    %eq3A_774 = arith.constant 37 : i32
    %eq3A_775 = vector.broadcast %eq3A_774 : i32 to vector<1000x1xi32>
    %eq3A_776 = arith.cmpi eq, %slice3A, %eq3A_775 : vector<1000x1xi32>
    %convert_element_type3A_777 = arith.extui %eq3A_776 : vector<1000x1xi1> to vector<1000x1xi32>
    %convert_element_type3A_778 = arith.sitofp %convert_element_type3A_777 : vector<1000x1xi32> to vector<1000x1xf32>
    %mul3A_779 = vector.broadcast %convert_element_type3A_778 : vector<1000x1xf32> to vector<1000x256xf32>
    %mul3A_780 = arith.mulf %get3A_1, %mul3A_779 : vector<1000x256xf32>
    %reduce_sum3A_781 = arith.constant dense<0.000000e+00> : vector<256xf32>
    %reduce_sum3A_782 = vector.multi_reduction <add>, %mul3A_780, %reduce_sum3A_781 [0] : vector<1000x256xf32> to vector<256xf32>
    %broadcast_in_dim3A_783 = vector.shape_cast %reduce_sum3A_782 : vector<256xf32> to vector<1x256xf32>
    %jit3A_784 = arith.constant 0.000000e+00 : f32
    %broadcast_in_dim3A_785 = vector.shape_cast %eq3A_776 : vector<1000x1xi1> to vector<1000x1xi1>
    %broadcast_in_dim3A_786 = vector.broadcast %broadcast_in_dim3A_785 : vector<1000x1xi1> to vector<1000x256xi1>
    %broadcast_in_dim3A_787 = vector.broadcast %jit3A_784 : f32 to vector<1000x256xf32>
    %select_n3A_788 = arith.select %broadcast_in_dim3A_786, %get3A_1, %broadcast_in_dim3A_787 : vector<1000x256xi1>, vector<1000x256xf32>
    %reduce_max3A_789 = arith.constant dense<0xFF800000> : vector<256xf32>
    %reduce_max3A_790 = vector.multi_reduction <maximumf>, %select_n3A_788, %reduce_max3A_789 [0] : vector<1000x256xf32> to vector<256xf32>
    %broadcast_in_dim3A_791 = vector.shape_cast %reduce_max3A_790 : vector<256xf32> to vector<1x256xf32>
    %reduce_sum3A_792 = arith.constant dense<0.000000e+00> : vector<1xf32>
    %reduce_sum3A_793 = vector.multi_reduction <add>, %convert_element_type3A_778, %reduce_sum3A_792 [0] : vector<1000x1xf32> to vector<1xf32>
    %broadcast_in_dim3A_794 = vector.shape_cast %reduce_sum3A_793 : vector<1xf32> to vector<1x1xf32>
    %eq3A_795 = arith.constant 38 : i32
    %eq3A_796 = vector.broadcast %eq3A_795 : i32 to vector<1000x1xi32>
    %eq3A_797 = arith.cmpi eq, %slice3A, %eq3A_796 : vector<1000x1xi32>
    %convert_element_type3A_798 = arith.extui %eq3A_797 : vector<1000x1xi1> to vector<1000x1xi32>
    %convert_element_type3A_799 = arith.sitofp %convert_element_type3A_798 : vector<1000x1xi32> to vector<1000x1xf32>
    %mul3A_800 = vector.broadcast %convert_element_type3A_799 : vector<1000x1xf32> to vector<1000x256xf32>
    %mul3A_801 = arith.mulf %get3A_1, %mul3A_800 : vector<1000x256xf32>
    %reduce_sum3A_802 = arith.constant dense<0.000000e+00> : vector<256xf32>
    %reduce_sum3A_803 = vector.multi_reduction <add>, %mul3A_801, %reduce_sum3A_802 [0] : vector<1000x256xf32> to vector<256xf32>
    %broadcast_in_dim3A_804 = vector.shape_cast %reduce_sum3A_803 : vector<256xf32> to vector<1x256xf32>
    %jit3A_805 = arith.constant 0.000000e+00 : f32
    %broadcast_in_dim3A_806 = vector.shape_cast %eq3A_797 : vector<1000x1xi1> to vector<1000x1xi1>
    %broadcast_in_dim3A_807 = vector.broadcast %broadcast_in_dim3A_806 : vector<1000x1xi1> to vector<1000x256xi1>
    %broadcast_in_dim3A_808 = vector.broadcast %jit3A_805 : f32 to vector<1000x256xf32>
    %select_n3A_809 = arith.select %broadcast_in_dim3A_807, %get3A_1, %broadcast_in_dim3A_808 : vector<1000x256xi1>, vector<1000x256xf32>
    %reduce_max3A_810 = arith.constant dense<0xFF800000> : vector<256xf32>
    %reduce_max3A_811 = vector.multi_reduction <maximumf>, %select_n3A_809, %reduce_max3A_810 [0] : vector<1000x256xf32> to vector<256xf32>
    %broadcast_in_dim3A_812 = vector.shape_cast %reduce_max3A_811 : vector<256xf32> to vector<1x256xf32>
    %reduce_sum3A_813 = arith.constant dense<0.000000e+00> : vector<1xf32>
    %reduce_sum3A_814 = vector.multi_reduction <add>, %convert_element_type3A_799, %reduce_sum3A_813 [0] : vector<1000x1xf32> to vector<1xf32>
    %broadcast_in_dim3A_815 = vector.shape_cast %reduce_sum3A_814 : vector<1xf32> to vector<1x1xf32>
    %eq3A_816 = arith.constant 39 : i32
    %eq3A_817 = vector.broadcast %eq3A_816 : i32 to vector<1000x1xi32>
    %eq3A_818 = arith.cmpi eq, %slice3A, %eq3A_817 : vector<1000x1xi32>
    %convert_element_type3A_819 = arith.extui %eq3A_818 : vector<1000x1xi1> to vector<1000x1xi32>
    %convert_element_type3A_820 = arith.sitofp %convert_element_type3A_819 : vector<1000x1xi32> to vector<1000x1xf32>
    %mul3A_821 = vector.broadcast %convert_element_type3A_820 : vector<1000x1xf32> to vector<1000x256xf32>
    %mul3A_822 = arith.mulf %get3A_1, %mul3A_821 : vector<1000x256xf32>
    %reduce_sum3A_823 = arith.constant dense<0.000000e+00> : vector<256xf32>
    %reduce_sum3A_824 = vector.multi_reduction <add>, %mul3A_822, %reduce_sum3A_823 [0] : vector<1000x256xf32> to vector<256xf32>
    %broadcast_in_dim3A_825 = vector.shape_cast %reduce_sum3A_824 : vector<256xf32> to vector<1x256xf32>
    %jit3A_826 = arith.constant 0.000000e+00 : f32
    %broadcast_in_dim3A_827 = vector.shape_cast %eq3A_818 : vector<1000x1xi1> to vector<1000x1xi1>
    %broadcast_in_dim3A_828 = vector.broadcast %broadcast_in_dim3A_827 : vector<1000x1xi1> to vector<1000x256xi1>
    %broadcast_in_dim3A_829 = vector.broadcast %jit3A_826 : f32 to vector<1000x256xf32>
    %select_n3A_830 = arith.select %broadcast_in_dim3A_828, %get3A_1, %broadcast_in_dim3A_829 : vector<1000x256xi1>, vector<1000x256xf32>
    %reduce_max3A_831 = arith.constant dense<0xFF800000> : vector<256xf32>
    %reduce_max3A_832 = vector.multi_reduction <maximumf>, %select_n3A_830, %reduce_max3A_831 [0] : vector<1000x256xf32> to vector<256xf32>
    %broadcast_in_dim3A_833 = vector.shape_cast %reduce_max3A_832 : vector<256xf32> to vector<1x256xf32>
    %reduce_sum3A_834 = arith.constant dense<0.000000e+00> : vector<1xf32>
    %reduce_sum3A_835 = vector.multi_reduction <add>, %convert_element_type3A_820, %reduce_sum3A_834 [0] : vector<1000x1xf32> to vector<1xf32>
    %broadcast_in_dim3A_836 = vector.shape_cast %reduce_sum3A_835 : vector<1xf32> to vector<1x1xf32>
    %eq3A_837 = arith.constant 40 : i32
    %eq3A_838 = vector.broadcast %eq3A_837 : i32 to vector<1000x1xi32>
    %eq3A_839 = arith.cmpi eq, %slice3A, %eq3A_838 : vector<1000x1xi32>
    %convert_element_type3A_840 = arith.extui %eq3A_839 : vector<1000x1xi1> to vector<1000x1xi32>
    %convert_element_type3A_841 = arith.sitofp %convert_element_type3A_840 : vector<1000x1xi32> to vector<1000x1xf32>
    %mul3A_842 = vector.broadcast %convert_element_type3A_841 : vector<1000x1xf32> to vector<1000x256xf32>
    %mul3A_843 = arith.mulf %get3A_1, %mul3A_842 : vector<1000x256xf32>
    %reduce_sum3A_844 = arith.constant dense<0.000000e+00> : vector<256xf32>
    %reduce_sum3A_845 = vector.multi_reduction <add>, %mul3A_843, %reduce_sum3A_844 [0] : vector<1000x256xf32> to vector<256xf32>
    %broadcast_in_dim3A_846 = vector.shape_cast %reduce_sum3A_845 : vector<256xf32> to vector<1x256xf32>
    %jit3A_847 = arith.constant 0.000000e+00 : f32
    %broadcast_in_dim3A_848 = vector.shape_cast %eq3A_839 : vector<1000x1xi1> to vector<1000x1xi1>
    %broadcast_in_dim3A_849 = vector.broadcast %broadcast_in_dim3A_848 : vector<1000x1xi1> to vector<1000x256xi1>
    %broadcast_in_dim3A_850 = vector.broadcast %jit3A_847 : f32 to vector<1000x256xf32>
    %select_n3A_851 = arith.select %broadcast_in_dim3A_849, %get3A_1, %broadcast_in_dim3A_850 : vector<1000x256xi1>, vector<1000x256xf32>
    %reduce_max3A_852 = arith.constant dense<0xFF800000> : vector<256xf32>
    %reduce_max3A_853 = vector.multi_reduction <maximumf>, %select_n3A_851, %reduce_max3A_852 [0] : vector<1000x256xf32> to vector<256xf32>
    %broadcast_in_dim3A_854 = vector.shape_cast %reduce_max3A_853 : vector<256xf32> to vector<1x256xf32>
    %reduce_sum3A_855 = arith.constant dense<0.000000e+00> : vector<1xf32>
    %reduce_sum3A_856 = vector.multi_reduction <add>, %convert_element_type3A_841, %reduce_sum3A_855 [0] : vector<1000x1xf32> to vector<1xf32>
    %broadcast_in_dim3A_857 = vector.shape_cast %reduce_sum3A_856 : vector<1xf32> to vector<1x1xf32>
    %eq3A_858 = arith.constant 41 : i32
    %eq3A_859 = vector.broadcast %eq3A_858 : i32 to vector<1000x1xi32>
    %eq3A_860 = arith.cmpi eq, %slice3A, %eq3A_859 : vector<1000x1xi32>
    %convert_element_type3A_861 = arith.extui %eq3A_860 : vector<1000x1xi1> to vector<1000x1xi32>
    %convert_element_type3A_862 = arith.sitofp %convert_element_type3A_861 : vector<1000x1xi32> to vector<1000x1xf32>
    %mul3A_863 = vector.broadcast %convert_element_type3A_862 : vector<1000x1xf32> to vector<1000x256xf32>
    %mul3A_864 = arith.mulf %get3A_1, %mul3A_863 : vector<1000x256xf32>
    %reduce_sum3A_865 = arith.constant dense<0.000000e+00> : vector<256xf32>
    %reduce_sum3A_866 = vector.multi_reduction <add>, %mul3A_864, %reduce_sum3A_865 [0] : vector<1000x256xf32> to vector<256xf32>
    %broadcast_in_dim3A_867 = vector.shape_cast %reduce_sum3A_866 : vector<256xf32> to vector<1x256xf32>
    %jit3A_868 = arith.constant 0.000000e+00 : f32
    %broadcast_in_dim3A_869 = vector.shape_cast %eq3A_860 : vector<1000x1xi1> to vector<1000x1xi1>
    %broadcast_in_dim3A_870 = vector.broadcast %broadcast_in_dim3A_869 : vector<1000x1xi1> to vector<1000x256xi1>
    %broadcast_in_dim3A_871 = vector.broadcast %jit3A_868 : f32 to vector<1000x256xf32>
    %select_n3A_872 = arith.select %broadcast_in_dim3A_870, %get3A_1, %broadcast_in_dim3A_871 : vector<1000x256xi1>, vector<1000x256xf32>
    %reduce_max3A_873 = arith.constant dense<0xFF800000> : vector<256xf32>
    %reduce_max3A_874 = vector.multi_reduction <maximumf>, %select_n3A_872, %reduce_max3A_873 [0] : vector<1000x256xf32> to vector<256xf32>
    %broadcast_in_dim3A_875 = vector.shape_cast %reduce_max3A_874 : vector<256xf32> to vector<1x256xf32>
    %reduce_sum3A_876 = arith.constant dense<0.000000e+00> : vector<1xf32>
    %reduce_sum3A_877 = vector.multi_reduction <add>, %convert_element_type3A_862, %reduce_sum3A_876 [0] : vector<1000x1xf32> to vector<1xf32>
    %broadcast_in_dim3A_878 = vector.shape_cast %reduce_sum3A_877 : vector<1xf32> to vector<1x1xf32>
    %eq3A_879 = arith.constant 42 : i32
    %eq3A_880 = vector.broadcast %eq3A_879 : i32 to vector<1000x1xi32>
    %eq3A_881 = arith.cmpi eq, %slice3A, %eq3A_880 : vector<1000x1xi32>
    %convert_element_type3A_882 = arith.extui %eq3A_881 : vector<1000x1xi1> to vector<1000x1xi32>
    %convert_element_type3A_883 = arith.sitofp %convert_element_type3A_882 : vector<1000x1xi32> to vector<1000x1xf32>
    %mul3A_884 = vector.broadcast %convert_element_type3A_883 : vector<1000x1xf32> to vector<1000x256xf32>
    %mul3A_885 = arith.mulf %get3A_1, %mul3A_884 : vector<1000x256xf32>
    %reduce_sum3A_886 = arith.constant dense<0.000000e+00> : vector<256xf32>
    %reduce_sum3A_887 = vector.multi_reduction <add>, %mul3A_885, %reduce_sum3A_886 [0] : vector<1000x256xf32> to vector<256xf32>
    %broadcast_in_dim3A_888 = vector.shape_cast %reduce_sum3A_887 : vector<256xf32> to vector<1x256xf32>
    %jit3A_889 = arith.constant 0.000000e+00 : f32
    %broadcast_in_dim3A_890 = vector.shape_cast %eq3A_881 : vector<1000x1xi1> to vector<1000x1xi1>
    %broadcast_in_dim3A_891 = vector.broadcast %broadcast_in_dim3A_890 : vector<1000x1xi1> to vector<1000x256xi1>
    %broadcast_in_dim3A_892 = vector.broadcast %jit3A_889 : f32 to vector<1000x256xf32>
    %select_n3A_893 = arith.select %broadcast_in_dim3A_891, %get3A_1, %broadcast_in_dim3A_892 : vector<1000x256xi1>, vector<1000x256xf32>
    %reduce_max3A_894 = arith.constant dense<0xFF800000> : vector<256xf32>
    %reduce_max3A_895 = vector.multi_reduction <maximumf>, %select_n3A_893, %reduce_max3A_894 [0] : vector<1000x256xf32> to vector<256xf32>
    %broadcast_in_dim3A_896 = vector.shape_cast %reduce_max3A_895 : vector<256xf32> to vector<1x256xf32>
    %reduce_sum3A_897 = arith.constant dense<0.000000e+00> : vector<1xf32>
    %reduce_sum3A_898 = vector.multi_reduction <add>, %convert_element_type3A_883, %reduce_sum3A_897 [0] : vector<1000x1xf32> to vector<1xf32>
    %broadcast_in_dim3A_899 = vector.shape_cast %reduce_sum3A_898 : vector<1xf32> to vector<1x1xf32>
    %eq3A_900 = arith.constant 43 : i32
    %eq3A_901 = vector.broadcast %eq3A_900 : i32 to vector<1000x1xi32>
    %eq3A_902 = arith.cmpi eq, %slice3A, %eq3A_901 : vector<1000x1xi32>
    %convert_element_type3A_903 = arith.extui %eq3A_902 : vector<1000x1xi1> to vector<1000x1xi32>
    %convert_element_type3A_904 = arith.sitofp %convert_element_type3A_903 : vector<1000x1xi32> to vector<1000x1xf32>
    %mul3A_905 = vector.broadcast %convert_element_type3A_904 : vector<1000x1xf32> to vector<1000x256xf32>
    %mul3A_906 = arith.mulf %get3A_1, %mul3A_905 : vector<1000x256xf32>
    %reduce_sum3A_907 = arith.constant dense<0.000000e+00> : vector<256xf32>
    %reduce_sum3A_908 = vector.multi_reduction <add>, %mul3A_906, %reduce_sum3A_907 [0] : vector<1000x256xf32> to vector<256xf32>
    %broadcast_in_dim3A_909 = vector.shape_cast %reduce_sum3A_908 : vector<256xf32> to vector<1x256xf32>
    %jit3A_910 = arith.constant 0.000000e+00 : f32
    %broadcast_in_dim3A_911 = vector.shape_cast %eq3A_902 : vector<1000x1xi1> to vector<1000x1xi1>
    %broadcast_in_dim3A_912 = vector.broadcast %broadcast_in_dim3A_911 : vector<1000x1xi1> to vector<1000x256xi1>
    %broadcast_in_dim3A_913 = vector.broadcast %jit3A_910 : f32 to vector<1000x256xf32>
    %select_n3A_914 = arith.select %broadcast_in_dim3A_912, %get3A_1, %broadcast_in_dim3A_913 : vector<1000x256xi1>, vector<1000x256xf32>
    %reduce_max3A_915 = arith.constant dense<0xFF800000> : vector<256xf32>
    %reduce_max3A_916 = vector.multi_reduction <maximumf>, %select_n3A_914, %reduce_max3A_915 [0] : vector<1000x256xf32> to vector<256xf32>
    %broadcast_in_dim3A_917 = vector.shape_cast %reduce_max3A_916 : vector<256xf32> to vector<1x256xf32>
    %reduce_sum3A_918 = arith.constant dense<0.000000e+00> : vector<1xf32>
    %reduce_sum3A_919 = vector.multi_reduction <add>, %convert_element_type3A_904, %reduce_sum3A_918 [0] : vector<1000x1xf32> to vector<1xf32>
    %broadcast_in_dim3A_920 = vector.shape_cast %reduce_sum3A_919 : vector<1xf32> to vector<1x1xf32>
    %eq3A_921 = arith.constant 44 : i32
    %eq3A_922 = vector.broadcast %eq3A_921 : i32 to vector<1000x1xi32>
    %eq3A_923 = arith.cmpi eq, %slice3A, %eq3A_922 : vector<1000x1xi32>
    %convert_element_type3A_924 = arith.extui %eq3A_923 : vector<1000x1xi1> to vector<1000x1xi32>
    %convert_element_type3A_925 = arith.sitofp %convert_element_type3A_924 : vector<1000x1xi32> to vector<1000x1xf32>
    %mul3A_926 = vector.broadcast %convert_element_type3A_925 : vector<1000x1xf32> to vector<1000x256xf32>
    %mul3A_927 = arith.mulf %get3A_1, %mul3A_926 : vector<1000x256xf32>
    %reduce_sum3A_928 = arith.constant dense<0.000000e+00> : vector<256xf32>
    %reduce_sum3A_929 = vector.multi_reduction <add>, %mul3A_927, %reduce_sum3A_928 [0] : vector<1000x256xf32> to vector<256xf32>
    %broadcast_in_dim3A_930 = vector.shape_cast %reduce_sum3A_929 : vector<256xf32> to vector<1x256xf32>
    %jit3A_931 = arith.constant 0.000000e+00 : f32
    %broadcast_in_dim3A_932 = vector.shape_cast %eq3A_923 : vector<1000x1xi1> to vector<1000x1xi1>
    %broadcast_in_dim3A_933 = vector.broadcast %broadcast_in_dim3A_932 : vector<1000x1xi1> to vector<1000x256xi1>
    %broadcast_in_dim3A_934 = vector.broadcast %jit3A_931 : f32 to vector<1000x256xf32>
    %select_n3A_935 = arith.select %broadcast_in_dim3A_933, %get3A_1, %broadcast_in_dim3A_934 : vector<1000x256xi1>, vector<1000x256xf32>
    %reduce_max3A_936 = arith.constant dense<0xFF800000> : vector<256xf32>
    %reduce_max3A_937 = vector.multi_reduction <maximumf>, %select_n3A_935, %reduce_max3A_936 [0] : vector<1000x256xf32> to vector<256xf32>
    %broadcast_in_dim3A_938 = vector.shape_cast %reduce_max3A_937 : vector<256xf32> to vector<1x256xf32>
    %reduce_sum3A_939 = arith.constant dense<0.000000e+00> : vector<1xf32>
    %reduce_sum3A_940 = vector.multi_reduction <add>, %convert_element_type3A_925, %reduce_sum3A_939 [0] : vector<1000x1xf32> to vector<1xf32>
    %broadcast_in_dim3A_941 = vector.shape_cast %reduce_sum3A_940 : vector<1xf32> to vector<1x1xf32>
    %eq3A_942 = arith.constant 45 : i32
    %eq3A_943 = vector.broadcast %eq3A_942 : i32 to vector<1000x1xi32>
    %eq3A_944 = arith.cmpi eq, %slice3A, %eq3A_943 : vector<1000x1xi32>
    %convert_element_type3A_945 = arith.extui %eq3A_944 : vector<1000x1xi1> to vector<1000x1xi32>
    %convert_element_type3A_946 = arith.sitofp %convert_element_type3A_945 : vector<1000x1xi32> to vector<1000x1xf32>
    %mul3A_947 = vector.broadcast %convert_element_type3A_946 : vector<1000x1xf32> to vector<1000x256xf32>
    %mul3A_948 = arith.mulf %get3A_1, %mul3A_947 : vector<1000x256xf32>
    %reduce_sum3A_949 = arith.constant dense<0.000000e+00> : vector<256xf32>
    %reduce_sum3A_950 = vector.multi_reduction <add>, %mul3A_948, %reduce_sum3A_949 [0] : vector<1000x256xf32> to vector<256xf32>
    %broadcast_in_dim3A_951 = vector.shape_cast %reduce_sum3A_950 : vector<256xf32> to vector<1x256xf32>
    %jit3A_952 = arith.constant 0.000000e+00 : f32
    %broadcast_in_dim3A_953 = vector.shape_cast %eq3A_944 : vector<1000x1xi1> to vector<1000x1xi1>
    %broadcast_in_dim3A_954 = vector.broadcast %broadcast_in_dim3A_953 : vector<1000x1xi1> to vector<1000x256xi1>
    %broadcast_in_dim3A_955 = vector.broadcast %jit3A_952 : f32 to vector<1000x256xf32>
    %select_n3A_956 = arith.select %broadcast_in_dim3A_954, %get3A_1, %broadcast_in_dim3A_955 : vector<1000x256xi1>, vector<1000x256xf32>
    %reduce_max3A_957 = arith.constant dense<0xFF800000> : vector<256xf32>
    %reduce_max3A_958 = vector.multi_reduction <maximumf>, %select_n3A_956, %reduce_max3A_957 [0] : vector<1000x256xf32> to vector<256xf32>
    %broadcast_in_dim3A_959 = vector.shape_cast %reduce_max3A_958 : vector<256xf32> to vector<1x256xf32>
    %reduce_sum3A_960 = arith.constant dense<0.000000e+00> : vector<1xf32>
    %reduce_sum3A_961 = vector.multi_reduction <add>, %convert_element_type3A_946, %reduce_sum3A_960 [0] : vector<1000x1xf32> to vector<1xf32>
    %broadcast_in_dim3A_962 = vector.shape_cast %reduce_sum3A_961 : vector<1xf32> to vector<1x1xf32>
    %eq3A_963 = arith.constant 46 : i32
    %eq3A_964 = vector.broadcast %eq3A_963 : i32 to vector<1000x1xi32>
    %eq3A_965 = arith.cmpi eq, %slice3A, %eq3A_964 : vector<1000x1xi32>
    %convert_element_type3A_966 = arith.extui %eq3A_965 : vector<1000x1xi1> to vector<1000x1xi32>
    %convert_element_type3A_967 = arith.sitofp %convert_element_type3A_966 : vector<1000x1xi32> to vector<1000x1xf32>
    %mul3A_968 = vector.broadcast %convert_element_type3A_967 : vector<1000x1xf32> to vector<1000x256xf32>
    %mul3A_969 = arith.mulf %get3A_1, %mul3A_968 : vector<1000x256xf32>
    %reduce_sum3A_970 = arith.constant dense<0.000000e+00> : vector<256xf32>
    %reduce_sum3A_971 = vector.multi_reduction <add>, %mul3A_969, %reduce_sum3A_970 [0] : vector<1000x256xf32> to vector<256xf32>
    %broadcast_in_dim3A_972 = vector.shape_cast %reduce_sum3A_971 : vector<256xf32> to vector<1x256xf32>
    %jit3A_973 = arith.constant 0.000000e+00 : f32
    %broadcast_in_dim3A_974 = vector.shape_cast %eq3A_965 : vector<1000x1xi1> to vector<1000x1xi1>
    %broadcast_in_dim3A_975 = vector.broadcast %broadcast_in_dim3A_974 : vector<1000x1xi1> to vector<1000x256xi1>
    %broadcast_in_dim3A_976 = vector.broadcast %jit3A_973 : f32 to vector<1000x256xf32>
    %select_n3A_977 = arith.select %broadcast_in_dim3A_975, %get3A_1, %broadcast_in_dim3A_976 : vector<1000x256xi1>, vector<1000x256xf32>
    %reduce_max3A_978 = arith.constant dense<0xFF800000> : vector<256xf32>
    %reduce_max3A_979 = vector.multi_reduction <maximumf>, %select_n3A_977, %reduce_max3A_978 [0] : vector<1000x256xf32> to vector<256xf32>
    %broadcast_in_dim3A_980 = vector.shape_cast %reduce_max3A_979 : vector<256xf32> to vector<1x256xf32>
    %reduce_sum3A_981 = arith.constant dense<0.000000e+00> : vector<1xf32>
    %reduce_sum3A_982 = vector.multi_reduction <add>, %convert_element_type3A_967, %reduce_sum3A_981 [0] : vector<1000x1xf32> to vector<1xf32>
    %broadcast_in_dim3A_983 = vector.shape_cast %reduce_sum3A_982 : vector<1xf32> to vector<1x1xf32>
    %eq3A_984 = arith.constant 47 : i32
    %eq3A_985 = vector.broadcast %eq3A_984 : i32 to vector<1000x1xi32>
    %eq3A_986 = arith.cmpi eq, %slice3A, %eq3A_985 : vector<1000x1xi32>
    %convert_element_type3A_987 = arith.extui %eq3A_986 : vector<1000x1xi1> to vector<1000x1xi32>
    %convert_element_type3A_988 = arith.sitofp %convert_element_type3A_987 : vector<1000x1xi32> to vector<1000x1xf32>
    %mul3A_989 = vector.broadcast %convert_element_type3A_988 : vector<1000x1xf32> to vector<1000x256xf32>
    %mul3A_990 = arith.mulf %get3A_1, %mul3A_989 : vector<1000x256xf32>
    %reduce_sum3A_991 = arith.constant dense<0.000000e+00> : vector<256xf32>
    %reduce_sum3A_992 = vector.multi_reduction <add>, %mul3A_990, %reduce_sum3A_991 [0] : vector<1000x256xf32> to vector<256xf32>
    %broadcast_in_dim3A_993 = vector.shape_cast %reduce_sum3A_992 : vector<256xf32> to vector<1x256xf32>
    %jit3A_994 = arith.constant 0.000000e+00 : f32
    %broadcast_in_dim3A_995 = vector.shape_cast %eq3A_986 : vector<1000x1xi1> to vector<1000x1xi1>
    %broadcast_in_dim3A_996 = vector.broadcast %broadcast_in_dim3A_995 : vector<1000x1xi1> to vector<1000x256xi1>
    %broadcast_in_dim3A_997 = vector.broadcast %jit3A_994 : f32 to vector<1000x256xf32>
    %select_n3A_998 = arith.select %broadcast_in_dim3A_996, %get3A_1, %broadcast_in_dim3A_997 : vector<1000x256xi1>, vector<1000x256xf32>
    %reduce_max3A_999 = arith.constant dense<0xFF800000> : vector<256xf32>
    %reduce_max3A_1000 = vector.multi_reduction <maximumf>, %select_n3A_998, %reduce_max3A_999 [0] : vector<1000x256xf32> to vector<256xf32>
    %broadcast_in_dim3A_1001 = vector.shape_cast %reduce_max3A_1000 : vector<256xf32> to vector<1x256xf32>
    %reduce_sum3A_1002 = arith.constant dense<0.000000e+00> : vector<1xf32>
    %reduce_sum3A_1003 = vector.multi_reduction <add>, %convert_element_type3A_988, %reduce_sum3A_1002 [0] : vector<1000x1xf32> to vector<1xf32>
    %broadcast_in_dim3A_1004 = vector.shape_cast %reduce_sum3A_1003 : vector<1xf32> to vector<1x1xf32>
    %concatenate3A = tpu.concatenate %broadcast_in_dim3A, %broadcast_in_dim3A_27, %broadcast_in_dim3A_48, %broadcast_in_dim3A_69, %broadcast_in_dim3A_90, %broadcast_in_dim3A_111, %broadcast_in_dim3A_132, %broadcast_in_dim3A_153, %broadcast_in_dim3A_174, %broadcast_in_dim3A_195, %broadcast_in_dim3A_216, %broadcast_in_dim3A_237, %broadcast_in_dim3A_258, %broadcast_in_dim3A_279, %broadcast_in_dim3A_300, %broadcast_in_dim3A_321, %broadcast_in_dim3A_342, %broadcast_in_dim3A_363, %broadcast_in_dim3A_384, %broadcast_in_dim3A_405, %broadcast_in_dim3A_426, %broadcast_in_dim3A_447, %broadcast_in_dim3A_468, %broadcast_in_dim3A_489, %broadcast_in_dim3A_510, %broadcast_in_dim3A_531, %broadcast_in_dim3A_552, %broadcast_in_dim3A_573, %broadcast_in_dim3A_594, %broadcast_in_dim3A_615, %broadcast_in_dim3A_636, %broadcast_in_dim3A_657, %broadcast_in_dim3A_678, %broadcast_in_dim3A_699, %broadcast_in_dim3A_720, %broadcast_in_dim3A_741, %broadcast_in_dim3A_762, %broadcast_in_dim3A_783, %broadcast_in_dim3A_804, %broadcast_in_dim3A_825, %broadcast_in_dim3A_846, %broadcast_in_dim3A_867, %broadcast_in_dim3A_888, %broadcast_in_dim3A_909, %broadcast_in_dim3A_930, %broadcast_in_dim3A_951, %broadcast_in_dim3A_972, %broadcast_in_dim3A_993 in 0 : vector<1x256xf32>, vector<1x256xf32>, vector<1x256xf32>, vector<1x256xf32>, vector<1x256xf32>, vector<1x256xf32>, vector<1x256xf32>, vector<1x256xf32>, vector<1x256xf32>, vector<1x256xf32>, vector<1x256xf32>, vector<1x256xf32>, vector<1x256xf32>, vector<1x256xf32>, vector<1x256xf32>, vector<1x256xf32>, vector<1x256xf32>, vector<1x256xf32>, vector<1x256xf32>, vector<1x256xf32>, vector<1x256xf32>, vector<1x256xf32>, vector<1x256xf32>, vector<1x256xf32>, vector<1x256xf32>, vector<1x256xf32>, vector<1x256xf32>, vector<1x256xf32>, vector<1x256xf32>, vector<1x256xf32>, vector<1x256xf32>, vector<1x256xf32>, vector<1x256xf32>, vector<1x256xf32>, vector<1x256xf32>, vector<1x256xf32>, vector<1x256xf32>, vector<1x256xf32>, vector<1x256xf32>, vector<1x256xf32>, vector<1x256xf32>, vector<1x256xf32>, vector<1x256xf32>, vector<1x256xf32>, vector<1x256xf32>, vector<1x256xf32>, vector<1x256xf32>, vector<1x256xf32> -> vector<48x256xf32>
    %concatenate3A_1005 = tpu.concatenate %broadcast_in_dim3A_14, %broadcast_in_dim3A_35, %broadcast_in_dim3A_56, %broadcast_in_dim3A_77, %broadcast_in_dim3A_98, %broadcast_in_dim3A_119, %broadcast_in_dim3A_140, %broadcast_in_dim3A_161, %broadcast_in_dim3A_182, %broadcast_in_dim3A_203, %broadcast_in_dim3A_224, %broadcast_in_dim3A_245, %broadcast_in_dim3A_266, %broadcast_in_dim3A_287, %broadcast_in_dim3A_308, %broadcast_in_dim3A_329, %broadcast_in_dim3A_350, %broadcast_in_dim3A_371, %broadcast_in_dim3A_392, %broadcast_in_dim3A_413, %broadcast_in_dim3A_434, %broadcast_in_dim3A_455, %broadcast_in_dim3A_476, %broadcast_in_dim3A_497, %broadcast_in_dim3A_518, %broadcast_in_dim3A_539, %broadcast_in_dim3A_560, %broadcast_in_dim3A_581, %broadcast_in_dim3A_602, %broadcast_in_dim3A_623, %broadcast_in_dim3A_644, %broadcast_in_dim3A_665, %broadcast_in_dim3A_686, %broadcast_in_dim3A_707, %broadcast_in_dim3A_728, %broadcast_in_dim3A_749, %broadcast_in_dim3A_770, %broadcast_in_dim3A_791, %broadcast_in_dim3A_812, %broadcast_in_dim3A_833, %broadcast_in_dim3A_854, %broadcast_in_dim3A_875, %broadcast_in_dim3A_896, %broadcast_in_dim3A_917, %broadcast_in_dim3A_938, %broadcast_in_dim3A_959, %broadcast_in_dim3A_980, %broadcast_in_dim3A_1001 in 0 : vector<1x256xf32>, vector<1x256xf32>, vector<1x256xf32>, vector<1x256xf32>, vector<1x256xf32>, vector<1x256xf32>, vector<1x256xf32>, vector<1x256xf32>, vector<1x256xf32>, vector<1x256xf32>, vector<1x256xf32>, vector<1x256xf32>, vector<1x256xf32>, vector<1x256xf32>, vector<1x256xf32>, vector<1x256xf32>, vector<1x256xf32>, vector<1x256xf32>, vector<1x256xf32>, vector<1x256xf32>, vector<1x256xf32>, vector<1x256xf32>, vector<1x256xf32>, vector<1x256xf32>, vector<1x256xf32>, vector<1x256xf32>, vector<1x256xf32>, vector<1x256xf32>, vector<1x256xf32>, vector<1x256xf32>, vector<1x256xf32>, vector<1x256xf32>, vector<1x256xf32>, vector<1x256xf32>, vector<1x256xf32>, vector<1x256xf32>, vector<1x256xf32>, vector<1x256xf32>, vector<1x256xf32>, vector<1x256xf32>, vector<1x256xf32>, vector<1x256xf32>, vector<1x256xf32>, vector<1x256xf32>, vector<1x256xf32>, vector<1x256xf32>, vector<1x256xf32>, vector<1x256xf32> -> vector<48x256xf32>
    %concatenate3A_1006 = tpu.concatenate %broadcast_in_dim3A_17, %broadcast_in_dim3A_38, %broadcast_in_dim3A_59, %broadcast_in_dim3A_80, %broadcast_in_dim3A_101, %broadcast_in_dim3A_122, %broadcast_in_dim3A_143, %broadcast_in_dim3A_164, %broadcast_in_dim3A_185, %broadcast_in_dim3A_206, %broadcast_in_dim3A_227, %broadcast_in_dim3A_248, %broadcast_in_dim3A_269, %broadcast_in_dim3A_290, %broadcast_in_dim3A_311, %broadcast_in_dim3A_332, %broadcast_in_dim3A_353, %broadcast_in_dim3A_374, %broadcast_in_dim3A_395, %broadcast_in_dim3A_416, %broadcast_in_dim3A_437, %broadcast_in_dim3A_458, %broadcast_in_dim3A_479, %broadcast_in_dim3A_500, %broadcast_in_dim3A_521, %broadcast_in_dim3A_542, %broadcast_in_dim3A_563, %broadcast_in_dim3A_584, %broadcast_in_dim3A_605, %broadcast_in_dim3A_626, %broadcast_in_dim3A_647, %broadcast_in_dim3A_668, %broadcast_in_dim3A_689, %broadcast_in_dim3A_710, %broadcast_in_dim3A_731, %broadcast_in_dim3A_752, %broadcast_in_dim3A_773, %broadcast_in_dim3A_794, %broadcast_in_dim3A_815, %broadcast_in_dim3A_836, %broadcast_in_dim3A_857, %broadcast_in_dim3A_878, %broadcast_in_dim3A_899, %broadcast_in_dim3A_920, %broadcast_in_dim3A_941, %broadcast_in_dim3A_962, %broadcast_in_dim3A_983, %broadcast_in_dim3A_1004 in 0 : vector<1x1xf32>, vector<1x1xf32>, vector<1x1xf32>, vector<1x1xf32>, vector<1x1xf32>, vector<1x1xf32>, vector<1x1xf32>, vector<1x1xf32>, vector<1x1xf32>, vector<1x1xf32>, vector<1x1xf32>, vector<1x1xf32>, vector<1x1xf32>, vector<1x1xf32>, vector<1x1xf32>, vector<1x1xf32>, vector<1x1xf32>, vector<1x1xf32>, vector<1x1xf32>, vector<1x1xf32>, vector<1x1xf32>, vector<1x1xf32>, vector<1x1xf32>, vector<1x1xf32>, vector<1x1xf32>, vector<1x1xf32>, vector<1x1xf32>, vector<1x1xf32>, vector<1x1xf32>, vector<1x1xf32>, vector<1x1xf32>, vector<1x1xf32>, vector<1x1xf32>, vector<1x1xf32>, vector<1x1xf32>, vector<1x1xf32>, vector<1x1xf32>, vector<1x1xf32>, vector<1x1xf32>, vector<1x1xf32>, vector<1x1xf32>, vector<1x1xf32>, vector<1x1xf32>, vector<1x1xf32>, vector<1x1xf32>, vector<1x1xf32>, vector<1x1xf32>, vector<1x1xf32> -> vector<48x1xf32>
    %broadcast_in_dim3A_1007 = vector.shape_cast %concatenate3A_1006 : vector<48x1xf32> to vector<48x1xf32>
    %broadcast_in_dim3A_1008 = vector.broadcast %broadcast_in_dim3A_1007 : vector<48x1xf32> to vector<48x256xf32>
    %eq3A_1009 = arith.constant 0 : i32
    %eq3A_1010 = arith.cmpi eq, %arg0, %eq3A_1009 : i32
    %convert_element_type3A_1011 = arith.extui %eq3A_1010 : i1 to i32
    %cond3A = arith.constant 0 : i32
    %cond3A_1012 = arith.cmpi ne, %convert_element_type3A_1011, %cond3A : i32
    scf.if %cond3A_1012 {
      %swap3A = arith.constant 0 : index
      %swap3A_1017 = arith.constant 0 : index
      %swap3A_1018 = vector.load %arg3[%swap3A, %swap3A_1017] : memref<48x256xf32, #tpu.memory_space<vmem>>, vector<48x256xf32>
      tpu.vector_store %arg3[%swap3A, %swap3A_1017], %concatenate3A {strides = array<i32>} : memref<48x256xf32, #tpu.memory_space<vmem>>, vector<48x256xf32>,
      %swap3A_1019 = arith.constant 0 : index
      %swap3A_1020 = arith.constant 0 : index
      %swap3A_1021 = vector.load %arg4[%swap3A_1019, %swap3A_1020] : memref<48x256xf32, #tpu.memory_space<vmem>>, vector<48x256xf32>
      tpu.vector_store %arg4[%swap3A_1019, %swap3A_1020], %concatenate3A_1005 {strides = array<i32>} : memref<48x256xf32, #tpu.memory_space<vmem>>, vector<48x256xf32>,
      %swap3A_1022 = arith.constant 0 : index
      %swap3A_1023 = arith.constant 0 : index
      %swap3A_1024 = vector.load %arg5[%swap3A_1022, %swap3A_1023] : memref<48x256xf32, #tpu.memory_space<vmem>>, vector<48x256xf32>
      tpu.vector_store %arg5[%swap3A_1022, %swap3A_1023], %broadcast_in_dim3A_1008 {strides = array<i32>} : memref<48x256xf32, #tpu.memory_space<vmem>>, vector<48x256xf32>,
    } else {
    }
    %gt3A = arith.constant 0 : i32
    %gt3A_1013 = arith.cmpi sgt, %arg0, %gt3A : i32
    %convert_element_type3A_1014 = arith.extui %gt3A_1013 : i1 to i32
    %cond3A_1015 = arith.constant 0 : i32
    %cond3A_1016 = arith.cmpi ne, %convert_element_type3A_1014, %cond3A_1015 : i32
    scf.if %cond3A_1016 {
      %get3A_1017 = arith.constant 0 : index
      %get3A_1018 = arith.constant 0 : index
      %get3A_1019 = vector.load %arg3[%get3A_1017, %get3A_1018] : memref<48x256xf32, #tpu.memory_space<vmem>>, vector<48x256xf32>
      %add3A = arith.addf %get3A_1019, %concatenate3A : vector<48x256xf32>
      %swap3A = arith.constant 0 : index
      %swap3A_1020 = arith.constant 0 : index
      %swap3A_1021 = vector.load %arg3[%swap3A, %swap3A_1020] : memref<48x256xf32, #tpu.memory_space<vmem>>, vector<48x256xf32>
      tpu.vector_store %arg3[%swap3A, %swap3A_1020], %add3A {strides = array<i32>} : memref<48x256xf32, #tpu.memory_space<vmem>>, vector<48x256xf32>,
      %get3A_1022 = arith.constant 0 : index
      %get3A_1023 = arith.constant 0 : index
      %get3A_1024 = vector.load %arg4[%get3A_1022, %get3A_1023] : memref<48x256xf32, #tpu.memory_space<vmem>>, vector<48x256xf32>
      %max3A = arith.maximumf %get3A_1024, %concatenate3A_1005 : vector<48x256xf32>
      %swap3A_1025 = arith.constant 0 : index
      %swap3A_1026 = arith.constant 0 : index
      %swap3A_1027 = vector.load %arg4[%swap3A_1025, %swap3A_1026] : memref<48x256xf32, #tpu.memory_space<vmem>>, vector<48x256xf32>
      tpu.vector_store %arg4[%swap3A_1025, %swap3A_1026], %max3A {strides = array<i32>} : memref<48x256xf32, #tpu.memory_space<vmem>>, vector<48x256xf32>,
      %get3A_1028 = arith.constant 0 : index
      %get3A_1029 = arith.constant 0 : index
      %get3A_1030 = vector.load %arg5[%get3A_1028, %get3A_1029] : memref<48x256xf32, #tpu.memory_space<vmem>>, vector<48x256xf32>
      %add3A_1031 = arith.addf %get3A_1030, %broadcast_in_dim3A_1008 : vector<48x256xf32>
      %swap3A_1032 = arith.constant 0 : index
      %swap3A_1033 = arith.constant 0 : index
      %swap3A_1034 = vector.load %arg5[%swap3A_1032, %swap3A_1033] : memref<48x256xf32, #tpu.memory_space<vmem>>, vector<48x256xf32>
      tpu.vector_store %arg5[%swap3A_1032, %swap3A_1033], %add3A_1031 {strides = array<i32>} : memref<48x256xf32, #tpu.memory_space<vmem>>, vector<48x256xf32>,
    } else {
    }
    return
  }
  func.func @transform_0(%arg0: i32) -> (i32, i32) {
    %c0_i32 = arith.constant 0 : i32
    %c0_i32_0 = arith.constant 0 : i32
    return %arg0, %c0_i32 : i32, i32
  }
  func.func @transform_1(%arg0: i32) -> (i32, i32) {
    %c0_i32 = arith.constant 0 : i32
    %c0_i32_0 = arith.constant 0 : i32
    return %arg0, %c0_i32 : i32, i32
  }
  func.func @transform_2(%arg0: i32) -> (i32, i32) {
    %c0_i32 = arith.constant 0 : i32
    %c0_i32_0 = arith.constant 0 : i32
    %c0_i32_1 = arith.constant 0 : i32
    return %c0_i32, %c0_i32_0 : i32, i32
  }
  func.func @transform_3(%arg0: i32) -> (i32, i32) {
    %c0_i32 = arith.constant 0 : i32
    %c0_i32_0 = arith.constant 0 : i32
    %c0_i32_1 = arith.constant 0 : i32
    return %c0_i32, %c0_i32_0 : i32, i32
  }
  func.func @transform_4(%arg0: i32) -> (i32, i32) {
    %c0_i32 = arith.constant 0 : i32
    %c0_i32_0 = arith.constant 0 : i32
    %c0_i32_1 = arith.constant 0 : i32
    return %c0_i32, %c0_i32_0 : i32, i32
  }
}

module attributes {stable_mosaic.version = 14 : i64} {
  func.func @_head_body(%arg0: memref<48x256xf32, #tpu.memory_space<vmem>>, %arg1: memref<48x256xf32, #tpu.memory_space<vmem>>, %arg2: memref<48x256xf32, #tpu.memory_space<vmem>>, %arg3: memref<64x48xf32, #tpu.memory_space<vmem>>, %arg4: memref<64x48xf32, #tpu.memory_space<vmem>>, %arg5: memref<64x48xf32, #tpu.memory_space<vmem>>, %arg6: memref<64xf32, #tpu.memory_space<vmem>>, %arg7: memref<64x64xf32, #tpu.memory_space<vmem>>, %arg8: memref<64x64xf32, #tpu.memory_space<vmem>>, %arg9: memref<64x64xf32, #tpu.memory_space<vmem>>, %arg10: memref<64xf32, #tpu.memory_space<vmem>>, %arg11: memref<64x48xf32, #tpu.memory_space<vmem>>, %arg12: memref<64xf32, #tpu.memory_space<vmem>>, %arg13: memref<64x64xf32, #tpu.memory_space<vmem>>, %arg14: memref<64x64xf32, #tpu.memory_space<vmem>>, %arg15: memref<64x64xf32, #tpu.memory_space<vmem>>, %arg16: memref<64xf32, #tpu.memory_space<vmem>>, %arg17: memref<64x64xf32, #tpu.memory_space<vmem>>, %arg18: memref<64x64xf32, #tpu.memory_space<vmem>>, %arg19: memref<64x64xf32, #tpu.memory_space<vmem>>, %arg20: memref<64xf32, #tpu.memory_space<vmem>>, %arg21: memref<64x64xf32, #tpu.memory_space<vmem>>, %arg22: memref<64x64xf32, #tpu.memory_space<vmem>>, %arg23: memref<64x64xf32, #tpu.memory_space<vmem>>, %arg24: memref<64xf32, #tpu.memory_space<vmem>>, %arg25: memref<64x64xf32, #tpu.memory_space<vmem>>, %arg26: memref<64x64xf32, #tpu.memory_space<vmem>>, %arg27: memref<64x64xf32, #tpu.memory_space<vmem>>, %arg28: memref<64xf32, #tpu.memory_space<vmem>>, %arg29: memref<64x64xf32, #tpu.memory_space<vmem>>, %arg30: memref<64x64xf32, #tpu.memory_space<vmem>>, %arg31: memref<64x64xf32, #tpu.memory_space<vmem>>, %arg32: memref<64xf32, #tpu.memory_space<vmem>>, %arg33: memref<64x64xf32, #tpu.memory_space<vmem>>, %arg34: memref<64x64xf32, #tpu.memory_space<vmem>>, %arg35: memref<64x64xf32, #tpu.memory_space<vmem>>, %arg36: memref<64xf32, #tpu.memory_space<vmem>>, %arg37: memref<768x24xf32, #tpu.memory_space<vmem>>, %arg38: memref<24xf32, #tpu.memory_space<vmem>>, %arg39: memref<24x12xf32, #tpu.memory_space<vmem>>, %arg40: memref<12xf32, #tpu.memory_space<vmem>>, %arg41: memref<12x1xf32, #tpu.memory_space<vmem>>, %arg42: memref<1xf32, #tpu.memory_space<vmem>>, %arg43: memref<64x1xf32, #tpu.memory_space<vmem>>) attributes {dimension_semantics = [], scalar_prefetch = 0 : i64, scratch_operands = 0 : i64, tpu.core_type = #tpu.core_type<tc>} {
    %get3A = arith.constant 0 : index
    %get3A_0 = arith.constant 0 : index
    %get3A_1 = vector.load %arg0[%get3A, %get3A_0] : memref<48x256xf32, #tpu.memory_space<vmem>>, vector<48x256xf32>
    %get3A_2 = arith.constant 0 : index
    %get3A_3 = arith.constant 0 : index
    %get3A_4 = vector.load %arg1[%get3A_2, %get3A_3] : memref<48x256xf32, #tpu.memory_space<vmem>>, vector<48x256xf32>
    %get3A_5 = arith.constant 0 : index
    %get3A_6 = arith.constant 0 : index
    %get3A_7 = vector.load %arg2[%get3A_5, %get3A_6] : memref<48x256xf32, #tpu.memory_space<vmem>>, vector<48x256xf32>
    %slice3A = vector.extract_strided_slice %get3A_7 {offsets = [0, 0], sizes = [48, 1], strides = [1, 1]} : vector<48x256xf32> to vector<48x1xf32>
    %max3A = arith.constant 1.000000e+00 : f32
    %max3A_8 = vector.broadcast %max3A : f32 to vector<48x1xf32>
    %max3A_9 = arith.maximumf %slice3A, %max3A_8 : vector<48x1xf32>
    %div3A = vector.broadcast %max3A_9 : vector<48x1xf32> to vector<48x256xf32>
    %div3A_10 = arith.divf %get3A_1, %div3A : vector<48x256xf32>
    %concatenate3A = tpu.concatenate %div3A_10, %get3A_4, %get3A_1 in 1 : vector<48x256xf32>, vector<48x256xf32>, vector<48x256xf32> -> vector<48x768xf32>
    %broadcast_in_dim3A = arith.constant 0.000000e+00 : f32
    %broadcast_in_dim3A_11 = vector.broadcast %broadcast_in_dim3A : f32 to vector<48x2xf32>
    %slice3A_12 = vector.extract_strided_slice %concatenate3A {offsets = [0, 0], sizes = [48, 766], strides = [1, 1]} : vector<48x768xf32> to vector<48x766xf32>
    %concatenate3A_13 = tpu.concatenate %broadcast_in_dim3A_11, %slice3A_12 in 1 : vector<48x2xf32>, vector<48x766xf32> -> vector<48x768xf32>
    %get3A_14 = arith.constant 0 : index
    %get3A_15 = arith.constant 0 : index
    %get3A_16 = vector.load %arg3[%get3A_14, %get3A_15] : memref<64x48xf32, #tpu.memory_space<vmem>>, vector<64x48xf32>
    %dot_general3A = arith.constant dense<0.000000e+00> : vector<64x768xf32>
    %dot_general3A_17 = tpu.matmul %get3A_16, %concatenate3A_13, %dot_general3A {dimension_numbers = #tpu.dot_dimension_numbers<[1], [0], [0], [1], [0, 0, 1, 1], [], []>, transpose_lhs_hint = false} : vector<64x48xf32>, vector<48x768xf32>, vector<64x768xf32> -> vector<64x768xf32>
    %broadcast_in_dim3A_18 = arith.constant 0.000000e+00 : f32
    %broadcast_in_dim3A_19 = vector.broadcast %broadcast_in_dim3A_18 : f32 to vector<48x1xf32>
    %slice3A_20 = vector.extract_strided_slice %concatenate3A {offsets = [0, 0], sizes = [48, 767], strides = [1, 1]} : vector<48x768xf32> to vector<48x767xf32>
    %concatenate3A_21 = tpu.concatenate %broadcast_in_dim3A_19, %slice3A_20 in 1 : vector<48x1xf32>, vector<48x767xf32> -> vector<48x768xf32>
    %get3A_22 = arith.constant 0 : index
    %get3A_23 = arith.constant 0 : index
    %get3A_24 = vector.load %arg4[%get3A_22, %get3A_23] : memref<64x48xf32, #tpu.memory_space<vmem>>, vector<64x48xf32>
    %dot_general3A_25 = arith.constant dense<0.000000e+00> : vector<64x768xf32>
    %dot_general3A_26 = tpu.matmul %get3A_24, %concatenate3A_21, %dot_general3A_25 {dimension_numbers = #tpu.dot_dimension_numbers<[1], [0], [0], [1], [0, 0, 1, 1], [], []>, transpose_lhs_hint = false} : vector<64x48xf32>, vector<48x768xf32>, vector<64x768xf32> -> vector<64x768xf32>
    %add3A = arith.addf %dot_general3A_17, %dot_general3A_26 : vector<64x768xf32>
    %get3A_27 = arith.constant 0 : index
    %get3A_28 = arith.constant 0 : index
    %get3A_29 = vector.load %arg5[%get3A_27, %get3A_28] : memref<64x48xf32, #tpu.memory_space<vmem>>, vector<64x48xf32>
    %dot_general3A_30 = arith.constant dense<0.000000e+00> : vector<64x768xf32>
    %dot_general3A_31 = tpu.matmul %get3A_29, %concatenate3A, %dot_general3A_30 {dimension_numbers = #tpu.dot_dimension_numbers<[1], [0], [0], [1], [0, 0, 1, 1], [], []>, transpose_lhs_hint = false} : vector<64x48xf32>, vector<48x768xf32>, vector<64x768xf32> -> vector<64x768xf32>
    %add3A_32 = arith.addf %add3A, %dot_general3A_31 : vector<64x768xf32>
    %get3A_33 = arith.constant 0 : index
    %get3A_34 = vector.load %arg6[%get3A_33] : memref<64xf32, #tpu.memory_space<vmem>>, vector<64xf32>
    %reshape3A = vector.shape_cast %get3A_34 : vector<64xf32> to vector<64x1xf32>
    %add3A_35 = vector.broadcast %reshape3A : vector<64x1xf32> to vector<64x768xf32>
    %add3A_36 = arith.addf %add3A_32, %add3A_35 : vector<64x768xf32>
    %max3A_37 = arith.constant 0.000000e+00 : f32
    %max3A_38 = vector.broadcast %max3A_37 : f32 to vector<64x768xf32>
    %max3A_39 = arith.maximumf %add3A_36, %max3A_38 : vector<64x768xf32>
    %broadcast_in_dim3A_40 = arith.constant 0.000000e+00 : f32
    %broadcast_in_dim3A_41 = vector.broadcast %broadcast_in_dim3A_40 : f32 to vector<64x2xf32>
    %slice3A_42 = vector.extract_strided_slice %max3A_39 {offsets = [0, 0], sizes = [64, 766], strides = [1, 1]} : vector<64x768xf32> to vector<64x766xf32>
    %concatenate3A_43 = tpu.concatenate %broadcast_in_dim3A_41, %slice3A_42 in 1 : vector<64x2xf32>, vector<64x766xf32> -> vector<64x768xf32>
    %get3A_44 = arith.constant 0 : index
    %get3A_45 = arith.constant 0 : index
    %get3A_46 = vector.load %arg7[%get3A_44, %get3A_45] : memref<64x64xf32, #tpu.memory_space<vmem>>, vector<64x64xf32>
    %dot_general3A_47 = arith.constant dense<0.000000e+00> : vector<64x768xf32>
    %dot_general3A_48 = tpu.matmul %get3A_46, %concatenate3A_43, %dot_general3A_47 {dimension_numbers = #tpu.dot_dimension_numbers<[1], [0], [0], [1], [0, 0, 1, 1], [], []>, transpose_lhs_hint = false} : vector<64x64xf32>, vector<64x768xf32>, vector<64x768xf32> -> vector<64x768xf32>
    %broadcast_in_dim3A_49 = arith.constant 0.000000e+00 : f32
    %broadcast_in_dim3A_50 = vector.broadcast %broadcast_in_dim3A_49 : f32 to vector<64x1xf32>
    %slice3A_51 = vector.extract_strided_slice %max3A_39 {offsets = [0, 0], sizes = [64, 767], strides = [1, 1]} : vector<64x768xf32> to vector<64x767xf32>
    %concatenate3A_52 = tpu.concatenate %broadcast_in_dim3A_50, %slice3A_51 in 1 : vector<64x1xf32>, vector<64x767xf32> -> vector<64x768xf32>
    %get3A_53 = arith.constant 0 : index
    %get3A_54 = arith.constant 0 : index
    %get3A_55 = vector.load %arg8[%get3A_53, %get3A_54] : memref<64x64xf32, #tpu.memory_space<vmem>>, vector<64x64xf32>
    %dot_general3A_56 = arith.constant dense<0.000000e+00> : vector<64x768xf32>
    %dot_general3A_57 = tpu.matmul %get3A_55, %concatenate3A_52, %dot_general3A_56 {dimension_numbers = #tpu.dot_dimension_numbers<[1], [0], [0], [1], [0, 0, 1, 1], [], []>, transpose_lhs_hint = false} : vector<64x64xf32>, vector<64x768xf32>, vector<64x768xf32> -> vector<64x768xf32>
    %add3A_58 = arith.addf %dot_general3A_48, %dot_general3A_57 : vector<64x768xf32>
    %get3A_59 = arith.constant 0 : index
    %get3A_60 = arith.constant 0 : index
    %get3A_61 = vector.load %arg9[%get3A_59, %get3A_60] : memref<64x64xf32, #tpu.memory_space<vmem>>, vector<64x64xf32>
    %dot_general3A_62 = arith.constant dense<0.000000e+00> : vector<64x768xf32>
    %dot_general3A_63 = tpu.matmul %get3A_61, %max3A_39, %dot_general3A_62 {dimension_numbers = #tpu.dot_dimension_numbers<[1], [0], [0], [1], [0, 0, 1, 1], [], []>, transpose_lhs_hint = false} : vector<64x64xf32>, vector<64x768xf32>, vector<64x768xf32> -> vector<64x768xf32>
    %add3A_64 = arith.addf %add3A_58, %dot_general3A_63 : vector<64x768xf32>
    %get3A_65 = arith.constant 0 : index
    %get3A_66 = vector.load %arg10[%get3A_65] : memref<64xf32, #tpu.memory_space<vmem>>, vector<64xf32>
    %reshape3A_67 = vector.shape_cast %get3A_66 : vector<64xf32> to vector<64x1xf32>
    %add3A_68 = vector.broadcast %reshape3A_67 : vector<64x1xf32> to vector<64x768xf32>
    %add3A_69 = arith.addf %add3A_64, %add3A_68 : vector<64x768xf32>
    %max3A_70 = arith.constant 0.000000e+00 : f32
    %max3A_71 = vector.broadcast %max3A_70 : f32 to vector<64x768xf32>
    %max3A_72 = arith.maximumf %add3A_69, %max3A_71 : vector<64x768xf32>
    %get3A_73 = arith.constant 0 : index
    %get3A_74 = arith.constant 0 : index
    %get3A_75 = vector.load %arg11[%get3A_73, %get3A_74] : memref<64x48xf32, #tpu.memory_space<vmem>>, vector<64x48xf32>
    %dot_general3A_76 = arith.constant dense<0.000000e+00> : vector<64x768xf32>
    %dot_general3A_77 = tpu.matmul %get3A_75, %concatenate3A, %dot_general3A_76 {dimension_numbers = #tpu.dot_dimension_numbers<[1], [0], [0], [1], [0, 0, 1, 1], [], []>, transpose_lhs_hint = false} : vector<64x48xf32>, vector<48x768xf32>, vector<64x768xf32> -> vector<64x768xf32>
    %get3A_78 = arith.constant 0 : index
    %get3A_79 = vector.load %arg12[%get3A_78] : memref<64xf32, #tpu.memory_space<vmem>>, vector<64xf32>
    %reshape3A_80 = vector.shape_cast %get3A_79 : vector<64xf32> to vector<64x1xf32>
    %add3A_81 = vector.broadcast %reshape3A_80 : vector<64x1xf32> to vector<64x768xf32>
    %add3A_82 = arith.addf %dot_general3A_77, %add3A_81 : vector<64x768xf32>
    %add3A_83 = arith.addf %max3A_72, %add3A_82 : vector<64x768xf32>
    %max3A_84 = arith.constant 0.000000e+00 : f32
    %max3A_85 = vector.broadcast %max3A_84 : f32 to vector<64x768xf32>
    %max3A_86 = arith.maximumf %add3A_83, %max3A_85 : vector<64x768xf32>
    %broadcast_in_dim3A_87 = arith.constant 0.000000e+00 : f32
    %broadcast_in_dim3A_88 = vector.broadcast %broadcast_in_dim3A_87 : f32 to vector<64x4xf32>
    %slice3A_89 = vector.extract_strided_slice %max3A_86 {offsets = [0, 0], sizes = [64, 764], strides = [1, 1]} : vector<64x768xf32> to vector<64x764xf32>
    %concatenate3A_90 = tpu.concatenate %broadcast_in_dim3A_88, %slice3A_89 in 1 : vector<64x4xf32>, vector<64x764xf32> -> vector<64x768xf32>
    %get3A_91 = arith.constant 0 : index
    %get3A_92 = arith.constant 0 : index
    %get3A_93 = vector.load %arg13[%get3A_91, %get3A_92] : memref<64x64xf32, #tpu.memory_space<vmem>>, vector<64x64xf32>
    %dot_general3A_94 = arith.constant dense<0.000000e+00> : vector<64x768xf32>
    %dot_general3A_95 = tpu.matmul %get3A_93, %concatenate3A_90, %dot_general3A_94 {dimension_numbers = #tpu.dot_dimension_numbers<[1], [0], [0], [1], [0, 0, 1, 1], [], []>, transpose_lhs_hint = false} : vector<64x64xf32>, vector<64x768xf32>, vector<64x768xf32> -> vector<64x768xf32>
    %broadcast_in_dim3A_96 = arith.constant 0.000000e+00 : f32
    %broadcast_in_dim3A_97 = vector.broadcast %broadcast_in_dim3A_96 : f32 to vector<64x2xf32>
    %slice3A_98 = vector.extract_strided_slice %max3A_86 {offsets = [0, 0], sizes = [64, 766], strides = [1, 1]} : vector<64x768xf32> to vector<64x766xf32>
    %concatenate3A_99 = tpu.concatenate %broadcast_in_dim3A_97, %slice3A_98 in 1 : vector<64x2xf32>, vector<64x766xf32> -> vector<64x768xf32>
    %get3A_100 = arith.constant 0 : index
    %get3A_101 = arith.constant 0 : index
    %get3A_102 = vector.load %arg14[%get3A_100, %get3A_101] : memref<64x64xf32, #tpu.memory_space<vmem>>, vector<64x64xf32>
    %dot_general3A_103 = arith.constant dense<0.000000e+00> : vector<64x768xf32>
    %dot_general3A_104 = tpu.matmul %get3A_102, %concatenate3A_99, %dot_general3A_103 {dimension_numbers = #tpu.dot_dimension_numbers<[1], [0], [0], [1], [0, 0, 1, 1], [], []>, transpose_lhs_hint = false} : vector<64x64xf32>, vector<64x768xf32>, vector<64x768xf32> -> vector<64x768xf32>
    %add3A_105 = arith.addf %dot_general3A_95, %dot_general3A_104 : vector<64x768xf32>
    %get3A_106 = arith.constant 0 : index
    %get3A_107 = arith.constant 0 : index
    %get3A_108 = vector.load %arg15[%get3A_106, %get3A_107] : memref<64x64xf32, #tpu.memory_space<vmem>>, vector<64x64xf32>
    %dot_general3A_109 = arith.constant dense<0.000000e+00> : vector<64x768xf32>
    %dot_general3A_110 = tpu.matmul %get3A_108, %max3A_86, %dot_general3A_109 {dimension_numbers = #tpu.dot_dimension_numbers<[1], [0], [0], [1], [0, 0, 1, 1], [], []>, transpose_lhs_hint = false} : vector<64x64xf32>, vector<64x768xf32>, vector<64x768xf32> -> vector<64x768xf32>
    %add3A_111 = arith.addf %add3A_105, %dot_general3A_110 : vector<64x768xf32>
    %get3A_112 = arith.constant 0 : index
    %get3A_113 = vector.load %arg16[%get3A_112] : memref<64xf32, #tpu.memory_space<vmem>>, vector<64xf32>
    %reshape3A_114 = vector.shape_cast %get3A_113 : vector<64xf32> to vector<64x1xf32>
    %add3A_115 = vector.broadcast %reshape3A_114 : vector<64x1xf32> to vector<64x768xf32>
    %add3A_116 = arith.addf %add3A_111, %add3A_115 : vector<64x768xf32>
    %max3A_117 = arith.constant 0.000000e+00 : f32
    %max3A_118 = vector.broadcast %max3A_117 : f32 to vector<64x768xf32>
    %max3A_119 = arith.maximumf %add3A_116, %max3A_118 : vector<64x768xf32>
    %broadcast_in_dim3A_120 = arith.constant 0.000000e+00 : f32
    %broadcast_in_dim3A_121 = vector.broadcast %broadcast_in_dim3A_120 : f32 to vector<64x4xf32>
    %slice3A_122 = vector.extract_strided_slice %max3A_119 {offsets = [0, 0], sizes = [64, 764], strides = [1, 1]} : vector<64x768xf32> to vector<64x764xf32>
    %concatenate3A_123 = tpu.concatenate %broadcast_in_dim3A_121, %slice3A_122 in 1 : vector<64x4xf32>, vector<64x764xf32> -> vector<64x768xf32>
    %get3A_124 = arith.constant 0 : index
    %get3A_125 = arith.constant 0 : index
    %get3A_126 = vector.load %arg17[%get3A_124, %get3A_125] : memref<64x64xf32, #tpu.memory_space<vmem>>, vector<64x64xf32>
    %dot_general3A_127 = arith.constant dense<0.000000e+00> : vector<64x768xf32>
    %dot_general3A_128 = tpu.matmul %get3A_126, %concatenate3A_123, %dot_general3A_127 {dimension_numbers = #tpu.dot_dimension_numbers<[1], [0], [0], [1], [0, 0, 1, 1], [], []>, transpose_lhs_hint = false} : vector<64x64xf32>, vector<64x768xf32>, vector<64x768xf32> -> vector<64x768xf32>
    %broadcast_in_dim3A_129 = arith.constant 0.000000e+00 : f32
    %broadcast_in_dim3A_130 = vector.broadcast %broadcast_in_dim3A_129 : f32 to vector<64x2xf32>
    %slice3A_131 = vector.extract_strided_slice %max3A_119 {offsets = [0, 0], sizes = [64, 766], strides = [1, 1]} : vector<64x768xf32> to vector<64x766xf32>
    %concatenate3A_132 = tpu.concatenate %broadcast_in_dim3A_130, %slice3A_131 in 1 : vector<64x2xf32>, vector<64x766xf32> -> vector<64x768xf32>
    %get3A_133 = arith.constant 0 : index
    %get3A_134 = arith.constant 0 : index
    %get3A_135 = vector.load %arg18[%get3A_133, %get3A_134] : memref<64x64xf32, #tpu.memory_space<vmem>>, vector<64x64xf32>
    %dot_general3A_136 = arith.constant dense<0.000000e+00> : vector<64x768xf32>
    %dot_general3A_137 = tpu.matmul %get3A_135, %concatenate3A_132, %dot_general3A_136 {dimension_numbers = #tpu.dot_dimension_numbers<[1], [0], [0], [1], [0, 0, 1, 1], [], []>, transpose_lhs_hint = false} : vector<64x64xf32>, vector<64x768xf32>, vector<64x768xf32> -> vector<64x768xf32>
    %add3A_138 = arith.addf %dot_general3A_128, %dot_general3A_137 : vector<64x768xf32>
    %get3A_139 = arith.constant 0 : index
    %get3A_140 = arith.constant 0 : index
    %get3A_141 = vector.load %arg19[%get3A_139, %get3A_140] : memref<64x64xf32, #tpu.memory_space<vmem>>, vector<64x64xf32>
    %dot_general3A_142 = arith.constant dense<0.000000e+00> : vector<64x768xf32>
    %dot_general3A_143 = tpu.matmul %get3A_141, %max3A_119, %dot_general3A_142 {dimension_numbers = #tpu.dot_dimension_numbers<[1], [0], [0], [1], [0, 0, 1, 1], [], []>, transpose_lhs_hint = false} : vector<64x64xf32>, vector<64x768xf32>, vector<64x768xf32> -> vector<64x768xf32>
    %add3A_144 = arith.addf %add3A_138, %dot_general3A_143 : vector<64x768xf32>
    %get3A_145 = arith.constant 0 : index
    %get3A_146 = vector.load %arg20[%get3A_145] : memref<64xf32, #tpu.memory_space<vmem>>, vector<64xf32>
    %reshape3A_147 = vector.shape_cast %get3A_146 : vector<64xf32> to vector<64x1xf32>
    %add3A_148 = vector.broadcast %reshape3A_147 : vector<64x1xf32> to vector<64x768xf32>
    %add3A_149 = arith.addf %add3A_144, %add3A_148 : vector<64x768xf32>
    %max3A_150 = arith.constant 0.000000e+00 : f32
    %max3A_151 = vector.broadcast %max3A_150 : f32 to vector<64x768xf32>
    %max3A_152 = arith.maximumf %add3A_149, %max3A_151 : vector<64x768xf32>
    %add3A_153 = arith.addf %max3A_152, %max3A_86 : vector<64x768xf32>
    %max3A_154 = arith.constant 0.000000e+00 : f32
    %max3A_155 = vector.broadcast %max3A_154 : f32 to vector<64x768xf32>
    %max3A_156 = arith.maximumf %add3A_153, %max3A_155 : vector<64x768xf32>
    %broadcast_in_dim3A_157 = arith.constant 0.000000e+00 : f32
    %broadcast_in_dim3A_158 = vector.broadcast %broadcast_in_dim3A_157 : f32 to vector<64x8xf32>
    %slice3A_159 = vector.extract_strided_slice %max3A_156 {offsets = [0, 0], sizes = [64, 760], strides = [1, 1]} : vector<64x768xf32> to vector<64x760xf32>
    %concatenate3A_160 = tpu.concatenate %broadcast_in_dim3A_158, %slice3A_159 in 1 : vector<64x8xf32>, vector<64x760xf32> -> vector<64x768xf32>
    %get3A_161 = arith.constant 0 : index
    %get3A_162 = arith.constant 0 : index
    %get3A_163 = vector.load %arg21[%get3A_161, %get3A_162] : memref<64x64xf32, #tpu.memory_space<vmem>>, vector<64x64xf32>
    %dot_general3A_164 = arith.constant dense<0.000000e+00> : vector<64x768xf32>
    %dot_general3A_165 = tpu.matmul %get3A_163, %concatenate3A_160, %dot_general3A_164 {dimension_numbers = #tpu.dot_dimension_numbers<[1], [0], [0], [1], [0, 0, 1, 1], [], []>, transpose_lhs_hint = false} : vector<64x64xf32>, vector<64x768xf32>, vector<64x768xf32> -> vector<64x768xf32>
    %broadcast_in_dim3A_166 = arith.constant 0.000000e+00 : f32
    %broadcast_in_dim3A_167 = vector.broadcast %broadcast_in_dim3A_166 : f32 to vector<64x4xf32>
    %slice3A_168 = vector.extract_strided_slice %max3A_156 {offsets = [0, 0], sizes = [64, 764], strides = [1, 1]} : vector<64x768xf32> to vector<64x764xf32>
    %concatenate3A_169 = tpu.concatenate %broadcast_in_dim3A_167, %slice3A_168 in 1 : vector<64x4xf32>, vector<64x764xf32> -> vector<64x768xf32>
    %get3A_170 = arith.constant 0 : index
    %get3A_171 = arith.constant 0 : index
    %get3A_172 = vector.load %arg22[%get3A_170, %get3A_171] : memref<64x64xf32, #tpu.memory_space<vmem>>, vector<64x64xf32>
    %dot_general3A_173 = arith.constant dense<0.000000e+00> : vector<64x768xf32>
    %dot_general3A_174 = tpu.matmul %get3A_172, %concatenate3A_169, %dot_general3A_173 {dimension_numbers = #tpu.dot_dimension_numbers<[1], [0], [0], [1], [0, 0, 1, 1], [], []>, transpose_lhs_hint = false} : vector<64x64xf32>, vector<64x768xf32>, vector<64x768xf32> -> vector<64x768xf32>
    %add3A_175 = arith.addf %dot_general3A_165, %dot_general3A_174 : vector<64x768xf32>
    %get3A_176 = arith.constant 0 : index
    %get3A_177 = arith.constant 0 : index
    %get3A_178 = vector.load %arg23[%get3A_176, %get3A_177] : memref<64x64xf32, #tpu.memory_space<vmem>>, vector<64x64xf32>
    %dot_general3A_179 = arith.constant dense<0.000000e+00> : vector<64x768xf32>
    %dot_general3A_180 = tpu.matmul %get3A_178, %max3A_156, %dot_general3A_179 {dimension_numbers = #tpu.dot_dimension_numbers<[1], [0], [0], [1], [0, 0, 1, 1], [], []>, transpose_lhs_hint = false} : vector<64x64xf32>, vector<64x768xf32>, vector<64x768xf32> -> vector<64x768xf32>
    %add3A_181 = arith.addf %add3A_175, %dot_general3A_180 : vector<64x768xf32>
    %get3A_182 = arith.constant 0 : index
    %get3A_183 = vector.load %arg24[%get3A_182] : memref<64xf32, #tpu.memory_space<vmem>>, vector<64xf32>
    %reshape3A_184 = vector.shape_cast %get3A_183 : vector<64xf32> to vector<64x1xf32>
    %add3A_185 = vector.broadcast %reshape3A_184 : vector<64x1xf32> to vector<64x768xf32>
    %add3A_186 = arith.addf %add3A_181, %add3A_185 : vector<64x768xf32>
    %max3A_187 = arith.constant 0.000000e+00 : f32
    %max3A_188 = vector.broadcast %max3A_187 : f32 to vector<64x768xf32>
    %max3A_189 = arith.maximumf %add3A_186, %max3A_188 : vector<64x768xf32>
    %broadcast_in_dim3A_190 = arith.constant 0.000000e+00 : f32
    %broadcast_in_dim3A_191 = vector.broadcast %broadcast_in_dim3A_190 : f32 to vector<64x8xf32>
    %slice3A_192 = vector.extract_strided_slice %max3A_189 {offsets = [0, 0], sizes = [64, 760], strides = [1, 1]} : vector<64x768xf32> to vector<64x760xf32>
    %concatenate3A_193 = tpu.concatenate %broadcast_in_dim3A_191, %slice3A_192 in 1 : vector<64x8xf32>, vector<64x760xf32> -> vector<64x768xf32>
    %get3A_194 = arith.constant 0 : index
    %get3A_195 = arith.constant 0 : index
    %get3A_196 = vector.load %arg25[%get3A_194, %get3A_195] : memref<64x64xf32, #tpu.memory_space<vmem>>, vector<64x64xf32>
    %dot_general3A_197 = arith.constant dense<0.000000e+00> : vector<64x768xf32>
    %dot_general3A_198 = tpu.matmul %get3A_196, %concatenate3A_193, %dot_general3A_197 {dimension_numbers = #tpu.dot_dimension_numbers<[1], [0], [0], [1], [0, 0, 1, 1], [], []>, transpose_lhs_hint = false} : vector<64x64xf32>, vector<64x768xf32>, vector<64x768xf32> -> vector<64x768xf32>
    %broadcast_in_dim3A_199 = arith.constant 0.000000e+00 : f32
    %broadcast_in_dim3A_200 = vector.broadcast %broadcast_in_dim3A_199 : f32 to vector<64x4xf32>
    %slice3A_201 = vector.extract_strided_slice %max3A_189 {offsets = [0, 0], sizes = [64, 764], strides = [1, 1]} : vector<64x768xf32> to vector<64x764xf32>
    %concatenate3A_202 = tpu.concatenate %broadcast_in_dim3A_200, %slice3A_201 in 1 : vector<64x4xf32>, vector<64x764xf32> -> vector<64x768xf32>
    %get3A_203 = arith.constant 0 : index
    %get3A_204 = arith.constant 0 : index
    %get3A_205 = vector.load %arg26[%get3A_203, %get3A_204] : memref<64x64xf32, #tpu.memory_space<vmem>>, vector<64x64xf32>
    %dot_general3A_206 = arith.constant dense<0.000000e+00> : vector<64x768xf32>
    %dot_general3A_207 = tpu.matmul %get3A_205, %concatenate3A_202, %dot_general3A_206 {dimension_numbers = #tpu.dot_dimension_numbers<[1], [0], [0], [1], [0, 0, 1, 1], [], []>, transpose_lhs_hint = false} : vector<64x64xf32>, vector<64x768xf32>, vector<64x768xf32> -> vector<64x768xf32>
    %add3A_208 = arith.addf %dot_general3A_198, %dot_general3A_207 : vector<64x768xf32>
    %get3A_209 = arith.constant 0 : index
    %get3A_210 = arith.constant 0 : index
    %get3A_211 = vector.load %arg27[%get3A_209, %get3A_210] : memref<64x64xf32, #tpu.memory_space<vmem>>, vector<64x64xf32>
    %dot_general3A_212 = arith.constant dense<0.000000e+00> : vector<64x768xf32>
    %dot_general3A_213 = tpu.matmul %get3A_211, %max3A_189, %dot_general3A_212 {dimension_numbers = #tpu.dot_dimension_numbers<[1], [0], [0], [1], [0, 0, 1, 1], [], []>, transpose_lhs_hint = false} : vector<64x64xf32>, vector<64x768xf32>, vector<64x768xf32> -> vector<64x768xf32>
    %add3A_214 = arith.addf %add3A_208, %dot_general3A_213 : vector<64x768xf32>
    %get3A_215 = arith.constant 0 : index
    %get3A_216 = vector.load %arg28[%get3A_215] : memref<64xf32, #tpu.memory_space<vmem>>, vector<64xf32>
    %reshape3A_217 = vector.shape_cast %get3A_216 : vector<64xf32> to vector<64x1xf32>
    %add3A_218 = vector.broadcast %reshape3A_217 : vector<64x1xf32> to vector<64x768xf32>
    %add3A_219 = arith.addf %add3A_214, %add3A_218 : vector<64x768xf32>
    %max3A_220 = arith.constant 0.000000e+00 : f32
    %max3A_221 = vector.broadcast %max3A_220 : f32 to vector<64x768xf32>
    %max3A_222 = arith.maximumf %add3A_219, %max3A_221 : vector<64x768xf32>
    %add3A_223 = arith.addf %max3A_222, %max3A_156 : vector<64x768xf32>
    %max3A_224 = arith.constant 0.000000e+00 : f32
    %max3A_225 = vector.broadcast %max3A_224 : f32 to vector<64x768xf32>
    %max3A_226 = arith.maximumf %add3A_223, %max3A_225 : vector<64x768xf32>
    %broadcast_in_dim3A_227 = arith.constant 0.000000e+00 : f32
    %broadcast_in_dim3A_228 = vector.broadcast %broadcast_in_dim3A_227 : f32 to vector<64x16xf32>
    %slice3A_229 = vector.extract_strided_slice %max3A_226 {offsets = [0, 0], sizes = [64, 752], strides = [1, 1]} : vector<64x768xf32> to vector<64x752xf32>
    %concatenate3A_230 = tpu.concatenate %broadcast_in_dim3A_228, %slice3A_229 in 1 : vector<64x16xf32>, vector<64x752xf32> -> vector<64x768xf32>
    %get3A_231 = arith.constant 0 : index
    %get3A_232 = arith.constant 0 : index
    %get3A_233 = vector.load %arg29[%get3A_231, %get3A_232] : memref<64x64xf32, #tpu.memory_space<vmem>>, vector<64x64xf32>
    %dot_general3A_234 = arith.constant dense<0.000000e+00> : vector<64x768xf32>
    %dot_general3A_235 = tpu.matmul %get3A_233, %concatenate3A_230, %dot_general3A_234 {dimension_numbers = #tpu.dot_dimension_numbers<[1], [0], [0], [1], [0, 0, 1, 1], [], []>, transpose_lhs_hint = false} : vector<64x64xf32>, vector<64x768xf32>, vector<64x768xf32> -> vector<64x768xf32>
    %broadcast_in_dim3A_236 = arith.constant 0.000000e+00 : f32
    %broadcast_in_dim3A_237 = vector.broadcast %broadcast_in_dim3A_236 : f32 to vector<64x8xf32>
    %slice3A_238 = vector.extract_strided_slice %max3A_226 {offsets = [0, 0], sizes = [64, 760], strides = [1, 1]} : vector<64x768xf32> to vector<64x760xf32>
    %concatenate3A_239 = tpu.concatenate %broadcast_in_dim3A_237, %slice3A_238 in 1 : vector<64x8xf32>, vector<64x760xf32> -> vector<64x768xf32>
    %get3A_240 = arith.constant 0 : index
    %get3A_241 = arith.constant 0 : index
    %get3A_242 = vector.load %arg30[%get3A_240, %get3A_241] : memref<64x64xf32, #tpu.memory_space<vmem>>, vector<64x64xf32>
    %dot_general3A_243 = arith.constant dense<0.000000e+00> : vector<64x768xf32>
    %dot_general3A_244 = tpu.matmul %get3A_242, %concatenate3A_239, %dot_general3A_243 {dimension_numbers = #tpu.dot_dimension_numbers<[1], [0], [0], [1], [0, 0, 1, 1], [], []>, transpose_lhs_hint = false} : vector<64x64xf32>, vector<64x768xf32>, vector<64x768xf32> -> vector<64x768xf32>
    %add3A_245 = arith.addf %dot_general3A_235, %dot_general3A_244 : vector<64x768xf32>
    %get3A_246 = arith.constant 0 : index
    %get3A_247 = arith.constant 0 : index
    %get3A_248 = vector.load %arg31[%get3A_246, %get3A_247] : memref<64x64xf32, #tpu.memory_space<vmem>>, vector<64x64xf32>
    %dot_general3A_249 = arith.constant dense<0.000000e+00> : vector<64x768xf32>
    %dot_general3A_250 = tpu.matmul %get3A_248, %max3A_226, %dot_general3A_249 {dimension_numbers = #tpu.dot_dimension_numbers<[1], [0], [0], [1], [0, 0, 1, 1], [], []>, transpose_lhs_hint = false} : vector<64x64xf32>, vector<64x768xf32>, vector<64x768xf32> -> vector<64x768xf32>
    %add3A_251 = arith.addf %add3A_245, %dot_general3A_250 : vector<64x768xf32>
    %get3A_252 = arith.constant 0 : index
    %get3A_253 = vector.load %arg32[%get3A_252] : memref<64xf32, #tpu.memory_space<vmem>>, vector<64xf32>
    %reshape3A_254 = vector.shape_cast %get3A_253 : vector<64xf32> to vector<64x1xf32>
    %add3A_255 = vector.broadcast %reshape3A_254 : vector<64x1xf32> to vector<64x768xf32>
    %add3A_256 = arith.addf %add3A_251, %add3A_255 : vector<64x768xf32>
    %max3A_257 = arith.constant 0.000000e+00 : f32
    %max3A_258 = vector.broadcast %max3A_257 : f32 to vector<64x768xf32>
    %max3A_259 = arith.maximumf %add3A_256, %max3A_258 : vector<64x768xf32>
    %broadcast_in_dim3A_260 = arith.constant 0.000000e+00 : f32
    %broadcast_in_dim3A_261 = vector.broadcast %broadcast_in_dim3A_260 : f32 to vector<64x16xf32>
    %slice3A_262 = vector.extract_strided_slice %max3A_259 {offsets = [0, 0], sizes = [64, 752], strides = [1, 1]} : vector<64x768xf32> to vector<64x752xf32>
    %concatenate3A_263 = tpu.concatenate %broadcast_in_dim3A_261, %slice3A_262 in 1 : vector<64x16xf32>, vector<64x752xf32> -> vector<64x768xf32>
    %get3A_264 = arith.constant 0 : index
    %get3A_265 = arith.constant 0 : index
    %get3A_266 = vector.load %arg33[%get3A_264, %get3A_265] : memref<64x64xf32, #tpu.memory_space<vmem>>, vector<64x64xf32>
    %dot_general3A_267 = arith.constant dense<0.000000e+00> : vector<64x768xf32>
    %dot_general3A_268 = tpu.matmul %get3A_266, %concatenate3A_263, %dot_general3A_267 {dimension_numbers = #tpu.dot_dimension_numbers<[1], [0], [0], [1], [0, 0, 1, 1], [], []>, transpose_lhs_hint = false} : vector<64x64xf32>, vector<64x768xf32>, vector<64x768xf32> -> vector<64x768xf32>
    %broadcast_in_dim3A_269 = arith.constant 0.000000e+00 : f32
    %broadcast_in_dim3A_270 = vector.broadcast %broadcast_in_dim3A_269 : f32 to vector<64x8xf32>
    %slice3A_271 = vector.extract_strided_slice %max3A_259 {offsets = [0, 0], sizes = [64, 760], strides = [1, 1]} : vector<64x768xf32> to vector<64x760xf32>
    %concatenate3A_272 = tpu.concatenate %broadcast_in_dim3A_270, %slice3A_271 in 1 : vector<64x8xf32>, vector<64x760xf32> -> vector<64x768xf32>
    %get3A_273 = arith.constant 0 : index
    %get3A_274 = arith.constant 0 : index
    %get3A_275 = vector.load %arg34[%get3A_273, %get3A_274] : memref<64x64xf32, #tpu.memory_space<vmem>>, vector<64x64xf32>
    %dot_general3A_276 = arith.constant dense<0.000000e+00> : vector<64x768xf32>
    %dot_general3A_277 = tpu.matmul %get3A_275, %concatenate3A_272, %dot_general3A_276 {dimension_numbers = #tpu.dot_dimension_numbers<[1], [0], [0], [1], [0, 0, 1, 1], [], []>, transpose_lhs_hint = false} : vector<64x64xf32>, vector<64x768xf32>, vector<64x768xf32> -> vector<64x768xf32>
    %add3A_278 = arith.addf %dot_general3A_268, %dot_general3A_277 : vector<64x768xf32>
    %get3A_279 = arith.constant 0 : index
    %get3A_280 = arith.constant 0 : index
    %get3A_281 = vector.load %arg35[%get3A_279, %get3A_280] : memref<64x64xf32, #tpu.memory_space<vmem>>, vector<64x64xf32>
    %dot_general3A_282 = arith.constant dense<0.000000e+00> : vector<64x768xf32>
    %dot_general3A_283 = tpu.matmul %get3A_281, %max3A_259, %dot_general3A_282 {dimension_numbers = #tpu.dot_dimension_numbers<[1], [0], [0], [1], [0, 0, 1, 1], [], []>, transpose_lhs_hint = false} : vector<64x64xf32>, vector<64x768xf32>, vector<64x768xf32> -> vector<64x768xf32>
    %add3A_284 = arith.addf %add3A_278, %dot_general3A_283 : vector<64x768xf32>
    %get3A_285 = arith.constant 0 : index
    %get3A_286 = vector.load %arg36[%get3A_285] : memref<64xf32, #tpu.memory_space<vmem>>, vector<64xf32>
    %reshape3A_287 = vector.shape_cast %get3A_286 : vector<64xf32> to vector<64x1xf32>
    %add3A_288 = vector.broadcast %reshape3A_287 : vector<64x1xf32> to vector<64x768xf32>
    %add3A_289 = arith.addf %add3A_284, %add3A_288 : vector<64x768xf32>
    %max3A_290 = arith.constant 0.000000e+00 : f32
    %max3A_291 = vector.broadcast %max3A_290 : f32 to vector<64x768xf32>
    %max3A_292 = arith.maximumf %add3A_289, %max3A_291 : vector<64x768xf32>
    %add3A_293 = arith.addf %max3A_292, %max3A_226 : vector<64x768xf32>
    %max3A_294 = arith.constant 0.000000e+00 : f32
    %max3A_295 = vector.broadcast %max3A_294 : f32 to vector<64x768xf32>
    %max3A_296 = arith.maximumf %add3A_293, %max3A_295 : vector<64x768xf32>
    %get3A_297 = arith.constant 0 : index
    %get3A_298 = arith.constant 0 : index
    %get3A_299 = vector.load %arg37[%get3A_297, %get3A_298] : memref<768x24xf32, #tpu.memory_space<vmem>>, vector<768x24xf32>
    %dot_general3A_300 = arith.constant dense<0.000000e+00> : vector<64x24xf32>
    %dot_general3A_301 = tpu.matmul %max3A_296, %get3A_299, %dot_general3A_300 {dimension_numbers = #tpu.dot_dimension_numbers<[1], [0], [0], [1], [0, 0, 1, 1], [], []>, transpose_lhs_hint = false} : vector<64x768xf32>, vector<768x24xf32>, vector<64x24xf32> -> vector<64x24xf32>
    %get3A_302 = arith.constant 0 : index
    %get3A_303 = vector.load %arg38[%get3A_302] : memref<24xf32, #tpu.memory_space<vmem>>, vector<24xf32>
    %reshape3A_304 = vector.shape_cast %get3A_303 : vector<24xf32> to vector<1x24xf32>
    %add3A_305 = vector.broadcast %reshape3A_304 : vector<1x24xf32> to vector<64x24xf32>
    %add3A_306 = arith.addf %dot_general3A_301, %add3A_305 : vector<64x24xf32>
    %max3A_307 = arith.constant 0.000000e+00 : f32
    %max3A_308 = vector.broadcast %max3A_307 : f32 to vector<64x24xf32>
    %max3A_309 = arith.maximumf %add3A_306, %max3A_308 : vector<64x24xf32>
    %get3A_310 = arith.constant 0 : index
    %get3A_311 = arith.constant 0 : index
    %get3A_312 = vector.load %arg39[%get3A_310, %get3A_311] : memref<24x12xf32, #tpu.memory_space<vmem>>, vector<24x12xf32>
    %dot_general3A_313 = arith.constant dense<0.000000e+00> : vector<64x12xf32>
    %dot_general3A_314 = tpu.matmul %max3A_309, %get3A_312, %dot_general3A_313 {dimension_numbers = #tpu.dot_dimension_numbers<[1], [0], [0], [1], [0, 0, 1, 1], [], []>, transpose_lhs_hint = false} : vector<64x24xf32>, vector<24x12xf32>, vector<64x12xf32> -> vector<64x12xf32>
    %get3A_315 = arith.constant 0 : index
    %get3A_316 = vector.load %arg40[%get3A_315] : memref<12xf32, #tpu.memory_space<vmem>>, vector<12xf32>
    %reshape3A_317 = vector.shape_cast %get3A_316 : vector<12xf32> to vector<1x12xf32>
    %add3A_318 = vector.broadcast %reshape3A_317 : vector<1x12xf32> to vector<64x12xf32>
    %add3A_319 = arith.addf %dot_general3A_314, %add3A_318 : vector<64x12xf32>
    %max3A_320 = arith.constant 0.000000e+00 : f32
    %max3A_321 = vector.broadcast %max3A_320 : f32 to vector<64x12xf32>
    %max3A_322 = arith.maximumf %add3A_319, %max3A_321 : vector<64x12xf32>
    %get3A_323 = arith.constant 0 : index
    %get3A_324 = arith.constant 0 : index
    %get3A_325 = vector.load %arg41[%get3A_323, %get3A_324] : memref<12x1xf32, #tpu.memory_space<vmem>>, vector<12x1xf32>
    %dot_general3A_326 = arith.constant dense<0.000000e+00> : vector<64x1xf32>
    %dot_general3A_327 = tpu.matmul %max3A_322, %get3A_325, %dot_general3A_326 {dimension_numbers = #tpu.dot_dimension_numbers<[1], [0], [0], [1], [0, 0, 1, 1], [], []>, transpose_lhs_hint = false} : vector<64x12xf32>, vector<12x1xf32>, vector<64x1xf32> -> vector<64x1xf32>
    %get3A_328 = arith.constant 0 : index
    %get3A_329 = vector.load %arg42[%get3A_328] : memref<1xf32, #tpu.memory_space<vmem>>, vector<1xf32>
    %reshape3A_330 = vector.shape_cast %get3A_329 : vector<1xf32> to vector<1x1xf32>
    %add3A_331 = vector.broadcast %reshape3A_330 : vector<1x1xf32> to vector<64x1xf32>
    %add3A_332 = arith.addf %dot_general3A_327, %add3A_331 : vector<64x1xf32>
    %swap3A = arith.constant 0 : index
    %swap3A_333 = arith.constant 0 : index
    %swap3A_334 = vector.load %arg43[%swap3A, %swap3A_333] : memref<64x1xf32, #tpu.memory_space<vmem>>, vector<64x1xf32>
    tpu.vector_store %arg43[%swap3A, %swap3A_333], %add3A_332 {strides = array<i32>} : memref<64x1xf32, #tpu.memory_space<vmem>>, vector<64x1xf32>,
    return
  }
}

</mosaic_0001>

<sc_bundles>
// kernel: kernel.15.cloned.1.call-start
scs
__scs_entry_jumppad:
0x0: {  	(pc) =	sbr.rel $0x88, $3  }
0x1: {  	(tag) =	ssettag $0x0;
	lr =	simm.s32 $0x1  }
0x2: {  	[smem:$0x3F80] =	sst lr;
	_ =	strace $0xD0000000  }
0x3: {  	_ = 	snop  }
0x4: {  	_ = 	snop  }
0x5: {  	_ = 	snop  }
0x6: {  	_ = 	snop  }
0x7: {  	_ = 	snop  }
__scs_overlays_trampoline_lowered:
0x8: {  	[smem:$0x3F8F] =	sst s0  }
0x9: {  	[smem:$0x3F90] =	sst s1  }
0xa: {  	[smem:$0x3F91] =	sst s2  }
0xb: {  	[smem:$0x3F92] =	sst s3  }
0xc: {  	[smem:$0x3F93] =	sst s4  }
0xd: {  	[smem:$0x3F94] =	sst s5  }
0xe: {  	[smem:$0x3F95] =	sst s6  }
0xf: {  	[smem:$0x3F96] =	sst s7  }
0x10: {  	[smem:$0x3F97] =	sst s8  }
0x11: {  	[smem:$0x3F98] =	sst s9;
	s0 =	simm.s32 @!p0 $0x0  }
0x12: {  	s1 =	sld [smem:$0x3F7E];
	s0 =	simm.s32 @p0 $0x1  }
0x13: {  	[smem:$0x3F99] =	sst s0;
	s0 =	simm.s32 @!p1 $0x0  }
0x14: {  	s2 =	sld [smem:$0x3F7D];
	s0 =	simm.s32 @p1 $0x1  }
0x15: {  	[smem:$0x3F9A] =	sst s0;
	s0 =	simm.s32 @!p2 $0x0  }
0x16: {  	s3 =	sld [smem:$0x3FDB];
	s0 =	simm.s32 @p2 $0x1  }
0x17: {  	s4 =	simm.s32 $0x1BF5;
	[smem:$0x3F9C] =	sst s0  }
0x18: {  	s0 =	sld [smem:$0x3F7F];
	_ =	swait.ge [sflag:s4], $0x0  }
0x19: {  	s7 =	sld [smem:$0x3F80]  }
0x1a: {  	s8 =	sadd.s32 $0xFFFFE003, lr  }
0x1b: {  	s9 =	sadd.s32 $0xFFFFFEF7, lr;
	s5 =	simm.s32 $0xFFFFFFFF;
	p2 =	slt.u32 s8, $0xFFFFF086  }
0x1c: {  	p1 =	slt.u32 s9, $0xF7A;
	s5 =	simm.s32 @!p2 $0x0  }
0x1d: {  	s5 =	simm.s32 @p1 $0x1;
	p0 =	seq.s32 s7, s2  }
0x1e: {  	s7 =	smul.u32 @!p0 $0xF7A, s2;
	p2 =	seq.s32 @!p0 s5, $0x0  }
0x1f: {  	s9 =	smul.u32 $0xF7A, s1;
	s8 =	simm.s32 @!p0 $0x1BF5;
	p2 =	por !p2, p0  }
0x20: {  	[sflag:s8] =	ssyncset.s32 @!p0 $0xFFFFF086;
	s6 =	sadd.s32 @!p0 s3, s7;
	s7 =	simm.s32 @!p0 $0x108  }
0x21: {  	s3 =	sadd.s32 s3, s9;
	s6 =	sadd.s32 @!p0 $0x88, s6;
	s7 =	simm.s32 @p2 $0x1082  }
0x22: {  	[simem:s7], [sflag:s8] =	dma.local @!p0 [hbm:s6], $0xF7A  }
0x23: {  	s9 =	sor.u32 $0xD0000000, s2;
	s6 =	simm.s32 $0x108;
	_ =	swait.ge @!p0 [sflag:s8], $0x0  }
0x24: {  	s3 =	sadd.s32 $0x88, s3;
	s6 =	simm.s32 @!p1 $0x1082;
	[sflag:s4] =	ssyncset.s32 $0xFFFFF086  }
0x25: {  	[simem:s6], [sflag:s4] =	dma.local [hbm:s3], $0xF7A  }
0x26: {  	[smem:$0x3F80] =	sst s1;
	(tag) =	ssettag s2;
	_ =	strace s9  }
0x27: {  	s1 =	sld [smem:$0x3F90]  }
0x28: {  	s2 =	sld [smem:$0x3F91]  }
0x29: {  	s4 =	sld [smem:$0x3F93]  }
0x2a: {  	p0 =	seq.s32 s5, $0x0;
	s5 =	sld [smem:$0x3F94]  }
0x2b: {  	s6 =	sld [smem:$0x3F95]  }
0x2c: {  	s7 =	sld [smem:$0x3F96]  }
0x2d: {  	s3 =	simm.s32 $0x108;
	s8 =	sld [smem:$0x3F97]  }
0x2e: {  	s3 =	simm.s32 @!p0 $0x1082;
	s9 =	sld [smem:$0x3F98]  }
0x2f: {  	lr =	sadd.s32 s0, s3;
	s0 =	sld [smem:$0x3F8F]  }
0x30: {  	s3 =	sld [smem:$0x3F92]  }
0x31: {  	[smem:$0x3F9B] =	sst s10  }
0x32: {  	s10 =	sld [smem:$0x3F99];
	_ =	sdelay $0x3  }
0x33: {  	p0 =	seq.s32 s10, $0x1;
	s10 =	sld [smem:$0x3F9B];
	_ =	sdelay $0x3  }
0x34: {  	[smem:$0x3F9B] =	sst s10  }
0x35: {  	s10 =	sld [smem:$0x3F9A];
	_ =	sdelay $0x3  }
0x36: {  	p1 =	seq.s32 s10, $0x1;
	s10 =	sld [smem:$0x3F9B];
	_ =	sdelay $0x3  }
0x37: {  	[smem:$0x3F9B] =	sst s10  }
0x38: {  	s10 =	sld [smem:$0x3F9C]  }
0x39: {  	_ = 	snop;
	(pc) =	sbr.ind lr, $3  }
0x3a: {  	_ = 	snop  }
0x3b: {  	_ = 	snop  }
0x3c: {  	p2 =	seq.s32 s10, $0x1;
	s10 =	sld [smem:$0x3F9B]  }
0x3d: {  	_ =	shalt  }
0x3e: {  	_ =	shalt  }
0x3f: {  	_ =	shalt  }
0x40: {  	_ =	shalt  }
0x41: {  	_ =	shalt  }
0x42: {  	_ =	shalt  }
0x43: {  	_ =	shalt  }
0x44: {  	_ =	shalt  }
0x45: {  	_ =	shalt  }
0x46: {  	_ =	shalt  }
0x47: {  	_ =	shalt  }
0x48: {  	_ =	shalt  }
0x49: {  	_ =	shalt  }
0x4a: {  	_ =	shalt  }
0x4b: {  	_ =	shalt  }
0x4c: {  	_ =	shalt  }
0x4d: {  	_ =	shalt  }
0x4e: {  	_ =	shalt  }
0x4f: {  	_ =	shalt  }
0x50: {  	_ =	shalt  }
0x51: {  	_ =	shalt  }
0x52: {  	_ =	shalt  }
0x53: {  	_ =	shalt  }
0x54: {  	_ =	shalt  }
0x55: {  	_ =	shalt  }
0x56: {  	_ =	shalt  }
0x57: {  	_ =	shalt  }
0x58: {  	_ =	shalt  }
0x59: {  	_ =	shalt  }
0x5a: {  	_ =	shalt  }
0x5b: {  	_ =	shalt  }
0x5c: {  	_ =	shalt  }
0x5d: {  	_ =	shalt  }
0x5e: {  	_ =	shalt  }
0x5f: {  	_ =	shalt  }
0x60: {  	_ =	shalt  }
0x61: {  	_ =	shalt  }
0x62: {  	_ =	shalt  }
0x63: {  	_ =	shalt  }
0x64: {  	_ =	shalt  }
0x65: {  	_ =	shalt  }
0x66: {  	_ =	shalt  }
0x67: {  	_ =	shalt  }
0x68: {  	_ =	shalt  }
0x69: {  	_ =	shalt  }
0x6a: {  	_ =	shalt  }
0x6b: {  	_ =	shalt  }
0x6c: {  	_ =	shalt  }
0x6d: {  	_ =	shalt  }
0x6e: {  	_ =	shalt  }
0x6f: {  	_ =	shalt  }
0x70: {  	_ =	shalt  }
0x71: {  	_ =	shalt  }
0x72: {  	_ =	shalt  }
0x73: {  	_ =	shalt  }
0x74: {  	_ =	shalt  }
0x75: {  	_ =	shalt  }
0x76: {  	_ =	shalt  }
0x77: {  	_ =	shalt  }
0x78: {  	_ =	shalt  }
0x79: {  	_ =	shalt  }
0x7a: {  	_ =	shalt  }
0x7b: {  	_ =	shalt  }
0x7c: {  	_ =	shalt  }
0x7d: {  	_ =	shalt  }
0x7e: {  	_ =	shalt  }
0x7f: {  	_ =	shalt  }
0x80: {  	_ =	shalt  }
0x81: {  	_ =	shalt  }
0x82: {  	_ =	shalt  }
0x83: {  	_ =	shalt  }
0x84: {  	_ =	shalt  }
0x85: {  	_ =	shalt  }
0x86: {  	_ =	shalt  }
0x87: {  	_ =	shalt  }
.Lfunc_end0:
.L_simem_size_0:
called_computation_lowered:
.L_overlay_start_0:
0x88: {  	s2 =	sld [smem:$0x3FD9]  }
0x89: {  	s3 =	sld [smem:$0x3FFE];
	_ =	sdelay $0x1  }
0x8a: {  	s1 =	srdreg.scid  }
0x8b: {  	s0 =	sand.u32 $0x1, s1  }
0x8c: {  	s16 =	sshll.u32 s0, $0xA;
	s2 =	sadd.s32 s3, s2  }
0x8d: {  	s2 =	sadd.s32 s2, s16  }
0x8e: {  	[smem:$0x3FA7] =	sst s2  }
0x8f: {  	_ = 	snop  }
0x90: {  	(tm) =	ssettm $0x1  }
0x91: {  	s17 =	sld [smem:$0x3FFB];
	_ =	sdelay $0x3  }
0x92: {  	_ =	strace s17  }
0x93: {  	s2 =	sld [smem:$0x3FFC];
	_ =	sdelay $0x3  }
0x94: {  	_ =	strace s2  }
0x95: {  	s2 =	sld [smem:$0x3FFD];
	_ =	sdelay $0x3  }
0x96: {  	_ =	strace s2  }
0x97: {  	_ =	strace $0x8FFFFFFF  }
0x98: {  	s18 =	sld [smem:$0x3FDB];
	_ =	sdelay $0x1  }
0x99: {  	s19 =	simm.s32 $_scs_section_size  }
0x9a: {  	s4 =	simm.s32 $_size__tile_overlayer_lowered;
	s5 =	simm.s32 $_tile_overlayer_lowered  }
0x9b: {  	s22 =	simm.s32 $0x1BFF;
	s21 =	sshll.u32 s5, $0x1;
	s2 =	sadd.s32 s19, s18  }
0x9c: {  	s6 =	simm.s32 $0x0;
	s20 =	sshll.u32 s4, $0x1;
	s4 =	sadd.s32 s21, s2  }
0x9d: {  	[timem:s6], [sflag:s22] =	dma.local [hbm:s4], s20  }
0x9e: {  	_ =	swait.ge [sflag:s22], s20  }
0x9f: {  	s3 =	ssub.s32 $0x0, s20;
	[sflag:s22] =	ssyncset.done $0x0  }
0xa0: {  	[sflag:s22] =	ssyncadd.s32 s3;
	_ =	sdelay $0x1  }
0xa1: {  	s23 =	simm.s32 $0x1B8B  }
0xa2: {  	_ =	swait.ge [sflag:s23], $0x1  }
0xa3: {  	[sflag:s23] =	ssyncset.done $0x0  }
0xa4: {  	s25 =	simm.s32 $0x1B8E;
	s24 =	sld [smem:$0x3FFE];
	[sflag:s23] =	ssyncadd.s32 $0xFFFFFFFF  }
0xa5: {  	s26 =	simm.s32 $execute0_lowered;
	[smem:$0x3FD2] =	sst s25  }
0xa6: {  	s4 =	sshll.u32 s26, $0x1;
	_ =	strace $0x80000046;
	[dreg:$0x1] =	wrdreg $0xFFFFFFFF  }
0xa7: {  	s28 =	simm.s32 $_size_execute0_lowered;
	s2 =	sadd.s32 s2, s4;
	[dreg:$0x0] =	wrdreg $0x0  }
0xa8: {  	s4 =	sshll.u32 s28, $0x1;
	[dreg:$0x2] =	wrdreg s2  }
0xa9: {  	[dreg:$0x3] =	wrdreg s4  }
0xaa: {  	[dreg:$0x4] =	wrdreg $0xC0  }
0xab: {  	_ =	task [dreg:s6], $0x5FFFF  }
0xac: {  	[dreg:$0x1] =	wrdreg $0xFFFFFFFF  }
0xad: {  	[dreg:$0x0] =	wrdreg $0x60  }
0xae: {  	[dreg:$0x2] =	wrdreg s24  }
0xaf: {  	[dreg:$0x3] =	wrdreg $0x9  }
0xb0: {  	_ =	task.clear_ibuf [dreg:s6], $0x4FFFF;
	_ =	strace $0x90000046  }
0xb1: {  	s29 =	simm.s32 $0x9;
	_ =	strace $0x80000048  }
0xb2: {  	_ =	swait.ge [sflag:s29], $0x1  }
0xb3: {  	[sflag:s29] =	ssyncadd.s32 $0xFFFFFFFF  }
0xb4: {  	_ =	strace $0x90000048  }
0xb5: {  	_ =	sfence  }
0xb6: {  	s30 =	sld [smem:$0x0];
	_ =	sdelay $0x2  }
0xb7: {  	s31 =	sshll.u32 s1, $0xD;
	s1 =	sshrl.u32 s1, $0x2  }
0xb8: {  	s3 =	sand.u32 $0x4000, s31;
	s1 =	sadd.s32 s1, s30  }
0xb9: {  	s0 =	sor.u32 s3, s0;
	s1 =	sshll.u32 s1, $0x11  }
0xba: {  	s0 =	sor.u32 s1, s0  }
0xbb: {  	s0 =	sadd.s32 $0x8F2B, s0  }
0xbc: {  	[sflag:s0] =	ssyncadd.remote.s32 $0x1  }
0xbd: {  	_ =	sfence.sel $0xFFFF  }
0xbe: {  	[dreg:$0x0] =	wrdreg $0xFFFFFFFF;
	(pc) =	sbr.abs _section_cstart, $3  }
0xbf: {  	[dreg:$0x1] =	wrdreg $0xFFFFFFFF  }
0xc0: {  	_ =	task.clear_ibuf [dreg:s6], $0x2FFFF;
	_ =	strace $0x9FFFFFFF  }
0xc1: {  	(tm) =	ssettm $0x7FFFFFFF  }
tec
execute0_lowered:
.L_overlay_start_1:
0x0: {  	(tag) =	ssettag $0x1  }
0x1: {  	s3 =	rddreg [dreg:$0x0];
	s1 =	srdreg.scid  }
0x2: {  	s0 =	rddreg [dreg:$0x1];
	s2 =	simm.s32 $0x0;
	s4 =	sand.u32 $0x1, s1  }
0x3: {  	s8 =	simm.s32 $0x0;
	s1 =	stileid.u32;
	s5 =	smul.u32 $0x28000, s4  }
0x4: {  	[smem:$0x7FF] =	sst s2;
	s6 =	smul.u32 $0x2800, s1;
	s7 =	sshll.u32 s4, $0x4  }
0x5: {  	s4 =	ssub.s32 $0x2, s4;
	_ =	strace $0x80000047;
	s7 =	sor.u32 s1, s7  }
0x6: {  	s31 =	sshrl.u32 s4, $0x1;
	s5 =	sadd.s32 s6, s5;
	s30 =	smul.u32 $0x500, s7  }
0x7: {  	s4 =	ssub.s32 s4, s31;
	s6 =	simm.s32 $0x1;
	s5 =	sshrl.u32 s5, $0x3  }
0x8: {  	s7 =	simm.s32 $0x200;
	s5 =	sadd.s32 s5, s3;
	s3 =	sadd.s32 s30, s3  }
0x9: {  	v0 =	vimm.f32 $0.0e+00;
	v1 =	vimm.f32 $1.000000000e+00;
	s4 =	smax.u32 s4, $0x1;
	s3 =	sadd.s32 $0xF200, s3;
	s5 =	sadd.s32 $0x5200, s5  }
.LBB2_1:
0xa: {  	s9 =	simm.s32 $0x0  }
.LBB2_2:
0xb: {  	p0 =	sne.s32 s9, $0x9FC0  }
.Ltmp0:
0xc: {  	_ = 	snop;
	(pc) =	sbr.rel @p0 .LBB2_2-.Ltmp0, $3  }
0xd: {  	_ =	sdelay $0x1  }
0xe: {  	s10 =	sshra.s32 s9, $0x2  }
0xf: {  	s9 =	sadd.s32 $0x40, s9;
	[tilespmem:s10+$0x200] =	vst v0  }
0x10: {  	s9 =	simm.s32 $0x0  }
.LBB2_4:
0x11: {  	s10 =	sadd.s32 s9, s5  }
0x12: {  	[tilespmem:s2], [sflag:$0x1] =	stream.linear.gather [hbm4b:s10+s2], $0x200, $0x38;
	[tilespmem:$0x2A00] =	vst v63  }
0x13: {  	_ =	swait.ge [sflag:s6], $0x200  }
0x14: {  	[sflag:s6] =	ssyncset.done $0x0  }
0x15: {  	[sflag:s6] =	ssyncadd.s32 $0xFFFFFE00  }
0x16: {  	v2 =	vld [tilespmem:$0x0];
	_ =	sdelay $0x7  }
0x17: {  	[tilespmem:v2+s7+$0x0] =	vst.idx.add.f32.msk $0xffff, v1  }
0x18: {  	v2 =	vld [tilespmem:$0x10];
	_ =	sdelay $0x7  }
0x19: {  	[tilespmem:v2+s7+$0x0] =	vst.idx.add.f32.msk $0xffff, v1  }
0x1a: {  	v2 =	vld [tilespmem:$0x20];
	_ =	sdelay $0x7  }
0x1b: {  	[tilespmem:v2+s7+$0x0] =	vst.idx.add.f32.msk $0xffff, v1  }
0x1c: {  	v2 =	vld [tilespmem:$0x30];
	_ =	sdelay $0x7  }
0x1d: {  	[tilespmem:v2+s7+$0x0] =	vst.idx.add.f32.msk $0xffff, v1  }
0x1e: {  	v2 =	vld [tilespmem:$0x40];
	_ =	sdelay $0x7  }
0x1f: {  	[tilespmem:v2+s7+$0x0] =	vst.idx.add.f32.msk $0xffff, v1  }
0x20: {  	v2 =	vld [tilespmem:$0x50];
	_ =	sdelay $0x7  }
0x21: {  	[tilespmem:v2+s7+$0x0] =	vst.idx.add.f32.msk $0xffff, v1  }
0x22: {  	v2 =	vld [tilespmem:$0x60];
	_ =	sdelay $0x7  }
0x23: {  	[tilespmem:v2+s7+$0x0] =	vst.idx.add.f32.msk $0xffff, v1  }
0x24: {  	v2 =	vld [tilespmem:$0x70];
	_ =	sdelay $0x7  }
0x25: {  	[tilespmem:v2+s7+$0x0] =	vst.idx.add.f32.msk $0xffff, v1  }
0x26: {  	v2 =	vld [tilespmem:$0x80];
	_ =	sdelay $0x7  }
0x27: {  	[tilespmem:v2+s7+$0x0] =	vst.idx.add.f32.msk $0xffff, v1  }
0x28: {  	v2 =	vld [tilespmem:$0x90];
	_ =	sdelay $0x7  }
0x29: {  	[tilespmem:v2+s7+$0x0] =	vst.idx.add.f32.msk $0xffff, v1  }
0x2a: {  	v2 =	vld [tilespmem:$0xA0];
	_ =	sdelay $0x7  }
0x2b: {  	[tilespmem:v2+s7+$0x0] =	vst.idx.add.f32.msk $0xffff, v1  }
0x2c: {  	v2 =	vld [tilespmem:$0xB0];
	_ =	sdelay $0x7  }
0x2d: {  	[tilespmem:v2+s7+$0x0] =	vst.idx.add.f32.msk $0xffff, v1  }
0x2e: {  	v2 =	vld [tilespmem:$0xC0];
	_ =	sdelay $0x7  }
0x2f: {  	[tilespmem:v2+s7+$0x0] =	vst.idx.add.f32.msk $0xffff, v1  }
0x30: {  	v2 =	vld [tilespmem:$0xD0];
	_ =	sdelay $0x7  }
0x31: {  	[tilespmem:v2+s7+$0x0] =	vst.idx.add.f32.msk $0xffff, v1  }
0x32: {  	v2 =	vld [tilespmem:$0xE0];
	_ =	sdelay $0x7  }
0x33: {  	[tilespmem:v2+s7+$0x0] =	vst.idx.add.f32.msk $0xffff, v1  }
0x34: {  	v2 =	vld [tilespmem:$0xF0];
	_ =	sdelay $0x7  }
0x35: {  	[tilespmem:v2+s7+$0x0] =	vst.idx.add.f32.msk $0xffff, v1  }
0x36: {  	v2 =	vld [tilespmem:$0x100];
	_ =	sdelay $0x7  }
0x37: {  	[tilespmem:v2+s7+$0x0] =	vst.idx.add.f32.msk $0xffff, v1  }
0x38: {  	v2 =	vld [tilespmem:$0x110];
	_ =	sdelay $0x7  }
0x39: {  	[tilespmem:v2+s7+$0x0] =	vst.idx.add.f32.msk $0xffff, v1  }
0x3a: {  	v2 =	vld [tilespmem:$0x120];
	_ =	sdelay $0x7  }
0x3b: {  	[tilespmem:v2+s7+$0x0] =	vst.idx.add.f32.msk $0xffff, v1  }
0x3c: {  	v2 =	vld [tilespmem:$0x130];
	_ =	sdelay $0x7  }
0x3d: {  	[tilespmem:v2+s7+$0x0] =	vst.idx.add.f32.msk $0xffff, v1  }
0x3e: {  	v2 =	vld [tilespmem:$0x140];
	_ =	sdelay $0x7  }
0x3f: {  	[tilespmem:v2+s7+$0x0] =	vst.idx.add.f32.msk $0xffff, v1  }
0x40: {  	v2 =	vld [tilespmem:$0x150];
	_ =	sdelay $0x7  }
0x41: {  	[tilespmem:v2+s7+$0x0] =	vst.idx.add.f32.msk $0xffff, v1  }
0x42: {  	v2 =	vld [tilespmem:$0x160];
	_ =	sdelay $0x7  }
0x43: {  	[tilespmem:v2+s7+$0x0] =	vst.idx.add.f32.msk $0xffff, v1  }
0x44: {  	v2 =	vld [tilespmem:$0x170];
	_ =	sdelay $0x7  }
0x45: {  	[tilespmem:v2+s7+$0x0] =	vst.idx.add.f32.msk $0xffff, v1  }
0x46: {  	v2 =	vld [tilespmem:$0x180];
	_ =	sdelay $0x7  }
0x47: {  	[tilespmem:v2+s7+$0x0] =	vst.idx.add.f32.msk $0xffff, v1  }
0x48: {  	v2 =	vld [tilespmem:$0x190];
	_ =	sdelay $0x7  }
0x49: {  	[tilespmem:v2+s7+$0x0] =	vst.idx.add.f32.msk $0xffff, v1  }
0x4a: {  	v2 =	vld [tilespmem:$0x1A0];
	_ =	sdelay $0x7  }
0x4b: {  	[tilespmem:v2+s7+$0x0] =	vst.idx.add.f32.msk $0xffff, v1  }
0x4c: {  	v2 =	vld [tilespmem:$0x1B0];
	_ =	sdelay $0x7  }
0x4d: {  	[tilespmem:v2+s7+$0x0] =	vst.idx.add.f32.msk $0xffff, v1  }
0x4e: {  	v2 =	vld [tilespmem:$0x1C0];
	_ =	sdelay $0x7  }
0x4f: {  	[tilespmem:v2+s7+$0x0] =	vst.idx.add.f32.msk $0xffff, v1  }
0x50: {  	v2 =	vld [tilespmem:$0x1D0];
	_ =	sdelay $0x7  }
0x51: {  	[tilespmem:v2+s7+$0x0] =	vst.idx.add.f32.msk $0xffff, v1  }
0x52: {  	v2 =	vld [tilespmem:$0x1E0];
	_ =	sdelay $0x7  }
0x53: {  	[tilespmem:v2+s7+$0x0] =	vst.idx.add.f32.msk $0xffff, v1  }
0x54: {  	v2 =	vld [tilespmem:$0x1F0];
	_ =	sdelay $0x2  }
0x55: {  	p0 =	sne.s32 s9, $0x4C0  }
.Ltmp1:
0x56: {  	_ = 	snop;
	(pc) =	sbr.rel @p0 .LBB2_4-.Ltmp1, $2  }
0x57: {  	_ =	sdelay $0x2  }
0x58: {  	s9 =	sadd.s32 $0x40, s9;
	[tilespmem:v2+s7+$0x0] =	vst.idx.add.f32.msk $0xffff, v1  }
0x59: {  	s8 =	sadd.s32 $0x1, s8  }
0x5a: {  	p0 =	sne.s32 s8, s4  }
.Ltmp2:
0x5b: {  	_ = 	snop;
	(pc) =	sbr.rel @p0 .LBB2_1-.Ltmp2, $4  }
0x5c: {  	[hbm4b:s3+s2] =	stream.linear.scatter [tilespmem:s7], [sflag:$0x1], $0x2800, $0x38;
	[tilespmem:$0x2A00] =	vst v63  }
0x5d: {  	_ =	swait.ge [sflag:s6], $0x2800  }
0x5e: {  	[sflag:s6] =	ssyncset.done $0x0  }
0x5f: {  	[sflag:s6] =	ssyncadd.s32 $0xFFFFD800  }
0x60: {  	_ =	sfence.sel $0x180000  }
0x61: {  	[bflag:$0x0] =	sbarrier.arrive $0xFFFF  }
0x62: {  	p0 =	sne.s32 s1, $0x0;
	_ =	strace $0x90000047  }
0x63: {  	s0 =	sadd.s32 @!p0 $0x100000, s0;
	[bflag:$0x2] =	sbarrier.arrive $0xFFFF  }
0x64: {  	[sflag:s0] =	ssyncadd.tile.s32 @!p0 $0x1;
	_ =	shalt  }
.Lfunc_end2:
_tile_overlayer_lowered:
.L_overlay_start_2:
0x65: {  	(tag) =	ssettag $0x2  }
0x66: {  	s0 =	rddreg [dreg:$0x0];
	s2 =	stileid.u32  }
0x67: {  	s1 =	rddreg [dreg:$0x1];
	p0 =	sne.s32 s2, $0x0  }
0x68: {  	s3 =	rddreg [dreg:$0x2];
	[bflag:$0x3] =	sbarrier.arrive $0xFFFF;
	s2 =	simm.s32 @!p0 $0x1C01  }
0x69: {  	[timem:s3], [sflag:s2] =	dma.local @!p0 [hbm:s0], s1  }
0x6a: {  	s0 =	simm.s32 @!p0 $0x1  }
0x6b: {  	_ =	swait.ge @!p0 [sflag:s0], s1  }
0x6c: {  	s1 =	ssub.s32 @!p0 $0x0, s1;
	[sflag:s0] =	ssyncset.done @!p0 $0x0  }
0x6d: {  	[sflag:s0] =	ssyncadd.s32 @!p0 s1  }
0x6e: {  	[bflag:$0x3] =	sbarrier.arrive $0xFFFF  }
0x6f: {  	_ =	shalt  }

// kernel: kernel.18.cloned.1.call-start
scs
__scs_entry_jumppad:
0x0: {  	(pc) =	sbr.rel $0x88, $3  }
0x1: {  	(tag) =	ssettag $0x0;
	lr =	simm.s32 $0x1  }
0x2: {  	[smem:$0x3F80] =	sst lr;
	_ =	strace $0xD0000000  }
0x3: {  	_ = 	snop  }
0x4: {  	_ = 	snop  }
0x5: {  	_ = 	snop  }
0x6: {  	_ = 	snop  }
0x7: {  	_ = 	snop  }
__scs_overlays_trampoline_lowered:
0x8: {  	[smem:$0x3F8F] =	sst s0  }
0x9: {  	[smem:$0x3F90] =	sst s1  }
0xa: {  	[smem:$0x3F91] =	sst s2  }
0xb: {  	[smem:$0x3F92] =	sst s3  }
0xc: {  	[smem:$0x3F93] =	sst s4  }
0xd: {  	[smem:$0x3F94] =	sst s5  }
0xe: {  	[smem:$0x3F95] =	sst s6  }
0xf: {  	[smem:$0x3F96] =	sst s7  }
0x10: {  	[smem:$0x3F97] =	sst s8  }
0x11: {  	[smem:$0x3F98] =	sst s9;
	s0 =	simm.s32 @!p0 $0x0  }
0x12: {  	s1 =	sld [smem:$0x3F7E];
	s0 =	simm.s32 @p0 $0x1  }
0x13: {  	[smem:$0x3F99] =	sst s0;
	s0 =	simm.s32 @!p1 $0x0  }
0x14: {  	s2 =	sld [smem:$0x3F7D];
	s0 =	simm.s32 @p1 $0x1  }
0x15: {  	[smem:$0x3F9A] =	sst s0;
	s0 =	simm.s32 @!p2 $0x0  }
0x16: {  	s3 =	sld [smem:$0x3FDB];
	s0 =	simm.s32 @p2 $0x1  }
0x17: {  	s4 =	simm.s32 $0x1BF5;
	[smem:$0x3F9C] =	sst s0  }
0x18: {  	s0 =	sld [smem:$0x3F7F];
	_ =	swait.ge [sflag:s4], $0x0  }
0x19: {  	s7 =	sld [smem:$0x3F80]  }
0x1a: {  	s8 =	sadd.s32 $0xFFFFE003, lr  }
0x1b: {  	s9 =	sadd.s32 $0xFFFFFEF7, lr;
	s5 =	simm.s32 $0xFFFFFFFF;
	p2 =	slt.u32 s8, $0xFFFFF086  }
0x1c: {  	p1 =	slt.u32 s9, $0xF7A;
	s5 =	simm.s32 @!p2 $0x0  }
0x1d: {  	s5 =	simm.s32 @p1 $0x1;
	p0 =	seq.s32 s7, s2  }
0x1e: {  	s7 =	smul.u32 @!p0 $0xF7A, s2;
	p2 =	seq.s32 @!p0 s5, $0x0  }
0x1f: {  	s9 =	smul.u32 $0xF7A, s1;
	s8 =	simm.s32 @!p0 $0x1BF5;
	p2 =	por !p2, p0  }
0x20: {  	[sflag:s8] =	ssyncset.s32 @!p0 $0xFFFFF086;
	s6 =	sadd.s32 @!p0 s3, s7;
	s7 =	simm.s32 @!p0 $0x108  }
0x21: {  	s3 =	sadd.s32 s3, s9;
	s6 =	sadd.s32 @!p0 $0x88, s6;
	s7 =	simm.s32 @p2 $0x1082  }
0x22: {  	[simem:s7], [sflag:s8] =	dma.local @!p0 [hbm:s6], $0xF7A  }
0x23: {  	s9 =	sor.u32 $0xD0000000, s2;
	s6 =	simm.s32 $0x108;
	_ =	swait.ge @!p0 [sflag:s8], $0x0  }
0x24: {  	s3 =	sadd.s32 $0x88, s3;
	s6 =	simm.s32 @!p1 $0x1082;
	[sflag:s4] =	ssyncset.s32 $0xFFFFF086  }
0x25: {  	[simem:s6], [sflag:s4] =	dma.local [hbm:s3], $0xF7A  }
0x26: {  	[smem:$0x3F80] =	sst s1;
	(tag) =	ssettag s2;
	_ =	strace s9  }
0x27: {  	s1 =	sld [smem:$0x3F90]  }
0x28: {  	s2 =	sld [smem:$0x3F91]  }
0x29: {  	s4 =	sld [smem:$0x3F93]  }
0x2a: {  	p0 =	seq.s32 s5, $0x0;
	s5 =	sld [smem:$0x3F94]  }
0x2b: {  	s6 =	sld [smem:$0x3F95]  }
0x2c: {  	s7 =	sld [smem:$0x3F96]  }
0x2d: {  	s3 =	simm.s32 $0x108;
	s8 =	sld [smem:$0x3F97]  }
0x2e: {  	s3 =	simm.s32 @!p0 $0x1082;
	s9 =	sld [smem:$0x3F98]  }
0x2f: {  	lr =	sadd.s32 s0, s3;
	s0 =	sld [smem:$0x3F8F]  }
0x30: {  	s3 =	sld [smem:$0x3F92]  }
0x31: {  	[smem:$0x3F9B] =	sst s10  }
0x32: {  	s10 =	sld [smem:$0x3F99];
	_ =	sdelay $0x3  }
0x33: {  	p0 =	seq.s32 s10, $0x1;
	s10 =	sld [smem:$0x3F9B];
	_ =	sdelay $0x3  }
0x34: {  	[smem:$0x3F9B] =	sst s10  }
0x35: {  	s10 =	sld [smem:$0x3F9A];
	_ =	sdelay $0x3  }
0x36: {  	p1 =	seq.s32 s10, $0x1;
	s10 =	sld [smem:$0x3F9B];
	_ =	sdelay $0x3  }
0x37: {  	[smem:$0x3F9B] =	sst s10  }
0x38: {  	s10 =	sld [smem:$0x3F9C]  }
0x39: {  	_ = 	snop;
	(pc) =	sbr.ind lr, $3  }
0x3a: {  	_ = 	snop  }
0x3b: {  	_ = 	snop  }
0x3c: {  	p2 =	seq.s32 s10, $0x1;
	s10 =	sld [smem:$0x3F9B]  }
0x3d: {  	_ =	shalt  }
0x3e: {  	_ =	shalt  }
0x3f: {  	_ =	shalt  }
0x40: {  	_ =	shalt  }
0x41: {  	_ =	shalt  }
0x42: {  	_ =	shalt  }
0x43: {  	_ =	shalt  }
0x44: {  	_ =	shalt  }
0x45: {  	_ =	shalt  }
0x46: {  	_ =	shalt  }
0x47: {  	_ =	shalt  }
0x48: {  	_ =	shalt  }
0x49: {  	_ =	shalt  }
0x4a: {  	_ =	shalt  }
0x4b: {  	_ =	shalt  }
0x4c: {  	_ =	shalt  }
0x4d: {  	_ =	shalt  }
0x4e: {  	_ =	shalt  }
0x4f: {  	_ =	shalt  }
0x50: {  	_ =	shalt  }
0x51: {  	_ =	shalt  }
0x52: {  	_ =	shalt  }
0x53: {  	_ =	shalt  }
0x54: {  	_ =	shalt  }
0x55: {  	_ =	shalt  }
0x56: {  	_ =	shalt  }
0x57: {  	_ =	shalt  }
0x58: {  	_ =	shalt  }
0x59: {  	_ =	shalt  }
0x5a: {  	_ =	shalt  }
0x5b: {  	_ =	shalt  }
0x5c: {  	_ =	shalt  }
0x5d: {  	_ =	shalt  }
0x5e: {  	_ =	shalt  }
0x5f: {  	_ =	shalt  }
0x60: {  	_ =	shalt  }
0x61: {  	_ =	shalt  }
0x62: {  	_ =	shalt  }
0x63: {  	_ =	shalt  }
0x64: {  	_ =	shalt  }
0x65: {  	_ =	shalt  }
0x66: {  	_ =	shalt  }
0x67: {  	_ =	shalt  }
0x68: {  	_ =	shalt  }
0x69: {  	_ =	shalt  }
0x6a: {  	_ =	shalt  }
0x6b: {  	_ =	shalt  }
0x6c: {  	_ =	shalt  }
0x6d: {  	_ =	shalt  }
0x6e: {  	_ =	shalt  }
0x6f: {  	_ =	shalt  }
0x70: {  	_ =	shalt  }
0x71: {  	_ =	shalt  }
0x72: {  	_ =	shalt  }
0x73: {  	_ =	shalt  }
0x74: {  	_ =	shalt  }
0x75: {  	_ =	shalt  }
0x76: {  	_ =	shalt  }
0x77: {  	_ =	shalt  }
0x78: {  	_ =	shalt  }
0x79: {  	_ =	shalt  }
0x7a: {  	_ =	shalt  }
0x7b: {  	_ =	shalt  }
0x7c: {  	_ =	shalt  }
0x7d: {  	_ =	shalt  }
0x7e: {  	_ =	shalt  }
0x7f: {  	_ =	shalt  }
0x80: {  	_ =	shalt  }
0x81: {  	_ =	shalt  }
0x82: {  	_ =	shalt  }
0x83: {  	_ =	shalt  }
0x84: {  	_ =	shalt  }
0x85: {  	_ =	shalt  }
0x86: {  	_ =	shalt  }
0x87: {  	_ =	shalt  }
.Lfunc_end0:
.L_simem_size_0:
called_computation.1_lowered:
.L_overlay_start_0:
0x88: {  	s2 =	sld [smem:$0x3FD9]  }
0x89: {  	s3 =	sld [smem:$0x3FFE];
	_ =	sdelay $0x1  }
0x8a: {  	s1 =	srdreg.scid  }
0x8b: {  	s0 =	sand.u32 $0x1, s1  }
0x8c: {  	s16 =	sshll.u32 s0, $0xA;
	s2 =	sadd.s32 s3, s2  }
0x8d: {  	s2 =	sadd.s32 s2, s16  }
0x8e: {  	[smem:$0x3FA7] =	sst s2  }
0x8f: {  	_ = 	snop  }
0x90: {  	(tm) =	ssettm $0x1  }
0x91: {  	s17 =	sld [smem:$0x3FFB];
	_ =	sdelay $0x3  }
0x92: {  	_ =	strace s17  }
0x93: {  	s2 =	sld [smem:$0x3FFC];
	_ =	sdelay $0x3  }
0x94: {  	_ =	strace s2  }
0x95: {  	s2 =	sld [smem:$0x3FFD];
	_ =	sdelay $0x3  }
0x96: {  	_ =	strace s2  }
0x97: {  	_ =	strace $0x8FFFFFFF  }
0x98: {  	s18 =	sld [smem:$0x3FDB];
	_ =	sdelay $0x1  }
0x99: {  	s19 =	simm.s32 $_scs_section_size  }
0x9a: {  	s4 =	simm.s32 $_size__tile_overlayer_lowered;
	s5 =	simm.s32 $_tile_overlayer_lowered  }
0x9b: {  	s22 =	simm.s32 $0x1BFF;
	s21 =	sshll.u32 s5, $0x1;
	s2 =	sadd.s32 s19, s18  }
0x9c: {  	s6 =	simm.s32 $0x0;
	s20 =	sshll.u32 s4, $0x1;
	s4 =	sadd.s32 s21, s2  }
0x9d: {  	[timem:s6], [sflag:s22] =	dma.local [hbm:s4], s20  }
0x9e: {  	_ =	swait.ge [sflag:s22], s20  }
0x9f: {  	s3 =	ssub.s32 $0x0, s20;
	[sflag:s22] =	ssyncset.done $0x0  }
0xa0: {  	[sflag:s22] =	ssyncadd.s32 s3;
	_ =	sdelay $0x1  }
0xa1: {  	s23 =	simm.s32 $0x1B8B  }
0xa2: {  	_ =	swait.ge [sflag:s23], $0x1  }
0xa3: {  	[sflag:s23] =	ssyncset.done $0x0  }
0xa4: {  	s25 =	simm.s32 $0x1B8E;
	s24 =	sld [smem:$0x3FFE];
	[sflag:s23] =	ssyncadd.s32 $0xFFFFFFFF  }
0xa5: {  	s26 =	simm.s32 $execute0_lowered;
	[smem:$0x3FD2] =	sst s25  }
0xa6: {  	s4 =	sshll.u32 s26, $0x1;
	_ =	strace $0x80000049;
	[dreg:$0x1] =	wrdreg $0xFFFFFFFF  }
0xa7: {  	s28 =	simm.s32 $_size_execute0_lowered;
	s2 =	sadd.s32 s2, s4;
	[dreg:$0x0] =	wrdreg $0x0  }
0xa8: {  	s4 =	sshll.u32 s28, $0x1;
	[dreg:$0x2] =	wrdreg s2  }
0xa9: {  	[dreg:$0x3] =	wrdreg s4  }
0xaa: {  	[dreg:$0x4] =	wrdreg $0xC0  }
0xab: {  	_ =	task [dreg:s6], $0x5FFFF  }
0xac: {  	[dreg:$0x1] =	wrdreg $0xFFFFFFFF  }
0xad: {  	[dreg:$0x0] =	wrdreg $0x60  }
0xae: {  	[dreg:$0x2] =	wrdreg s24  }
0xaf: {  	[dreg:$0x3] =	wrdreg $0x9  }
0xb0: {  	_ =	task.clear_ibuf [dreg:s6], $0x4FFFF;
	_ =	strace $0x90000049  }
0xb1: {  	s29 =	simm.s32 $0x9;
	_ =	strace $0x8000004B  }
0xb2: {  	_ =	swait.ge [sflag:s29], $0x1  }
0xb3: {  	[sflag:s29] =	ssyncadd.s32 $0xFFFFFFFF  }
0xb4: {  	_ =	strace $0x9000004B  }
0xb5: {  	_ =	sfence  }
0xb6: {  	s30 =	sld [smem:$0x0];
	_ =	sdelay $0x2  }
0xb7: {  	s31 =	sshll.u32 s1, $0xD;
	s1 =	sshrl.u32 s1, $0x2  }
0xb8: {  	s3 =	sand.u32 $0x4000, s31;
	s1 =	sadd.s32 s1, s30  }
0xb9: {  	s0 =	sor.u32 s3, s0;
	s1 =	sshll.u32 s1, $0x11  }
0xba: {  	s0 =	sor.u32 s1, s0  }
0xbb: {  	s0 =	sadd.s32 $0x8F2B, s0  }
0xbc: {  	[sflag:s0] =	ssyncadd.remote.s32 $0x1  }
0xbd: {  	_ =	sfence.sel $0xFFFF  }
0xbe: {  	[dreg:$0x0] =	wrdreg $0xFFFFFFFF;
	(pc) =	sbr.abs _section_cstart, $3  }
0xbf: {  	[dreg:$0x1] =	wrdreg $0xFFFFFFFF  }
0xc0: {  	_ =	task.clear_ibuf [dreg:s6], $0x2FFFF;
	_ =	strace $0x9FFFFFFF  }
0xc1: {  	(tm) =	ssettm $0x7FFFFFFF  }
tec
execute0_lowered:
.L_overlay_start_1:
0x0: {  	(tag) =	ssettag $0x1  }
0x1: {  	s0 =	srdreg.scid  }
0x2: {  	s5 =	rddreg [dreg:$0x0];
	s2 =	simm.s32 $0x0;
	s4 =	sand.u32 $0x1, s0  }
0x3: {  	s12 =	simm.s32 $0x14000;
	s0 =	stileid.u32;
	s1 =	sshll.u32 s4, $0x4  }
0x4: {  	s13 =	simm.s32 $0x0;
	[smem:$0x7FF] =	sst s2;
	s6 =	sor.u32 s0, s1  }
0x5: {  	s9 =	sadd.s32 $0x72200, s5;
	s10 =	ssub.s32 $0x2, s4;
	s3 =	smul.u32 $0x2780, s6  }
0x6: {  	s4 =	sadd.s32 $0x5200, s5;
	s1 =	rddreg [dreg:$0x1];
	s8 =	smul.u32 $0x14000, s6  }
0x7: {  	v2 =	vlaneseq.u32;
	_ =	strace $0x8000004A;
	s11 =	sshrl.u32 s10, $0x1;
	s6 =	smul.u32 $0x2800, s6  }
0x8: {  	v3 =	vand.u32 $0x3, v2;
	s10 =	ssub.s32 s10, s11;
	s11 =	simm.s32 $0x200;
	s7 =	sadd.s32 s3, s5  }
0x9: {  	v0 =	vmul.u32 $0x80, v3;
	s3 =	sadd.s32 $0x19200, s5;
	s8 =	sshrl.u32 s8, $0x3;
	s6 =	sadd.s32 s9, s6  }
0xa: {  	v1 =	vimm.f32 $0.0e+00;
	s8 =	sadd.s32 s9, s8;
	s5 =	sadd.s32 $0x23200, s7;
	s9 =	simm.s32 $0x400  }
0xb: {  	v2 =	vshrl.u32 v2, $0x2;
	v3 =	vmul.u32 $0x2800, v3;
	v4 =	vor.u32 $0x200, v0;
	s7 =	sadd.s32 $0x1400, s8;
	s8 =	smax.u32 s10, $0x1;
	s10 =	simm.s32 $0x1  }
.LBB2_1:
0xc: {  	[tilespmem:s9], [sflag:$0x1] =	stream.linear.gather [hbm4b:s5+s2], $0x13C00, $0x38;
	[tilespmem:$0x1E000] =	vst v63  }
0xd: {  	_ =	swait.ge [sflag:s10], $0x13C00  }
0xe: {  	[sflag:s10] =	ssyncset.done $0x0  }
0xf: {  	s14 =	simm.s32 $0x0;
	s15 =	simm.s32 $0x200;
	[sflag:s10] =	ssyncadd.s32 $0xFFFEC400  }
.LBB2_2:
0x10: {  	p0 =	sne.s32 s15, $0x27E00;
	[tilespmem:s14+$0x14070] =	vst v1  }
0x11: {  	[tilespmem:s14+$0x14000] =	vst v1  }
0x12: {  	[tilespmem:s14+$0x14010] =	vst v1  }
.Ltmp0:
0x13: {  	[tilespmem:s14+$0x14020] =	vst v1;
	(pc) =	sbr.rel @p0 .LBB2_2-.Ltmp0, $4  }
0x14: {  	[tilespmem:s14+$0x14030] =	vst v1  }
0x15: {  	[tilespmem:s14+$0x14040] =	vst v1  }
0x16: {  	[tilespmem:s14+$0x14050] =	vst v1  }
0x17: {  	[tilespmem:s14+$0x14060] =	vst v1;
	s14 =	sshra.s32 s15, $0x2;
	s15 =	sadd.s32 $0x200, s15  }
0x18: {  	[tilespmem:s14+$0x14070] =	vst v1  }
0x19: {  	[tilespmem:s14+$0x14000] =	vst v1  }
0x1a: {  	[tilespmem:s14+$0x14010] =	vst v1  }
0x1b: {  	[tilespmem:s14+$0x14020] =	vst v1  }
0x1c: {  	[tilespmem:s14+$0x14030] =	vst v1  }
0x1d: {  	[tilespmem:s14+$0x14040] =	vst v1  }
0x1e: {  	[tilespmem:s14+$0x14050] =	vst v1  }
0x1f: {  	[tilespmem:s14+$0x14060] =	vst v1;
	s14 =	simm.s32 $0x0  }
.LBB2_4:
0x20: {  	s15 =	sshll.u32 s14, $0x6  }
0x21: {  	s16 =	sadd.s32 s3, s15  }
0x22: {  	[tilespmem:s2], [sflag:$0x1] =	stream.linear.gather [hbm4b:s16+s2], $0x200, $0x38;
	[tilespmem:$0x1E000] =	vst v63  }
0x23: {  	_ =	swait.ge [sflag:s10], $0x200  }
0x24: {  	[sflag:s10] =	ssyncset.done $0x0  }
0x25: {  	s15 =	sadd.s32 s4, s15;
	[sflag:s10] =	ssyncadd.s32 $0xFFFFFE00  }
0x26: {  	[tilespmem:s11], [sflag:$0x1] =	stream.linear.gather [hbm4b:s15+s2], $0x200, $0x38;
	[tilespmem:$0x1E000] =	vst v63  }
0x27: {  	_ =	swait.ge [sflag:s10], $0x200  }
0x28: {  	[sflag:s10] =	ssyncset.done $0x0  }
0x29: {  	s15 =	simm.s32 $0x1C;
	[sflag:s10] =	ssyncadd.s32 $0xFFFFFE00  }
.LBB2_5:
0x2a: {  	s16 =	sadd.s32 $0xFFFFFFE4, s15  }
0x2b: {  	v5 =	vor.u32 s16, v2;
	_ =	sdelay $0x4  }
0x2c: {  	v6 =	vld.idx.msk [tilespmem:v5+s2+$0x0], $0xffff;
	_ =	sdelay $0x4  }
0x2d: {  	v7 =	vshll.u32 v6, $0x3  }
0x2e: {  	v6 =	vand.u32 $0x7F, v6;
	v7 =	vand.u32 $0xFFFFFC00, v7  }
0x2f: {  	v6 =	vor.u32 v7, v6  }
0x30: {  	v5 =	vld.idx.msk [tilespmem:v5+s11+$0x0], $0xffff;
	v6 =	vor.u32 v0, v6;
	_ =	sdelay $0x4  }
0x31: {  	s25 =	sadd.s32 $0xFFFFFFE8, s15;
	v5 =	vadd.s32 v3, v5;
	v6 =	vld.idx.msk [tilespmem:v6+s9+$0x0], $0xffff  }
0x32: {  	v7 =	vor.u32 s25, v2;
	_ =	sdelay $0x3  }
0x33: {  	[tilespmem:v5+s12+$0x0] =	vst.idx.add.f32.msk $0xffff, v6  }
0x34: {  	v5 =	vld.idx.msk [tilespmem:v7+s2+$0x0], $0xffff;
	_ =	sdelay $0x4  }
0x35: {  	v6 =	vshll.u32 v5, $0x3  }
0x36: {  	v5 =	vand.u32 $0x7F, v5;
	v6 =	vand.u32 $0xFFFFFC00, v6  }
0x37: {  	v5 =	vor.u32 v6, v5  }
0x38: {  	v6 =	vld.idx.msk [tilespmem:v7+s11+$0x0], $0xffff;
	v5 =	vor.u32 v0, v5;
	_ =	sdelay $0x4  }
0x39: {  	s26 =	sadd.s32 $0xFFFFFFEC, s15;
	v6 =	vadd.s32 v3, v6;
	v5 =	vld.idx.msk [tilespmem:v5+s9+$0x0], $0xffff  }
0x3a: {  	v7 =	vor.u32 s26, v2;
	_ =	sdelay $0x3  }
0x3b: {  	[tilespmem:v6+s12+$0x0] =	vst.idx.add.f32.msk $0xffff, v5  }
0x3c: {  	v5 =	vld.idx.msk [tilespmem:v7+s2+$0x0], $0xffff;
	_ =	sdelay $0x4  }
0x3d: {  	v6 =	vshll.u32 v5, $0x3  }
0x3e: {  	v5 =	vand.u32 $0x7F, v5;
	v6 =	vand.u32 $0xFFFFFC00, v6  }
0x3f: {  	v5 =	vor.u32 v6, v5  }
0x40: {  	v6 =	vld.idx.msk [tilespmem:v7+s11+$0x0], $0xffff;
	v5 =	vor.u32 v0, v5;
	_ =	sdelay $0x4  }
0x41: {  	s28 =	sadd.s32 $0xFFFFFFF0, s15;
	v6 =	vadd.s32 v3, v6;
	v5 =	vld.idx.msk [tilespmem:v5+s9+$0x0], $0xffff  }
0x42: {  	v7 =	vor.u32 s28, v2;
	_ =	sdelay $0x3  }
0x43: {  	[tilespmem:v6+s12+$0x0] =	vst.idx.add.f32.msk $0xffff, v5  }
0x44: {  	v5 =	vld.idx.msk [tilespmem:v7+s2+$0x0], $0xffff;
	_ =	sdelay $0x4  }
0x45: {  	v6 =	vshll.u32 v5, $0x3  }
0x46: {  	v5 =	vand.u32 $0x7F, v5;
	v6 =	vand.u32 $0xFFFFFC00, v6  }
0x47: {  	v5 =	vor.u32 v6, v5  }
0x48: {  	v6 =	vld.idx.msk [tilespmem:v7+s11+$0x0], $0xffff;
	v5 =	vor.u32 v0, v5;
	_ =	sdelay $0x4  }
0x49: {  	s29 =	sadd.s32 $0xFFFFFFF4, s15;
	v6 =	vadd.s32 v3, v6;
	v5 =	vld.idx.msk [tilespmem:v5+s9+$0x0], $0xffff  }
0x4a: {  	v7 =	vor.u32 s29, v2;
	_ =	sdelay $0x3  }
0x4b: {  	[tilespmem:v6+s12+$0x0] =	vst.idx.add.f32.msk $0xffff, v5  }
0x4c: {  	v5 =	vld.idx.msk [tilespmem:v7+s2+$0x0], $0xffff;
	_ =	sdelay $0x4  }
0x4d: {  	v6 =	vshll.u32 v5, $0x3  }
0x4e: {  	v5 =	vand.u32 $0x7F, v5;
	v6 =	vand.u32 $0xFFFFFC00, v6  }
0x4f: {  	v5 =	vor.u32 v6, v5  }
0x50: {  	v6 =	vld.idx.msk [tilespmem:v7+s11+$0x0], $0xffff;
	v5 =	vor.u32 v0, v5;
	_ =	sdelay $0x4  }
0x51: {  	s30 =	sadd.s32 $0xFFFFFFF8, s15;
	v6 =	vadd.s32 v3, v6;
	v5 =	vld.idx.msk [tilespmem:v5+s9+$0x0], $0xffff  }
0x52: {  	v7 =	vor.u32 s30, v2;
	_ =	sdelay $0x3  }
0x53: {  	[tilespmem:v6+s12+$0x0] =	vst.idx.add.f32.msk $0xffff, v5  }
0x54: {  	v5 =	vld.idx.msk [tilespmem:v7+s2+$0x0], $0xffff;
	_ =	sdelay $0x4  }
0x55: {  	v6 =	vshll.u32 v5, $0x3  }
0x56: {  	v5 =	vand.u32 $0x7F, v5;
	v6 =	vand.u32 $0xFFFFFC00, v6  }
0x57: {  	v5 =	vor.u32 v6, v5  }
0x58: {  	v6 =	vld.idx.msk [tilespmem:v7+s11+$0x0], $0xffff;
	v5 =	vor.u32 v0, v5;
	_ =	sdelay $0x4  }
0x59: {  	s31 =	sadd.s32 $0xFFFFFFFC, s15;
	v6 =	vadd.s32 v3, v6;
	v5 =	vld.idx.msk [tilespmem:v5+s9+$0x0], $0xffff  }
0x5a: {  	v7 =	vor.u32 s31, v2;
	_ =	sdelay $0x3  }
0x5b: {  	[tilespmem:v6+s12+$0x0] =	vst.idx.add.f32.msk $0xffff, v5  }
0x5c: {  	v5 =	vld.idx.msk [tilespmem:v7+s2+$0x0], $0xffff;
	_ =	sdelay $0x4  }
0x5d: {  	v6 =	vshll.u32 v5, $0x3  }
0x5e: {  	v5 =	vand.u32 $0x7F, v5;
	v6 =	vand.u32 $0xFFFFFC00, v6  }
0x5f: {  	v5 =	vor.u32 v6, v5  }
0x60: {  	v6 =	vld.idx.msk [tilespmem:v7+s11+$0x0], $0xffff;
	v5 =	vor.u32 v0, v5;
	_ =	sdelay $0x4  }
0x61: {  	v6 =	vadd.s32 v3, v6;
	v5 =	vld.idx.msk [tilespmem:v5+s9+$0x0], $0xffff  }
0x62: {  	v7 =	vor.u32 s15, v2;
	_ =	sdelay $0x3  }
0x63: {  	[tilespmem:v6+s12+$0x0] =	vst.idx.add.f32.msk $0xffff, v5  }
0x64: {  	v5 =	vld.idx.msk [tilespmem:v7+s2+$0x0], $0xffff;
	_ =	sdelay $0x4  }
0x65: {  	v6 =	vshll.u32 v5, $0x3  }
0x66: {  	v5 =	vand.u32 $0x7F, v5;
	v6 =	vand.u32 $0xFFFFFC00, v6  }
0x67: {  	v5 =	vor.u32 v6, v5  }
0x68: {  	v6 =	vld.idx.msk [tilespmem:v7+s11+$0x0], $0xffff;
	v5 =	vor.u32 v0, v5;
	_ =	sdelay $0x4  }
0x69: {  	p0 =	sne.s32 s15, $0x1FC;
	v6 =	vadd.s32 v3, v6;
	v5 =	vld.idx.msk [tilespmem:v5+s9+$0x0], $0xffff  }
.Ltmp1:
0x6a: {  	_ = 	snop;
	(pc) =	sbr.rel @p0 .LBB2_5-.Ltmp1, $2  }
0x6b: {  	_ =	sdelay $0x2  }
0x6c: {  	s15 =	sadd.s32 $0x20, s15;
	[tilespmem:v6+s12+$0x0] =	vst.idx.add.f32.msk $0xffff, v5  }
0x6d: {  	s14 =	sadd.s32 $0x1, s14  }
0x6e: {  	p0 =	sne.s32 s14, $0x280  }
.Ltmp2:
0x6f: {  	_ = 	snop;
	(pc) =	sbr.rel @p0 .LBB2_4-.Ltmp2, $1  }
0x70: {  	_ =	sdelay $0x3  }
0x71: {  	s14 =	simm.s32 $0x0  }
0x72: {  	[hbm4b:s6+s14] =	stream.linear.scatter [tilespmem:s12], [sflag:$0x1], $0xA000, $0x38;
	[tilespmem:$0x1E000] =	vst v63  }
0x73: {  	_ =	swait.ge [sflag:s10], $0xA000  }
0x74: {  	[sflag:s10] =	ssyncset.done $0x0  }
0x75: {  	s15 =	simm.s32 $0x0;
	s16 =	simm.s32 $0x200;
	[sflag:s10] =	ssyncadd.s32 $0xFFFF6000  }
.LBB2_8:
0x76: {  	p0 =	sne.s32 s16, $0x27E00;
	[tilespmem:s15+$0x14070] =	vst v1  }
0x77: {  	[tilespmem:s15+$0x14000] =	vst v1  }
0x78: {  	[tilespmem:s15+$0x14010] =	vst v1  }
.Ltmp3:
0x79: {  	[tilespmem:s15+$0x14020] =	vst v1;
	(pc) =	sbr.rel @p0 .LBB2_8-.Ltmp3, $4  }
0x7a: {  	[tilespmem:s15+$0x14030] =	vst v1  }
0x7b: {  	[tilespmem:s15+$0x14040] =	vst v1  }
0x7c: {  	[tilespmem:s15+$0x14050] =	vst v1  }
0x7d: {  	[tilespmem:s15+$0x14060] =	vst v1;
	s15 =	sshra.s32 s16, $0x2;
	s16 =	sadd.s32 $0x200, s16  }
0x7e: {  	[tilespmem:s15+$0x14070] =	vst v1  }
0x7f: {  	[tilespmem:s15+$0x14000] =	vst v1  }
0x80: {  	[tilespmem:s15+$0x14010] =	vst v1  }
0x81: {  	[tilespmem:s15+$0x14020] =	vst v1  }
0x82: {  	[tilespmem:s15+$0x14030] =	vst v1  }
0x83: {  	[tilespmem:s15+$0x14040] =	vst v1  }
0x84: {  	[tilespmem:s15+$0x14050] =	vst v1  }
0x85: {  	[tilespmem:s15+$0x14060] =	vst v1  }
.LBB2_10:
0x86: {  	s15 =	sshll.u32 s14, $0x6  }
0x87: {  	s16 =	sadd.s32 s3, s15  }
0x88: {  	[tilespmem:s2], [sflag:$0x1] =	stream.linear.gather [hbm4b:s16+s2], $0x200, $0x38;
	[tilespmem:$0x1E000] =	vst v63  }
0x89: {  	_ =	swait.ge [sflag:s10], $0x200  }
0x8a: {  	[sflag:s10] =	ssyncset.done $0x0  }
0x8b: {  	s15 =	sadd.s32 s4, s15;
	[sflag:s10] =	ssyncadd.s32 $0xFFFFFE00  }
0x8c: {  	[tilespmem:s11], [sflag:$0x1] =	stream.linear.gather [hbm4b:s15+s2], $0x200, $0x38;
	[tilespmem:$0x1E000] =	vst v63  }
0x8d: {  	_ =	swait.ge [sflag:s10], $0x200  }
0x8e: {  	[sflag:s10] =	ssyncset.done $0x0  }
0x8f: {  	s15 =	simm.s32 $0x1C;
	[sflag:s10] =	ssyncadd.s32 $0xFFFFFE00  }
.LBB2_11:
0x90: {  	s16 =	sadd.s32 $0xFFFFFFE4, s15  }
0x91: {  	v5 =	vor.u32 s16, v2;
	_ =	sdelay $0x4  }
0x92: {  	v6 =	vld.idx.msk [tilespmem:v5+s2+$0x0], $0xffff;
	_ =	sdelay $0x4  }
0x93: {  	v7 =	vshll.u32 v6, $0x3  }
0x94: {  	v6 =	vand.u32 $0x7F, v6;
	v7 =	vand.u32 $0xFFFFFC00, v7  }
0x95: {  	v6 =	vor.u32 v7, v6  }
0x96: {  	v5 =	vld.idx.msk [tilespmem:v5+s11+$0x0], $0xffff;
	v6 =	vor.u32 v4, v6;
	_ =	sdelay $0x4  }
0x97: {  	s25 =	sadd.s32 $0xFFFFFFE8, s15;
	v5 =	vadd.s32 v3, v5;
	v6 =	vld.idx.msk [tilespmem:v6+s9+$0x0], $0xffff  }
0x98: {  	v7 =	vor.u32 s25, v2;
	_ =	sdelay $0x3  }
0x99: {  	[tilespmem:v5+s12+$0x0] =	vst.idx.add.f32.msk $0xffff, v6  }
0x9a: {  	v5 =	vld.idx.msk [tilespmem:v7+s2+$0x0], $0xffff;
	_ =	sdelay $0x4  }
0x9b: {  	v6 =	vshll.u32 v5, $0x3  }
0x9c: {  	v5 =	vand.u32 $0x7F, v5;
	v6 =	vand.u32 $0xFFFFFC00, v6  }
0x9d: {  	v5 =	vor.u32 v6, v5  }
0x9e: {  	v6 =	vld.idx.msk [tilespmem:v7+s11+$0x0], $0xffff;
	v5 =	vor.u32 v4, v5;
	_ =	sdelay $0x4  }
0x9f: {  	s26 =	sadd.s32 $0xFFFFFFEC, s15;
	v6 =	vadd.s32 v3, v6;
	v5 =	vld.idx.msk [tilespmem:v5+s9+$0x0], $0xffff  }
0xa0: {  	v7 =	vor.u32 s26, v2;
	_ =	sdelay $0x3  }
0xa1: {  	[tilespmem:v6+s12+$0x0] =	vst.idx.add.f32.msk $0xffff, v5  }
0xa2: {  	v5 =	vld.idx.msk [tilespmem:v7+s2+$0x0], $0xffff;
	_ =	sdelay $0x4  }
0xa3: {  	v6 =	vshll.u32 v5, $0x3  }
0xa4: {  	v5 =	vand.u32 $0x7F, v5;
	v6 =	vand.u32 $0xFFFFFC00, v6  }
0xa5: {  	v5 =	vor.u32 v6, v5  }
0xa6: {  	v6 =	vld.idx.msk [tilespmem:v7+s11+$0x0], $0xffff;
	v5 =	vor.u32 v4, v5;
	_ =	sdelay $0x4  }
0xa7: {  	s28 =	sadd.s32 $0xFFFFFFF0, s15;
	v6 =	vadd.s32 v3, v6;
	v5 =	vld.idx.msk [tilespmem:v5+s9+$0x0], $0xffff  }
0xa8: {  	v7 =	vor.u32 s28, v2;
	_ =	sdelay $0x3  }
0xa9: {  	[tilespmem:v6+s12+$0x0] =	vst.idx.add.f32.msk $0xffff, v5  }
0xaa: {  	v5 =	vld.idx.msk [tilespmem:v7+s2+$0x0], $0xffff;
	_ =	sdelay $0x4  }
0xab: {  	v6 =	vshll.u32 v5, $0x3  }
0xac: {  	v5 =	vand.u32 $0x7F, v5;
	v6 =	vand.u32 $0xFFFFFC00, v6  }
0xad: {  	v5 =	vor.u32 v6, v5  }
0xae: {  	v6 =	vld.idx.msk [tilespmem:v7+s11+$0x0], $0xffff;
	v5 =	vor.u32 v4, v5;
	_ =	sdelay $0x4  }
0xaf: {  	s29 =	sadd.s32 $0xFFFFFFF4, s15;
	v6 =	vadd.s32 v3, v6;
	v5 =	vld.idx.msk [tilespmem:v5+s9+$0x0], $0xffff  }
0xb0: {  	v7 =	vor.u32 s29, v2;
	_ =	sdelay $0x3  }
0xb1: {  	[tilespmem:v6+s12+$0x0] =	vst.idx.add.f32.msk $0xffff, v5  }
0xb2: {  	v5 =	vld.idx.msk [tilespmem:v7+s2+$0x0], $0xffff;
	_ =	sdelay $0x4  }
0xb3: {  	v6 =	vshll.u32 v5, $0x3  }
0xb4: {  	v5 =	vand.u32 $0x7F, v5;
	v6 =	vand.u32 $0xFFFFFC00, v6  }
0xb5: {  	v5 =	vor.u32 v6, v5  }
0xb6: {  	v6 =	vld.idx.msk [tilespmem:v7+s11+$0x0], $0xffff;
	v5 =	vor.u32 v4, v5;
	_ =	sdelay $0x4  }
0xb7: {  	s30 =	sadd.s32 $0xFFFFFFF8, s15;
	v6 =	vadd.s32 v3, v6;
	v5 =	vld.idx.msk [tilespmem:v5+s9+$0x0], $0xffff  }
0xb8: {  	v7 =	vor.u32 s30, v2;
	_ =	sdelay $0x3  }
0xb9: {  	[tilespmem:v6+s12+$0x0] =	vst.idx.add.f32.msk $0xffff, v5  }
0xba: {  	v5 =	vld.idx.msk [tilespmem:v7+s2+$0x0], $0xffff;
	_ =	sdelay $0x4  }
0xbb: {  	v6 =	vshll.u32 v5, $0x3  }
0xbc: {  	v5 =	vand.u32 $0x7F, v5;
	v6 =	vand.u32 $0xFFFFFC00, v6  }
0xbd: {  	v5 =	vor.u32 v6, v5  }
0xbe: {  	v6 =	vld.idx.msk [tilespmem:v7+s11+$0x0], $0xffff;
	v5 =	vor.u32 v4, v5;
	_ =	sdelay $0x4  }
0xbf: {  	s31 =	sadd.s32 $0xFFFFFFFC, s15;
	v6 =	vadd.s32 v3, v6;
	v5 =	vld.idx.msk [tilespmem:v5+s9+$0x0], $0xffff  }
0xc0: {  	v7 =	vor.u32 s31, v2;
	_ =	sdelay $0x3  }
0xc1: {  	[tilespmem:v6+s12+$0x0] =	vst.idx.add.f32.msk $0xffff, v5  }
0xc2: {  	v5 =	vld.idx.msk [tilespmem:v7+s2+$0x0], $0xffff;
	_ =	sdelay $0x4  }
0xc3: {  	v6 =	vshll.u32 v5, $0x3  }
0xc4: {  	v5 =	vand.u32 $0x7F, v5;
	v6 =	vand.u32 $0xFFFFFC00, v6  }
0xc5: {  	v5 =	vor.u32 v6, v5  }
0xc6: {  	v6 =	vld.idx.msk [tilespmem:v7+s11+$0x0], $0xffff;
	v5 =	vor.u32 v4, v5;
	_ =	sdelay $0x4  }
0xc7: {  	v6 =	vadd.s32 v3, v6;
	v5 =	vld.idx.msk [tilespmem:v5+s9+$0x0], $0xffff  }
0xc8: {  	v7 =	vor.u32 s15, v2;
	_ =	sdelay $0x3  }
0xc9: {  	[tilespmem:v6+s12+$0x0] =	vst.idx.add.f32.msk $0xffff, v5  }
0xca: {  	v5 =	vld.idx.msk [tilespmem:v7+s2+$0x0], $0xffff;
	_ =	sdelay $0x4  }
0xcb: {  	v6 =	vshll.u32 v5, $0x3  }
0xcc: {  	v5 =	vand.u32 $0x7F, v5;
	v6 =	vand.u32 $0xFFFFFC00, v6  }
0xcd: {  	v5 =	vor.u32 v6, v5  }
0xce: {  	v6 =	vld.idx.msk [tilespmem:v7+s11+$0x0], $0xffff;
	v5 =	vor.u32 v4, v5;
	_ =	sdelay $0x4  }
0xcf: {  	p0 =	sne.s32 s15, $0x1FC;
	v6 =	vadd.s32 v3, v6;
	v5 =	vld.idx.msk [tilespmem:v5+s9+$0x0], $0xffff  }
.Ltmp4:
0xd0: {  	_ = 	snop;
	(pc) =	sbr.rel @p0 .LBB2_11-.Ltmp4, $2  }
0xd1: {  	_ =	sdelay $0x2  }
0xd2: {  	s15 =	sadd.s32 $0x20, s15;
	[tilespmem:v6+s12+$0x0] =	vst.idx.add.f32.msk $0xffff, v5  }
0xd3: {  	s14 =	sadd.s32 $0x1, s14  }
0xd4: {  	p0 =	sne.s32 s14, $0x280  }
.Ltmp5:
0xd5: {  	_ = 	snop;
	(pc) =	sbr.rel @p0 .LBB2_10-.Ltmp5, $1  }
0xd6: {  	_ =	sdelay $0x3  }
0xd7: {  	s13 =	sadd.s32 $0x1, s13  }
0xd8: {  	p0 =	sne.s32 s13, s8  }
.Ltmp6:
0xd9: {  	_ = 	snop;
	(pc) =	sbr.rel @p0 .LBB2_1-.Ltmp6, $4  }
0xda: {  	[hbm4b:s7+s2] =	stream.linear.scatter [tilespmem:s12], [sflag:$0x1], $0xA000, $0x38;
	[tilespmem:$0x1E000] =	vst v63  }
0xdb: {  	_ =	swait.ge [sflag:s10], $0xA000  }
0xdc: {  	[sflag:s10] =	ssyncset.done $0x0  }
0xdd: {  	[sflag:s10] =	ssyncadd.s32 $0xFFFF6000  }
0xde: {  	_ =	sfence.sel $0x180000  }
0xdf: {  	[bflag:$0x0] =	sbarrier.arrive $0xFFFF  }
0xe0: {  	p0 =	sne.s32 s0, $0x0;
	_ =	strace $0x9000004A  }
0xe1: {  	s0 =	sadd.s32 @!p0 $0x100000, s1;
	[bflag:$0x2] =	sbarrier.arrive $0xFFFF  }
0xe2: {  	[sflag:s0] =	ssyncadd.tile.s32 @!p0 $0x1;
	_ =	shalt  }
.Lfunc_end2:
_tile_overlayer_lowered:
.L_overlay_start_2:
0xe3: {  	(tag) =	ssettag $0x2  }
0xe4: {  	s0 =	rddreg [dreg:$0x0];
	s2 =	stileid.u32  }
0xe5: {  	s1 =	rddreg [dreg:$0x1];
	p0 =	sne.s32 s2, $0x0  }
0xe6: {  	s3 =	rddreg [dreg:$0x2];
	[bflag:$0x3] =	sbarrier.arrive $0xFFFF;
	s2 =	simm.s32 @!p0 $0x1C01  }
0xe7: {  	[timem:s3], [sflag:s2] =	dma.local @!p0 [hbm:s0], s1  }
0xe8: {  	s0 =	simm.s32 @!p0 $0x1  }
0xe9: {  	_ =	swait.ge @!p0 [sflag:s0], s1  }
0xea: {  	s1 =	ssub.s32 @!p0 $0x0, s1;
	[sflag:s0] =	ssyncset.done @!p0 $0x0  }
0xeb: {  	[sflag:s0] =	ssyncadd.s32 @!p0 s1  }
0xec: {  	[bflag:$0x3] =	sbarrier.arrive $0xFFFF  }
0xed: {  	_ =	shalt  }

// kernel: kernel.21.cloned.1.call-start
scs
__scs_entry_jumppad:
0x0: {  	(pc) =	sbr.rel $0x88, $3  }
0x1: {  	(tag) =	ssettag $0x0;
	lr =	simm.s32 $0x1  }
0x2: {  	[smem:$0x3F80] =	sst lr;
	_ =	strace $0xD0000000  }
0x3: {  	_ = 	snop  }
0x4: {  	_ = 	snop  }
0x5: {  	_ = 	snop  }
0x6: {  	_ = 	snop  }
0x7: {  	_ = 	snop  }
__scs_overlays_trampoline_lowered:
0x8: {  	[smem:$0x3F8F] =	sst s0  }
0x9: {  	[smem:$0x3F90] =	sst s1  }
0xa: {  	[smem:$0x3F91] =	sst s2  }
0xb: {  	[smem:$0x3F92] =	sst s3  }
0xc: {  	[smem:$0x3F93] =	sst s4  }
0xd: {  	[smem:$0x3F94] =	sst s5  }
0xe: {  	[smem:$0x3F95] =	sst s6  }
0xf: {  	[smem:$0x3F96] =	sst s7  }
0x10: {  	[smem:$0x3F97] =	sst s8  }
0x11: {  	[smem:$0x3F98] =	sst s9;
	s0 =	simm.s32 @!p0 $0x0  }
0x12: {  	s1 =	sld [smem:$0x3F7E];
	s0 =	simm.s32 @p0 $0x1  }
0x13: {  	[smem:$0x3F99] =	sst s0;
	s0 =	simm.s32 @!p1 $0x0  }
0x14: {  	s2 =	sld [smem:$0x3F7D];
	s0 =	simm.s32 @p1 $0x1  }
0x15: {  	[smem:$0x3F9A] =	sst s0;
	s0 =	simm.s32 @!p2 $0x0  }
0x16: {  	s3 =	sld [smem:$0x3FDB];
	s0 =	simm.s32 @p2 $0x1  }
0x17: {  	s4 =	simm.s32 $0x1BF5;
	[smem:$0x3F9C] =	sst s0  }
0x18: {  	s0 =	sld [smem:$0x3F7F];
	_ =	swait.ge [sflag:s4], $0x0  }
0x19: {  	s7 =	sld [smem:$0x3F80]  }
0x1a: {  	s8 =	sadd.s32 $0xFFFFE003, lr  }
0x1b: {  	s9 =	sadd.s32 $0xFFFFFEF7, lr;
	s5 =	simm.s32 $0xFFFFFFFF;
	p2 =	slt.u32 s8, $0xFFFFF086  }
0x1c: {  	p1 =	slt.u32 s9, $0xF7A;
	s5 =	simm.s32 @!p2 $0x0  }
0x1d: {  	s5 =	simm.s32 @p1 $0x1;
	p0 =	seq.s32 s7, s2  }
0x1e: {  	s7 =	smul.u32 @!p0 $0xF7A, s2;
	p2 =	seq.s32 @!p0 s5, $0x0  }
0x1f: {  	s9 =	smul.u32 $0xF7A, s1;
	s8 =	simm.s32 @!p0 $0x1BF5;
	p2 =	por !p2, p0  }
0x20: {  	[sflag:s8] =	ssyncset.s32 @!p0 $0xFFFFF086;
	s6 =	sadd.s32 @!p0 s3, s7;
	s7 =	simm.s32 @!p0 $0x108  }
0x21: {  	s3 =	sadd.s32 s3, s9;
	s6 =	sadd.s32 @!p0 $0x88, s6;
	s7 =	simm.s32 @p2 $0x1082  }
0x22: {  	[simem:s7], [sflag:s8] =	dma.local @!p0 [hbm:s6], $0xF7A  }
0x23: {  	s9 =	sor.u32 $0xD0000000, s2;
	s6 =	simm.s32 $0x108;
	_ =	swait.ge @!p0 [sflag:s8], $0x0  }
0x24: {  	s3 =	sadd.s32 $0x88, s3;
	s6 =	simm.s32 @!p1 $0x1082;
	[sflag:s4] =	ssyncset.s32 $0xFFFFF086  }
0x25: {  	[simem:s6], [sflag:s4] =	dma.local [hbm:s3], $0xF7A  }
0x26: {  	[smem:$0x3F80] =	sst s1;
	(tag) =	ssettag s2;
	_ =	strace s9  }
0x27: {  	s1 =	sld [smem:$0x3F90]  }
0x28: {  	s2 =	sld [smem:$0x3F91]  }
0x29: {  	s4 =	sld [smem:$0x3F93]  }
0x2a: {  	p0 =	seq.s32 s5, $0x0;
	s5 =	sld [smem:$0x3F94]  }
0x2b: {  	s6 =	sld [smem:$0x3F95]  }
0x2c: {  	s7 =	sld [smem:$0x3F96]  }
0x2d: {  	s3 =	simm.s32 $0x108;
	s8 =	sld [smem:$0x3F97]  }
0x2e: {  	s3 =	simm.s32 @!p0 $0x1082;
	s9 =	sld [smem:$0x3F98]  }
0x2f: {  	lr =	sadd.s32 s0, s3;
	s0 =	sld [smem:$0x3F8F]  }
0x30: {  	s3 =	sld [smem:$0x3F92]  }
0x31: {  	[smem:$0x3F9B] =	sst s10  }
0x32: {  	s10 =	sld [smem:$0x3F99];
	_ =	sdelay $0x3  }
0x33: {  	p0 =	seq.s32 s10, $0x1;
	s10 =	sld [smem:$0x3F9B];
	_ =	sdelay $0x3  }
0x34: {  	[smem:$0x3F9B] =	sst s10  }
0x35: {  	s10 =	sld [smem:$0x3F9A];
	_ =	sdelay $0x3  }
0x36: {  	p1 =	seq.s32 s10, $0x1;
	s10 =	sld [smem:$0x3F9B];
	_ =	sdelay $0x3  }
0x37: {  	[smem:$0x3F9B] =	sst s10  }
0x38: {  	s10 =	sld [smem:$0x3F9C]  }
0x39: {  	_ = 	snop;
	(pc) =	sbr.ind lr, $3  }
0x3a: {  	_ = 	snop  }
0x3b: {  	_ = 	snop  }
0x3c: {  	p2 =	seq.s32 s10, $0x1;
	s10 =	sld [smem:$0x3F9B]  }
0x3d: {  	_ =	shalt  }
0x3e: {  	_ =	shalt  }
0x3f: {  	_ =	shalt  }
0x40: {  	_ =	shalt  }
0x41: {  	_ =	shalt  }
0x42: {  	_ =	shalt  }
0x43: {  	_ =	shalt  }
0x44: {  	_ =	shalt  }
0x45: {  	_ =	shalt  }
0x46: {  	_ =	shalt  }
0x47: {  	_ =	shalt  }
0x48: {  	_ =	shalt  }
0x49: {  	_ =	shalt  }
0x4a: {  	_ =	shalt  }
0x4b: {  	_ =	shalt  }
0x4c: {  	_ =	shalt  }
0x4d: {  	_ =	shalt  }
0x4e: {  	_ =	shalt  }
0x4f: {  	_ =	shalt  }
0x50: {  	_ =	shalt  }
0x51: {  	_ =	shalt  }
0x52: {  	_ =	shalt  }
0x53: {  	_ =	shalt  }
0x54: {  	_ =	shalt  }
0x55: {  	_ =	shalt  }
0x56: {  	_ =	shalt  }
0x57: {  	_ =	shalt  }
0x58: {  	_ =	shalt  }
0x59: {  	_ =	shalt  }
0x5a: {  	_ =	shalt  }
0x5b: {  	_ =	shalt  }
0x5c: {  	_ =	shalt  }
0x5d: {  	_ =	shalt  }
0x5e: {  	_ =	shalt  }
0x5f: {  	_ =	shalt  }
0x60: {  	_ =	shalt  }
0x61: {  	_ =	shalt  }
0x62: {  	_ =	shalt  }
0x63: {  	_ =	shalt  }
0x64: {  	_ =	shalt  }
0x65: {  	_ =	shalt  }
0x66: {  	_ =	shalt  }
0x67: {  	_ =	shalt  }
0x68: {  	_ =	shalt  }
0x69: {  	_ =	shalt  }
0x6a: {  	_ =	shalt  }
0x6b: {  	_ =	shalt  }
0x6c: {  	_ =	shalt  }
0x6d: {  	_ =	shalt  }
0x6e: {  	_ =	shalt  }
0x6f: {  	_ =	shalt  }
0x70: {  	_ =	shalt  }
0x71: {  	_ =	shalt  }
0x72: {  	_ =	shalt  }
0x73: {  	_ =	shalt  }
0x74: {  	_ =	shalt  }
0x75: {  	_ =	shalt  }
0x76: {  	_ =	shalt  }
0x77: {  	_ =	shalt  }
0x78: {  	_ =	shalt  }
0x79: {  	_ =	shalt  }
0x7a: {  	_ =	shalt  }
0x7b: {  	_ =	shalt  }
0x7c: {  	_ =	shalt  }
0x7d: {  	_ =	shalt  }
0x7e: {  	_ =	shalt  }
0x7f: {  	_ =	shalt  }
0x80: {  	_ =	shalt  }
0x81: {  	_ =	shalt  }
0x82: {  	_ =	shalt  }
0x83: {  	_ =	shalt  }
0x84: {  	_ =	shalt  }
0x85: {  	_ =	shalt  }
0x86: {  	_ =	shalt  }
0x87: {  	_ =	shalt  }
.Lfunc_end0:
.L_simem_size_0:
called_computation.2_lowered:
.L_overlay_start_0:
0x88: {  	s2 =	sld [smem:$0x3FD9]  }
0x89: {  	s3 =	sld [smem:$0x3FFE];
	_ =	sdelay $0x1  }
0x8a: {  	s1 =	srdreg.scid  }
0x8b: {  	s0 =	sand.u32 $0x1, s1  }
0x8c: {  	s16 =	sshll.u32 s0, $0xA;
	s2 =	sadd.s32 s3, s2  }
0x8d: {  	s2 =	sadd.s32 s2, s16  }
0x8e: {  	[smem:$0x3FA7] =	sst s2  }
0x8f: {  	_ = 	snop  }
0x90: {  	(tm) =	ssettm $0x1  }
0x91: {  	s17 =	sld [smem:$0x3FFB];
	_ =	sdelay $0x3  }
0x92: {  	_ =	strace s17  }
0x93: {  	s2 =	sld [smem:$0x3FFC];
	_ =	sdelay $0x3  }
0x94: {  	_ =	strace s2  }
0x95: {  	s2 =	sld [smem:$0x3FFD];
	_ =	sdelay $0x3  }
0x96: {  	_ =	strace s2  }
0x97: {  	_ =	strace $0x8FFFFFFF  }
0x98: {  	s18 =	sld [smem:$0x3FDB];
	_ =	sdelay $0x1  }
0x99: {  	s19 =	simm.s32 $_scs_section_size  }
0x9a: {  	s4 =	simm.s32 $_size__tile_overlayer_lowered;
	s5 =	simm.s32 $_tile_overlayer_lowered  }
0x9b: {  	s22 =	simm.s32 $0x1BFF;
	s21 =	sshll.u32 s5, $0x1;
	s2 =	sadd.s32 s19, s18  }
0x9c: {  	s6 =	simm.s32 $0x0;
	s20 =	sshll.u32 s4, $0x1;
	s4 =	sadd.s32 s21, s2  }
0x9d: {  	[timem:s6], [sflag:s22] =	dma.local [hbm:s4], s20  }
0x9e: {  	_ =	swait.ge [sflag:s22], s20  }
0x9f: {  	s3 =	ssub.s32 $0x0, s20;
	[sflag:s22] =	ssyncset.done $0x0  }
0xa0: {  	[sflag:s22] =	ssyncadd.s32 s3;
	_ =	sdelay $0x1  }
0xa1: {  	s23 =	simm.s32 $0x1B8B  }
0xa2: {  	_ =	swait.ge [sflag:s23], $0x1  }
0xa3: {  	[sflag:s23] =	ssyncset.done $0x0  }
0xa4: {  	s25 =	simm.s32 $0x1B8E;
	s24 =	sld [smem:$0x3FFE];
	[sflag:s23] =	ssyncadd.s32 $0xFFFFFFFF  }
0xa5: {  	s26 =	simm.s32 $execute0_lowered;
	[smem:$0x3FD2] =	sst s25  }
0xa6: {  	s4 =	sshll.u32 s26, $0x1;
	_ =	strace $0x8000004C;
	[dreg:$0x1] =	wrdreg $0xFFFFFFFF  }
0xa7: {  	s28 =	simm.s32 $_size_execute0_lowered;
	s2 =	sadd.s32 s2, s4;
	[dreg:$0x0] =	wrdreg $0x0  }
0xa8: {  	s4 =	sshll.u32 s28, $0x1;
	[dreg:$0x2] =	wrdreg s2  }
0xa9: {  	[dreg:$0x3] =	wrdreg s4  }
0xaa: {  	[dreg:$0x4] =	wrdreg $0xC0  }
0xab: {  	_ =	task [dreg:s6], $0x5FFFF  }
0xac: {  	[dreg:$0x1] =	wrdreg $0xFFFFFFFF  }
0xad: {  	[dreg:$0x0] =	wrdreg $0x60  }
0xae: {  	[dreg:$0x2] =	wrdreg s24  }
0xaf: {  	[dreg:$0x3] =	wrdreg $0x9  }
0xb0: {  	_ =	task.clear_ibuf [dreg:s6], $0x4FFFF;
	_ =	strace $0x9000004C  }
0xb1: {  	s29 =	simm.s32 $0x9;
	_ =	strace $0x8000004E  }
0xb2: {  	_ =	swait.ge [sflag:s29], $0x1  }
0xb3: {  	[sflag:s29] =	ssyncadd.s32 $0xFFFFFFFF  }
0xb4: {  	_ =	strace $0x9000004E  }
0xb5: {  	_ =	sfence  }
0xb6: {  	s30 =	sld [smem:$0x0];
	_ =	sdelay $0x2  }
0xb7: {  	s31 =	sshll.u32 s1, $0xD;
	s1 =	sshrl.u32 s1, $0x2  }
0xb8: {  	s3 =	sand.u32 $0x4000, s31;
	s1 =	sadd.s32 s1, s30  }
0xb9: {  	s0 =	sor.u32 s3, s0;
	s1 =	sshll.u32 s1, $0x11  }
0xba: {  	s0 =	sor.u32 s1, s0  }
0xbb: {  	s0 =	sadd.s32 $0x8F2B, s0  }
0xbc: {  	[sflag:s0] =	ssyncadd.remote.s32 $0x1  }
0xbd: {  	_ =	sfence.sel $0xFFFF  }
0xbe: {  	[dreg:$0x0] =	wrdreg $0xFFFFFFFF;
	(pc) =	sbr.abs _section_cstart, $3  }
0xbf: {  	[dreg:$0x1] =	wrdreg $0xFFFFFFFF  }
0xc0: {  	_ =	task.clear_ibuf [dreg:s6], $0x2FFFF;
	_ =	strace $0x9FFFFFFF  }
0xc1: {  	(tm) =	ssettm $0x7FFFFFFF  }
tec
execute0_lowered:
.L_overlay_start_1:
0x0: {  	(tag) =	ssettag $0x1  }
0x1: {  	s0 =	srdreg.scid  }
0x2: {  	s5 =	rddreg [dreg:$0x0];
	s2 =	simm.s32 $0x0;
	s4 =	sand.u32 $0x1, s0  }
0x3: {  	s12 =	simm.s32 $0x14000;
	s0 =	stileid.u32;
	s1 =	sshll.u32 s4, $0x4  }
0x4: {  	s13 =	simm.s32 $0x0;
	[smem:$0x7FF] =	sst s2;
	s6 =	sor.u32 s0, s1  }
0x5: {  	s9 =	sadd.s32 $0x72200, s5;
	s10 =	ssub.s32 $0x2, s4;
	s3 =	smul.u32 $0x2780, s6  }
0x6: {  	s4 =	sadd.s32 $0x5200, s5;
	s1 =	rddreg [dreg:$0x1];
	s8 =	smul.u32 $0x14000, s6  }
0x7: {  	v2 =	vlaneseq.u32;
	_ =	strace $0x8000004D;
	s11 =	sshrl.u32 s10, $0x1;
	s6 =	smul.u32 $0x2800, s6  }
0x8: {  	v3 =	vand.u32 $0x3, v2;
	s10 =	ssub.s32 s10, s11;
	s11 =	simm.s32 $0x200;
	s7 =	sadd.s32 s3, s5  }
0x9: {  	v0 =	vmul.u32 $0x80, v3;
	s3 =	sadd.s32 $0x19200, s5;
	s8 =	sshrl.u32 s8, $0x3;
	s6 =	sadd.s32 s9, s6  }
0xa: {  	v1 =	vimm.f32 $0.0e+00;
	s8 =	sadd.s32 s9, s8;
	s5 =	sadd.s32 $0x23200, s7;
	s9 =	simm.s32 $0x400  }
0xb: {  	v2 =	vshrl.u32 v2, $0x2;
	v3 =	vmul.u32 $0x2800, v3;
	v4 =	vor.u32 $0x200, v0;
	s7 =	sadd.s32 $0x1400, s8;
	s8 =	smax.u32 s10, $0x1;
	s10 =	simm.s32 $0x1  }
.LBB2_1:
0xc: {  	[tilespmem:s9], [sflag:$0x1] =	stream.linear.gather [hbm4b:s5+s2], $0x13C00, $0x38;
	[tilespmem:$0x1E000] =	vst v63  }
0xd: {  	_ =	swait.ge [sflag:s10], $0x13C00  }
0xe: {  	[sflag:s10] =	ssyncset.done $0x0  }
0xf: {  	s14 =	simm.s32 $0x0;
	s15 =	simm.s32 $0x200;
	[sflag:s10] =	ssyncadd.s32 $0xFFFEC400  }
.LBB2_2:
0x10: {  	p0 =	sne.s32 s15, $0x27E00;
	[tilespmem:s14+$0x14070] =	vst v1  }
0x11: {  	[tilespmem:s14+$0x14000] =	vst v1  }
0x12: {  	[tilespmem:s14+$0x14010] =	vst v1  }
.Ltmp0:
0x13: {  	[tilespmem:s14+$0x14020] =	vst v1;
	(pc) =	sbr.rel @p0 .LBB2_2-.Ltmp0, $4  }
0x14: {  	[tilespmem:s14+$0x14030] =	vst v1  }
0x15: {  	[tilespmem:s14+$0x14040] =	vst v1  }
0x16: {  	[tilespmem:s14+$0x14050] =	vst v1  }
0x17: {  	[tilespmem:s14+$0x14060] =	vst v1;
	s14 =	sshra.s32 s15, $0x2;
	s15 =	sadd.s32 $0x200, s15  }
0x18: {  	[tilespmem:s14+$0x14070] =	vst v1  }
0x19: {  	[tilespmem:s14+$0x14000] =	vst v1  }
0x1a: {  	[tilespmem:s14+$0x14010] =	vst v1  }
0x1b: {  	[tilespmem:s14+$0x14020] =	vst v1  }
0x1c: {  	[tilespmem:s14+$0x14030] =	vst v1  }
0x1d: {  	[tilespmem:s14+$0x14040] =	vst v1  }
0x1e: {  	[tilespmem:s14+$0x14050] =	vst v1  }
0x1f: {  	[tilespmem:s14+$0x14060] =	vst v1;
	s14 =	simm.s32 $0x0  }
.LBB2_4:
0x20: {  	s15 =	sshll.u32 s14, $0x6  }
0x21: {  	s16 =	sadd.s32 s3, s15  }
0x22: {  	[tilespmem:s2], [sflag:$0x1] =	stream.linear.gather [hbm4b:s16+s2], $0x200, $0x38;
	[tilespmem:$0x1E000] =	vst v63  }
0x23: {  	_ =	swait.ge [sflag:s10], $0x200  }
0x24: {  	[sflag:s10] =	ssyncset.done $0x0  }
0x25: {  	s15 =	sadd.s32 s4, s15;
	[sflag:s10] =	ssyncadd.s32 $0xFFFFFE00  }
0x26: {  	[tilespmem:s11], [sflag:$0x1] =	stream.linear.gather [hbm4b:s15+s2], $0x200, $0x38;
	[tilespmem:$0x1E000] =	vst v63  }
0x27: {  	_ =	swait.ge [sflag:s10], $0x200  }
0x28: {  	[sflag:s10] =	ssyncset.done $0x0  }
0x29: {  	s15 =	simm.s32 $0x1C;
	[sflag:s10] =	ssyncadd.s32 $0xFFFFFE00  }
.LBB2_5:
0x2a: {  	s16 =	sadd.s32 $0xFFFFFFE4, s15  }
0x2b: {  	v5 =	vor.u32 s16, v2;
	_ =	sdelay $0x4  }
0x2c: {  	v6 =	vld.idx.msk [tilespmem:v5+s2+$0x0], $0xffff;
	_ =	sdelay $0x4  }
0x2d: {  	v7 =	vshll.u32 v6, $0x3  }
0x2e: {  	v6 =	vand.u32 $0x7F, v6;
	v7 =	vand.u32 $0xFFFFFC00, v7  }
0x2f: {  	v6 =	vor.u32 v7, v6  }
0x30: {  	v5 =	vld.idx.msk [tilespmem:v5+s11+$0x0], $0xffff;
	v6 =	vor.u32 v0, v6;
	_ =	sdelay $0x4  }
0x31: {  	s25 =	sadd.s32 $0xFFFFFFE8, s15;
	v5 =	vadd.s32 v3, v5;
	v6 =	vld.idx.msk [tilespmem:v6+s9+$0x0], $0xffff  }
0x32: {  	v7 =	vor.u32 s25, v2;
	_ =	sdelay $0x3  }
0x33: {  	[tilespmem:v5+s12+$0x0] =	vst.idx.add.f32.msk $0xffff, v6  }
0x34: {  	v5 =	vld.idx.msk [tilespmem:v7+s2+$0x0], $0xffff;
	_ =	sdelay $0x4  }
0x35: {  	v6 =	vshll.u32 v5, $0x3  }
0x36: {  	v5 =	vand.u32 $0x7F, v5;
	v6 =	vand.u32 $0xFFFFFC00, v6  }
0x37: {  	v5 =	vor.u32 v6, v5  }
0x38: {  	v6 =	vld.idx.msk [tilespmem:v7+s11+$0x0], $0xffff;
	v5 =	vor.u32 v0, v5;
	_ =	sdelay $0x4  }
0x39: {  	s26 =	sadd.s32 $0xFFFFFFEC, s15;
	v6 =	vadd.s32 v3, v6;
	v5 =	vld.idx.msk [tilespmem:v5+s9+$0x0], $0xffff  }
0x3a: {  	v7 =	vor.u32 s26, v2;
	_ =	sdelay $0x3  }
0x3b: {  	[tilespmem:v6+s12+$0x0] =	vst.idx.add.f32.msk $0xffff, v5  }
0x3c: {  	v5 =	vld.idx.msk [tilespmem:v7+s2+$0x0], $0xffff;
	_ =	sdelay $0x4  }
0x3d: {  	v6 =	vshll.u32 v5, $0x3  }
0x3e: {  	v5 =	vand.u32 $0x7F, v5;
	v6 =	vand.u32 $0xFFFFFC00, v6  }
0x3f: {  	v5 =	vor.u32 v6, v5  }
0x40: {  	v6 =	vld.idx.msk [tilespmem:v7+s11+$0x0], $0xffff;
	v5 =	vor.u32 v0, v5;
	_ =	sdelay $0x4  }
0x41: {  	s28 =	sadd.s32 $0xFFFFFFF0, s15;
	v6 =	vadd.s32 v3, v6;
	v5 =	vld.idx.msk [tilespmem:v5+s9+$0x0], $0xffff  }
0x42: {  	v7 =	vor.u32 s28, v2;
	_ =	sdelay $0x3  }
0x43: {  	[tilespmem:v6+s12+$0x0] =	vst.idx.add.f32.msk $0xffff, v5  }
0x44: {  	v5 =	vld.idx.msk [tilespmem:v7+s2+$0x0], $0xffff;
	_ =	sdelay $0x4  }
0x45: {  	v6 =	vshll.u32 v5, $0x3  }
0x46: {  	v5 =	vand.u32 $0x7F, v5;
	v6 =	vand.u32 $0xFFFFFC00, v6  }
0x47: {  	v5 =	vor.u32 v6, v5  }
0x48: {  	v6 =	vld.idx.msk [tilespmem:v7+s11+$0x0], $0xffff;
	v5 =	vor.u32 v0, v5;
	_ =	sdelay $0x4  }
0x49: {  	s29 =	sadd.s32 $0xFFFFFFF4, s15;
	v6 =	vadd.s32 v3, v6;
	v5 =	vld.idx.msk [tilespmem:v5+s9+$0x0], $0xffff  }
0x4a: {  	v7 =	vor.u32 s29, v2;
	_ =	sdelay $0x3  }
0x4b: {  	[tilespmem:v6+s12+$0x0] =	vst.idx.add.f32.msk $0xffff, v5  }
0x4c: {  	v5 =	vld.idx.msk [tilespmem:v7+s2+$0x0], $0xffff;
	_ =	sdelay $0x4  }
0x4d: {  	v6 =	vshll.u32 v5, $0x3  }
0x4e: {  	v5 =	vand.u32 $0x7F, v5;
	v6 =	vand.u32 $0xFFFFFC00, v6  }
0x4f: {  	v5 =	vor.u32 v6, v5  }
0x50: {  	v6 =	vld.idx.msk [tilespmem:v7+s11+$0x0], $0xffff;
	v5 =	vor.u32 v0, v5;
	_ =	sdelay $0x4  }
0x51: {  	s30 =	sadd.s32 $0xFFFFFFF8, s15;
	v6 =	vadd.s32 v3, v6;
	v5 =	vld.idx.msk [tilespmem:v5+s9+$0x0], $0xffff  }
0x52: {  	v7 =	vor.u32 s30, v2;
	_ =	sdelay $0x3  }
0x53: {  	[tilespmem:v6+s12+$0x0] =	vst.idx.add.f32.msk $0xffff, v5  }
0x54: {  	v5 =	vld.idx.msk [tilespmem:v7+s2+$0x0], $0xffff;
	_ =	sdelay $0x4  }
0x55: {  	v6 =	vshll.u32 v5, $0x3  }
0x56: {  	v5 =	vand.u32 $0x7F, v5;
	v6 =	vand.u32 $0xFFFFFC00, v6  }
0x57: {  	v5 =	vor.u32 v6, v5  }
0x58: {  	v6 =	vld.idx.msk [tilespmem:v7+s11+$0x0], $0xffff;
	v5 =	vor.u32 v0, v5;
	_ =	sdelay $0x4  }
0x59: {  	s31 =	sadd.s32 $0xFFFFFFFC, s15;
	v6 =	vadd.s32 v3, v6;
	v5 =	vld.idx.msk [tilespmem:v5+s9+$0x0], $0xffff  }
0x5a: {  	v7 =	vor.u32 s31, v2;
	_ =	sdelay $0x3  }
0x5b: {  	[tilespmem:v6+s12+$0x0] =	vst.idx.add.f32.msk $0xffff, v5  }
0x5c: {  	v5 =	vld.idx.msk [tilespmem:v7+s2+$0x0], $0xffff;
	_ =	sdelay $0x4  }
0x5d: {  	v6 =	vshll.u32 v5, $0x3  }
0x5e: {  	v5 =	vand.u32 $0x7F, v5;
	v6 =	vand.u32 $0xFFFFFC00, v6  }
0x5f: {  	v5 =	vor.u32 v6, v5  }
0x60: {  	v6 =	vld.idx.msk [tilespmem:v7+s11+$0x0], $0xffff;
	v5 =	vor.u32 v0, v5;
	_ =	sdelay $0x4  }
0x61: {  	v6 =	vadd.s32 v3, v6;
	v5 =	vld.idx.msk [tilespmem:v5+s9+$0x0], $0xffff  }
0x62: {  	v7 =	vor.u32 s15, v2;
	_ =	sdelay $0x3  }
0x63: {  	[tilespmem:v6+s12+$0x0] =	vst.idx.add.f32.msk $0xffff, v5  }
0x64: {  	v5 =	vld.idx.msk [tilespmem:v7+s2+$0x0], $0xffff;
	_ =	sdelay $0x4  }
0x65: {  	v6 =	vshll.u32 v5, $0x3  }
0x66: {  	v5 =	vand.u32 $0x7F, v5;
	v6 =	vand.u32 $0xFFFFFC00, v6  }
0x67: {  	v5 =	vor.u32 v6, v5  }
0x68: {  	v6 =	vld.idx.msk [tilespmem:v7+s11+$0x0], $0xffff;
	v5 =	vor.u32 v0, v5;
	_ =	sdelay $0x4  }
0x69: {  	p0 =	sne.s32 s15, $0x1FC;
	v6 =	vadd.s32 v3, v6;
	v5 =	vld.idx.msk [tilespmem:v5+s9+$0x0], $0xffff  }
.Ltmp1:
0x6a: {  	_ = 	snop;
	(pc) =	sbr.rel @p0 .LBB2_5-.Ltmp1, $2  }
0x6b: {  	_ =	sdelay $0x2  }
0x6c: {  	s15 =	sadd.s32 $0x20, s15;
	[tilespmem:v6+s12+$0x0] =	vst.idx.add.f32.msk $0xffff, v5  }
0x6d: {  	s14 =	sadd.s32 $0x1, s14  }
0x6e: {  	p0 =	sne.s32 s14, $0x280  }
.Ltmp2:
0x6f: {  	_ = 	snop;
	(pc) =	sbr.rel @p0 .LBB2_4-.Ltmp2, $1  }
0x70: {  	_ =	sdelay $0x3  }
0x71: {  	s14 =	simm.s32 $0x0  }
0x72: {  	[hbm4b:s6+s14] =	stream.linear.scatter [tilespmem:s12], [sflag:$0x1], $0xA000, $0x38;
	[tilespmem:$0x1E000] =	vst v63  }
0x73: {  	_ =	swait.ge [sflag:s10], $0xA000  }
0x74: {  	[sflag:s10] =	ssyncset.done $0x0  }
0x75: {  	s15 =	simm.s32 $0x0;
	s16 =	simm.s32 $0x200;
	[sflag:s10] =	ssyncadd.s32 $0xFFFF6000  }
.LBB2_8:
0x76: {  	p0 =	sne.s32 s16, $0x27E00;
	[tilespmem:s15+$0x14070] =	vst v1  }
0x77: {  	[tilespmem:s15+$0x14000] =	vst v1  }
0x78: {  	[tilespmem:s15+$0x14010] =	vst v1  }
.Ltmp3:
0x79: {  	[tilespmem:s15+$0x14020] =	vst v1;
	(pc) =	sbr.rel @p0 .LBB2_8-.Ltmp3, $4  }
0x7a: {  	[tilespmem:s15+$0x14030] =	vst v1  }
0x7b: {  	[tilespmem:s15+$0x14040] =	vst v1  }
0x7c: {  	[tilespmem:s15+$0x14050] =	vst v1  }
0x7d: {  	[tilespmem:s15+$0x14060] =	vst v1;
	s15 =	sshra.s32 s16, $0x2;
	s16 =	sadd.s32 $0x200, s16  }
0x7e: {  	[tilespmem:s15+$0x14070] =	vst v1  }
0x7f: {  	[tilespmem:s15+$0x14000] =	vst v1  }
0x80: {  	[tilespmem:s15+$0x14010] =	vst v1  }
0x81: {  	[tilespmem:s15+$0x14020] =	vst v1  }
0x82: {  	[tilespmem:s15+$0x14030] =	vst v1  }
0x83: {  	[tilespmem:s15+$0x14040] =	vst v1  }
0x84: {  	[tilespmem:s15+$0x14050] =	vst v1  }
0x85: {  	[tilespmem:s15+$0x14060] =	vst v1  }
.LBB2_10:
0x86: {  	s15 =	sshll.u32 s14, $0x6  }
0x87: {  	s16 =	sadd.s32 s3, s15  }
0x88: {  	[tilespmem:s2], [sflag:$0x1] =	stream.linear.gather [hbm4b:s16+s2], $0x200, $0x38;
	[tilespmem:$0x1E000] =	vst v63  }
0x89: {  	_ =	swait.ge [sflag:s10], $0x200  }
0x8a: {  	[sflag:s10] =	ssyncset.done $0x0  }
0x8b: {  	s15 =	sadd.s32 s4, s15;
	[sflag:s10] =	ssyncadd.s32 $0xFFFFFE00  }
0x8c: {  	[tilespmem:s11], [sflag:$0x1] =	stream.linear.gather [hbm4b:s15+s2], $0x200, $0x38;
	[tilespmem:$0x1E000] =	vst v63  }
0x8d: {  	_ =	swait.ge [sflag:s10], $0x200  }
0x8e: {  	[sflag:s10] =	ssyncset.done $0x0  }
0x8f: {  	s15 =	simm.s32 $0x1C;
	[sflag:s10] =	ssyncadd.s32 $0xFFFFFE00  }
.LBB2_11:
0x90: {  	s16 =	sadd.s32 $0xFFFFFFE4, s15  }
0x91: {  	v5 =	vor.u32 s16, v2;
	_ =	sdelay $0x4  }
0x92: {  	v6 =	vld.idx.msk [tilespmem:v5+s2+$0x0], $0xffff;
	_ =	sdelay $0x4  }
0x93: {  	v7 =	vshll.u32 v6, $0x3  }
0x94: {  	v6 =	vand.u32 $0x7F, v6;
	v7 =	vand.u32 $0xFFFFFC00, v7  }
0x95: {  	v6 =	vor.u32 v7, v6  }
0x96: {  	v5 =	vld.idx.msk [tilespmem:v5+s11+$0x0], $0xffff;
	v6 =	vor.u32 v4, v6;
	_ =	sdelay $0x4  }
0x97: {  	s25 =	sadd.s32 $0xFFFFFFE8, s15;
	v5 =	vadd.s32 v3, v5;
	v6 =	vld.idx.msk [tilespmem:v6+s9+$0x0], $0xffff  }
0x98: {  	v7 =	vor.u32 s25, v2;
	_ =	sdelay $0x3  }
0x99: {  	[tilespmem:v5+s12+$0x0] =	vst.idx.add.f32.msk $0xffff, v6  }
0x9a: {  	v5 =	vld.idx.msk [tilespmem:v7+s2+$0x0], $0xffff;
	_ =	sdelay $0x4  }
0x9b: {  	v6 =	vshll.u32 v5, $0x3  }
0x9c: {  	v5 =	vand.u32 $0x7F, v5;
	v6 =	vand.u32 $0xFFFFFC00, v6  }
0x9d: {  	v5 =	vor.u32 v6, v5  }
0x9e: {  	v6 =	vld.idx.msk [tilespmem:v7+s11+$0x0], $0xffff;
	v5 =	vor.u32 v4, v5;
	_ =	sdelay $0x4  }
0x9f: {  	s26 =	sadd.s32 $0xFFFFFFEC, s15;
	v6 =	vadd.s32 v3, v6;
	v5 =	vld.idx.msk [tilespmem:v5+s9+$0x0], $0xffff  }
0xa0: {  	v7 =	vor.u32 s26, v2;
	_ =	sdelay $0x3  }
0xa1: {  	[tilespmem:v6+s12+$0x0] =	vst.idx.add.f32.msk $0xffff, v5  }
0xa2: {  	v5 =	vld.idx.msk [tilespmem:v7+s2+$0x0], $0xffff;
	_ =	sdelay $0x4  }
0xa3: {  	v6 =	vshll.u32 v5, $0x3  }
0xa4: {  	v5 =	vand.u32 $0x7F, v5;
	v6 =	vand.u32 $0xFFFFFC00, v6  }
0xa5: {  	v5 =	vor.u32 v6, v5  }
0xa6: {  	v6 =	vld.idx.msk [tilespmem:v7+s11+$0x0], $0xffff;
	v5 =	vor.u32 v4, v5;
	_ =	sdelay $0x4  }
0xa7: {  	s28 =	sadd.s32 $0xFFFFFFF0, s15;
	v6 =	vadd.s32 v3, v6;
	v5 =	vld.idx.msk [tilespmem:v5+s9+$0x0], $0xffff  }
0xa8: {  	v7 =	vor.u32 s28, v2;
	_ =	sdelay $0x3  }
0xa9: {  	[tilespmem:v6+s12+$0x0] =	vst.idx.add.f32.msk $0xffff, v5  }
0xaa: {  	v5 =	vld.idx.msk [tilespmem:v7+s2+$0x0], $0xffff;
	_ =	sdelay $0x4  }
0xab: {  	v6 =	vshll.u32 v5, $0x3  }
0xac: {  	v5 =	vand.u32 $0x7F, v5;
	v6 =	vand.u32 $0xFFFFFC00, v6  }
0xad: {  	v5 =	vor.u32 v6, v5  }
0xae: {  	v6 =	vld.idx.msk [tilespmem:v7+s11+$0x0], $0xffff;
	v5 =	vor.u32 v4, v5;
	_ =	sdelay $0x4  }
0xaf: {  	s29 =	sadd.s32 $0xFFFFFFF4, s15;
	v6 =	vadd.s32 v3, v6;
	v5 =	vld.idx.msk [tilespmem:v5+s9+$0x0], $0xffff  }
0xb0: {  	v7 =	vor.u32 s29, v2;
	_ =	sdelay $0x3  }
0xb1: {  	[tilespmem:v6+s12+$0x0] =	vst.idx.add.f32.msk $0xffff, v5  }
0xb2: {  	v5 =	vld.idx.msk [tilespmem:v7+s2+$0x0], $0xffff;
	_ =	sdelay $0x4  }
0xb3: {  	v6 =	vshll.u32 v5, $0x3  }
0xb4: {  	v5 =	vand.u32 $0x7F, v5;
	v6 =	vand.u32 $0xFFFFFC00, v6  }
0xb5: {  	v5 =	vor.u32 v6, v5  }
0xb6: {  	v6 =	vld.idx.msk [tilespmem:v7+s11+$0x0], $0xffff;
	v5 =	vor.u32 v4, v5;
	_ =	sdelay $0x4  }
0xb7: {  	s30 =	sadd.s32 $0xFFFFFFF8, s15;
	v6 =	vadd.s32 v3, v6;
	v5 =	vld.idx.msk [tilespmem:v5+s9+$0x0], $0xffff  }
0xb8: {  	v7 =	vor.u32 s30, v2;
	_ =	sdelay $0x3  }
0xb9: {  	[tilespmem:v6+s12+$0x0] =	vst.idx.add.f32.msk $0xffff, v5  }
0xba: {  	v5 =	vld.idx.msk [tilespmem:v7+s2+$0x0], $0xffff;
	_ =	sdelay $0x4  }
0xbb: {  	v6 =	vshll.u32 v5, $0x3  }
0xbc: {  	v5 =	vand.u32 $0x7F, v5;
	v6 =	vand.u32 $0xFFFFFC00, v6  }
0xbd: {  	v5 =	vor.u32 v6, v5  }
0xbe: {  	v6 =	vld.idx.msk [tilespmem:v7+s11+$0x0], $0xffff;
	v5 =	vor.u32 v4, v5;
	_ =	sdelay $0x4  }
0xbf: {  	s31 =	sadd.s32 $0xFFFFFFFC, s15;
	v6 =	vadd.s32 v3, v6;
	v5 =	vld.idx.msk [tilespmem:v5+s9+$0x0], $0xffff  }
0xc0: {  	v7 =	vor.u32 s31, v2;
	_ =	sdelay $0x3  }
0xc1: {  	[tilespmem:v6+s12+$0x0] =	vst.idx.add.f32.msk $0xffff, v5  }
0xc2: {  	v5 =	vld.idx.msk [tilespmem:v7+s2+$0x0], $0xffff;
	_ =	sdelay $0x4  }
0xc3: {  	v6 =	vshll.u32 v5, $0x3  }
0xc4: {  	v5 =	vand.u32 $0x7F, v5;
	v6 =	vand.u32 $0xFFFFFC00, v6  }
0xc5: {  	v5 =	vor.u32 v6, v5  }
0xc6: {  	v6 =	vld.idx.msk [tilespmem:v7+s11+$0x0], $0xffff;
	v5 =	vor.u32 v4, v5;
	_ =	sdelay $0x4  }
0xc7: {  	v6 =	vadd.s32 v3, v6;
	v5 =	vld.idx.msk [tilespmem:v5+s9+$0x0], $0xffff  }
0xc8: {  	v7 =	vor.u32 s15, v2;
	_ =	sdelay $0x3  }
0xc9: {  	[tilespmem:v6+s12+$0x0] =	vst.idx.add.f32.msk $0xffff, v5  }
0xca: {  	v5 =	vld.idx.msk [tilespmem:v7+s2+$0x0], $0xffff;
	_ =	sdelay $0x4  }
0xcb: {  	v6 =	vshll.u32 v5, $0x3  }
0xcc: {  	v5 =	vand.u32 $0x7F, v5;
	v6 =	vand.u32 $0xFFFFFC00, v6  }
0xcd: {  	v5 =	vor.u32 v6, v5  }
0xce: {  	v6 =	vld.idx.msk [tilespmem:v7+s11+$0x0], $0xffff;
	v5 =	vor.u32 v4, v5;
	_ =	sdelay $0x4  }
0xcf: {  	p0 =	sne.s32 s15, $0x1FC;
	v6 =	vadd.s32 v3, v6;
	v5 =	vld.idx.msk [tilespmem:v5+s9+$0x0], $0xffff  }
.Ltmp4:
0xd0: {  	_ = 	snop;
	(pc) =	sbr.rel @p0 .LBB2_11-.Ltmp4, $2  }
0xd1: {  	_ =	sdelay $0x2  }
0xd2: {  	s15 =	sadd.s32 $0x20, s15;
	[tilespmem:v6+s12+$0x0] =	vst.idx.add.f32.msk $0xffff, v5  }
0xd3: {  	s14 =	sadd.s32 $0x1, s14  }
0xd4: {  	p0 =	sne.s32 s14, $0x280  }
.Ltmp5:
0xd5: {  	_ = 	snop;
	(pc) =	sbr.rel @p0 .LBB2_10-.Ltmp5, $1  }
0xd6: {  	_ =	sdelay $0x3  }
0xd7: {  	s13 =	sadd.s32 $0x1, s13  }
0xd8: {  	p0 =	sne.s32 s13, s8  }
.Ltmp6:
0xd9: {  	_ = 	snop;
	(pc) =	sbr.rel @p0 .LBB2_1-.Ltmp6, $4  }
0xda: {  	[hbm4b:s7+s2] =	stream.linear.scatter [tilespmem:s12], [sflag:$0x1], $0xA000, $0x38;
	[tilespmem:$0x1E000] =	vst v63  }
0xdb: {  	_ =	swait.ge [sflag:s10], $0xA000  }
0xdc: {  	[sflag:s10] =	ssyncset.done $0x0  }
0xdd: {  	[sflag:s10] =	ssyncadd.s32 $0xFFFF6000  }
0xde: {  	_ =	sfence.sel $0x180000  }
0xdf: {  	[bflag:$0x0] =	sbarrier.arrive $0xFFFF  }
0xe0: {  	p0 =	sne.s32 s0, $0x0;
	_ =	strace $0x9000004D  }
0xe1: {  	s0 =	sadd.s32 @!p0 $0x100000, s1;
	[bflag:$0x2] =	sbarrier.arrive $0xFFFF  }
0xe2: {  	[sflag:s0] =	ssyncadd.tile.s32 @!p0 $0x1;
	_ =	shalt  }
.Lfunc_end2:
_tile_overlayer_lowered:
.L_overlay_start_2:
0xe3: {  	(tag) =	ssettag $0x2  }
0xe4: {  	s0 =	rddreg [dreg:$0x0];
	s2 =	stileid.u32  }
0xe5: {  	s1 =	rddreg [dreg:$0x1];
	p0 =	sne.s32 s2, $0x0  }
0xe6: {  	s3 =	rddreg [dreg:$0x2];
	[bflag:$0x3] =	sbarrier.arrive $0xFFFF;
	s2 =	simm.s32 @!p0 $0x1C01  }
0xe7: {  	[timem:s3], [sflag:s2] =	dma.local @!p0 [hbm:s0], s1  }
0xe8: {  	s0 =	simm.s32 @!p0 $0x1  }
0xe9: {  	_ =	swait.ge @!p0 [sflag:s0], s1  }
0xea: {  	s1 =	ssub.s32 @!p0 $0x0, s1;
	[sflag:s0] =	ssyncset.done @!p0 $0x0  }
0xeb: {  	[sflag:s0] =	ssyncadd.s32 @!p0 s1  }
0xec: {  	[bflag:$0x3] =	sbarrier.arrive $0xFFFF  }
0xed: {  	_ =	shalt  }

// kernel: kernel.24.cloned.1.call-start
scs
__scs_entry_jumppad:
0x0: {  	(pc) =	sbr.rel $0x88, $3  }
0x1: {  	(tag) =	ssettag $0x0;
	lr =	simm.s32 $0x1  }
0x2: {  	[smem:$0x3F80] =	sst lr;
	_ =	strace $0xD0000000  }
0x3: {  	_ = 	snop  }
0x4: {  	_ = 	snop  }
0x5: {  	_ = 	snop  }
0x6: {  	_ = 	snop  }
0x7: {  	_ = 	snop  }
__scs_overlays_trampoline_lowered:
0x8: {  	[smem:$0x3F8F] =	sst s0  }
0x9: {  	[smem:$0x3F90] =	sst s1  }
0xa: {  	[smem:$0x3F91] =	sst s2  }
0xb: {  	[smem:$0x3F92] =	sst s3  }
0xc: {  	[smem:$0x3F93] =	sst s4  }
0xd: {  	[smem:$0x3F94] =	sst s5  }
0xe: {  	[smem:$0x3F95] =	sst s6  }
0xf: {  	[smem:$0x3F96] =	sst s7  }
0x10: {  	[smem:$0x3F97] =	sst s8  }
0x11: {  	[smem:$0x3F98] =	sst s9;
	s0 =	simm.s32 @!p0 $0x0  }
0x12: {  	s1 =	sld [smem:$0x3F7E];
	s0 =	simm.s32 @p0 $0x1  }
0x13: {  	[smem:$0x3F99] =	sst s0;
	s0 =	simm.s32 @!p1 $0x0  }
0x14: {  	s2 =	sld [smem:$0x3F7D];
	s0 =	simm.s32 @p1 $0x1  }
0x15: {  	[smem:$0x3F9A] =	sst s0;
	s0 =	simm.s32 @!p2 $0x0  }
0x16: {  	s3 =	sld [smem:$0x3FDB];
	s0 =	simm.s32 @p2 $0x1  }
0x17: {  	s4 =	simm.s32 $0x1BF5;
	[smem:$0x3F9C] =	sst s0  }
0x18: {  	s0 =	sld [smem:$0x3F7F];
	_ =	swait.ge [sflag:s4], $0x0  }
0x19: {  	s7 =	sld [smem:$0x3F80]  }
0x1a: {  	s8 =	sadd.s32 $0xFFFFE003, lr  }
0x1b: {  	s9 =	sadd.s32 $0xFFFFFEF7, lr;
	s5 =	simm.s32 $0xFFFFFFFF;
	p2 =	slt.u32 s8, $0xFFFFF086  }
0x1c: {  	p1 =	slt.u32 s9, $0xF7A;
	s5 =	simm.s32 @!p2 $0x0  }
0x1d: {  	s5 =	simm.s32 @p1 $0x1;
	p0 =	seq.s32 s7, s2  }
0x1e: {  	s7 =	smul.u32 @!p0 $0xF7A, s2;
	p2 =	seq.s32 @!p0 s5, $0x0  }
0x1f: {  	s9 =	smul.u32 $0xF7A, s1;
	s8 =	simm.s32 @!p0 $0x1BF5;
	p2 =	por !p2, p0  }
0x20: {  	[sflag:s8] =	ssyncset.s32 @!p0 $0xFFFFF086;
	s6 =	sadd.s32 @!p0 s3, s7;
	s7 =	simm.s32 @!p0 $0x108  }
0x21: {  	s3 =	sadd.s32 s3, s9;
	s6 =	sadd.s32 @!p0 $0x88, s6;
	s7 =	simm.s32 @p2 $0x1082  }
0x22: {  	[simem:s7], [sflag:s8] =	dma.local @!p0 [hbm:s6], $0xF7A  }
0x23: {  	s9 =	sor.u32 $0xD0000000, s2;
	s6 =	simm.s32 $0x108;
	_ =	swait.ge @!p0 [sflag:s8], $0x0  }
0x24: {  	s3 =	sadd.s32 $0x88, s3;
	s6 =	simm.s32 @!p1 $0x1082;
	[sflag:s4] =	ssyncset.s32 $0xFFFFF086  }
0x25: {  	[simem:s6], [sflag:s4] =	dma.local [hbm:s3], $0xF7A  }
0x26: {  	[smem:$0x3F80] =	sst s1;
	(tag) =	ssettag s2;
	_ =	strace s9  }
0x27: {  	s1 =	sld [smem:$0x3F90]  }
0x28: {  	s2 =	sld [smem:$0x3F91]  }
0x29: {  	s4 =	sld [smem:$0x3F93]  }
0x2a: {  	p0 =	seq.s32 s5, $0x0;
	s5 =	sld [smem:$0x3F94]  }
0x2b: {  	s6 =	sld [smem:$0x3F95]  }
0x2c: {  	s7 =	sld [smem:$0x3F96]  }
0x2d: {  	s3 =	simm.s32 $0x108;
	s8 =	sld [smem:$0x3F97]  }
0x2e: {  	s3 =	simm.s32 @!p0 $0x1082;
	s9 =	sld [smem:$0x3F98]  }
0x2f: {  	lr =	sadd.s32 s0, s3;
	s0 =	sld [smem:$0x3F8F]  }
0x30: {  	s3 =	sld [smem:$0x3F92]  }
0x31: {  	[smem:$0x3F9B] =	sst s10  }
0x32: {  	s10 =	sld [smem:$0x3F99];
	_ =	sdelay $0x3  }
0x33: {  	p0 =	seq.s32 s10, $0x1;
	s10 =	sld [smem:$0x3F9B];
	_ =	sdelay $0x3  }
0x34: {  	[smem:$0x3F9B] =	sst s10  }
0x35: {  	s10 =	sld [smem:$0x3F9A];
	_ =	sdelay $0x3  }
0x36: {  	p1 =	seq.s32 s10, $0x1;
	s10 =	sld [smem:$0x3F9B];
	_ =	sdelay $0x3  }
0x37: {  	[smem:$0x3F9B] =	sst s10  }
0x38: {  	s10 =	sld [smem:$0x3F9C]  }
0x39: {  	_ = 	snop;
	(pc) =	sbr.ind lr, $3  }
0x3a: {  	_ = 	snop  }
0x3b: {  	_ = 	snop  }
0x3c: {  	p2 =	seq.s32 s10, $0x1;
	s10 =	sld [smem:$0x3F9B]  }
0x3d: {  	_ =	shalt  }
0x3e: {  	_ =	shalt  }
0x3f: {  	_ =	shalt  }
0x40: {  	_ =	shalt  }
0x41: {  	_ =	shalt  }
0x42: {  	_ =	shalt  }
0x43: {  	_ =	shalt  }
0x44: {  	_ =	shalt  }
0x45: {  	_ =	shalt  }
0x46: {  	_ =	shalt  }
0x47: {  	_ =	shalt  }
0x48: {  	_ =	shalt  }
0x49: {  	_ =	shalt  }
0x4a: {  	_ =	shalt  }
0x4b: {  	_ =	shalt  }
0x4c: {  	_ =	shalt  }
0x4d: {  	_ =	shalt  }
0x4e: {  	_ =	shalt  }
0x4f: {  	_ =	shalt  }
0x50: {  	_ =	shalt  }
0x51: {  	_ =	shalt  }
0x52: {  	_ =	shalt  }
0x53: {  	_ =	shalt  }
0x54: {  	_ =	shalt  }
0x55: {  	_ =	shalt  }
0x56: {  	_ =	shalt  }
0x57: {  	_ =	shalt  }
0x58: {  	_ =	shalt  }
0x59: {  	_ =	shalt  }
0x5a: {  	_ =	shalt  }
0x5b: {  	_ =	shalt  }
0x5c: {  	_ =	shalt  }
0x5d: {  	_ =	shalt  }
0x5e: {  	_ =	shalt  }
0x5f: {  	_ =	shalt  }
0x60: {  	_ =	shalt  }
0x61: {  	_ =	shalt  }
0x62: {  	_ =	shalt  }
0x63: {  	_ =	shalt  }
0x64: {  	_ =	shalt  }
0x65: {  	_ =	shalt  }
0x66: {  	_ =	shalt  }
0x67: {  	_ =	shalt  }
0x68: {  	_ =	shalt  }
0x69: {  	_ =	shalt  }
0x6a: {  	_ =	shalt  }
0x6b: {  	_ =	shalt  }
0x6c: {  	_ =	shalt  }
0x6d: {  	_ =	shalt  }
0x6e: {  	_ =	shalt  }
0x6f: {  	_ =	shalt  }
0x70: {  	_ =	shalt  }
0x71: {  	_ =	shalt  }
0x72: {  	_ =	shalt  }
0x73: {  	_ =	shalt  }
0x74: {  	_ =	shalt  }
0x75: {  	_ =	shalt  }
0x76: {  	_ =	shalt  }
0x77: {  	_ =	shalt  }
0x78: {  	_ =	shalt  }
0x79: {  	_ =	shalt  }
0x7a: {  	_ =	shalt  }
0x7b: {  	_ =	shalt  }
0x7c: {  	_ =	shalt  }
0x7d: {  	_ =	shalt  }
0x7e: {  	_ =	shalt  }
0x7f: {  	_ =	shalt  }
0x80: {  	_ =	shalt  }
0x81: {  	_ =	shalt  }
0x82: {  	_ =	shalt  }
0x83: {  	_ =	shalt  }
0x84: {  	_ =	shalt  }
0x85: {  	_ =	shalt  }
0x86: {  	_ =	shalt  }
0x87: {  	_ =	shalt  }
.Lfunc_end0:
.L_simem_size_0:
called_computation.3_lowered:
.L_overlay_start_0:
0x88: {  	s2 =	sld [smem:$0x3FD9]  }
0x89: {  	s3 =	sld [smem:$0x3FFE];
	_ =	sdelay $0x1  }
0x8a: {  	s1 =	srdreg.scid  }
0x8b: {  	s0 =	sand.u32 $0x1, s1  }
0x8c: {  	s16 =	sshll.u32 s0, $0xA;
	s2 =	sadd.s32 s3, s2  }
0x8d: {  	s2 =	sadd.s32 s2, s16  }
0x8e: {  	[smem:$0x3FA7] =	sst s2  }
0x8f: {  	_ = 	snop  }
0x90: {  	(tm) =	ssettm $0x1  }
0x91: {  	s17 =	sld [smem:$0x3FFB];
	_ =	sdelay $0x3  }
0x92: {  	_ =	strace s17  }
0x93: {  	s2 =	sld [smem:$0x3FFC];
	_ =	sdelay $0x3  }
0x94: {  	_ =	strace s2  }
0x95: {  	s2 =	sld [smem:$0x3FFD];
	_ =	sdelay $0x3  }
0x96: {  	_ =	strace s2  }
0x97: {  	_ =	strace $0x8FFFFFFF  }
0x98: {  	s18 =	sld [smem:$0x3FDB];
	_ =	sdelay $0x1  }
0x99: {  	s19 =	simm.s32 $_scs_section_size  }
0x9a: {  	s4 =	simm.s32 $_size__tile_overlayer_lowered;
	s5 =	simm.s32 $_tile_overlayer_lowered  }
0x9b: {  	s22 =	simm.s32 $0x1BFF;
	s21 =	sshll.u32 s5, $0x1;
	s2 =	sadd.s32 s19, s18  }
0x9c: {  	s6 =	simm.s32 $0x0;
	s20 =	sshll.u32 s4, $0x1;
	s4 =	sadd.s32 s21, s2  }
0x9d: {  	[timem:s6], [sflag:s22] =	dma.local [hbm:s4], s20  }
0x9e: {  	_ =	swait.ge [sflag:s22], s20  }
0x9f: {  	s3 =	ssub.s32 $0x0, s20;
	[sflag:s22] =	ssyncset.done $0x0  }
0xa0: {  	[sflag:s22] =	ssyncadd.s32 s3;
	_ =	sdelay $0x1  }
0xa1: {  	s23 =	simm.s32 $0x1B8B  }
0xa2: {  	_ =	swait.ge [sflag:s23], $0x1  }
0xa3: {  	[sflag:s23] =	ssyncset.done $0x0  }
0xa4: {  	s25 =	simm.s32 $0x1B8E;
	s24 =	sld [smem:$0x3FFE];
	[sflag:s23] =	ssyncadd.s32 $0xFFFFFFFF  }
0xa5: {  	s26 =	simm.s32 $execute0_lowered;
	[smem:$0x3FD2] =	sst s25  }
0xa6: {  	s4 =	sshll.u32 s26, $0x1;
	_ =	strace $0x8000004F;
	[dreg:$0x1] =	wrdreg $0xFFFFFFFF  }
0xa7: {  	s28 =	simm.s32 $_size_execute0_lowered;
	s2 =	sadd.s32 s2, s4;
	[dreg:$0x0] =	wrdreg $0x0  }
0xa8: {  	s4 =	sshll.u32 s28, $0x1;
	[dreg:$0x2] =	wrdreg s2  }
0xa9: {  	[dreg:$0x3] =	wrdreg s4  }
0xaa: {  	[dreg:$0x4] =	wrdreg $0xC0  }
0xab: {  	_ =	task [dreg:s6], $0x5FFFF  }
0xac: {  	[dreg:$0x1] =	wrdreg $0xFFFFFFFF  }
0xad: {  	[dreg:$0x0] =	wrdreg $0x60  }
0xae: {  	[dreg:$0x2] =	wrdreg s24  }
0xaf: {  	[dreg:$0x3] =	wrdreg $0x9  }
0xb0: {  	_ =	task.clear_ibuf [dreg:s6], $0x4FFFF;
	_ =	strace $0x9000004F  }
0xb1: {  	s29 =	simm.s32 $0x9;
	_ =	strace $0x80000051  }
0xb2: {  	_ =	swait.ge [sflag:s29], $0x1  }
0xb3: {  	[sflag:s29] =	ssyncadd.s32 $0xFFFFFFFF  }
0xb4: {  	_ =	strace $0x90000051  }
0xb5: {  	_ =	sfence  }
0xb6: {  	s30 =	sld [smem:$0x0];
	_ =	sdelay $0x2  }
0xb7: {  	s31 =	sshll.u32 s1, $0xD;
	s1 =	sshrl.u32 s1, $0x2  }
0xb8: {  	s3 =	sand.u32 $0x4000, s31;
	s1 =	sadd.s32 s1, s30  }
0xb9: {  	s0 =	sor.u32 s3, s0;
	s1 =	sshll.u32 s1, $0x11  }
0xba: {  	s0 =	sor.u32 s1, s0  }
0xbb: {  	s0 =	sadd.s32 $0x8F2B, s0  }
0xbc: {  	[sflag:s0] =	ssyncadd.remote.s32 $0x1  }
0xbd: {  	_ =	sfence.sel $0xFFFF  }
0xbe: {  	[dreg:$0x0] =	wrdreg $0xFFFFFFFF;
	(pc) =	sbr.abs _section_cstart, $3  }
0xbf: {  	[dreg:$0x1] =	wrdreg $0xFFFFFFFF  }
0xc0: {  	_ =	task.clear_ibuf [dreg:s6], $0x2FFFF;
	_ =	strace $0x9FFFFFFF  }
0xc1: {  	(tm) =	ssettm $0x7FFFFFFF  }
tec
execute0_lowered:
.L_overlay_start_1:
0x0: {  	(tag) =	ssettag $0x1  }
0x1: {  	s0 =	srdreg.scid  }
0x2: {  	s5 =	rddreg [dreg:$0x0];
	s2 =	simm.s32 $0x0;
	s4 =	sand.u32 $0x1, s0  }
0x3: {  	s12 =	simm.s32 $0x14000;
	s0 =	stileid.u32;
	s1 =	sshll.u32 s4, $0x4  }
0x4: {  	s13 =	simm.s32 $0x0;
	[smem:$0x7FF] =	sst s2;
	s6 =	sor.u32 s0, s1  }
0x5: {  	s9 =	sadd.s32 $0x72200, s5;
	s10 =	ssub.s32 $0x2, s4;
	s3 =	smul.u32 $0x2780, s6  }
0x6: {  	s4 =	sadd.s32 $0x5200, s5;
	s1 =	rddreg [dreg:$0x1];
	s8 =	smul.u32 $0x14000, s6  }
0x7: {  	v2 =	vlaneseq.u32;
	_ =	strace $0x80000050;
	s11 =	sshrl.u32 s10, $0x1;
	s6 =	smul.u32 $0x2800, s6  }
0x8: {  	v3 =	vand.u32 $0x3, v2;
	s10 =	ssub.s32 s10, s11;
	s11 =	simm.s32 $0x200;
	s7 =	sadd.s32 s3, s5  }
0x9: {  	v0 =	vmul.u32 $0x80, v3;
	s3 =	sadd.s32 $0x19200, s5;
	s8 =	sshrl.u32 s8, $0x3;
	s6 =	sadd.s32 s9, s6  }
0xa: {  	v1 =	vimm.f32 $0.0e+00;
	s8 =	sadd.s32 s9, s8;
	s5 =	sadd.s32 $0x23200, s7;
	s9 =	simm.s32 $0x400  }
0xb: {  	v2 =	vshrl.u32 v2, $0x2;
	v3 =	vmul.u32 $0x2800, v3;
	v4 =	vor.u32 $0x200, v0;
	s7 =	sadd.s32 $0x1400, s8;
	s8 =	smax.u32 s10, $0x1;
	s10 =	simm.s32 $0x1  }
.LBB2_1:
0xc: {  	[tilespmem:s9], [sflag:$0x1] =	stream.linear.gather [hbm4b:s5+s2], $0x13C00, $0x38;
	[tilespmem:$0x1E000] =	vst v63  }
0xd: {  	_ =	swait.ge [sflag:s10], $0x13C00  }
0xe: {  	[sflag:s10] =	ssyncset.done $0x0  }
0xf: {  	s14 =	simm.s32 $0x0;
	s15 =	simm.s32 $0x200;
	[sflag:s10] =	ssyncadd.s32 $0xFFFEC400  }
.LBB2_2:
0x10: {  	p0 =	sne.s32 s15, $0x27E00;
	[tilespmem:s14+$0x14070] =	vst v1  }
0x11: {  	[tilespmem:s14+$0x14000] =	vst v1  }
0x12: {  	[tilespmem:s14+$0x14010] =	vst v1  }
.Ltmp0:
0x13: {  	[tilespmem:s14+$0x14020] =	vst v1;
	(pc) =	sbr.rel @p0 .LBB2_2-.Ltmp0, $4  }
0x14: {  	[tilespmem:s14+$0x14030] =	vst v1  }
0x15: {  	[tilespmem:s14+$0x14040] =	vst v1  }
0x16: {  	[tilespmem:s14+$0x14050] =	vst v1  }
0x17: {  	[tilespmem:s14+$0x14060] =	vst v1;
	s14 =	sshra.s32 s15, $0x2;
	s15 =	sadd.s32 $0x200, s15  }
0x18: {  	[tilespmem:s14+$0x14070] =	vst v1  }
0x19: {  	[tilespmem:s14+$0x14000] =	vst v1  }
0x1a: {  	[tilespmem:s14+$0x14010] =	vst v1  }
0x1b: {  	[tilespmem:s14+$0x14020] =	vst v1  }
0x1c: {  	[tilespmem:s14+$0x14030] =	vst v1  }
0x1d: {  	[tilespmem:s14+$0x14040] =	vst v1  }
0x1e: {  	[tilespmem:s14+$0x14050] =	vst v1  }
0x1f: {  	[tilespmem:s14+$0x14060] =	vst v1;
	s14 =	simm.s32 $0x0  }
.LBB2_4:
0x20: {  	s15 =	sshll.u32 s14, $0x6  }
0x21: {  	s16 =	sadd.s32 s3, s15  }
0x22: {  	[tilespmem:s2], [sflag:$0x1] =	stream.linear.gather [hbm4b:s16+s2], $0x200, $0x38;
	[tilespmem:$0x1E000] =	vst v63  }
0x23: {  	_ =	swait.ge [sflag:s10], $0x200  }
0x24: {  	[sflag:s10] =	ssyncset.done $0x0  }
0x25: {  	s15 =	sadd.s32 s4, s15;
	[sflag:s10] =	ssyncadd.s32 $0xFFFFFE00  }
0x26: {  	[tilespmem:s11], [sflag:$0x1] =	stream.linear.gather [hbm4b:s15+s2], $0x200, $0x38;
	[tilespmem:$0x1E000] =	vst v63  }
0x27: {  	_ =	swait.ge [sflag:s10], $0x200  }
0x28: {  	[sflag:s10] =	ssyncset.done $0x0  }
0x29: {  	s15 =	simm.s32 $0x1C;
	[sflag:s10] =	ssyncadd.s32 $0xFFFFFE00  }
.LBB2_5:
0x2a: {  	s16 =	sadd.s32 $0xFFFFFFE4, s15  }
0x2b: {  	v5 =	vor.u32 s16, v2;
	_ =	sdelay $0x4  }
0x2c: {  	v6 =	vld.idx.msk [tilespmem:v5+s2+$0x0], $0xffff;
	_ =	sdelay $0x4  }
0x2d: {  	v7 =	vshll.u32 v6, $0x3  }
0x2e: {  	v6 =	vand.u32 $0x7F, v6;
	v7 =	vand.u32 $0xFFFFFC00, v7  }
0x2f: {  	v6 =	vor.u32 v7, v6  }
0x30: {  	v5 =	vld.idx.msk [tilespmem:v5+s11+$0x0], $0xffff;
	v6 =	vor.u32 v0, v6;
	_ =	sdelay $0x4  }
0x31: {  	s25 =	sadd.s32 $0xFFFFFFE8, s15;
	v5 =	vadd.s32 v3, v5;
	v6 =	vld.idx.msk [tilespmem:v6+s9+$0x0], $0xffff  }
0x32: {  	v7 =	vor.u32 s25, v2;
	_ =	sdelay $0x3  }
0x33: {  	[tilespmem:v5+s12+$0x0] =	vst.idx.add.f32.msk $0xffff, v6  }
0x34: {  	v5 =	vld.idx.msk [tilespmem:v7+s2+$0x0], $0xffff;
	_ =	sdelay $0x4  }
0x35: {  	v6 =	vshll.u32 v5, $0x3  }
0x36: {  	v5 =	vand.u32 $0x7F, v5;
	v6 =	vand.u32 $0xFFFFFC00, v6  }
0x37: {  	v5 =	vor.u32 v6, v5  }
0x38: {  	v6 =	vld.idx.msk [tilespmem:v7+s11+$0x0], $0xffff;
	v5 =	vor.u32 v0, v5;
	_ =	sdelay $0x4  }
0x39: {  	s26 =	sadd.s32 $0xFFFFFFEC, s15;
	v6 =	vadd.s32 v3, v6;
	v5 =	vld.idx.msk [tilespmem:v5+s9+$0x0], $0xffff  }
0x3a: {  	v7 =	vor.u32 s26, v2;
	_ =	sdelay $0x3  }
0x3b: {  	[tilespmem:v6+s12+$0x0] =	vst.idx.add.f32.msk $0xffff, v5  }
0x3c: {  	v5 =	vld.idx.msk [tilespmem:v7+s2+$0x0], $0xffff;
	_ =	sdelay $0x4  }
0x3d: {  	v6 =	vshll.u32 v5, $0x3  }
0x3e: {  	v5 =	vand.u32 $0x7F, v5;
	v6 =	vand.u32 $0xFFFFFC00, v6  }
0x3f: {  	v5 =	vor.u32 v6, v5  }
0x40: {  	v6 =	vld.idx.msk [tilespmem:v7+s11+$0x0], $0xffff;
	v5 =	vor.u32 v0, v5;
	_ =	sdelay $0x4  }
0x41: {  	s28 =	sadd.s32 $0xFFFFFFF0, s15;
	v6 =	vadd.s32 v3, v6;
	v5 =	vld.idx.msk [tilespmem:v5+s9+$0x0], $0xffff  }
0x42: {  	v7 =	vor.u32 s28, v2;
	_ =	sdelay $0x3  }
0x43: {  	[tilespmem:v6+s12+$0x0] =	vst.idx.add.f32.msk $0xffff, v5  }
0x44: {  	v5 =	vld.idx.msk [tilespmem:v7+s2+$0x0], $0xffff;
	_ =	sdelay $0x4  }
0x45: {  	v6 =	vshll.u32 v5, $0x3  }
0x46: {  	v5 =	vand.u32 $0x7F, v5;
	v6 =	vand.u32 $0xFFFFFC00, v6  }
0x47: {  	v5 =	vor.u32 v6, v5  }
0x48: {  	v6 =	vld.idx.msk [tilespmem:v7+s11+$0x0], $0xffff;
	v5 =	vor.u32 v0, v5;
	_ =	sdelay $0x4  }
0x49: {  	s29 =	sadd.s32 $0xFFFFFFF4, s15;
	v6 =	vadd.s32 v3, v6;
	v5 =	vld.idx.msk [tilespmem:v5+s9+$0x0], $0xffff  }
0x4a: {  	v7 =	vor.u32 s29, v2;
	_ =	sdelay $0x3  }
0x4b: {  	[tilespmem:v6+s12+$0x0] =	vst.idx.add.f32.msk $0xffff, v5  }
0x4c: {  	v5 =	vld.idx.msk [tilespmem:v7+s2+$0x0], $0xffff;
	_ =	sdelay $0x4  }
0x4d: {  	v6 =	vshll.u32 v5, $0x3  }
0x4e: {  	v5 =	vand.u32 $0x7F, v5;
	v6 =	vand.u32 $0xFFFFFC00, v6  }
0x4f: {  	v5 =	vor.u32 v6, v5  }
0x50: {  	v6 =	vld.idx.msk [tilespmem:v7+s11+$0x0], $0xffff;
	v5 =	vor.u32 v0, v5;
	_ =	sdelay $0x4  }
0x51: {  	s30 =	sadd.s32 $0xFFFFFFF8, s15;
	v6 =	vadd.s32 v3, v6;
	v5 =	vld.idx.msk [tilespmem:v5+s9+$0x0], $0xffff  }
0x52: {  	v7 =	vor.u32 s30, v2;
	_ =	sdelay $0x3  }
0x53: {  	[tilespmem:v6+s12+$0x0] =	vst.idx.add.f32.msk $0xffff, v5  }
0x54: {  	v5 =	vld.idx.msk [tilespmem:v7+s2+$0x0], $0xffff;
	_ =	sdelay $0x4  }
0x55: {  	v6 =	vshll.u32 v5, $0x3  }
0x56: {  	v5 =	vand.u32 $0x7F, v5;
	v6 =	vand.u32 $0xFFFFFC00, v6  }
0x57: {  	v5 =	vor.u32 v6, v5  }
0x58: {  	v6 =	vld.idx.msk [tilespmem:v7+s11+$0x0], $0xffff;
	v5 =	vor.u32 v0, v5;
	_ =	sdelay $0x4  }
0x59: {  	s31 =	sadd.s32 $0xFFFFFFFC, s15;
	v6 =	vadd.s32 v3, v6;
	v5 =	vld.idx.msk [tilespmem:v5+s9+$0x0], $0xffff  }
0x5a: {  	v7 =	vor.u32 s31, v2;
	_ =	sdelay $0x3  }
0x5b: {  	[tilespmem:v6+s12+$0x0] =	vst.idx.add.f32.msk $0xffff, v5  }
0x5c: {  	v5 =	vld.idx.msk [tilespmem:v7+s2+$0x0], $0xffff;
	_ =	sdelay $0x4  }
0x5d: {  	v6 =	vshll.u32 v5, $0x3  }
0x5e: {  	v5 =	vand.u32 $0x7F, v5;
	v6 =	vand.u32 $0xFFFFFC00, v6  }
0x5f: {  	v5 =	vor.u32 v6, v5  }
0x60: {  	v6 =	vld.idx.msk [tilespmem:v7+s11+$0x0], $0xffff;
	v5 =	vor.u32 v0, v5;
	_ =	sdelay $0x4  }
0x61: {  	v6 =	vadd.s32 v3, v6;
	v5 =	vld.idx.msk [tilespmem:v5+s9+$0x0], $0xffff  }
0x62: {  	v7 =	vor.u32 s15, v2;
	_ =	sdelay $0x3  }
0x63: {  	[tilespmem:v6+s12+$0x0] =	vst.idx.add.f32.msk $0xffff, v5  }
0x64: {  	v5 =	vld.idx.msk [tilespmem:v7+s2+$0x0], $0xffff;
	_ =	sdelay $0x4  }
0x65: {  	v6 =	vshll.u32 v5, $0x3  }
0x66: {  	v5 =	vand.u32 $0x7F, v5;
	v6 =	vand.u32 $0xFFFFFC00, v6  }
0x67: {  	v5 =	vor.u32 v6, v5  }
0x68: {  	v6 =	vld.idx.msk [tilespmem:v7+s11+$0x0], $0xffff;
	v5 =	vor.u32 v0, v5;
	_ =	sdelay $0x4  }
0x69: {  	p0 =	sne.s32 s15, $0x1FC;
	v6 =	vadd.s32 v3, v6;
	v5 =	vld.idx.msk [tilespmem:v5+s9+$0x0], $0xffff  }
.Ltmp1:
0x6a: {  	_ = 	snop;
	(pc) =	sbr.rel @p0 .LBB2_5-.Ltmp1, $2  }
0x6b: {  	_ =	sdelay $0x2  }
0x6c: {  	s15 =	sadd.s32 $0x20, s15;
	[tilespmem:v6+s12+$0x0] =	vst.idx.add.f32.msk $0xffff, v5  }
0x6d: {  	s14 =	sadd.s32 $0x1, s14  }
0x6e: {  	p0 =	sne.s32 s14, $0x280  }
.Ltmp2:
0x6f: {  	_ = 	snop;
	(pc) =	sbr.rel @p0 .LBB2_4-.Ltmp2, $1  }
0x70: {  	_ =	sdelay $0x3  }
0x71: {  	s14 =	simm.s32 $0x0  }
0x72: {  	[hbm4b:s6+s14] =	stream.linear.scatter [tilespmem:s12], [sflag:$0x1], $0xA000, $0x38;
	[tilespmem:$0x1E000] =	vst v63  }
0x73: {  	_ =	swait.ge [sflag:s10], $0xA000  }
0x74: {  	[sflag:s10] =	ssyncset.done $0x0  }
0x75: {  	s15 =	simm.s32 $0x0;
	s16 =	simm.s32 $0x200;
	[sflag:s10] =	ssyncadd.s32 $0xFFFF6000  }
.LBB2_8:
0x76: {  	p0 =	sne.s32 s16, $0x27E00;
	[tilespmem:s15+$0x14070] =	vst v1  }
0x77: {  	[tilespmem:s15+$0x14000] =	vst v1  }
0x78: {  	[tilespmem:s15+$0x14010] =	vst v1  }
.Ltmp3:
0x79: {  	[tilespmem:s15+$0x14020] =	vst v1;
	(pc) =	sbr.rel @p0 .LBB2_8-.Ltmp3, $4  }
0x7a: {  	[tilespmem:s15+$0x14030] =	vst v1  }
0x7b: {  	[tilespmem:s15+$0x14040] =	vst v1  }
0x7c: {  	[tilespmem:s15+$0x14050] =	vst v1  }
0x7d: {  	[tilespmem:s15+$0x14060] =	vst v1;
	s15 =	sshra.s32 s16, $0x2;
	s16 =	sadd.s32 $0x200, s16  }
0x7e: {  	[tilespmem:s15+$0x14070] =	vst v1  }
0x7f: {  	[tilespmem:s15+$0x14000] =	vst v1  }
0x80: {  	[tilespmem:s15+$0x14010] =	vst v1  }
0x81: {  	[tilespmem:s15+$0x14020] =	vst v1  }
0x82: {  	[tilespmem:s15+$0x14030] =	vst v1  }
0x83: {  	[tilespmem:s15+$0x14040] =	vst v1  }
0x84: {  	[tilespmem:s15+$0x14050] =	vst v1  }
0x85: {  	[tilespmem:s15+$0x14060] =	vst v1  }
.LBB2_10:
0x86: {  	s15 =	sshll.u32 s14, $0x6  }
0x87: {  	s16 =	sadd.s32 s3, s15  }
0x88: {  	[tilespmem:s2], [sflag:$0x1] =	stream.linear.gather [hbm4b:s16+s2], $0x200, $0x38;
	[tilespmem:$0x1E000] =	vst v63  }
0x89: {  	_ =	swait.ge [sflag:s10], $0x200  }
0x8a: {  	[sflag:s10] =	ssyncset.done $0x0  }
0x8b: {  	s15 =	sadd.s32 s4, s15;
	[sflag:s10] =	ssyncadd.s32 $0xFFFFFE00  }
0x8c: {  	[tilespmem:s11], [sflag:$0x1] =	stream.linear.gather [hbm4b:s15+s2], $0x200, $0x38;
	[tilespmem:$0x1E000] =	vst v63  }
0x8d: {  	_ =	swait.ge [sflag:s10], $0x200  }
0x8e: {  	[sflag:s10] =	ssyncset.done $0x0  }
0x8f: {  	s15 =	simm.s32 $0x1C;
	[sflag:s10] =	ssyncadd.s32 $0xFFFFFE00  }
.LBB2_11:
0x90: {  	s16 =	sadd.s32 $0xFFFFFFE4, s15  }
0x91: {  	v5 =	vor.u32 s16, v2;
	_ =	sdelay $0x4  }
0x92: {  	v6 =	vld.idx.msk [tilespmem:v5+s2+$0x0], $0xffff;
	_ =	sdelay $0x4  }
0x93: {  	v7 =	vshll.u32 v6, $0x3  }
0x94: {  	v6 =	vand.u32 $0x7F, v6;
	v7 =	vand.u32 $0xFFFFFC00, v7  }
0x95: {  	v6 =	vor.u32 v7, v6  }
0x96: {  	v5 =	vld.idx.msk [tilespmem:v5+s11+$0x0], $0xffff;
	v6 =	vor.u32 v4, v6;
	_ =	sdelay $0x4  }
0x97: {  	s25 =	sadd.s32 $0xFFFFFFE8, s15;
	v5 =	vadd.s32 v3, v5;
	v6 =	vld.idx.msk [tilespmem:v6+s9+$0x0], $0xffff  }
0x98: {  	v7 =	vor.u32 s25, v2;
	_ =	sdelay $0x3  }
0x99: {  	[tilespmem:v5+s12+$0x0] =	vst.idx.add.f32.msk $0xffff, v6  }
0x9a: {  	v5 =	vld.idx.msk [tilespmem:v7+s2+$0x0], $0xffff;
	_ =	sdelay $0x4  }
0x9b: {  	v6 =	vshll.u32 v5, $0x3  }
0x9c: {  	v5 =	vand.u32 $0x7F, v5;
	v6 =	vand.u32 $0xFFFFFC00, v6  }
0x9d: {  	v5 =	vor.u32 v6, v5  }
0x9e: {  	v6 =	vld.idx.msk [tilespmem:v7+s11+$0x0], $0xffff;
	v5 =	vor.u32 v4, v5;
	_ =	sdelay $0x4  }
0x9f: {  	s26 =	sadd.s32 $0xFFFFFFEC, s15;
	v6 =	vadd.s32 v3, v6;
	v5 =	vld.idx.msk [tilespmem:v5+s9+$0x0], $0xffff  }
0xa0: {  	v7 =	vor.u32 s26, v2;
	_ =	sdelay $0x3  }
0xa1: {  	[tilespmem:v6+s12+$0x0] =	vst.idx.add.f32.msk $0xffff, v5  }
0xa2: {  	v5 =	vld.idx.msk [tilespmem:v7+s2+$0x0], $0xffff;
	_ =	sdelay $0x4  }
0xa3: {  	v6 =	vshll.u32 v5, $0x3  }
0xa4: {  	v5 =	vand.u32 $0x7F, v5;
	v6 =	vand.u32 $0xFFFFFC00, v6  }
0xa5: {  	v5 =	vor.u32 v6, v5  }
0xa6: {  	v6 =	vld.idx.msk [tilespmem:v7+s11+$0x0], $0xffff;
	v5 =	vor.u32 v4, v5;
	_ =	sdelay $0x4  }
0xa7: {  	s28 =	sadd.s32 $0xFFFFFFF0, s15;
	v6 =	vadd.s32 v3, v6;
	v5 =	vld.idx.msk [tilespmem:v5+s9+$0x0], $0xffff  }
0xa8: {  	v7 =	vor.u32 s28, v2;
	_ =	sdelay $0x3  }
0xa9: {  	[tilespmem:v6+s12+$0x0] =	vst.idx.add.f32.msk $0xffff, v5  }
0xaa: {  	v5 =	vld.idx.msk [tilespmem:v7+s2+$0x0], $0xffff;
	_ =	sdelay $0x4  }
0xab: {  	v6 =	vshll.u32 v5, $0x3  }
0xac: {  	v5 =	vand.u32 $0x7F, v5;
	v6 =	vand.u32 $0xFFFFFC00, v6  }
0xad: {  	v5 =	vor.u32 v6, v5  }
0xae: {  	v6 =	vld.idx.msk [tilespmem:v7+s11+$0x0], $0xffff;
	v5 =	vor.u32 v4, v5;
	_ =	sdelay $0x4  }
0xaf: {  	s29 =	sadd.s32 $0xFFFFFFF4, s15;
	v6 =	vadd.s32 v3, v6;
	v5 =	vld.idx.msk [tilespmem:v5+s9+$0x0], $0xffff  }
0xb0: {  	v7 =	vor.u32 s29, v2;
	_ =	sdelay $0x3  }
0xb1: {  	[tilespmem:v6+s12+$0x0] =	vst.idx.add.f32.msk $0xffff, v5  }
0xb2: {  	v5 =	vld.idx.msk [tilespmem:v7+s2+$0x0], $0xffff;
	_ =	sdelay $0x4  }
0xb3: {  	v6 =	vshll.u32 v5, $0x3  }
0xb4: {  	v5 =	vand.u32 $0x7F, v5;
	v6 =	vand.u32 $0xFFFFFC00, v6  }
0xb5: {  	v5 =	vor.u32 v6, v5  }
0xb6: {  	v6 =	vld.idx.msk [tilespmem:v7+s11+$0x0], $0xffff;
	v5 =	vor.u32 v4, v5;
	_ =	sdelay $0x4  }
0xb7: {  	s30 =	sadd.s32 $0xFFFFFFF8, s15;
	v6 =	vadd.s32 v3, v6;
	v5 =	vld.idx.msk [tilespmem:v5+s9+$0x0], $0xffff  }
0xb8: {  	v7 =	vor.u32 s30, v2;
	_ =	sdelay $0x3  }
0xb9: {  	[tilespmem:v6+s12+$0x0] =	vst.idx.add.f32.msk $0xffff, v5  }
0xba: {  	v5 =	vld.idx.msk [tilespmem:v7+s2+$0x0], $0xffff;
	_ =	sdelay $0x4  }
0xbb: {  	v6 =	vshll.u32 v5, $0x3  }
0xbc: {  	v5 =	vand.u32 $0x7F, v5;
	v6 =	vand.u32 $0xFFFFFC00, v6  }
0xbd: {  	v5 =	vor.u32 v6, v5  }
0xbe: {  	v6 =	vld.idx.msk [tilespmem:v7+s11+$0x0], $0xffff;
	v5 =	vor.u32 v4, v5;
	_ =	sdelay $0x4  }
0xbf: {  	s31 =	sadd.s32 $0xFFFFFFFC, s15;
	v6 =	vadd.s32 v3, v6;
	v5 =	vld.idx.msk [tilespmem:v5+s9+$0x0], $0xffff  }
0xc0: {  	v7 =	vor.u32 s31, v2;
	_ =	sdelay $0x3  }
0xc1: {  	[tilespmem:v6+s12+$0x0] =	vst.idx.add.f32.msk $0xffff, v5  }
0xc2: {  	v5 =	vld.idx.msk [tilespmem:v7+s2+$0x0], $0xffff;
	_ =	sdelay $0x4  }
0xc3: {  	v6 =	vshll.u32 v5, $0x3  }
0xc4: {  	v5 =	vand.u32 $0x7F, v5;
	v6 =	vand.u32 $0xFFFFFC00, v6  }
0xc5: {  	v5 =	vor.u32 v6, v5  }
0xc6: {  	v6 =	vld.idx.msk [tilespmem:v7+s11+$0x0], $0xffff;
	v5 =	vor.u32 v4, v5;
	_ =	sdelay $0x4  }
0xc7: {  	v6 =	vadd.s32 v3, v6;
	v5 =	vld.idx.msk [tilespmem:v5+s9+$0x0], $0xffff  }
0xc8: {  	v7 =	vor.u32 s15, v2;
	_ =	sdelay $0x3  }
0xc9: {  	[tilespmem:v6+s12+$0x0] =	vst.idx.add.f32.msk $0xffff, v5  }
0xca: {  	v5 =	vld.idx.msk [tilespmem:v7+s2+$0x0], $0xffff;
	_ =	sdelay $0x4  }
0xcb: {  	v6 =	vshll.u32 v5, $0x3  }
0xcc: {  	v5 =	vand.u32 $0x7F, v5;
	v6 =	vand.u32 $0xFFFFFC00, v6  }
0xcd: {  	v5 =	vor.u32 v6, v5  }
0xce: {  	v6 =	vld.idx.msk [tilespmem:v7+s11+$0x0], $0xffff;
	v5 =	vor.u32 v4, v5;
	_ =	sdelay $0x4  }
0xcf: {  	p0 =	sne.s32 s15, $0x1FC;
	v6 =	vadd.s32 v3, v6;
	v5 =	vld.idx.msk [tilespmem:v5+s9+$0x0], $0xffff  }
.Ltmp4:
0xd0: {  	_ = 	snop;
	(pc) =	sbr.rel @p0 .LBB2_11-.Ltmp4, $2  }
0xd1: {  	_ =	sdelay $0x2  }
0xd2: {  	s15 =	sadd.s32 $0x20, s15;
	[tilespmem:v6+s12+$0x0] =	vst.idx.add.f32.msk $0xffff, v5  }
0xd3: {  	s14 =	sadd.s32 $0x1, s14  }
0xd4: {  	p0 =	sne.s32 s14, $0x280  }
.Ltmp5:
0xd5: {  	_ = 	snop;
	(pc) =	sbr.rel @p0 .LBB2_10-.Ltmp5, $1  }
0xd6: {  	_ =	sdelay $0x3  }
0xd7: {  	s13 =	sadd.s32 $0x1, s13  }
0xd8: {  	p0 =	sne.s32 s13, s8  }
.Ltmp6:
0xd9: {  	_ = 	snop;
	(pc) =	sbr.rel @p0 .LBB2_1-.Ltmp6, $4  }
0xda: {  	[hbm4b:s7+s2] =	stream.linear.scatter [tilespmem:s12], [sflag:$0x1], $0xA000, $0x38;
	[tilespmem:$0x1E000] =	vst v63  }
0xdb: {  	_ =	swait.ge [sflag:s10], $0xA000  }
0xdc: {  	[sflag:s10] =	ssyncset.done $0x0  }
0xdd: {  	[sflag:s10] =	ssyncadd.s32 $0xFFFF6000  }
0xde: {  	_ =	sfence.sel $0x180000  }
0xdf: {  	[bflag:$0x0] =	sbarrier.arrive $0xFFFF  }
0xe0: {  	p0 =	sne.s32 s0, $0x0;
	_ =	strace $0x90000050  }
0xe1: {  	s0 =	sadd.s32 @!p0 $0x100000, s1;
	[bflag:$0x2] =	sbarrier.arrive $0xFFFF  }
0xe2: {  	[sflag:s0] =	ssyncadd.tile.s32 @!p0 $0x1;
	_ =	shalt  }
.Lfunc_end2:
_tile_overlayer_lowered:
.L_overlay_start_2:
0xe3: {  	(tag) =	ssettag $0x2  }
0xe4: {  	s0 =	rddreg [dreg:$0x0];
	s2 =	stileid.u32  }
0xe5: {  	s1 =	rddreg [dreg:$0x1];
	p0 =	sne.s32 s2, $0x0  }
0xe6: {  	s3 =	rddreg [dreg:$0x2];
	[bflag:$0x3] =	sbarrier.arrive $0xFFFF;
	s2 =	simm.s32 @!p0 $0x1C01  }
0xe7: {  	[timem:s3], [sflag:s2] =	dma.local @!p0 [hbm:s0], s1  }
0xe8: {  	s0 =	simm.s32 @!p0 $0x1  }
0xe9: {  	_ =	swait.ge @!p0 [sflag:s0], s1  }
0xea: {  	s1 =	ssub.s32 @!p0 $0x0, s1;
	[sflag:s0] =	ssyncset.done @!p0 $0x0  }
0xeb: {  	[sflag:s0] =	ssyncadd.s32 @!p0 s1  }
0xec: {  	[bflag:$0x3] =	sbarrier.arrive $0xFFFF  }
0xed: {  	_ =	shalt  }

</sc_bundles>
